<compile_context>
chip_gen: v7x
topology: tpu7x:2x2x1
jax: 0.10.2.dev20260603
libtpu: 0.0.44.dev20260713+nightly
codegen_flags: <defaults>
</compile_context>

<pallas_src>
import functools

import jax
import jax.numpy as jnp
from jax import lax
from jax.experimental import pallas as pl
from jax.experimental.pallas import tpu as pltpu
from jax.experimental.pallas import tpu_sc as plsc

N = 10000
D = 128
LANES = 16
NC = 2
NS = 16
NW = NC * NS

K1 = 80
N1 = 125
N2 = 63
NSINK = 8
SK = 40
Q1 = 250
Q2 = 126


def _sc_aggregate(x, pk1, ea4, pk2, zrows):
    mesh = plsc.VectorSubcoreMesh(core_axis_name="c", subcore_axis_name="s")

    @functools.partial(
        pl.kernel,
        out_type=(
            jax.ShapeDtypeStruct((NC, N, D), jnp.float32),
            jax.ShapeDtypeStruct((NC, N, D), jnp.float32),
        ),
        mesh=mesh,
        scratch_types=[
            pltpu.VMEM_SHARED((N + NSINK, D), jnp.float32),
            pltpu.VMEM((N1, K1), jnp.int32),
            pltpu.VMEM((6, SK), jnp.int32),
            pltpu.VMEM((6, SK), jnp.int32),
            pltpu.VMEM((3, K1), jnp.int32),
            pltpu.VMEM((3, K1), jnp.int32),
            pltpu.VMEM((2 * SK, D), jnp.float32),
            pltpu.VMEM((2 * SK, D), jnp.float32),
            pltpu.VMEM((2 * SK, D), jnp.float32),
            [pltpu.SemaphoreType.DMA] * 6,
            [pltpu.SemaphoreType.DMA] * 6,
            [pltpu.SemaphoreType.DMA] * 2,
            pltpu.SemaphoreType.DMA,
        ],
    )
    def sc_kernel(x_hbm, pk1_hbm, ea_hbm, pk2_hbm, z_hbm,
                  aggr_out, uag_out, acc, pks, sidx, didx, sidx2, didx2,
                  xga, xgb, eab, gsems, ssems, esems, psem):
        c = lax.axis_index("c")
        s = lax.axis_index("s")
        wid = c * NS + s
        row0 = s * 640

        B = [xga.at[pl.ds(0, SK)], xga.at[pl.ds(SK, SK)],
             xgb.at[pl.ds(0, SK)], xgb.at[pl.ds(SK, SK)],
             eab.at[pl.ds(0, SK)], eab.at[pl.ds(SK, SK)]]
        E = [eab.at[pl.ds(0, SK)], eab.at[pl.ds(SK, SK)]]
        SI = [sidx.at[0], sidx.at[1], sidx.at[2],
              sidx.at[3], sidx.at[4], sidx.at[5]]
        DI = [didx.at[0], didx.at[1], didx.at[2],
              didx.at[3], didx.at[4], didx.at[5]]
        GS = list(gsems)
        SS = list(ssems)
        ES = list(esems)

        cp_pk = pltpu.async_copy(pk1_hbm.at[wid], pks, psem)

        def zero_acc():
            @pl.when(s < NS - 1)
            def _():
                pltpu.sync_copy(z_hbm, acc.at[pl.ds(row0, 640)])

            @pl.when(s == NS - 1)
            def _():
                pltpu.sync_copy(z_hbm.at[pl.ds(0, 400)],
                                acc.at[pl.ds(row0, 400)])

        def copy_out(out_hbm):
            @pl.when(s < NS - 1)
            def _():
                pltpu.sync_copy(acc.at[pl.ds(row0, 640)],
                                out_hbm.at[c, pl.ds(row0, 640)])

            @pl.when(s == NS - 1)
            def _():
                pltpu.sync_copy(acc.at[pl.ds(row0, 400)],
                                out_hbm.at[c, pl.ds(row0, 400)])

        def unpack(q, half, slot):
            row = q // 2
            for off in (0, LANES, SK - LANES):
                v = pks[row, pl.ds(half * SK + off, LANES)]
                SI[slot][pl.ds(off, LANES)] = v & 0xFFFF
                DI[slot][pl.ds(off, LANES)] = v >> 16

        def issue_gather(q, half, slot):
            unpack(q, half, slot)
            pltpu.async_copy(x_hbm.at[SI[slot]], B[slot], GS[slot])

        def wait_gather(slot):
            pltpu.make_async_copy(x_hbm.at[SI[slot]], B[slot],
                                  GS[slot]).wait()

        def issue_scatter(slot):
            pltpu.async_copy(B[slot], acc.at[DI[slot]], SS[slot], add=True)

        def wait_scatter(slot):
            pltpu.make_async_copy(B[slot], acc.at[DI[slot]],
                                  SS[slot]).wait()

        def issue_ea(q, par):
            pltpu.async_copy(ea_hbm.at[wid, q // 2,
                                       pl.ds((q % 2) * SK, SK)],
                             E[par], ES[par])

        def wait_ea(par):
            pltpu.make_async_copy(ea_hbm.at[wid, 0, pl.ds(0, SK)],
                                  E[par], ES[par]).wait()

        zero_acc()
        cp_pk.wait()
        plsc.subcore_barrier()

        for q in range(3):
            issue_gather(q, q % 2, q % 4)
        issue_ea(0, 0)
        issue_ea(1, 1)

        def sub1(q, k):
            @pl.when(q > 0)
            def _():
                wait_scatter((k + 3) % 4)

            @pl.when(q + 3 < Q1)
            def _():
                issue_gather(q + 3, (k + 3) % 2, (k + 3) % 4)

            wait_gather(k)
            wait_ea(k % 2)

            @plsc.parallel_loop(0, SK, unroll=2)
            def _(i):
                for j in range(D // LANES):
                    sl = pl.ds(j * LANES, LANES)
                    B[k][i, sl] = jnp.maximum(B[k][i, sl] + E[k % 2][i, sl],
                                              0.0)

            @pl.when(q + 2 < Q1)
            def _():
                issue_ea(q + 2, k % 2)

            issue_scatter(k)

        @pl.loop(0, (Q1 - 2) // 4)
        def _(t):
            q = 4 * t
            for k in range(4):
                sub1(q + k, k)

        sub1(Q1 - 2, 0)
        sub1(Q1 - 1, 1)
        wait_scatter(1)
        ucp = pltpu.async_copy(pk2_hbm.at[wid], pks.at[pl.ds(0, N2)], psem)
        plsc.subcore_barrier()
        copy_out(aggr_out)
        zero_acc()
        ucp.wait()
        plsc.subcore_barrier()

        C = [xga, xgb, eab]
        S2 = [sidx2.at[0], sidx2.at[1], sidx2.at[2]]
        D2 = [didx2.at[0], didx2.at[1], didx2.at[2]]

        def unpack2(g, slot):
            for j in range(K1 // LANES):
                v = pks[g, pl.ds(j * LANES, LANES)]
                S2[slot][pl.ds(j * LANES, LANES)] = v & 0xFFFF
                D2[slot][pl.ds(j * LANES, LANES)] = v >> 16

        def issue_gather2(g, slot):
            unpack2(g, slot)
            pltpu.async_copy(x_hbm.at[S2[slot]], C[slot], GS[slot])

        for g in range(2):
            issue_gather2(g, g)

        def sub2(g, k):
            @pl.when(g > 0)
            def _():
                pltpu.make_async_copy(C[(k + 2) % 3],
                                      acc.at[D2[(k + 2) % 3]],
                                      SS[(k + 2) % 3]).wait()

            @pl.when(g + 2 < N2)
            def _():
                issue_gather2(g + 2, (k + 2) % 3)

            pltpu.make_async_copy(x_hbm.at[S2[k]], C[k], GS[k]).wait()
            pltpu.async_copy(C[k], acc.at[D2[k]], SS[k], add=True)

        @pl.loop(0, N2 // 3)
        def _(t):
            g = 3 * t
            for k in range(3):
                sub2(g + k, k)

        pltpu.make_async_copy(C[2], acc.at[D2[2]], SS[2]).wait()
        plsc.subcore_barrier()
        copy_out(uag_out)

    return sc_kernel(x, pk1, ea4, pk2, zrows)


def _dense_body(sv, x_ref, ap, up, w1t, b1, g1, bt1, w2t, b2, wrelt, brel,
                wroott, gout, btout, o_ref):
    one_eps = sv[0]
    a1 = sv[1]
    a2 = sv[2]
    x = x_ref[...]
    aggr = ap[0] + ap[1]
    h = one_eps * x + aggr
    h = jnp.dot(h, w1t[...], preferred_element_type=jnp.float32) + b1[...]
    mean = jnp.mean(h, axis=0, keepdims=True)
    var = jnp.mean((h - mean) ** 2, axis=0, keepdims=True)
    h = (h - mean) * lax.rsqrt(var + 1e-5) * g1[...] + bt1[...]
    h = jnp.maximum(h, 0.0)
    hd = jnp.dot(h, w2t[...], preferred_element_type=jnp.float32) + b2[...]
    uag = up[0] + up[1]
    hu = (jnp.dot(uag, wrelt[...], preferred_element_type=jnp.float32)
          + brel[...]
          + jnp.dot(x, wroott[...], preferred_element_type=jnp.float32))
    out = x + a1 * hd + a2 * hu
    mean2 = jnp.mean(out, axis=0, keepdims=True)
    var2 = jnp.mean((out - mean2) ** 2, axis=0, keepdims=True)
    out = (out - mean2) * lax.rsqrt(var2 + 1e-5) * gout[...] + btout[...]
    o_ref[...] = jnp.maximum(out, 0.0)


def kernel(x, edge_index, edge_attr_emb, v_idx, eps, W1, b1, g1, bt1, W2, b2,
           Wrel, brel, Wroot, g_out, bt_out, alpha1, alpha2):
    pk1 = (edge_index[0] | (edge_index[1] << 16)).reshape(NW, N1, K1)
    ea4 = edge_attr_emb.reshape(NW, N1, K1, D)
    upad = N2 * K1 - v_idx.shape[1] // NW
    pk2 = jnp.concatenate(
        [(v_idx[0] | (v_idx[1] << 16)).reshape(NW, -1),
         jnp.full((NW, upad), N << 16, jnp.int32)], axis=1).reshape(
             NW, N2, K1)

    ap, up = _sc_aggregate(x, pk1, ea4, pk2, jnp.zeros((640, D), jnp.float32))

    sv = jnp.stack([1.0 + eps, alpha1, alpha2])
    row = lambda v: v.reshape(1, D)
    grid_spec = pl.GridSpec(
        in_specs=[pl.BlockSpec(memory_space=pltpu.SMEM)]
        + [pl.BlockSpec(memory_space=pltpu.VMEM)] * 14,
        out_specs=pl.BlockSpec(memory_space=pltpu.VMEM),
    )
    out = pl.pallas_call(
        _dense_body,
        grid_spec=grid_spec,
        out_shape=jax.ShapeDtypeStruct((x.shape[0], D), jnp.float32),
    )(sv, x, ap, up, W1.T, row(b1), row(g1), row(bt1), W2.T, row(b2),
      Wrel.T, row(brel), Wroot.T, row(g_out), row(bt_out))
    return out

# --- scband reference (transcript-rebuilt; emitter-appended) ---
"""Pipeline reference for scband-hcnlayer-58153857188495 (READ-ONLY COPY).

The authoritative reference and input builder live on the scoring server;
editing this copy changes nothing except your own understanding.
"""

import jax, jax.numpy as jnp
import numpy as np

N = 10000
E = 320000
E2 = 160000
D = 128


def _linear_init(key, fan_in, shape):
    bound = 1.0 / np.sqrt(fan_in)
    return jax.random.uniform(key, shape, minval=-bound, maxval=bound, dtype=jnp.float32)


def setup_inputs(seed: int = 0) -> dict:
    key = jax.random.key(seed)
    ks = jax.random.split(key, 12)
    inp = {}
    inp['x'] = jax.random.normal(ks[0], (N, D), dtype=jnp.float32)
    inp['edge_index'] = jax.random.randint(ks[1], (2, E), 0, N, dtype=jnp.int32)
    inp['edge_attr_emb'] = jax.random.normal(ks[2], (E, D), dtype=jnp.float32)
    inp['v_idx'] = jax.random.randint(ks[3], (2, E2), 0, N, dtype=jnp.int32)
    # GINEConv params (nn1: Linear -> BN -> ReLU -> Dropout -> Linear; eps trainable, init 0)
    inp['eps'] = jnp.float32(0.0)
    inp['W1'] = _linear_init(ks[4], D, (D, D))
    inp['b1'] = _linear_init(ks[5], D, (D,))
    inp['g1'] = jnp.ones((D,), dtype=jnp.float32)
    inp['bt1'] = jnp.zeros((D,), dtype=jnp.float32)
    inp['W2'] = _linear_init(ks[6], D, (D, D))
    inp['b2'] = _linear_init(ks[7], D, (D,))
    # GraphConv params: lin_rel (with bias), lin_root (no bias)
    inp['Wrel'] = _linear_init(ks[8], D, (D, D))
    inp['brel'] = _linear_init(ks[9], D, (D,))
    inp['Wroot'] = _linear_init(ks[10], D, (D, D))
    # outer BatchNorm
    inp['g_out'] = jnp.ones((D,), dtype=jnp.float32)
    inp['bt_out'] = jnp.zeros((D,), dtype=jnp.float32)
    # learnable mixing scalars
    inp['alpha1'] = jnp.float32(0.5)
    inp['alpha2'] = jnp.float32(0.5)
    return inp


def _batchnorm(h, g, b):
    mean = jnp.mean(h, axis=0)
    var = jnp.var(h, axis=0)
    return (h - mean) / jnp.sqrt(var + 1e-5) * g + b


def reference(x, edge_index, edge_attr_emb, v_idx, eps, W1, b1, g1, bt1, W2, b2, Wrel, brel, Wroot, g_out, bt_out, alpha1, alpha2):
    # GINEConv (conv_down): message = ReLU(x_j + edge_attr), sum-aggregated at dst,
    # then nn1((1+eps)*x + aggr). Dropout is identity (eval); BatchNorm uses batch stats.
    src, dst = edge_index[0], edge_index[1]
    m = jax.nn.relu(x[src] + edge_attr_emb)
    aggr = jax.ops.segment_sum(m, dst, num_segments=x.shape[0])
    h = (1.0 + eps) * x + aggr
    h = h @ W1.T + b1
    h = _batchnorm(h, g1, bt1)
    h = jax.nn.relu(h)
    h = h @ W2.T + b2
    h_down = h
    # GraphConv (conv_up): lin_rel(sum_j x_j) + lin_root(x); v_idx has E2 > 0 edges
    usrc, udst = v_idx[0], v_idx[1]
    uag = jax.ops.segment_sum(x[usrc], udst, num_segments=x.shape[0])
    h_up = uag @ Wrel.T + brel + x @ Wroot.T
    out = x + alpha1 * h_down + alpha2 * h_up
    return jax.nn.relu(_batchnorm(out, g_out, bt_out))

if __name__ == "__main__":
    import jax
    _d = setup_inputs()
    print(jax.jit(kernel)(*tuple(_d.values())))

</pallas_src>

<mosaic_0001>
#map = affine_map<(d0, d1) -> (0, 0)>
#map1 = affine_map<(d0, d1) -> (0, 0, 0)>
#map2 = affine_map<(d0, d1) -> (0, 0, 0, 0)>
module attributes {stable_mosaic.version = 14 : i64} {
  func.func @sc_kernel(%arg0: i32, %arg1: i32, %arg2: memref<10000x128xf32, #tpu.memory_space<hbm>>, %arg3: memref<32x125x80xi32, #tpu.memory_space<hbm>>, %arg4: memref<32x125x80x128xf32, #tpu.memory_space<hbm>>, %arg5: memref<32x63x80xi32, #tpu.memory_space<hbm>>, %arg6: memref<640x128xf32, #tpu.memory_space<hbm>>, %arg7: memref<2x10000x128xf32, #tpu.memory_space<hbm>>, %arg8: memref<2x10000x128xf32, #tpu.memory_space<hbm>>, %arg9: memref<10008x128xf32, #tpu.memory_space<vmem_shared>>, %arg10: memref<125x80xi32, #tpu.memory_space<vmem>>, %arg11: memref<6x40xi32, #tpu.memory_space<vmem>>, %arg12: memref<6x40xi32, #tpu.memory_space<vmem>>, %arg13: memref<3x80xi32, #tpu.memory_space<vmem>>, %arg14: memref<3x80xi32, #tpu.memory_space<vmem>>, %arg15: memref<80x128xf32, #tpu.memory_space<vmem>>, %arg16: memref<80x128xf32, #tpu.memory_space<vmem>>, %arg17: memref<80x128xf32, #tpu.memory_space<vmem>>, %arg18: memref<!tpu.dma_semaphore, #tpu.memory_space<semaphore_mem>>, %arg19: memref<!tpu.dma_semaphore, #tpu.memory_space<semaphore_mem>>, %arg20: memref<!tpu.dma_semaphore, #tpu.memory_space<semaphore_mem>>, %arg21: memref<!tpu.dma_semaphore, #tpu.memory_space<semaphore_mem>>, %arg22: memref<!tpu.dma_semaphore, #tpu.memory_space<semaphore_mem>>, %arg23: memref<!tpu.dma_semaphore, #tpu.memory_space<semaphore_mem>>, %arg24: memref<!tpu.dma_semaphore, #tpu.memory_space<semaphore_mem>>, %arg25: memref<!tpu.dma_semaphore, #tpu.memory_space<semaphore_mem>>, %arg26: memref<!tpu.dma_semaphore, #tpu.memory_space<semaphore_mem>>, %arg27: memref<!tpu.dma_semaphore, #tpu.memory_space<semaphore_mem>>, %arg28: memref<!tpu.dma_semaphore, #tpu.memory_space<semaphore_mem>>, %arg29: memref<!tpu.dma_semaphore, #tpu.memory_space<semaphore_mem>>, %arg30: memref<!tpu.dma_semaphore, #tpu.memory_space<semaphore_mem>>, %arg31: memref<!tpu.dma_semaphore, #tpu.memory_space<semaphore_mem>>, %arg32: memref<!tpu.dma_semaphore, #tpu.memory_space<semaphore_mem>>) attributes {dimension_semantics = [#tpu.dimension_semantics<core_parallel>, #tpu.dimension_semantics<subcore_parallel>], iteration_bounds = array<i64: 2, 16>, scalar_prefetch = 0 : i64, scratch_operands = 24 : i64, tpu.core_type = #tpu.core_type<sc_vector_subcore>, window_params = [{transform_indices = #map}, {transform_indices = #map1}, {transform_indices = #map2}, {transform_indices = #map1}, {transform_indices = #map}, {transform_indices = #map1}, {transform_indices = #map1}]} {
    %mul3A = arith.constant 16 : i32
    %mul3A_0 = arith.muli %arg0, %mul3A : i32
    %add3A = arith.addi %mul3A_0, %arg1 : i32
    %mul3A_1 = arith.constant 640 : i32
    %mul3A_2 = arith.muli %arg1, %mul3A_1 : i32
    %dma_start3A = arith.constant 0 : i32
    %dma_start3A_3 = arith.constant 0 : i32
    %dma_start3A_4 = tpu.memref_slice %arg3[%add3A, %dma_start3A, %dma_start3A_3] : memref<32x125x80xi32, #tpu.memory_space<hbm>> -> memref<1x125x80xi32, #tpu.memory_space<hbm>>
    %dma_start3A_5 = tpu.memref_squeeze %dma_start3A_4 : memref<1x125x80xi32, #tpu.memory_space<hbm>> -> memref<125x80xi32, #tpu.memory_space<hbm>>
    %dma_start3A_6 = arith.constant 0 : i32
    %dma_start3A_7 = arith.constant 0 : i32
    %dma_start3A_8 = tpu.memref_slice %arg3[%add3A, %dma_start3A_6, %dma_start3A_7] : memref<32x125x80xi32, #tpu.memory_space<hbm>> -> memref<1x125x80xi32, #tpu.memory_space<hbm>>
    %dma_start3A_9 = tpu.memref_squeeze %dma_start3A_8 : memref<1x125x80xi32, #tpu.memory_space<hbm>> -> memref<125x80xi32, #tpu.memory_space<hbm>>
    tpu.enqueue_dma source(%dma_start3A_9 : memref<125x80xi32, #tpu.memory_space<hbm>>) target(%arg10 : memref<125x80xi32, #tpu.memory_space<vmem>>) target_semaphore(%arg32 : memref<!tpu.dma_semaphore, #tpu.memory_space<semaphore_mem>>)
    %lt3A = arith.constant 15 : i32
    %lt3A_10 = arith.cmpi slt, %arg1, %lt3A : i32
    %convert_element_type3A = arith.extui %lt3A_10 : i1 to i32
    %cond3A = arith.constant 0 : i32
    %cond3A_11 = arith.cmpi ne, %convert_element_type3A, %cond3A : i32
    scf.if %cond3A_11 {
      "tpu.region"() ({
        %run_scoped3A = tpu.sem_alloc : memref<!tpu.dma_semaphore, #tpu.memory_space<semaphore_mem>>
        %dma_start3A_802 = arith.constant 0 : i32
        %dma_start3A_803 = tpu.memref_slice %arg9[%mul3A_2, %dma_start3A_802] : memref<10008x128xf32, #tpu.memory_space<vmem_shared>> -> memref<640x128xf32, #tpu.memory_space<vmem_shared>>
        tpu.enqueue_dma source(%arg6 : memref<640x128xf32, #tpu.memory_space<hbm>>) target(%dma_start3A_803 : memref<640x128xf32, #tpu.memory_space<vmem_shared>>) target_semaphore(%run_scoped3A : memref<!tpu.dma_semaphore, #tpu.memory_space<semaphore_mem>>)
        %dma_wait3A_804 = arith.constant 0 : i32
        %dma_wait3A_805 = tpu.memref_slice %arg9[%mul3A_2, %dma_wait3A_804] : memref<10008x128xf32, #tpu.memory_space<vmem_shared>> -> memref<640x128xf32, #tpu.memory_space<vmem_shared>>
        tpu.wait_dma2 semaphore(%run_scoped3A : memref<!tpu.dma_semaphore, #tpu.memory_space<semaphore_mem>>) src(%arg6 : memref<640x128xf32, #tpu.memory_space<hbm>>) dst(%dma_wait3A_805 : memref<640x128xf32, #tpu.memory_space<vmem_shared>>)
        tpu.yield
      }) : () -> ()
    } else {
    }
    %eq3A = arith.constant 15 : i32
    %eq3A_12 = arith.cmpi eq, %arg1, %eq3A : i32
    %convert_element_type3A_13 = arith.extui %eq3A_12 : i1 to i32
    %cond3A_14 = arith.constant 0 : i32
    %cond3A_15 = arith.cmpi ne, %convert_element_type3A_13, %cond3A_14 : i32
    scf.if %cond3A_15 {
      "tpu.region"() ({
        %run_scoped3A = tpu.sem_alloc : memref<!tpu.dma_semaphore, #tpu.memory_space<semaphore_mem>>
        %dma_start3A_802 = arith.constant 0 : i32
        %dma_start3A_803 = tpu.memref_slice %arg9[%mul3A_2, %dma_start3A_802] : memref<10008x128xf32, #tpu.memory_space<vmem_shared>> -> memref<400x128xf32, #tpu.memory_space<vmem_shared>>
        %dma_start3A_804 = arith.constant 0 : i32
        %dma_start3A_805 = arith.constant 0 : i32
        %dma_start3A_806 = tpu.memref_slice %arg6[%dma_start3A_804, %dma_start3A_805] : memref<640x128xf32, #tpu.memory_space<hbm>> -> memref<400x128xf32, #tpu.memory_space<hbm>>
        tpu.enqueue_dma source(%dma_start3A_806 : memref<400x128xf32, #tpu.memory_space<hbm>>) target(%dma_start3A_803 : memref<400x128xf32, #tpu.memory_space<vmem_shared>>) target_semaphore(%run_scoped3A : memref<!tpu.dma_semaphore, #tpu.memory_space<semaphore_mem>>)
        %dma_wait3A_807 = arith.constant 0 : i32
        %dma_wait3A_808 = tpu.memref_slice %arg9[%mul3A_2, %dma_wait3A_807] : memref<10008x128xf32, #tpu.memory_space<vmem_shared>> -> memref<400x128xf32, #tpu.memory_space<vmem_shared>>
        %dma_wait3A_809 = arith.constant 0 : i32
        %dma_wait3A_810 = arith.constant 0 : i32
        %dma_wait3A_811 = tpu.memref_slice %arg6[%dma_wait3A_809, %dma_wait3A_810] : memref<640x128xf32, #tpu.memory_space<hbm>> -> memref<400x128xf32, #tpu.memory_space<hbm>>
        tpu.wait_dma2 semaphore(%run_scoped3A : memref<!tpu.dma_semaphore, #tpu.memory_space<semaphore_mem>>) src(%dma_wait3A_811 : memref<400x128xf32, #tpu.memory_space<hbm>>) dst(%dma_wait3A_808 : memref<400x128xf32, #tpu.memory_space<vmem_shared>>)
        tpu.yield
      }) : () -> ()
    } else {
    }
    %dma_wait3A = arith.constant 0 : i32
    %dma_wait3A_16 = arith.constant 0 : i32
    %dma_wait3A_17 = tpu.memref_slice %arg3[%add3A, %dma_wait3A, %dma_wait3A_16] : memref<32x125x80xi32, #tpu.memory_space<hbm>> -> memref<1x125x80xi32, #tpu.memory_space<hbm>>
    %dma_wait3A_18 = tpu.memref_squeeze %dma_wait3A_17 : memref<1x125x80xi32, #tpu.memory_space<hbm>> -> memref<125x80xi32, #tpu.memory_space<hbm>>
    %dma_wait3A_19 = arith.constant 0 : i32
    %dma_wait3A_20 = arith.constant 0 : i32
    %dma_wait3A_21 = tpu.memref_slice %arg3[%add3A, %dma_wait3A_19, %dma_wait3A_20] : memref<32x125x80xi32, #tpu.memory_space<hbm>> -> memref<1x125x80xi32, #tpu.memory_space<hbm>>
    %dma_wait3A_22 = tpu.memref_squeeze %dma_wait3A_21 : memref<1x125x80xi32, #tpu.memory_space<hbm>> -> memref<125x80xi32, #tpu.memory_space<hbm>>
    tpu.wait_dma2 semaphore(%arg32 : memref<!tpu.dma_semaphore, #tpu.memory_space<semaphore_mem>>) src(%dma_wait3A_22 : memref<125x80xi32, #tpu.memory_space<hbm>>) dst(%arg10 : memref<125x80xi32, #tpu.memory_space<vmem>>)
    %barrier3A = arith.constant 0 : index
    tpu.barrier barrier_id(%barrier3A)
    %get3A = arith.constant 0 : i32
    %get3A_23 = arith.index_cast %get3A : i32 to index
    %get3A_24 = arith.constant 0 : index
    %get3A_25 = tpu.vector_load %arg10[%get3A_23, %get3A_24] {strides = array<i32>} : memref<125x80xi32, #tpu.memory_space<vmem>>, vector<1x16xi32>,
    %get3A_26 = vector.shape_cast %get3A_25 : vector<1x16xi32> to vector<16xi32>
    %and3A = arith.constant 65535 : i32
    %and3A_27 = vector.broadcast %and3A : i32 to vector<16xi32>
    %and3A_28 = arith.andi %get3A_26, %and3A_27 : vector<16xi32>
    %swap3A = arith.constant 0 : i32
    %swap3A_29 = arith.constant 0 : i32
    %swap3A_30 = tpu.memref_slice %arg11[%swap3A, %swap3A_29] : memref<6x40xi32, #tpu.memory_space<vmem>> -> memref<1x40xi32, #tpu.memory_space<vmem>>
    %swap3A_31 = tpu.memref_squeeze %swap3A_30 : memref<1x40xi32, #tpu.memory_space<vmem>> -> memref<40xi32, #tpu.memory_space<vmem>>
    %swap3A_32 = arith.constant 0 : index
    %swap3A_33 = tpu.vector_load %swap3A_31[%swap3A_32] {strides = array<i32>} : memref<40xi32, #tpu.memory_space<vmem>>, vector<16xi32>,
    %swap3A_34 = vector.shape_cast %swap3A_33 : vector<16xi32> to vector<16xi32>
    %swap3A_35 = vector.shape_cast %and3A_28 : vector<16xi32> to vector<16xi32>
    tpu.vector_store %swap3A_31[%swap3A_32], %swap3A_35 {strides = array<i32>} : memref<40xi32, #tpu.memory_space<vmem>>, vector<16xi32>,
    %shift_right_arithmetic3A = arith.constant 16 : i32
    %shift_right_arithmetic3A_36 = vector.broadcast %shift_right_arithmetic3A : i32 to vector<16xi32>
    %shift_right_arithmetic3A_37 = arith.shrsi %get3A_26, %shift_right_arithmetic3A_36 : vector<16xi32>
    %swap3A_38 = arith.constant 0 : i32
    %swap3A_39 = arith.constant 0 : i32
    %swap3A_40 = tpu.memref_slice %arg12[%swap3A_38, %swap3A_39] : memref<6x40xi32, #tpu.memory_space<vmem>> -> memref<1x40xi32, #tpu.memory_space<vmem>>
    %swap3A_41 = tpu.memref_squeeze %swap3A_40 : memref<1x40xi32, #tpu.memory_space<vmem>> -> memref<40xi32, #tpu.memory_space<vmem>>
    %swap3A_42 = arith.constant 0 : index
    %swap3A_43 = tpu.vector_load %swap3A_41[%swap3A_42] {strides = array<i32>} : memref<40xi32, #tpu.memory_space<vmem>>, vector<16xi32>,
    %swap3A_44 = vector.shape_cast %swap3A_43 : vector<16xi32> to vector<16xi32>
    %swap3A_45 = vector.shape_cast %shift_right_arithmetic3A_37 : vector<16xi32> to vector<16xi32>
    tpu.vector_store %swap3A_41[%swap3A_42], %swap3A_45 {strides = array<i32>} : memref<40xi32, #tpu.memory_space<vmem>>, vector<16xi32>,
    %get3A_46 = arith.constant 0 : i32
    %get3A_47 = arith.index_cast %get3A_46 : i32 to index
    %get3A_48 = arith.constant 16 : index
    %get3A_49 = tpu.vector_load %arg10[%get3A_47, %get3A_48] {strides = array<i32>} : memref<125x80xi32, #tpu.memory_space<vmem>>, vector<1x16xi32>,
    %get3A_50 = vector.shape_cast %get3A_49 : vector<1x16xi32> to vector<16xi32>
    %and3A_51 = arith.constant 65535 : i32
    %and3A_52 = vector.broadcast %and3A_51 : i32 to vector<16xi32>
    %and3A_53 = arith.andi %get3A_50, %and3A_52 : vector<16xi32>
    %swap3A_54 = arith.constant 0 : i32
    %swap3A_55 = arith.constant 0 : i32
    %swap3A_56 = tpu.memref_slice %arg11[%swap3A_54, %swap3A_55] : memref<6x40xi32, #tpu.memory_space<vmem>> -> memref<1x40xi32, #tpu.memory_space<vmem>>
    %swap3A_57 = tpu.memref_squeeze %swap3A_56 : memref<1x40xi32, #tpu.memory_space<vmem>> -> memref<40xi32, #tpu.memory_space<vmem>>
    %swap3A_58 = arith.constant 16 : index
    %swap3A_59 = tpu.vector_load %swap3A_57[%swap3A_58] {strides = array<i32>} : memref<40xi32, #tpu.memory_space<vmem>>, vector<16xi32>,
    %swap3A_60 = vector.shape_cast %swap3A_59 : vector<16xi32> to vector<16xi32>
    %swap3A_61 = vector.shape_cast %and3A_53 : vector<16xi32> to vector<16xi32>
    tpu.vector_store %swap3A_57[%swap3A_58], %swap3A_61 {strides = array<i32>} : memref<40xi32, #tpu.memory_space<vmem>>, vector<16xi32>,
    %shift_right_arithmetic3A_62 = arith.constant 16 : i32
    %shift_right_arithmetic3A_63 = vector.broadcast %shift_right_arithmetic3A_62 : i32 to vector<16xi32>
    %shift_right_arithmetic3A_64 = arith.shrsi %get3A_50, %shift_right_arithmetic3A_63 : vector<16xi32>
    %swap3A_65 = arith.constant 0 : i32
    %swap3A_66 = arith.constant 0 : i32
    %swap3A_67 = tpu.memref_slice %arg12[%swap3A_65, %swap3A_66] : memref<6x40xi32, #tpu.memory_space<vmem>> -> memref<1x40xi32, #tpu.memory_space<vmem>>
    %swap3A_68 = tpu.memref_squeeze %swap3A_67 : memref<1x40xi32, #tpu.memory_space<vmem>> -> memref<40xi32, #tpu.memory_space<vmem>>
    %swap3A_69 = arith.constant 16 : index
    %swap3A_70 = tpu.vector_load %swap3A_68[%swap3A_69] {strides = array<i32>} : memref<40xi32, #tpu.memory_space<vmem>>, vector<16xi32>,
    %swap3A_71 = vector.shape_cast %swap3A_70 : vector<16xi32> to vector<16xi32>
    %swap3A_72 = vector.shape_cast %shift_right_arithmetic3A_64 : vector<16xi32> to vector<16xi32>
    tpu.vector_store %swap3A_68[%swap3A_69], %swap3A_72 {strides = array<i32>} : memref<40xi32, #tpu.memory_space<vmem>>, vector<16xi32>,
    %get3A_73 = arith.constant 0 : i32
    %get3A_74 = arith.index_cast %get3A_73 : i32 to index
    %get3A_75 = arith.constant 24 : index
    %get3A_76 = tpu.vector_load %arg10[%get3A_74, %get3A_75] {strides = array<i32>} : memref<125x80xi32, #tpu.memory_space<vmem>>, vector<1x16xi32>,
    %get3A_77 = vector.shape_cast %get3A_76 : vector<1x16xi32> to vector<16xi32>
    %and3A_78 = arith.constant 65535 : i32
    %and3A_79 = vector.broadcast %and3A_78 : i32 to vector<16xi32>
    %and3A_80 = arith.andi %get3A_77, %and3A_79 : vector<16xi32>
    %swap3A_81 = arith.constant 0 : i32
    %swap3A_82 = arith.constant 0 : i32
    %swap3A_83 = tpu.memref_slice %arg11[%swap3A_81, %swap3A_82] : memref<6x40xi32, #tpu.memory_space<vmem>> -> memref<1x40xi32, #tpu.memory_space<vmem>>
    %swap3A_84 = tpu.memref_squeeze %swap3A_83 : memref<1x40xi32, #tpu.memory_space<vmem>> -> memref<40xi32, #tpu.memory_space<vmem>>
    %swap3A_85 = arith.constant 24 : index
    %swap3A_86 = tpu.vector_load %swap3A_84[%swap3A_85] {strides = array<i32>} : memref<40xi32, #tpu.memory_space<vmem>>, vector<16xi32>,
    %swap3A_87 = vector.shape_cast %swap3A_86 : vector<16xi32> to vector<16xi32>
    %swap3A_88 = vector.shape_cast %and3A_80 : vector<16xi32> to vector<16xi32>
    tpu.vector_store %swap3A_84[%swap3A_85], %swap3A_88 {strides = array<i32>} : memref<40xi32, #tpu.memory_space<vmem>>, vector<16xi32>,
    %shift_right_arithmetic3A_89 = arith.constant 16 : i32
    %shift_right_arithmetic3A_90 = vector.broadcast %shift_right_arithmetic3A_89 : i32 to vector<16xi32>
    %shift_right_arithmetic3A_91 = arith.shrsi %get3A_77, %shift_right_arithmetic3A_90 : vector<16xi32>
    %swap3A_92 = arith.constant 0 : i32
    %swap3A_93 = arith.constant 0 : i32
    %swap3A_94 = tpu.memref_slice %arg12[%swap3A_92, %swap3A_93] : memref<6x40xi32, #tpu.memory_space<vmem>> -> memref<1x40xi32, #tpu.memory_space<vmem>>
    %swap3A_95 = tpu.memref_squeeze %swap3A_94 : memref<1x40xi32, #tpu.memory_space<vmem>> -> memref<40xi32, #tpu.memory_space<vmem>>
    %swap3A_96 = arith.constant 24 : index
    %swap3A_97 = tpu.vector_load %swap3A_95[%swap3A_96] {strides = array<i32>} : memref<40xi32, #tpu.memory_space<vmem>>, vector<16xi32>,
    %swap3A_98 = vector.shape_cast %swap3A_97 : vector<16xi32> to vector<16xi32>
    %swap3A_99 = vector.shape_cast %shift_right_arithmetic3A_91 : vector<16xi32> to vector<16xi32>
    tpu.vector_store %swap3A_95[%swap3A_96], %swap3A_99 {strides = array<i32>} : memref<40xi32, #tpu.memory_space<vmem>>, vector<16xi32>,
    %dma_start3A_100 = arith.constant 0 : i32
    %dma_start3A_101 = arith.constant 0 : i32
    %dma_start3A_102 = arith.constant 0 : i32
    %dma_start3A_103 = tpu.memref_slice %arg15[%dma_start3A_101, %dma_start3A_102] : memref<80x128xf32, #tpu.memory_space<vmem>> -> memref<40x128xf32, #tpu.memory_space<vmem>>
    %dma_start3A_104 = arith.constant 0 : i32
    %dma_start3A_105 = tpu.memref_slice %arg11[%dma_start3A_100, %dma_start3A_104] : memref<6x40xi32, #tpu.memory_space<vmem>> -> memref<1x40xi32, #tpu.memory_space<vmem>>
    %dma_start3A_106 = tpu.memref_squeeze %dma_start3A_105 : memref<1x40xi32, #tpu.memory_space<vmem>> -> memref<40xi32, #tpu.memory_space<vmem>>
    %dma_start3A_107 = arith.constant 0 : i32
    %dma_start3A_108 = arith.constant 0 : i32
    %dma_start3A_109 = tpu.memref_slice %arg2[%dma_start3A_107, %dma_start3A_108] : memref<10000x128xf32, #tpu.memory_space<hbm>> -> memref<10000x128xf32, #tpu.memory_space<hbm>>
    tpu.enqueue_indirect_dma source(%dma_start3A_109 : memref<10000x128xf32, #tpu.memory_space<hbm>>) target(%dma_start3A_103 : memref<40x128xf32, #tpu.memory_space<vmem>>) offsets(%dma_start3A_106 : memref<40xi32, #tpu.memory_space<vmem>>) semaphore(%arg18 : memref<!tpu.dma_semaphore, #tpu.memory_space<semaphore_mem>>)
    %get3A_110 = arith.constant 0 : i32
    %get3A_111 = arith.index_cast %get3A_110 : i32 to index
    %get3A_112 = arith.constant 40 : index
    %get3A_113 = tpu.vector_load %arg10[%get3A_111, %get3A_112] {strides = array<i32>} : memref<125x80xi32, #tpu.memory_space<vmem>>, vector<1x16xi32>,
    %get3A_114 = vector.shape_cast %get3A_113 : vector<1x16xi32> to vector<16xi32>
    %and3A_115 = arith.constant 65535 : i32
    %and3A_116 = vector.broadcast %and3A_115 : i32 to vector<16xi32>
    %and3A_117 = arith.andi %get3A_114, %and3A_116 : vector<16xi32>
    %swap3A_118 = arith.constant 1 : i32
    %swap3A_119 = arith.constant 0 : i32
    %swap3A_120 = tpu.memref_slice %arg11[%swap3A_118, %swap3A_119] : memref<6x40xi32, #tpu.memory_space<vmem>> -> memref<1x40xi32, #tpu.memory_space<vmem>>
    %swap3A_121 = tpu.memref_squeeze %swap3A_120 : memref<1x40xi32, #tpu.memory_space<vmem>> -> memref<40xi32, #tpu.memory_space<vmem>>
    %swap3A_122 = arith.constant 0 : index
    %swap3A_123 = tpu.vector_load %swap3A_121[%swap3A_122] {strides = array<i32>} : memref<40xi32, #tpu.memory_space<vmem>>, vector<16xi32>,
    %swap3A_124 = vector.shape_cast %swap3A_123 : vector<16xi32> to vector<16xi32>
    %swap3A_125 = vector.shape_cast %and3A_117 : vector<16xi32> to vector<16xi32>
    tpu.vector_store %swap3A_121[%swap3A_122], %swap3A_125 {strides = array<i32>} : memref<40xi32, #tpu.memory_space<vmem>>, vector<16xi32>,
    %shift_right_arithmetic3A_126 = arith.constant 16 : i32
    %shift_right_arithmetic3A_127 = vector.broadcast %shift_right_arithmetic3A_126 : i32 to vector<16xi32>
    %shift_right_arithmetic3A_128 = arith.shrsi %get3A_114, %shift_right_arithmetic3A_127 : vector<16xi32>
    %swap3A_129 = arith.constant 1 : i32
    %swap3A_130 = arith.constant 0 : i32
    %swap3A_131 = tpu.memref_slice %arg12[%swap3A_129, %swap3A_130] : memref<6x40xi32, #tpu.memory_space<vmem>> -> memref<1x40xi32, #tpu.memory_space<vmem>>
    %swap3A_132 = tpu.memref_squeeze %swap3A_131 : memref<1x40xi32, #tpu.memory_space<vmem>> -> memref<40xi32, #tpu.memory_space<vmem>>
    %swap3A_133 = arith.constant 0 : index
    %swap3A_134 = tpu.vector_load %swap3A_132[%swap3A_133] {strides = array<i32>} : memref<40xi32, #tpu.memory_space<vmem>>, vector<16xi32>,
    %swap3A_135 = vector.shape_cast %swap3A_134 : vector<16xi32> to vector<16xi32>
    %swap3A_136 = vector.shape_cast %shift_right_arithmetic3A_128 : vector<16xi32> to vector<16xi32>
    tpu.vector_store %swap3A_132[%swap3A_133], %swap3A_136 {strides = array<i32>} : memref<40xi32, #tpu.memory_space<vmem>>, vector<16xi32>,
    %get3A_137 = arith.constant 0 : i32
    %get3A_138 = arith.index_cast %get3A_137 : i32 to index
    %get3A_139 = arith.constant 56 : index
    %get3A_140 = tpu.vector_load %arg10[%get3A_138, %get3A_139] {strides = array<i32>} : memref<125x80xi32, #tpu.memory_space<vmem>>, vector<1x16xi32>,
    %get3A_141 = vector.shape_cast %get3A_140 : vector<1x16xi32> to vector<16xi32>
    %and3A_142 = arith.constant 65535 : i32
    %and3A_143 = vector.broadcast %and3A_142 : i32 to vector<16xi32>
    %and3A_144 = arith.andi %get3A_141, %and3A_143 : vector<16xi32>
    %swap3A_145 = arith.constant 1 : i32
    %swap3A_146 = arith.constant 0 : i32
    %swap3A_147 = tpu.memref_slice %arg11[%swap3A_145, %swap3A_146] : memref<6x40xi32, #tpu.memory_space<vmem>> -> memref<1x40xi32, #tpu.memory_space<vmem>>
    %swap3A_148 = tpu.memref_squeeze %swap3A_147 : memref<1x40xi32, #tpu.memory_space<vmem>> -> memref<40xi32, #tpu.memory_space<vmem>>
    %swap3A_149 = arith.constant 16 : index
    %swap3A_150 = tpu.vector_load %swap3A_148[%swap3A_149] {strides = array<i32>} : memref<40xi32, #tpu.memory_space<vmem>>, vector<16xi32>,
    %swap3A_151 = vector.shape_cast %swap3A_150 : vector<16xi32> to vector<16xi32>
    %swap3A_152 = vector.shape_cast %and3A_144 : vector<16xi32> to vector<16xi32>
    tpu.vector_store %swap3A_148[%swap3A_149], %swap3A_152 {strides = array<i32>} : memref<40xi32, #tpu.memory_space<vmem>>, vector<16xi32>,
    %shift_right_arithmetic3A_153 = arith.constant 16 : i32
    %shift_right_arithmetic3A_154 = vector.broadcast %shift_right_arithmetic3A_153 : i32 to vector<16xi32>
    %shift_right_arithmetic3A_155 = arith.shrsi %get3A_141, %shift_right_arithmetic3A_154 : vector<16xi32>
    %swap3A_156 = arith.constant 1 : i32
    %swap3A_157 = arith.constant 0 : i32
    %swap3A_158 = tpu.memref_slice %arg12[%swap3A_156, %swap3A_157] : memref<6x40xi32, #tpu.memory_space<vmem>> -> memref<1x40xi32, #tpu.memory_space<vmem>>
    %swap3A_159 = tpu.memref_squeeze %swap3A_158 : memref<1x40xi32, #tpu.memory_space<vmem>> -> memref<40xi32, #tpu.memory_space<vmem>>
    %swap3A_160 = arith.constant 16 : index
    %swap3A_161 = tpu.vector_load %swap3A_159[%swap3A_160] {strides = array<i32>} : memref<40xi32, #tpu.memory_space<vmem>>, vector<16xi32>,
    %swap3A_162 = vector.shape_cast %swap3A_161 : vector<16xi32> to vector<16xi32>
    %swap3A_163 = vector.shape_cast %shift_right_arithmetic3A_155 : vector<16xi32> to vector<16xi32>
    tpu.vector_store %swap3A_159[%swap3A_160], %swap3A_163 {strides = array<i32>} : memref<40xi32, #tpu.memory_space<vmem>>, vector<16xi32>,
    %get3A_164 = arith.constant 0 : i32
    %get3A_165 = arith.index_cast %get3A_164 : i32 to index
    %get3A_166 = arith.constant 64 : index
    %get3A_167 = tpu.vector_load %arg10[%get3A_165, %get3A_166] {strides = array<i32>} : memref<125x80xi32, #tpu.memory_space<vmem>>, vector<1x16xi32>,
    %get3A_168 = vector.shape_cast %get3A_167 : vector<1x16xi32> to vector<16xi32>
    %and3A_169 = arith.constant 65535 : i32
    %and3A_170 = vector.broadcast %and3A_169 : i32 to vector<16xi32>
    %and3A_171 = arith.andi %get3A_168, %and3A_170 : vector<16xi32>
    %swap3A_172 = arith.constant 1 : i32
    %swap3A_173 = arith.constant 0 : i32
    %swap3A_174 = tpu.memref_slice %arg11[%swap3A_172, %swap3A_173] : memref<6x40xi32, #tpu.memory_space<vmem>> -> memref<1x40xi32, #tpu.memory_space<vmem>>
    %swap3A_175 = tpu.memref_squeeze %swap3A_174 : memref<1x40xi32, #tpu.memory_space<vmem>> -> memref<40xi32, #tpu.memory_space<vmem>>
    %swap3A_176 = arith.constant 24 : index
    %swap3A_177 = tpu.vector_load %swap3A_175[%swap3A_176] {strides = array<i32>} : memref<40xi32, #tpu.memory_space<vmem>>, vector<16xi32>,
    %swap3A_178 = vector.shape_cast %swap3A_177 : vector<16xi32> to vector<16xi32>
    %swap3A_179 = vector.shape_cast %and3A_171 : vector<16xi32> to vector<16xi32>
    tpu.vector_store %swap3A_175[%swap3A_176], %swap3A_179 {strides = array<i32>} : memref<40xi32, #tpu.memory_space<vmem>>, vector<16xi32>,
    %shift_right_arithmetic3A_180 = arith.constant 16 : i32
    %shift_right_arithmetic3A_181 = vector.broadcast %shift_right_arithmetic3A_180 : i32 to vector<16xi32>
    %shift_right_arithmetic3A_182 = arith.shrsi %get3A_168, %shift_right_arithmetic3A_181 : vector<16xi32>
    %swap3A_183 = arith.constant 1 : i32
    %swap3A_184 = arith.constant 0 : i32
    %swap3A_185 = tpu.memref_slice %arg12[%swap3A_183, %swap3A_184] : memref<6x40xi32, #tpu.memory_space<vmem>> -> memref<1x40xi32, #tpu.memory_space<vmem>>
    %swap3A_186 = tpu.memref_squeeze %swap3A_185 : memref<1x40xi32, #tpu.memory_space<vmem>> -> memref<40xi32, #tpu.memory_space<vmem>>
    %swap3A_187 = arith.constant 24 : index
    %swap3A_188 = tpu.vector_load %swap3A_186[%swap3A_187] {strides = array<i32>} : memref<40xi32, #tpu.memory_space<vmem>>, vector<16xi32>,
    %swap3A_189 = vector.shape_cast %swap3A_188 : vector<16xi32> to vector<16xi32>
    %swap3A_190 = vector.shape_cast %shift_right_arithmetic3A_182 : vector<16xi32> to vector<16xi32>
    tpu.vector_store %swap3A_186[%swap3A_187], %swap3A_190 {strides = array<i32>} : memref<40xi32, #tpu.memory_space<vmem>>, vector<16xi32>,
    %dma_start3A_191 = arith.constant 1 : i32
    %dma_start3A_192 = arith.constant 40 : i32
    %dma_start3A_193 = arith.constant 0 : i32
    %dma_start3A_194 = tpu.memref_slice %arg15[%dma_start3A_192, %dma_start3A_193] : memref<80x128xf32, #tpu.memory_space<vmem>> -> memref<40x128xf32, #tpu.memory_space<vmem>>
    %dma_start3A_195 = arith.constant 0 : i32
    %dma_start3A_196 = tpu.memref_slice %arg11[%dma_start3A_191, %dma_start3A_195] : memref<6x40xi32, #tpu.memory_space<vmem>> -> memref<1x40xi32, #tpu.memory_space<vmem>>
    %dma_start3A_197 = tpu.memref_squeeze %dma_start3A_196 : memref<1x40xi32, #tpu.memory_space<vmem>> -> memref<40xi32, #tpu.memory_space<vmem>>
    %dma_start3A_198 = arith.constant 0 : i32
    %dma_start3A_199 = arith.constant 0 : i32
    %dma_start3A_200 = tpu.memref_slice %arg2[%dma_start3A_198, %dma_start3A_199] : memref<10000x128xf32, #tpu.memory_space<hbm>> -> memref<10000x128xf32, #tpu.memory_space<hbm>>
    tpu.enqueue_indirect_dma source(%dma_start3A_200 : memref<10000x128xf32, #tpu.memory_space<hbm>>) target(%dma_start3A_194 : memref<40x128xf32, #tpu.memory_space<vmem>>) offsets(%dma_start3A_197 : memref<40xi32, #tpu.memory_space<vmem>>) semaphore(%arg19 : memref<!tpu.dma_semaphore, #tpu.memory_space<semaphore_mem>>)
    %get3A_201 = arith.constant 1 : i32
    %get3A_202 = arith.index_cast %get3A_201 : i32 to index
    %get3A_203 = arith.constant 0 : index
    %get3A_204 = tpu.vector_load %arg10[%get3A_202, %get3A_203] {strides = array<i32>} : memref<125x80xi32, #tpu.memory_space<vmem>>, vector<1x16xi32>,
    %get3A_205 = vector.shape_cast %get3A_204 : vector<1x16xi32> to vector<16xi32>
    %and3A_206 = arith.constant 65535 : i32
    %and3A_207 = vector.broadcast %and3A_206 : i32 to vector<16xi32>
    %and3A_208 = arith.andi %get3A_205, %and3A_207 : vector<16xi32>
    %swap3A_209 = arith.constant 2 : i32
    %swap3A_210 = arith.constant 0 : i32
    %swap3A_211 = tpu.memref_slice %arg11[%swap3A_209, %swap3A_210] : memref<6x40xi32, #tpu.memory_space<vmem>> -> memref<1x40xi32, #tpu.memory_space<vmem>>
    %swap3A_212 = tpu.memref_squeeze %swap3A_211 : memref<1x40xi32, #tpu.memory_space<vmem>> -> memref<40xi32, #tpu.memory_space<vmem>>
    %swap3A_213 = arith.constant 0 : index
    %swap3A_214 = tpu.vector_load %swap3A_212[%swap3A_213] {strides = array<i32>} : memref<40xi32, #tpu.memory_space<vmem>>, vector<16xi32>,
    %swap3A_215 = vector.shape_cast %swap3A_214 : vector<16xi32> to vector<16xi32>
    %swap3A_216 = vector.shape_cast %and3A_208 : vector<16xi32> to vector<16xi32>
    tpu.vector_store %swap3A_212[%swap3A_213], %swap3A_216 {strides = array<i32>} : memref<40xi32, #tpu.memory_space<vmem>>, vector<16xi32>,
    %shift_right_arithmetic3A_217 = arith.constant 16 : i32
    %shift_right_arithmetic3A_218 = vector.broadcast %shift_right_arithmetic3A_217 : i32 to vector<16xi32>
    %shift_right_arithmetic3A_219 = arith.shrsi %get3A_205, %shift_right_arithmetic3A_218 : vector<16xi32>
    %swap3A_220 = arith.constant 2 : i32
    %swap3A_221 = arith.constant 0 : i32
    %swap3A_222 = tpu.memref_slice %arg12[%swap3A_220, %swap3A_221] : memref<6x40xi32, #tpu.memory_space<vmem>> -> memref<1x40xi32, #tpu.memory_space<vmem>>
    %swap3A_223 = tpu.memref_squeeze %swap3A_222 : memref<1x40xi32, #tpu.memory_space<vmem>> -> memref<40xi32, #tpu.memory_space<vmem>>
    %swap3A_224 = arith.constant 0 : index
    %swap3A_225 = tpu.vector_load %swap3A_223[%swap3A_224] {strides = array<i32>} : memref<40xi32, #tpu.memory_space<vmem>>, vector<16xi32>,
    %swap3A_226 = vector.shape_cast %swap3A_225 : vector<16xi32> to vector<16xi32>
    %swap3A_227 = vector.shape_cast %shift_right_arithmetic3A_219 : vector<16xi32> to vector<16xi32>
    tpu.vector_store %swap3A_223[%swap3A_224], %swap3A_227 {strides = array<i32>} : memref<40xi32, #tpu.memory_space<vmem>>, vector<16xi32>,
    %get3A_228 = arith.constant 1 : i32
    %get3A_229 = arith.index_cast %get3A_228 : i32 to index
    %get3A_230 = arith.constant 16 : index
    %get3A_231 = tpu.vector_load %arg10[%get3A_229, %get3A_230] {strides = array<i32>} : memref<125x80xi32, #tpu.memory_space<vmem>>, vector<1x16xi32>,
    %get3A_232 = vector.shape_cast %get3A_231 : vector<1x16xi32> to vector<16xi32>
    %and3A_233 = arith.constant 65535 : i32
    %and3A_234 = vector.broadcast %and3A_233 : i32 to vector<16xi32>
    %and3A_235 = arith.andi %get3A_232, %and3A_234 : vector<16xi32>
    %swap3A_236 = arith.constant 2 : i32
    %swap3A_237 = arith.constant 0 : i32
    %swap3A_238 = tpu.memref_slice %arg11[%swap3A_236, %swap3A_237] : memref<6x40xi32, #tpu.memory_space<vmem>> -> memref<1x40xi32, #tpu.memory_space<vmem>>
    %swap3A_239 = tpu.memref_squeeze %swap3A_238 : memref<1x40xi32, #tpu.memory_space<vmem>> -> memref<40xi32, #tpu.memory_space<vmem>>
    %swap3A_240 = arith.constant 16 : index
    %swap3A_241 = tpu.vector_load %swap3A_239[%swap3A_240] {strides = array<i32>} : memref<40xi32, #tpu.memory_space<vmem>>, vector<16xi32>,
    %swap3A_242 = vector.shape_cast %swap3A_241 : vector<16xi32> to vector<16xi32>
    %swap3A_243 = vector.shape_cast %and3A_235 : vector<16xi32> to vector<16xi32>
    tpu.vector_store %swap3A_239[%swap3A_240], %swap3A_243 {strides = array<i32>} : memref<40xi32, #tpu.memory_space<vmem>>, vector<16xi32>,
    %shift_right_arithmetic3A_244 = arith.constant 16 : i32
    %shift_right_arithmetic3A_245 = vector.broadcast %shift_right_arithmetic3A_244 : i32 to vector<16xi32>
    %shift_right_arithmetic3A_246 = arith.shrsi %get3A_232, %shift_right_arithmetic3A_245 : vector<16xi32>
    %swap3A_247 = arith.constant 2 : i32
    %swap3A_248 = arith.constant 0 : i32
    %swap3A_249 = tpu.memref_slice %arg12[%swap3A_247, %swap3A_248] : memref<6x40xi32, #tpu.memory_space<vmem>> -> memref<1x40xi32, #tpu.memory_space<vmem>>
    %swap3A_250 = tpu.memref_squeeze %swap3A_249 : memref<1x40xi32, #tpu.memory_space<vmem>> -> memref<40xi32, #tpu.memory_space<vmem>>
    %swap3A_251 = arith.constant 16 : index
    %swap3A_252 = tpu.vector_load %swap3A_250[%swap3A_251] {strides = array<i32>} : memref<40xi32, #tpu.memory_space<vmem>>, vector<16xi32>,
    %swap3A_253 = vector.shape_cast %swap3A_252 : vector<16xi32> to vector<16xi32>
    %swap3A_254 = vector.shape_cast %shift_right_arithmetic3A_246 : vector<16xi32> to vector<16xi32>
    tpu.vector_store %swap3A_250[%swap3A_251], %swap3A_254 {strides = array<i32>} : memref<40xi32, #tpu.memory_space<vmem>>, vector<16xi32>,
    %get3A_255 = arith.constant 1 : i32
    %get3A_256 = arith.index_cast %get3A_255 : i32 to index
    %get3A_257 = arith.constant 24 : index
    %get3A_258 = tpu.vector_load %arg10[%get3A_256, %get3A_257] {strides = array<i32>} : memref<125x80xi32, #tpu.memory_space<vmem>>, vector<1x16xi32>,
    %get3A_259 = vector.shape_cast %get3A_258 : vector<1x16xi32> to vector<16xi32>
    %and3A_260 = arith.constant 65535 : i32
    %and3A_261 = vector.broadcast %and3A_260 : i32 to vector<16xi32>
    %and3A_262 = arith.andi %get3A_259, %and3A_261 : vector<16xi32>
    %swap3A_263 = arith.constant 2 : i32
    %swap3A_264 = arith.constant 0 : i32
    %swap3A_265 = tpu.memref_slice %arg11[%swap3A_263, %swap3A_264] : memref<6x40xi32, #tpu.memory_space<vmem>> -> memref<1x40xi32, #tpu.memory_space<vmem>>
    %swap3A_266 = tpu.memref_squeeze %swap3A_265 : memref<1x40xi32, #tpu.memory_space<vmem>> -> memref<40xi32, #tpu.memory_space<vmem>>
    %swap3A_267 = arith.constant 24 : index
    %swap3A_268 = tpu.vector_load %swap3A_266[%swap3A_267] {strides = array<i32>} : memref<40xi32, #tpu.memory_space<vmem>>, vector<16xi32>,
    %swap3A_269 = vector.shape_cast %swap3A_268 : vector<16xi32> to vector<16xi32>
    %swap3A_270 = vector.shape_cast %and3A_262 : vector<16xi32> to vector<16xi32>
    tpu.vector_store %swap3A_266[%swap3A_267], %swap3A_270 {strides = array<i32>} : memref<40xi32, #tpu.memory_space<vmem>>, vector<16xi32>,
    %shift_right_arithmetic3A_271 = arith.constant 16 : i32
    %shift_right_arithmetic3A_272 = vector.broadcast %shift_right_arithmetic3A_271 : i32 to vector<16xi32>
    %shift_right_arithmetic3A_273 = arith.shrsi %get3A_259, %shift_right_arithmetic3A_272 : vector<16xi32>
    %swap3A_274 = arith.constant 2 : i32
    %swap3A_275 = arith.constant 0 : i32
    %swap3A_276 = tpu.memref_slice %arg12[%swap3A_274, %swap3A_275] : memref<6x40xi32, #tpu.memory_space<vmem>> -> memref<1x40xi32, #tpu.memory_space<vmem>>
    %swap3A_277 = tpu.memref_squeeze %swap3A_276 : memref<1x40xi32, #tpu.memory_space<vmem>> -> memref<40xi32, #tpu.memory_space<vmem>>
    %swap3A_278 = arith.constant 24 : index
    %swap3A_279 = tpu.vector_load %swap3A_277[%swap3A_278] {strides = array<i32>} : memref<40xi32, #tpu.memory_space<vmem>>, vector<16xi32>,
    %swap3A_280 = vector.shape_cast %swap3A_279 : vector<16xi32> to vector<16xi32>
    %swap3A_281 = vector.shape_cast %shift_right_arithmetic3A_273 : vector<16xi32> to vector<16xi32>
    tpu.vector_store %swap3A_277[%swap3A_278], %swap3A_281 {strides = array<i32>} : memref<40xi32, #tpu.memory_space<vmem>>, vector<16xi32>,
    %dma_start3A_282 = arith.constant 2 : i32
    %dma_start3A_283 = arith.constant 0 : i32
    %dma_start3A_284 = arith.constant 0 : i32
    %dma_start3A_285 = tpu.memref_slice %arg16[%dma_start3A_283, %dma_start3A_284] : memref<80x128xf32, #tpu.memory_space<vmem>> -> memref<40x128xf32, #tpu.memory_space<vmem>>
    %dma_start3A_286 = arith.constant 0 : i32
    %dma_start3A_287 = tpu.memref_slice %arg11[%dma_start3A_282, %dma_start3A_286] : memref<6x40xi32, #tpu.memory_space<vmem>> -> memref<1x40xi32, #tpu.memory_space<vmem>>
    %dma_start3A_288 = tpu.memref_squeeze %dma_start3A_287 : memref<1x40xi32, #tpu.memory_space<vmem>> -> memref<40xi32, #tpu.memory_space<vmem>>
    %dma_start3A_289 = arith.constant 0 : i32
    %dma_start3A_290 = arith.constant 0 : i32
    %dma_start3A_291 = tpu.memref_slice %arg2[%dma_start3A_289, %dma_start3A_290] : memref<10000x128xf32, #tpu.memory_space<hbm>> -> memref<10000x128xf32, #tpu.memory_space<hbm>>
    tpu.enqueue_indirect_dma source(%dma_start3A_291 : memref<10000x128xf32, #tpu.memory_space<hbm>>) target(%dma_start3A_285 : memref<40x128xf32, #tpu.memory_space<vmem>>) offsets(%dma_start3A_288 : memref<40xi32, #tpu.memory_space<vmem>>) semaphore(%arg20 : memref<!tpu.dma_semaphore, #tpu.memory_space<semaphore_mem>>)
    %dma_start3A_292 = arith.constant 0 : i32
    %dma_start3A_293 = arith.constant 0 : i32
    %dma_start3A_294 = arith.constant 0 : i32
    %dma_start3A_295 = tpu.memref_slice %arg17[%dma_start3A_293, %dma_start3A_294] : memref<80x128xf32, #tpu.memory_space<vmem>> -> memref<40x128xf32, #tpu.memory_space<vmem>>
    %dma_start3A_296 = arith.constant 0 : i32
    %dma_start3A_297 = arith.constant 0 : i32
    %dma_start3A_298 = tpu.memref_slice %arg4[%add3A, %dma_start3A_292, %dma_start3A_296, %dma_start3A_297] : memref<32x125x80x128xf32, #tpu.memory_space<hbm>> -> memref<1x1x40x128xf32, #tpu.memory_space<hbm>>
    %dma_start3A_299 = tpu.memref_squeeze %dma_start3A_298 : memref<1x1x40x128xf32, #tpu.memory_space<hbm>> -> memref<40x128xf32, #tpu.memory_space<hbm>>
    %dma_start3A_300 = arith.constant 0 : i32
    %dma_start3A_301 = arith.constant 0 : i32
    %dma_start3A_302 = tpu.memref_slice %arg17[%dma_start3A_300, %dma_start3A_301] : memref<80x128xf32, #tpu.memory_space<vmem>> -> memref<40x128xf32, #tpu.memory_space<vmem>>
    %dma_start3A_303 = arith.constant 0 : i32
    %dma_start3A_304 = arith.constant 0 : i32
    %dma_start3A_305 = tpu.memref_slice %arg4[%add3A, %dma_start3A_292, %dma_start3A_303, %dma_start3A_304] : memref<32x125x80x128xf32, #tpu.memory_space<hbm>> -> memref<1x1x40x128xf32, #tpu.memory_space<hbm>>
    %dma_start3A_306 = tpu.memref_squeeze %dma_start3A_305 : memref<1x1x40x128xf32, #tpu.memory_space<hbm>> -> memref<40x128xf32, #tpu.memory_space<hbm>>
    tpu.enqueue_dma source(%dma_start3A_306 : memref<40x128xf32, #tpu.memory_space<hbm>>) target(%dma_start3A_302 : memref<40x128xf32, #tpu.memory_space<vmem>>) target_semaphore(%arg30 : memref<!tpu.dma_semaphore, #tpu.memory_space<semaphore_mem>>)
    %dma_start3A_307 = arith.constant 0 : i32
    %dma_start3A_308 = arith.constant 40 : i32
    %dma_start3A_309 = arith.constant 0 : i32
    %dma_start3A_310 = tpu.memref_slice %arg17[%dma_start3A_308, %dma_start3A_309] : memref<80x128xf32, #tpu.memory_space<vmem>> -> memref<40x128xf32, #tpu.memory_space<vmem>>
    %dma_start3A_311 = arith.constant 40 : i32
    %dma_start3A_312 = arith.constant 0 : i32
    %dma_start3A_313 = tpu.memref_slice %arg4[%add3A, %dma_start3A_307, %dma_start3A_311, %dma_start3A_312] : memref<32x125x80x128xf32, #tpu.memory_space<hbm>> -> memref<1x1x40x128xf32, #tpu.memory_space<hbm>>
    %dma_start3A_314 = tpu.memref_squeeze %dma_start3A_313 : memref<1x1x40x128xf32, #tpu.memory_space<hbm>> -> memref<40x128xf32, #tpu.memory_space<hbm>>
    %dma_start3A_315 = arith.constant 40 : i32
    %dma_start3A_316 = arith.constant 0 : i32
    %dma_start3A_317 = tpu.memref_slice %arg17[%dma_start3A_315, %dma_start3A_316] : memref<80x128xf32, #tpu.memory_space<vmem>> -> memref<40x128xf32, #tpu.memory_space<vmem>>
    %dma_start3A_318 = arith.constant 40 : i32
    %dma_start3A_319 = arith.constant 0 : i32
    %dma_start3A_320 = tpu.memref_slice %arg4[%add3A, %dma_start3A_307, %dma_start3A_318, %dma_start3A_319] : memref<32x125x80x128xf32, #tpu.memory_space<hbm>> -> memref<1x1x40x128xf32, #tpu.memory_space<hbm>>
    %dma_start3A_321 = tpu.memref_squeeze %dma_start3A_320 : memref<1x1x40x128xf32, #tpu.memory_space<hbm>> -> memref<40x128xf32, #tpu.memory_space<hbm>>
    tpu.enqueue_dma source(%dma_start3A_321 : memref<40x128xf32, #tpu.memory_space<hbm>>) target(%dma_start3A_317 : memref<40x128xf32, #tpu.memory_space<vmem>>) target_semaphore(%arg31 : memref<!tpu.dma_semaphore, #tpu.memory_space<semaphore_mem>>)
    %scan3A = arith.constant 3 : i32
    %scan3A_322 = arith.constant 3 : i32
    %scan3A_323 = arith.constant 0 : i32
    %scan3A_324 = arith.constant 0 : i32
    %scan3A_325 = arith.constant 1 : i32
    %scan3A_326 = arith.constant 1 : i32
    %scan3A_327 = arith.constant 2 : i32
    %scan3A_328 = arith.constant 2 : i32
    %scan3A_329 = arith.constant 0 : i32
    %scan3A_330 = arith.constant 62 : i32
    %scan3A_331 = arith.addi %scan3A_329, %scan3A_330 : i32
    %scan3A_332 = arith.constant 1 : i32
    scf.for %scan3A_802 = %scan3A_329 to %scan3A_331 step %scan3A_332  : i32 {
      %mul3A_803 = arith.constant 1 : i32
      %mul3A_804 = arith.muli %scan3A_802, %mul3A_803 : i32
      %add3A_805 = arith.constant 0 : i32
      %add3A_806 = arith.addi %add3A_805, %mul3A_804 : i32
      %mul3A_807 = arith.constant 4 : i32
      %mul3A_808 = arith.muli %mul3A_807, %add3A_806 : i32
      %add3A_809 = arith.constant 0 : i32
      %add3A_810 = arith.addi %mul3A_808, %add3A_809 : i32
      %gt3A = arith.constant 0 : i32
      %gt3A_811 = arith.cmpi sgt, %add3A_810, %gt3A : i32
      %convert_element_type3A_812 = arith.extui %gt3A_811 : i1 to i32
      %cond3A_813 = arith.constant 0 : i32
      %cond3A_814 = arith.cmpi ne, %convert_element_type3A_812, %cond3A_813 : i32
      scf.if %cond3A_814 {
        %dma_wait3A_1036 = arith.constant 40 : i32
        %dma_wait3A_1037 = arith.constant 0 : i32
        %dma_wait3A_1038 = tpu.memref_slice %arg16[%dma_wait3A_1036, %dma_wait3A_1037] : memref<80x128xf32, #tpu.memory_space<vmem>> -> memref<40x128xf32, #tpu.memory_space<vmem>>
        %dma_wait3A_1039 = arith.constant 0 : i32
        %dma_wait3A_1040 = tpu.memref_slice %arg12[%scan3A, %dma_wait3A_1039] : memref<6x40xi32, #tpu.memory_space<vmem>> -> memref<1x40xi32, #tpu.memory_space<vmem>>
        %dma_wait3A_1041 = tpu.memref_squeeze %dma_wait3A_1040 : memref<1x40xi32, #tpu.memory_space<vmem>> -> memref<40xi32, #tpu.memory_space<vmem>>
        %dma_wait3A_1042 = arith.constant 0 : i32
        %dma_wait3A_1043 = arith.constant 0 : i32
        %dma_wait3A_1044 = tpu.memref_slice %arg9[%dma_wait3A_1042, %dma_wait3A_1043] : memref<10008x128xf32, #tpu.memory_space<vmem_shared>> -> memref<10008x128xf32, #tpu.memory_space<vmem_shared>>
        tpu.wait_indirect_dma semaphore(%arg27 : memref<!tpu.dma_semaphore, #tpu.memory_space<semaphore_mem>>) src(%dma_wait3A_1038 : memref<40x128xf32, #tpu.memory_space<vmem>>) dst(%dma_wait3A_1044 : memref<10008x128xf32, #tpu.memory_space<vmem_shared>>)
      } else {
      }
      %add3A_815 = arith.constant 3 : i32
      %add3A_816 = arith.addi %add3A_810, %add3A_815 : i32
      %lt3A_817 = arith.constant 250 : i32
      %lt3A_818 = arith.cmpi slt, %add3A_816, %lt3A_817 : i32
      %convert_element_type3A_819 = arith.extui %lt3A_818 : i1 to i32
      %cond3A_820 = arith.constant 0 : i32
      %cond3A_821 = arith.cmpi ne, %convert_element_type3A_819, %cond3A_820 : i32
      scf.if %cond3A_821 {
        %add3A_1036 = arith.constant 3 : i32
        %add3A_1037 = arith.addi %add3A_810, %add3A_1036 : i32
        %jit3A = arith.constant 2 : i32
        %div3A = arith.divsi %add3A_1037, %jit3A : i32
        %sign3A = arith.constant 0 : i32
        %sign3A_1038 = arith.cmpi sgt, %add3A_1037, %sign3A : i32
        %sign3A_1039 = arith.extui %sign3A_1038 : i1 to i32
        %sign3A_1040 = arith.constant 0 : i32
        %sign3A_1041 = arith.cmpi slt, %add3A_1037, %sign3A_1040 : i32
        %sign3A_1042 = arith.extui %sign3A_1041 : i1 to i32
        %sign3A_1043 = arith.subi %sign3A_1039, %sign3A_1042 : i32
        %sign3A_1044 = arith.constant 0 : i32
        %sign3A_1045 = arith.cmpi sgt, %jit3A, %sign3A_1044 : i32
        %sign3A_1046 = arith.extui %sign3A_1045 : i1 to i32
        %sign3A_1047 = arith.constant 0 : i32
        %sign3A_1048 = arith.cmpi slt, %jit3A, %sign3A_1047 : i32
        %sign3A_1049 = arith.extui %sign3A_1048 : i1 to i32
        %sign3A_1050 = arith.subi %sign3A_1046, %sign3A_1049 : i32
        %ne3A = arith.cmpi ne, %sign3A_1043, %sign3A_1050 : i32
        %rem3A = arith.remsi %add3A_1037, %jit3A : i32
        %ne3A_1051 = arith.constant 0 : i32
        %ne3A_1052 = arith.cmpi ne, %rem3A, %ne3A_1051 : i32
        %and3A_1053 = arith.andi %ne3A, %ne3A_1052 : i1
        %sub3A = arith.constant 1 : i32
        %sub3A_1054 = arith.subi %div3A, %sub3A : i32
        %select_n3A = arith.select %and3A_1053, %sub3A_1054, %div3A : i32
        %get3A_1055 = arith.index_cast %select_n3A : i32 to index
        %get3A_1056 = arith.constant 40 : index
        %get3A_1057 = tpu.vector_load %arg10[%get3A_1055, %get3A_1056] {strides = array<i32>} : memref<125x80xi32, #tpu.memory_space<vmem>>, vector<1x16xi32>,
        %get3A_1058 = vector.shape_cast %get3A_1057 : vector<1x16xi32> to vector<16xi32>
        %and3A_1059 = arith.constant 65535 : i32
        %and3A_1060 = vector.broadcast %and3A_1059 : i32 to vector<16xi32>
        %and3A_1061 = arith.andi %get3A_1058, %and3A_1060 : vector<16xi32>
        %swap3A_1062 = arith.constant 0 : i32
        %swap3A_1063 = tpu.memref_slice %arg11[%scan3A_322, %swap3A_1062] : memref<6x40xi32, #tpu.memory_space<vmem>> -> memref<1x40xi32, #tpu.memory_space<vmem>>
        %swap3A_1064 = tpu.memref_squeeze %swap3A_1063 : memref<1x40xi32, #tpu.memory_space<vmem>> -> memref<40xi32, #tpu.memory_space<vmem>>
        %swap3A_1065 = arith.constant 0 : index
        %swap3A_1066 = tpu.vector_load %swap3A_1064[%swap3A_1065] {strides = array<i32>} : memref<40xi32, #tpu.memory_space<vmem>>, vector<16xi32>,
        %swap3A_1067 = vector.shape_cast %swap3A_1066 : vector<16xi32> to vector<16xi32>
        %swap3A_1068 = vector.shape_cast %and3A_1061 : vector<16xi32> to vector<16xi32>
        tpu.vector_store %swap3A_1064[%swap3A_1065], %swap3A_1068 {strides = array<i32>} : memref<40xi32, #tpu.memory_space<vmem>>, vector<16xi32>,
        %shift_right_arithmetic3A_1069 = arith.constant 16 : i32
        %shift_right_arithmetic3A_1070 = vector.broadcast %shift_right_arithmetic3A_1069 : i32 to vector<16xi32>
        %shift_right_arithmetic3A_1071 = arith.shrsi %get3A_1058, %shift_right_arithmetic3A_1070 : vector<16xi32>
        %swap3A_1072 = arith.constant 0 : i32
        %swap3A_1073 = tpu.memref_slice %arg12[%scan3A, %swap3A_1072] : memref<6x40xi32, #tpu.memory_space<vmem>> -> memref<1x40xi32, #tpu.memory_space<vmem>>
        %swap3A_1074 = tpu.memref_squeeze %swap3A_1073 : memref<1x40xi32, #tpu.memory_space<vmem>> -> memref<40xi32, #tpu.memory_space<vmem>>
        %swap3A_1075 = arith.constant 0 : index
        %swap3A_1076 = tpu.vector_load %swap3A_1074[%swap3A_1075] {strides = array<i32>} : memref<40xi32, #tpu.memory_space<vmem>>, vector<16xi32>,
        %swap3A_1077 = vector.shape_cast %swap3A_1076 : vector<16xi32> to vector<16xi32>
        %swap3A_1078 = vector.shape_cast %shift_right_arithmetic3A_1071 : vector<16xi32> to vector<16xi32>
        tpu.vector_store %swap3A_1074[%swap3A_1075], %swap3A_1078 {strides = array<i32>} : memref<40xi32, #tpu.memory_space<vmem>>, vector<16xi32>,
        %get3A_1079 = arith.index_cast %select_n3A : i32 to index
        %get3A_1080 = arith.constant 56 : index
        %get3A_1081 = tpu.vector_load %arg10[%get3A_1079, %get3A_1080] {strides = array<i32>} : memref<125x80xi32, #tpu.memory_space<vmem>>, vector<1x16xi32>,
        %get3A_1082 = vector.shape_cast %get3A_1081 : vector<1x16xi32> to vector<16xi32>
        %and3A_1083 = arith.constant 65535 : i32
        %and3A_1084 = vector.broadcast %and3A_1083 : i32 to vector<16xi32>
        %and3A_1085 = arith.andi %get3A_1082, %and3A_1084 : vector<16xi32>
        %swap3A_1086 = arith.constant 0 : i32
        %swap3A_1087 = tpu.memref_slice %arg11[%scan3A_322, %swap3A_1086] : memref<6x40xi32, #tpu.memory_space<vmem>> -> memref<1x40xi32, #tpu.memory_space<vmem>>
        %swap3A_1088 = tpu.memref_squeeze %swap3A_1087 : memref<1x40xi32, #tpu.memory_space<vmem>> -> memref<40xi32, #tpu.memory_space<vmem>>
        %swap3A_1089 = arith.constant 16 : index
        %swap3A_1090 = tpu.vector_load %swap3A_1088[%swap3A_1089] {strides = array<i32>} : memref<40xi32, #tpu.memory_space<vmem>>, vector<16xi32>,
        %swap3A_1091 = vector.shape_cast %swap3A_1090 : vector<16xi32> to vector<16xi32>
        %swap3A_1092 = vector.shape_cast %and3A_1085 : vector<16xi32> to vector<16xi32>
        tpu.vector_store %swap3A_1088[%swap3A_1089], %swap3A_1092 {strides = array<i32>} : memref<40xi32, #tpu.memory_space<vmem>>, vector<16xi32>,
        %shift_right_arithmetic3A_1093 = arith.constant 16 : i32
        %shift_right_arithmetic3A_1094 = vector.broadcast %shift_right_arithmetic3A_1093 : i32 to vector<16xi32>
        %shift_right_arithmetic3A_1095 = arith.shrsi %get3A_1082, %shift_right_arithmetic3A_1094 : vector<16xi32>
        %swap3A_1096 = arith.constant 0 : i32
        %swap3A_1097 = tpu.memref_slice %arg12[%scan3A, %swap3A_1096] : memref<6x40xi32, #tpu.memory_space<vmem>> -> memref<1x40xi32, #tpu.memory_space<vmem>>
        %swap3A_1098 = tpu.memref_squeeze %swap3A_1097 : memref<1x40xi32, #tpu.memory_space<vmem>> -> memref<40xi32, #tpu.memory_space<vmem>>
        %swap3A_1099 = arith.constant 16 : index
        %swap3A_1100 = tpu.vector_load %swap3A_1098[%swap3A_1099] {strides = array<i32>} : memref<40xi32, #tpu.memory_space<vmem>>, vector<16xi32>,
        %swap3A_1101 = vector.shape_cast %swap3A_1100 : vector<16xi32> to vector<16xi32>
        %swap3A_1102 = vector.shape_cast %shift_right_arithmetic3A_1095 : vector<16xi32> to vector<16xi32>
        tpu.vector_store %swap3A_1098[%swap3A_1099], %swap3A_1102 {strides = array<i32>} : memref<40xi32, #tpu.memory_space<vmem>>, vector<16xi32>,
        %get3A_1103 = arith.index_cast %select_n3A : i32 to index
        %get3A_1104 = arith.constant 64 : index
        %get3A_1105 = tpu.vector_load %arg10[%get3A_1103, %get3A_1104] {strides = array<i32>} : memref<125x80xi32, #tpu.memory_space<vmem>>, vector<1x16xi32>,
        %get3A_1106 = vector.shape_cast %get3A_1105 : vector<1x16xi32> to vector<16xi32>
        %and3A_1107 = arith.constant 65535 : i32
        %and3A_1108 = vector.broadcast %and3A_1107 : i32 to vector<16xi32>
        %and3A_1109 = arith.andi %get3A_1106, %and3A_1108 : vector<16xi32>
        %swap3A_1110 = arith.constant 0 : i32
        %swap3A_1111 = tpu.memref_slice %arg11[%scan3A_322, %swap3A_1110] : memref<6x40xi32, #tpu.memory_space<vmem>> -> memref<1x40xi32, #tpu.memory_space<vmem>>
        %swap3A_1112 = tpu.memref_squeeze %swap3A_1111 : memref<1x40xi32, #tpu.memory_space<vmem>> -> memref<40xi32, #tpu.memory_space<vmem>>
        %swap3A_1113 = arith.constant 24 : index
        %swap3A_1114 = tpu.vector_load %swap3A_1112[%swap3A_1113] {strides = array<i32>} : memref<40xi32, #tpu.memory_space<vmem>>, vector<16xi32>,
        %swap3A_1115 = vector.shape_cast %swap3A_1114 : vector<16xi32> to vector<16xi32>
        %swap3A_1116 = vector.shape_cast %and3A_1109 : vector<16xi32> to vector<16xi32>
        tpu.vector_store %swap3A_1112[%swap3A_1113], %swap3A_1116 {strides = array<i32>} : memref<40xi32, #tpu.memory_space<vmem>>, vector<16xi32>,
        %shift_right_arithmetic3A_1117 = arith.constant 16 : i32
        %shift_right_arithmetic3A_1118 = vector.broadcast %shift_right_arithmetic3A_1117 : i32 to vector<16xi32>
        %shift_right_arithmetic3A_1119 = arith.shrsi %get3A_1106, %shift_right_arithmetic3A_1118 : vector<16xi32>
        %swap3A_1120 = arith.constant 0 : i32
        %swap3A_1121 = tpu.memref_slice %arg12[%scan3A, %swap3A_1120] : memref<6x40xi32, #tpu.memory_space<vmem>> -> memref<1x40xi32, #tpu.memory_space<vmem>>
        %swap3A_1122 = tpu.memref_squeeze %swap3A_1121 : memref<1x40xi32, #tpu.memory_space<vmem>> -> memref<40xi32, #tpu.memory_space<vmem>>
        %swap3A_1123 = arith.constant 24 : index
        %swap3A_1124 = tpu.vector_load %swap3A_1122[%swap3A_1123] {strides = array<i32>} : memref<40xi32, #tpu.memory_space<vmem>>, vector<16xi32>,
        %swap3A_1125 = vector.shape_cast %swap3A_1124 : vector<16xi32> to vector<16xi32>
        %swap3A_1126 = vector.shape_cast %shift_right_arithmetic3A_1119 : vector<16xi32> to vector<16xi32>
        tpu.vector_store %swap3A_1122[%swap3A_1123], %swap3A_1126 {strides = array<i32>} : memref<40xi32, #tpu.memory_space<vmem>>, vector<16xi32>,
        %dma_start3A_1127 = arith.constant 40 : i32
        %dma_start3A_1128 = arith.constant 0 : i32
        %dma_start3A_1129 = tpu.memref_slice %arg16[%dma_start3A_1127, %dma_start3A_1128] : memref<80x128xf32, #tpu.memory_space<vmem>> -> memref<40x128xf32, #tpu.memory_space<vmem>>
        %dma_start3A_1130 = arith.constant 0 : i32
        %dma_start3A_1131 = tpu.memref_slice %arg11[%scan3A_322, %dma_start3A_1130] : memref<6x40xi32, #tpu.memory_space<vmem>> -> memref<1x40xi32, #tpu.memory_space<vmem>>
        %dma_start3A_1132 = tpu.memref_squeeze %dma_start3A_1131 : memref<1x40xi32, #tpu.memory_space<vmem>> -> memref<40xi32, #tpu.memory_space<vmem>>
        %dma_start3A_1133 = arith.constant 0 : i32
        %dma_start3A_1134 = arith.constant 0 : i32
        %dma_start3A_1135 = tpu.memref_slice %arg2[%dma_start3A_1133, %dma_start3A_1134] : memref<10000x128xf32, #tpu.memory_space<hbm>> -> memref<10000x128xf32, #tpu.memory_space<hbm>>
        tpu.enqueue_indirect_dma source(%dma_start3A_1135 : memref<10000x128xf32, #tpu.memory_space<hbm>>) target(%dma_start3A_1129 : memref<40x128xf32, #tpu.memory_space<vmem>>) offsets(%dma_start3A_1132 : memref<40xi32, #tpu.memory_space<vmem>>) semaphore(%arg21 : memref<!tpu.dma_semaphore, #tpu.memory_space<semaphore_mem>>)
      } else {
      }
      %dma_wait3A_822 = arith.constant 0 : i32
      %dma_wait3A_823 = arith.constant 0 : i32
      %dma_wait3A_824 = tpu.memref_slice %arg15[%dma_wait3A_822, %dma_wait3A_823] : memref<80x128xf32, #tpu.memory_space<vmem>> -> memref<40x128xf32, #tpu.memory_space<vmem>>
      %dma_wait3A_825 = arith.constant 0 : i32
      %dma_wait3A_826 = tpu.memref_slice %arg11[%scan3A_323, %dma_wait3A_825] : memref<6x40xi32, #tpu.memory_space<vmem>> -> memref<1x40xi32, #tpu.memory_space<vmem>>
      %dma_wait3A_827 = tpu.memref_squeeze %dma_wait3A_826 : memref<1x40xi32, #tpu.memory_space<vmem>> -> memref<40xi32, #tpu.memory_space<vmem>>
      %dma_wait3A_828 = arith.constant 0 : i32
      %dma_wait3A_829 = arith.constant 0 : i32
      %dma_wait3A_830 = tpu.memref_slice %arg2[%dma_wait3A_828, %dma_wait3A_829] : memref<10000x128xf32, #tpu.memory_space<hbm>> -> memref<10000x128xf32, #tpu.memory_space<hbm>>
      tpu.wait_indirect_dma semaphore(%arg18 : memref<!tpu.dma_semaphore, #tpu.memory_space<semaphore_mem>>) src(%dma_wait3A_830 : memref<10000x128xf32, #tpu.memory_space<hbm>>) dst(%dma_wait3A_824 : memref<40x128xf32, #tpu.memory_space<vmem>>)
      %dma_wait3A_831 = arith.constant 0 : i32
      %dma_wait3A_832 = arith.constant 0 : i32
      %dma_wait3A_833 = arith.constant 0 : i32
      %dma_wait3A_834 = tpu.memref_slice %arg17[%dma_wait3A_832, %dma_wait3A_833] : memref<80x128xf32, #tpu.memory_space<vmem>> -> memref<40x128xf32, #tpu.memory_space<vmem>>
      %dma_wait3A_835 = arith.constant 0 : i32
      %dma_wait3A_836 = arith.constant 0 : i32
      %dma_wait3A_837 = tpu.memref_slice %arg4[%add3A, %dma_wait3A_831, %dma_wait3A_835, %dma_wait3A_836] : memref<32x125x80x128xf32, #tpu.memory_space<hbm>> -> memref<1x1x40x128xf32, #tpu.memory_space<hbm>>
      %dma_wait3A_838 = tpu.memref_squeeze %dma_wait3A_837 : memref<1x1x40x128xf32, #tpu.memory_space<hbm>> -> memref<40x128xf32, #tpu.memory_space<hbm>>
      %dma_wait3A_839 = arith.constant 0 : i32
      %dma_wait3A_840 = arith.constant 0 : i32
      %dma_wait3A_841 = tpu.memref_slice %arg17[%dma_wait3A_839, %dma_wait3A_840] : memref<80x128xf32, #tpu.memory_space<vmem>> -> memref<40x128xf32, #tpu.memory_space<vmem>>
      %dma_wait3A_842 = arith.constant 0 : i32
      %dma_wait3A_843 = arith.constant 0 : i32
      %dma_wait3A_844 = tpu.memref_slice %arg4[%add3A, %dma_wait3A_831, %dma_wait3A_842, %dma_wait3A_843] : memref<32x125x80x128xf32, #tpu.memory_space<hbm>> -> memref<1x1x40x128xf32, #tpu.memory_space<hbm>>
      %dma_wait3A_845 = tpu.memref_squeeze %dma_wait3A_844 : memref<1x1x40x128xf32, #tpu.memory_space<hbm>> -> memref<40x128xf32, #tpu.memory_space<hbm>>
      tpu.wait_dma2 semaphore(%arg30 : memref<!tpu.dma_semaphore, #tpu.memory_space<semaphore_mem>>) src(%dma_wait3A_845 : memref<40x128xf32, #tpu.memory_space<hbm>>) dst(%dma_wait3A_841 : memref<40x128xf32, #tpu.memory_space<vmem>>)
      %parallel_loop3A_846 = arith.constant 0 : i32
      %parallel_loop3A_847 = arith.constant 40 : i32
      %parallel_loop3A_848 = arith.constant 1 : i32
      scf.for %parallel_loop3A_1036 = %parallel_loop3A_846 to %parallel_loop3A_847 step %parallel_loop3A_848  : i32 {
        %parallel_loop3A_1037 = arith.constant 0 : i32
        %parallel_loop3A_1038 = arith.constant 0 : i32
        %parallel_loop3A_1039 = tpu.memref_slice %arg15[%parallel_loop3A_1037, %parallel_loop3A_1038] : memref<80x128xf32, #tpu.memory_space<vmem>> -> memref<40x128xf32, #tpu.memory_space<vmem>>
        %parallel_loop3A_1040 = arith.index_cast %parallel_loop3A_1036 : i32 to index
        %parallel_loop3A_1041 = arith.constant 0 : index
        %parallel_loop3A_1042 = tpu.vector_load %parallel_loop3A_1039[%parallel_loop3A_1040, %parallel_loop3A_1041] {strides = array<i32>} : memref<40x128xf32, #tpu.memory_space<vmem>>, vector<1x16xf32>,
        %parallel_loop3A_1043 = vector.shape_cast %parallel_loop3A_1042 : vector<1x16xf32> to vector<16xf32>
        %parallel_loop3A_1044 = arith.constant 0 : i32
        %parallel_loop3A_1045 = arith.constant 0 : i32
        %parallel_loop3A_1046 = tpu.memref_slice %arg17[%parallel_loop3A_1044, %parallel_loop3A_1045] : memref<80x128xf32, #tpu.memory_space<vmem>> -> memref<40x128xf32, #tpu.memory_space<vmem>>
        %parallel_loop3A_1047 = arith.index_cast %parallel_loop3A_1036 : i32 to index
        %parallel_loop3A_1048 = arith.constant 0 : index
        %parallel_loop3A_1049 = tpu.vector_load %parallel_loop3A_1046[%parallel_loop3A_1047, %parallel_loop3A_1048] {strides = array<i32>} : memref<40x128xf32, #tpu.memory_space<vmem>>, vector<1x16xf32>,
        %parallel_loop3A_1050 = vector.shape_cast %parallel_loop3A_1049 : vector<1x16xf32> to vector<16xf32>
        %parallel_loop3A_1051 = arith.addf %parallel_loop3A_1043, %parallel_loop3A_1050 : vector<16xf32>
        %parallel_loop3A_1052 = arith.constant 0.000000e+00 : f32
        %parallel_loop3A_1053 = vector.broadcast %parallel_loop3A_1052 : f32 to vector<16xf32>
        %parallel_loop3A_1054 = arith.maximumf %parallel_loop3A_1051, %parallel_loop3A_1053 : vector<16xf32>
        %parallel_loop3A_1055 = arith.constant 0 : i32
        %parallel_loop3A_1056 = arith.constant 0 : i32
        %parallel_loop3A_1057 = tpu.memref_slice %arg15[%parallel_loop3A_1055, %parallel_loop3A_1056] : memref<80x128xf32, #tpu.memory_space<vmem>> -> memref<40x128xf32, #tpu.memory_space<vmem>>
        %parallel_loop3A_1058 = arith.index_cast %parallel_loop3A_1036 : i32 to index
        %parallel_loop3A_1059 = arith.constant 0 : index
        %parallel_loop3A_1060 = tpu.vector_load %parallel_loop3A_1057[%parallel_loop3A_1058, %parallel_loop3A_1059] {strides = array<i32>} : memref<40x128xf32, #tpu.memory_space<vmem>>, vector<1x16xf32>,
        %parallel_loop3A_1061 = vector.shape_cast %parallel_loop3A_1060 : vector<1x16xf32> to vector<16xf32>
        %parallel_loop3A_1062 = vector.shape_cast %parallel_loop3A_1054 : vector<16xf32> to vector<1x16xf32>
        tpu.vector_store %parallel_loop3A_1057[%parallel_loop3A_1058, %parallel_loop3A_1059], %parallel_loop3A_1062 {strides = array<i32>} : memref<40x128xf32, #tpu.memory_space<vmem>>, vector<1x16xf32>,
        %parallel_loop3A_1063 = arith.constant 0 : i32
        %parallel_loop3A_1064 = arith.constant 0 : i32
        %parallel_loop3A_1065 = tpu.memref_slice %arg15[%parallel_loop3A_1063, %parallel_loop3A_1064] : memref<80x128xf32, #tpu.memory_space<vmem>> -> memref<40x128xf32, #tpu.memory_space<vmem>>
        %parallel_loop3A_1066 = arith.index_cast %parallel_loop3A_1036 : i32 to index
        %parallel_loop3A_1067 = arith.constant 16 : index
        %parallel_loop3A_1068 = tpu.vector_load %parallel_loop3A_1065[%parallel_loop3A_1066, %parallel_loop3A_1067] {strides = array<i32>} : memref<40x128xf32, #tpu.memory_space<vmem>>, vector<1x16xf32>,
        %parallel_loop3A_1069 = vector.shape_cast %parallel_loop3A_1068 : vector<1x16xf32> to vector<16xf32>
        %parallel_loop3A_1070 = arith.constant 0 : i32
        %parallel_loop3A_1071 = arith.constant 0 : i32
        %parallel_loop3A_1072 = tpu.memref_slice %arg17[%parallel_loop3A_1070, %parallel_loop3A_1071] : memref<80x128xf32, #tpu.memory_space<vmem>> -> memref<40x128xf32, #tpu.memory_space<vmem>>
        %parallel_loop3A_1073 = arith.index_cast %parallel_loop3A_1036 : i32 to index
        %parallel_loop3A_1074 = arith.constant 16 : index
        %parallel_loop3A_1075 = tpu.vector_load %parallel_loop3A_1072[%parallel_loop3A_1073, %parallel_loop3A_1074] {strides = array<i32>} : memref<40x128xf32, #tpu.memory_space<vmem>>, vector<1x16xf32>,
        %parallel_loop3A_1076 = vector.shape_cast %parallel_loop3A_1075 : vector<1x16xf32> to vector<16xf32>
        %parallel_loop3A_1077 = arith.addf %parallel_loop3A_1069, %parallel_loop3A_1076 : vector<16xf32>
        %parallel_loop3A_1078 = arith.constant 0.000000e+00 : f32
        %parallel_loop3A_1079 = vector.broadcast %parallel_loop3A_1078 : f32 to vector<16xf32>
        %parallel_loop3A_1080 = arith.maximumf %parallel_loop3A_1077, %parallel_loop3A_1079 : vector<16xf32>
        %parallel_loop3A_1081 = arith.constant 0 : i32
        %parallel_loop3A_1082 = arith.constant 0 : i32
        %parallel_loop3A_1083 = tpu.memref_slice %arg15[%parallel_loop3A_1081, %parallel_loop3A_1082] : memref<80x128xf32, #tpu.memory_space<vmem>> -> memref<40x128xf32, #tpu.memory_space<vmem>>
        %parallel_loop3A_1084 = arith.index_cast %parallel_loop3A_1036 : i32 to index
        %parallel_loop3A_1085 = arith.constant 16 : index
        %parallel_loop3A_1086 = tpu.vector_load %parallel_loop3A_1083[%parallel_loop3A_1084, %parallel_loop3A_1085] {strides = array<i32>} : memref<40x128xf32, #tpu.memory_space<vmem>>, vector<1x16xf32>,
        %parallel_loop3A_1087 = vector.shape_cast %parallel_loop3A_1086 : vector<1x16xf32> to vector<16xf32>
        %parallel_loop3A_1088 = vector.shape_cast %parallel_loop3A_1080 : vector<16xf32> to vector<1x16xf32>
        tpu.vector_store %parallel_loop3A_1083[%parallel_loop3A_1084, %parallel_loop3A_1085], %parallel_loop3A_1088 {strides = array<i32>} : memref<40x128xf32, #tpu.memory_space<vmem>>, vector<1x16xf32>,
        %parallel_loop3A_1089 = arith.constant 0 : i32
        %parallel_loop3A_1090 = arith.constant 0 : i32
        %parallel_loop3A_1091 = tpu.memref_slice %arg15[%parallel_loop3A_1089, %parallel_loop3A_1090] : memref<80x128xf32, #tpu.memory_space<vmem>> -> memref<40x128xf32, #tpu.memory_space<vmem>>
        %parallel_loop3A_1092 = arith.index_cast %parallel_loop3A_1036 : i32 to index
        %parallel_loop3A_1093 = arith.constant 32 : index
        %parallel_loop3A_1094 = tpu.vector_load %parallel_loop3A_1091[%parallel_loop3A_1092, %parallel_loop3A_1093] {strides = array<i32>} : memref<40x128xf32, #tpu.memory_space<vmem>>, vector<1x16xf32>,
        %parallel_loop3A_1095 = vector.shape_cast %parallel_loop3A_1094 : vector<1x16xf32> to vector<16xf32>
        %parallel_loop3A_1096 = arith.constant 0 : i32
        %parallel_loop3A_1097 = arith.constant 0 : i32
        %parallel_loop3A_1098 = tpu.memref_slice %arg17[%parallel_loop3A_1096, %parallel_loop3A_1097] : memref<80x128xf32, #tpu.memory_space<vmem>> -> memref<40x128xf32, #tpu.memory_space<vmem>>
        %parallel_loop3A_1099 = arith.index_cast %parallel_loop3A_1036 : i32 to index
        %parallel_loop3A_1100 = arith.constant 32 : index
        %parallel_loop3A_1101 = tpu.vector_load %parallel_loop3A_1098[%parallel_loop3A_1099, %parallel_loop3A_1100] {strides = array<i32>} : memref<40x128xf32, #tpu.memory_space<vmem>>, vector<1x16xf32>,
        %parallel_loop3A_1102 = vector.shape_cast %parallel_loop3A_1101 : vector<1x16xf32> to vector<16xf32>
        %parallel_loop3A_1103 = arith.addf %parallel_loop3A_1095, %parallel_loop3A_1102 : vector<16xf32>
        %parallel_loop3A_1104 = arith.constant 0.000000e+00 : f32
        %parallel_loop3A_1105 = vector.broadcast %parallel_loop3A_1104 : f32 to vector<16xf32>
        %parallel_loop3A_1106 = arith.maximumf %parallel_loop3A_1103, %parallel_loop3A_1105 : vector<16xf32>
        %parallel_loop3A_1107 = arith.constant 0 : i32
        %parallel_loop3A_1108 = arith.constant 0 : i32
        %parallel_loop3A_1109 = tpu.memref_slice %arg15[%parallel_loop3A_1107, %parallel_loop3A_1108] : memref<80x128xf32, #tpu.memory_space<vmem>> -> memref<40x128xf32, #tpu.memory_space<vmem>>
        %parallel_loop3A_1110 = arith.index_cast %parallel_loop3A_1036 : i32 to index
        %parallel_loop3A_1111 = arith.constant 32 : index
        %parallel_loop3A_1112 = tpu.vector_load %parallel_loop3A_1109[%parallel_loop3A_1110, %parallel_loop3A_1111] {strides = array<i32>} : memref<40x128xf32, #tpu.memory_space<vmem>>, vector<1x16xf32>,
        %parallel_loop3A_1113 = vector.shape_cast %parallel_loop3A_1112 : vector<1x16xf32> to vector<16xf32>
        %parallel_loop3A_1114 = vector.shape_cast %parallel_loop3A_1106 : vector<16xf32> to vector<1x16xf32>
        tpu.vector_store %parallel_loop3A_1109[%parallel_loop3A_1110, %parallel_loop3A_1111], %parallel_loop3A_1114 {strides = array<i32>} : memref<40x128xf32, #tpu.memory_space<vmem>>, vector<1x16xf32>,
        %parallel_loop3A_1115 = arith.constant 0 : i32
        %parallel_loop3A_1116 = arith.constant 0 : i32
        %parallel_loop3A_1117 = tpu.memref_slice %arg15[%parallel_loop3A_1115, %parallel_loop3A_1116] : memref<80x128xf32, #tpu.memory_space<vmem>> -> memref<40x128xf32, #tpu.memory_space<vmem>>
        %parallel_loop3A_1118 = arith.index_cast %parallel_loop3A_1036 : i32 to index
        %parallel_loop3A_1119 = arith.constant 48 : index
        %parallel_loop3A_1120 = tpu.vector_load %parallel_loop3A_1117[%parallel_loop3A_1118, %parallel_loop3A_1119] {strides = array<i32>} : memref<40x128xf32, #tpu.memory_space<vmem>>, vector<1x16xf32>,
        %parallel_loop3A_1121 = vector.shape_cast %parallel_loop3A_1120 : vector<1x16xf32> to vector<16xf32>
        %parallel_loop3A_1122 = arith.constant 0 : i32
        %parallel_loop3A_1123 = arith.constant 0 : i32
        %parallel_loop3A_1124 = tpu.memref_slice %arg17[%parallel_loop3A_1122, %parallel_loop3A_1123] : memref<80x128xf32, #tpu.memory_space<vmem>> -> memref<40x128xf32, #tpu.memory_space<vmem>>
        %parallel_loop3A_1125 = arith.index_cast %parallel_loop3A_1036 : i32 to index
        %parallel_loop3A_1126 = arith.constant 48 : index
        %parallel_loop3A_1127 = tpu.vector_load %parallel_loop3A_1124[%parallel_loop3A_1125, %parallel_loop3A_1126] {strides = array<i32>} : memref<40x128xf32, #tpu.memory_space<vmem>>, vector<1x16xf32>,
        %parallel_loop3A_1128 = vector.shape_cast %parallel_loop3A_1127 : vector<1x16xf32> to vector<16xf32>
        %parallel_loop3A_1129 = arith.addf %parallel_loop3A_1121, %parallel_loop3A_1128 : vector<16xf32>
        %parallel_loop3A_1130 = arith.constant 0.000000e+00 : f32
        %parallel_loop3A_1131 = vector.broadcast %parallel_loop3A_1130 : f32 to vector<16xf32>
        %parallel_loop3A_1132 = arith.maximumf %parallel_loop3A_1129, %parallel_loop3A_1131 : vector<16xf32>
        %parallel_loop3A_1133 = arith.constant 0 : i32
        %parallel_loop3A_1134 = arith.constant 0 : i32
        %parallel_loop3A_1135 = tpu.memref_slice %arg15[%parallel_loop3A_1133, %parallel_loop3A_1134] : memref<80x128xf32, #tpu.memory_space<vmem>> -> memref<40x128xf32, #tpu.memory_space<vmem>>
        %parallel_loop3A_1136 = arith.index_cast %parallel_loop3A_1036 : i32 to index
        %parallel_loop3A_1137 = arith.constant 48 : index
        %parallel_loop3A_1138 = tpu.vector_load %parallel_loop3A_1135[%parallel_loop3A_1136, %parallel_loop3A_1137] {strides = array<i32>} : memref<40x128xf32, #tpu.memory_space<vmem>>, vector<1x16xf32>,
        %parallel_loop3A_1139 = vector.shape_cast %parallel_loop3A_1138 : vector<1x16xf32> to vector<16xf32>
        %parallel_loop3A_1140 = vector.shape_cast %parallel_loop3A_1132 : vector<16xf32> to vector<1x16xf32>
        tpu.vector_store %parallel_loop3A_1135[%parallel_loop3A_1136, %parallel_loop3A_1137], %parallel_loop3A_1140 {strides = array<i32>} : memref<40x128xf32, #tpu.memory_space<vmem>>, vector<1x16xf32>,
        %parallel_loop3A_1141 = arith.constant 0 : i32
        %parallel_loop3A_1142 = arith.constant 0 : i32
        %parallel_loop3A_1143 = tpu.memref_slice %arg15[%parallel_loop3A_1141, %parallel_loop3A_1142] : memref<80x128xf32, #tpu.memory_space<vmem>> -> memref<40x128xf32, #tpu.memory_space<vmem>>
        %parallel_loop3A_1144 = arith.index_cast %parallel_loop3A_1036 : i32 to index
        %parallel_loop3A_1145 = arith.constant 64 : index
        %parallel_loop3A_1146 = tpu.vector_load %parallel_loop3A_1143[%parallel_loop3A_1144, %parallel_loop3A_1145] {strides = array<i32>} : memref<40x128xf32, #tpu.memory_space<vmem>>, vector<1x16xf32>,
        %parallel_loop3A_1147 = vector.shape_cast %parallel_loop3A_1146 : vector<1x16xf32> to vector<16xf32>
        %parallel_loop3A_1148 = arith.constant 0 : i32
        %parallel_loop3A_1149 = arith.constant 0 : i32
        %parallel_loop3A_1150 = tpu.memref_slice %arg17[%parallel_loop3A_1148, %parallel_loop3A_1149] : memref<80x128xf32, #tpu.memory_space<vmem>> -> memref<40x128xf32, #tpu.memory_space<vmem>>
        %parallel_loop3A_1151 = arith.index_cast %parallel_loop3A_1036 : i32 to index
        %parallel_loop3A_1152 = arith.constant 64 : index
        %parallel_loop3A_1153 = tpu.vector_load %parallel_loop3A_1150[%parallel_loop3A_1151, %parallel_loop3A_1152] {strides = array<i32>} : memref<40x128xf32, #tpu.memory_space<vmem>>, vector<1x16xf32>,
        %parallel_loop3A_1154 = vector.shape_cast %parallel_loop3A_1153 : vector<1x16xf32> to vector<16xf32>
        %parallel_loop3A_1155 = arith.addf %parallel_loop3A_1147, %parallel_loop3A_1154 : vector<16xf32>
        %parallel_loop3A_1156 = arith.constant 0.000000e+00 : f32
        %parallel_loop3A_1157 = vector.broadcast %parallel_loop3A_1156 : f32 to vector<16xf32>
        %parallel_loop3A_1158 = arith.maximumf %parallel_loop3A_1155, %parallel_loop3A_1157 : vector<16xf32>
        %parallel_loop3A_1159 = arith.constant 0 : i32
        %parallel_loop3A_1160 = arith.constant 0 : i32
        %parallel_loop3A_1161 = tpu.memref_slice %arg15[%parallel_loop3A_1159, %parallel_loop3A_1160] : memref<80x128xf32, #tpu.memory_space<vmem>> -> memref<40x128xf32, #tpu.memory_space<vmem>>
        %parallel_loop3A_1162 = arith.index_cast %parallel_loop3A_1036 : i32 to index
        %parallel_loop3A_1163 = arith.constant 64 : index
        %parallel_loop3A_1164 = tpu.vector_load %parallel_loop3A_1161[%parallel_loop3A_1162, %parallel_loop3A_1163] {strides = array<i32>} : memref<40x128xf32, #tpu.memory_space<vmem>>, vector<1x16xf32>,
        %parallel_loop3A_1165 = vector.shape_cast %parallel_loop3A_1164 : vector<1x16xf32> to vector<16xf32>
        %parallel_loop3A_1166 = vector.shape_cast %parallel_loop3A_1158 : vector<16xf32> to vector<1x16xf32>
        tpu.vector_store %parallel_loop3A_1161[%parallel_loop3A_1162, %parallel_loop3A_1163], %parallel_loop3A_1166 {strides = array<i32>} : memref<40x128xf32, #tpu.memory_space<vmem>>, vector<1x16xf32>,
        %parallel_loop3A_1167 = arith.constant 0 : i32
        %parallel_loop3A_1168 = arith.constant 0 : i32
        %parallel_loop3A_1169 = tpu.memref_slice %arg15[%parallel_loop3A_1167, %parallel_loop3A_1168] : memref<80x128xf32, #tpu.memory_space<vmem>> -> memref<40x128xf32, #tpu.memory_space<vmem>>
        %parallel_loop3A_1170 = arith.index_cast %parallel_loop3A_1036 : i32 to index
        %parallel_loop3A_1171 = arith.constant 80 : index
        %parallel_loop3A_1172 = tpu.vector_load %parallel_loop3A_1169[%parallel_loop3A_1170, %parallel_loop3A_1171] {strides = array<i32>} : memref<40x128xf32, #tpu.memory_space<vmem>>, vector<1x16xf32>,
        %parallel_loop3A_1173 = vector.shape_cast %parallel_loop3A_1172 : vector<1x16xf32> to vector<16xf32>
        %parallel_loop3A_1174 = arith.constant 0 : i32
        %parallel_loop3A_1175 = arith.constant 0 : i32
        %parallel_loop3A_1176 = tpu.memref_slice %arg17[%parallel_loop3A_1174, %parallel_loop3A_1175] : memref<80x128xf32, #tpu.memory_space<vmem>> -> memref<40x128xf32, #tpu.memory_space<vmem>>
        %parallel_loop3A_1177 = arith.index_cast %parallel_loop3A_1036 : i32 to index
        %parallel_loop3A_1178 = arith.constant 80 : index
        %parallel_loop3A_1179 = tpu.vector_load %parallel_loop3A_1176[%parallel_loop3A_1177, %parallel_loop3A_1178] {strides = array<i32>} : memref<40x128xf32, #tpu.memory_space<vmem>>, vector<1x16xf32>,
        %parallel_loop3A_1180 = vector.shape_cast %parallel_loop3A_1179 : vector<1x16xf32> to vector<16xf32>
        %parallel_loop3A_1181 = arith.addf %parallel_loop3A_1173, %parallel_loop3A_1180 : vector<16xf32>
        %parallel_loop3A_1182 = arith.constant 0.000000e+00 : f32
        %parallel_loop3A_1183 = vector.broadcast %parallel_loop3A_1182 : f32 to vector<16xf32>
        %parallel_loop3A_1184 = arith.maximumf %parallel_loop3A_1181, %parallel_loop3A_1183 : vector<16xf32>
        %parallel_loop3A_1185 = arith.constant 0 : i32
        %parallel_loop3A_1186 = arith.constant 0 : i32
        %parallel_loop3A_1187 = tpu.memref_slice %arg15[%parallel_loop3A_1185, %parallel_loop3A_1186] : memref<80x128xf32, #tpu.memory_space<vmem>> -> memref<40x128xf32, #tpu.memory_space<vmem>>
        %parallel_loop3A_1188 = arith.index_cast %parallel_loop3A_1036 : i32 to index
        %parallel_loop3A_1189 = arith.constant 80 : index
        %parallel_loop3A_1190 = tpu.vector_load %parallel_loop3A_1187[%parallel_loop3A_1188, %parallel_loop3A_1189] {strides = array<i32>} : memref<40x128xf32, #tpu.memory_space<vmem>>, vector<1x16xf32>,
        %parallel_loop3A_1191 = vector.shape_cast %parallel_loop3A_1190 : vector<1x16xf32> to vector<16xf32>
        %parallel_loop3A_1192 = vector.shape_cast %parallel_loop3A_1184 : vector<16xf32> to vector<1x16xf32>
        tpu.vector_store %parallel_loop3A_1187[%parallel_loop3A_1188, %parallel_loop3A_1189], %parallel_loop3A_1192 {strides = array<i32>} : memref<40x128xf32, #tpu.memory_space<vmem>>, vector<1x16xf32>,
        %parallel_loop3A_1193 = arith.constant 0 : i32
        %parallel_loop3A_1194 = arith.constant 0 : i32
        %parallel_loop3A_1195 = tpu.memref_slice %arg15[%parallel_loop3A_1193, %parallel_loop3A_1194] : memref<80x128xf32, #tpu.memory_space<vmem>> -> memref<40x128xf32, #tpu.memory_space<vmem>>
        %parallel_loop3A_1196 = arith.index_cast %parallel_loop3A_1036 : i32 to index
        %parallel_loop3A_1197 = arith.constant 96 : index
        %parallel_loop3A_1198 = tpu.vector_load %parallel_loop3A_1195[%parallel_loop3A_1196, %parallel_loop3A_1197] {strides = array<i32>} : memref<40x128xf32, #tpu.memory_space<vmem>>, vector<1x16xf32>,
        %parallel_loop3A_1199 = vector.shape_cast %parallel_loop3A_1198 : vector<1x16xf32> to vector<16xf32>
        %parallel_loop3A_1200 = arith.constant 0 : i32
        %parallel_loop3A_1201 = arith.constant 0 : i32
        %parallel_loop3A_1202 = tpu.memref_slice %arg17[%parallel_loop3A_1200, %parallel_loop3A_1201] : memref<80x128xf32, #tpu.memory_space<vmem>> -> memref<40x128xf32, #tpu.memory_space<vmem>>
        %parallel_loop3A_1203 = arith.index_cast %parallel_loop3A_1036 : i32 to index
        %parallel_loop3A_1204 = arith.constant 96 : index
        %parallel_loop3A_1205 = tpu.vector_load %parallel_loop3A_1202[%parallel_loop3A_1203, %parallel_loop3A_1204] {strides = array<i32>} : memref<40x128xf32, #tpu.memory_space<vmem>>, vector<1x16xf32>,
        %parallel_loop3A_1206 = vector.shape_cast %parallel_loop3A_1205 : vector<1x16xf32> to vector<16xf32>
        %parallel_loop3A_1207 = arith.addf %parallel_loop3A_1199, %parallel_loop3A_1206 : vector<16xf32>
        %parallel_loop3A_1208 = arith.constant 0.000000e+00 : f32
        %parallel_loop3A_1209 = vector.broadcast %parallel_loop3A_1208 : f32 to vector<16xf32>
        %parallel_loop3A_1210 = arith.maximumf %parallel_loop3A_1207, %parallel_loop3A_1209 : vector<16xf32>
        %parallel_loop3A_1211 = arith.constant 0 : i32
        %parallel_loop3A_1212 = arith.constant 0 : i32
        %parallel_loop3A_1213 = tpu.memref_slice %arg15[%parallel_loop3A_1211, %parallel_loop3A_1212] : memref<80x128xf32, #tpu.memory_space<vmem>> -> memref<40x128xf32, #tpu.memory_space<vmem>>
        %parallel_loop3A_1214 = arith.index_cast %parallel_loop3A_1036 : i32 to index
        %parallel_loop3A_1215 = arith.constant 96 : index
        %parallel_loop3A_1216 = tpu.vector_load %parallel_loop3A_1213[%parallel_loop3A_1214, %parallel_loop3A_1215] {strides = array<i32>} : memref<40x128xf32, #tpu.memory_space<vmem>>, vector<1x16xf32>,
        %parallel_loop3A_1217 = vector.shape_cast %parallel_loop3A_1216 : vector<1x16xf32> to vector<16xf32>
        %parallel_loop3A_1218 = vector.shape_cast %parallel_loop3A_1210 : vector<16xf32> to vector<1x16xf32>
        tpu.vector_store %parallel_loop3A_1213[%parallel_loop3A_1214, %parallel_loop3A_1215], %parallel_loop3A_1218 {strides = array<i32>} : memref<40x128xf32, #tpu.memory_space<vmem>>, vector<1x16xf32>,
        %parallel_loop3A_1219 = arith.constant 0 : i32
        %parallel_loop3A_1220 = arith.constant 0 : i32
        %parallel_loop3A_1221 = tpu.memref_slice %arg15[%parallel_loop3A_1219, %parallel_loop3A_1220] : memref<80x128xf32, #tpu.memory_space<vmem>> -> memref<40x128xf32, #tpu.memory_space<vmem>>
        %parallel_loop3A_1222 = arith.index_cast %parallel_loop3A_1036 : i32 to index
        %parallel_loop3A_1223 = arith.constant 112 : index
        %parallel_loop3A_1224 = tpu.vector_load %parallel_loop3A_1221[%parallel_loop3A_1222, %parallel_loop3A_1223] {strides = array<i32>} : memref<40x128xf32, #tpu.memory_space<vmem>>, vector<1x16xf32>,
        %parallel_loop3A_1225 = vector.shape_cast %parallel_loop3A_1224 : vector<1x16xf32> to vector<16xf32>
        %parallel_loop3A_1226 = arith.constant 0 : i32
        %parallel_loop3A_1227 = arith.constant 0 : i32
        %parallel_loop3A_1228 = tpu.memref_slice %arg17[%parallel_loop3A_1226, %parallel_loop3A_1227] : memref<80x128xf32, #tpu.memory_space<vmem>> -> memref<40x128xf32, #tpu.memory_space<vmem>>
        %parallel_loop3A_1229 = arith.index_cast %parallel_loop3A_1036 : i32 to index
        %parallel_loop3A_1230 = arith.constant 112 : index
        %parallel_loop3A_1231 = tpu.vector_load %parallel_loop3A_1228[%parallel_loop3A_1229, %parallel_loop3A_1230] {strides = array<i32>} : memref<40x128xf32, #tpu.memory_space<vmem>>, vector<1x16xf32>,
        %parallel_loop3A_1232 = vector.shape_cast %parallel_loop3A_1231 : vector<1x16xf32> to vector<16xf32>
        %parallel_loop3A_1233 = arith.addf %parallel_loop3A_1225, %parallel_loop3A_1232 : vector<16xf32>
        %parallel_loop3A_1234 = arith.constant 0.000000e+00 : f32
        %parallel_loop3A_1235 = vector.broadcast %parallel_loop3A_1234 : f32 to vector<16xf32>
        %parallel_loop3A_1236 = arith.maximumf %parallel_loop3A_1233, %parallel_loop3A_1235 : vector<16xf32>
        %parallel_loop3A_1237 = arith.constant 0 : i32
        %parallel_loop3A_1238 = arith.constant 0 : i32
        %parallel_loop3A_1239 = tpu.memref_slice %arg15[%parallel_loop3A_1237, %parallel_loop3A_1238] : memref<80x128xf32, #tpu.memory_space<vmem>> -> memref<40x128xf32, #tpu.memory_space<vmem>>
        %parallel_loop3A_1240 = arith.index_cast %parallel_loop3A_1036 : i32 to index
        %parallel_loop3A_1241 = arith.constant 112 : index
        %parallel_loop3A_1242 = tpu.vector_load %parallel_loop3A_1239[%parallel_loop3A_1240, %parallel_loop3A_1241] {strides = array<i32>} : memref<40x128xf32, #tpu.memory_space<vmem>>, vector<1x16xf32>,
        %parallel_loop3A_1243 = vector.shape_cast %parallel_loop3A_1242 : vector<1x16xf32> to vector<16xf32>
        %parallel_loop3A_1244 = vector.shape_cast %parallel_loop3A_1236 : vector<16xf32> to vector<1x16xf32>
        tpu.vector_store %parallel_loop3A_1239[%parallel_loop3A_1240, %parallel_loop3A_1241], %parallel_loop3A_1244 {strides = array<i32>} : memref<40x128xf32, #tpu.memory_space<vmem>>, vector<1x16xf32>,
      } {sc.loop_unroll_factor = 2 : i64, sc.parallel_access}
      %add3A_849 = arith.constant 2 : i32
      %add3A_850 = arith.addi %add3A_810, %add3A_849 : i32
      %lt3A_851 = arith.constant 250 : i32
      %lt3A_852 = arith.cmpi slt, %add3A_850, %lt3A_851 : i32
      %convert_element_type3A_853 = arith.extui %lt3A_852 : i1 to i32
      %cond3A_854 = arith.constant 0 : i32
      %cond3A_855 = arith.cmpi ne, %convert_element_type3A_853, %cond3A_854 : i32
      scf.if %cond3A_855 {
        %add3A_1036 = arith.constant 2 : i32
        %add3A_1037 = arith.addi %add3A_810, %add3A_1036 : i32
        %jit3A = arith.constant 2 : i32
        %div3A = arith.divsi %add3A_1037, %jit3A : i32
        %sign3A = arith.constant 0 : i32
        %sign3A_1038 = arith.cmpi sgt, %add3A_1037, %sign3A : i32
        %sign3A_1039 = arith.extui %sign3A_1038 : i1 to i32
        %sign3A_1040 = arith.constant 0 : i32
        %sign3A_1041 = arith.cmpi slt, %add3A_1037, %sign3A_1040 : i32
        %sign3A_1042 = arith.extui %sign3A_1041 : i1 to i32
        %sign3A_1043 = arith.subi %sign3A_1039, %sign3A_1042 : i32
        %sign3A_1044 = arith.constant 0 : i32
        %sign3A_1045 = arith.cmpi sgt, %jit3A, %sign3A_1044 : i32
        %sign3A_1046 = arith.extui %sign3A_1045 : i1 to i32
        %sign3A_1047 = arith.constant 0 : i32
        %sign3A_1048 = arith.cmpi slt, %jit3A, %sign3A_1047 : i32
        %sign3A_1049 = arith.extui %sign3A_1048 : i1 to i32
        %sign3A_1050 = arith.subi %sign3A_1046, %sign3A_1049 : i32
        %ne3A = arith.cmpi ne, %sign3A_1043, %sign3A_1050 : i32
        %rem3A = arith.remsi %add3A_1037, %jit3A : i32
        %ne3A_1051 = arith.constant 0 : i32
        %ne3A_1052 = arith.cmpi ne, %rem3A, %ne3A_1051 : i32
        %and3A_1053 = arith.andi %ne3A, %ne3A_1052 : i1
        %sub3A = arith.constant 1 : i32
        %sub3A_1054 = arith.subi %div3A, %sub3A : i32
        %select_n3A = arith.select %and3A_1053, %sub3A_1054, %div3A : i32
        %jit3A_1055 = arith.constant 2 : i32
        %eq3A_1056 = arith.constant 0 : i32
        %eq3A_1057 = arith.cmpi eq, %jit3A_1055, %eq3A_1056 : i32
        %jit3A_1058 = arith.constant 1 : i32
        %select_n3A_1059 = arith.select %eq3A_1057, %jit3A_1058, %jit3A_1055 : i32
        %rem3A_1060 = arith.remsi %add3A_1037, %select_n3A_1059 : i32
        %ne3A_1061 = arith.constant 0 : i32
        %ne3A_1062 = arith.cmpi ne, %rem3A_1060, %ne3A_1061 : i32
        %lt3A_1063 = arith.constant 0 : i32
        %lt3A_1064 = arith.cmpi slt, %rem3A_1060, %lt3A_1063 : i32
        %lt3A_1065 = arith.constant 0 : i32
        %lt3A_1066 = arith.cmpi slt, %select_n3A_1059, %lt3A_1065 : i32
        %ne3A_1067 = arith.xori %lt3A_1064, %lt3A_1066 : i1
        %and3A_1068 = arith.andi %ne3A_1067, %ne3A_1062 : i1
        %add3A_1069 = arith.addi %rem3A_1060, %select_n3A_1059 : i32
        %select_n3A_1070 = arith.select %and3A_1068, %add3A_1069, %rem3A_1060 : i32
        %mul3A_1071 = arith.constant 40 : i32
        %mul3A_1072 = arith.muli %select_n3A_1070, %mul3A_1071 : i32
        %dma_start3A_1073 = arith.constant 0 : i32
        %dma_start3A_1074 = arith.constant 0 : i32
        %dma_start3A_1075 = tpu.memref_slice %arg17[%dma_start3A_1073, %dma_start3A_1074] : memref<80x128xf32, #tpu.memory_space<vmem>> -> memref<40x128xf32, #tpu.memory_space<vmem>>
        %dma_start3A_1076 = arith.constant 0 : i32
        %dma_start3A_1077 = tpu.memref_slice %arg4[%add3A, %select_n3A, %mul3A_1072, %dma_start3A_1076] : memref<32x125x80x128xf32, #tpu.memory_space<hbm>> -> memref<1x1x40x128xf32, #tpu.memory_space<hbm>>
        %dma_start3A_1078 = tpu.memref_squeeze %dma_start3A_1077 : memref<1x1x40x128xf32, #tpu.memory_space<hbm>> -> memref<40x128xf32, #tpu.memory_space<hbm>>
        %dma_start3A_1079 = arith.constant 0 : i32
        %dma_start3A_1080 = arith.constant 0 : i32
        %dma_start3A_1081 = tpu.memref_slice %arg17[%dma_start3A_1079, %dma_start3A_1080] : memref<80x128xf32, #tpu.memory_space<vmem>> -> memref<40x128xf32, #tpu.memory_space<vmem>>
        %dma_start3A_1082 = arith.constant 0 : i32
        %dma_start3A_1083 = tpu.memref_slice %arg4[%add3A, %select_n3A, %mul3A_1072, %dma_start3A_1082] : memref<32x125x80x128xf32, #tpu.memory_space<hbm>> -> memref<1x1x40x128xf32, #tpu.memory_space<hbm>>
        %dma_start3A_1084 = tpu.memref_squeeze %dma_start3A_1083 : memref<1x1x40x128xf32, #tpu.memory_space<hbm>> -> memref<40x128xf32, #tpu.memory_space<hbm>>
        tpu.enqueue_dma source(%dma_start3A_1084 : memref<40x128xf32, #tpu.memory_space<hbm>>) target(%dma_start3A_1081 : memref<40x128xf32, #tpu.memory_space<vmem>>) target_semaphore(%arg30 : memref<!tpu.dma_semaphore, #tpu.memory_space<semaphore_mem>>)
      } else {
      }
      %dma_start3A_856 = arith.constant 0 : i32
      %dma_start3A_857 = arith.constant 0 : i32
      %dma_start3A_858 = tpu.memref_slice %arg15[%dma_start3A_856, %dma_start3A_857] : memref<80x128xf32, #tpu.memory_space<vmem>> -> memref<40x128xf32, #tpu.memory_space<vmem>>
      %dma_start3A_859 = arith.constant 0 : i32
      %dma_start3A_860 = tpu.memref_slice %arg12[%scan3A_324, %dma_start3A_859] : memref<6x40xi32, #tpu.memory_space<vmem>> -> memref<1x40xi32, #tpu.memory_space<vmem>>
      %dma_start3A_861 = tpu.memref_squeeze %dma_start3A_860 : memref<1x40xi32, #tpu.memory_space<vmem>> -> memref<40xi32, #tpu.memory_space<vmem>>
      %dma_start3A_862 = arith.constant 0 : i32
      %dma_start3A_863 = arith.constant 0 : i32
      %dma_start3A_864 = tpu.memref_slice %arg9[%dma_start3A_862, %dma_start3A_863] : memref<10008x128xf32, #tpu.memory_space<vmem_shared>> -> memref<10008x128xf32, #tpu.memory_space<vmem_shared>>
      tpu.enqueue_indirect_dma source(%dma_start3A_858 : memref<40x128xf32, #tpu.memory_space<vmem>>) target(%dma_start3A_864 : memref<10008x128xf32, #tpu.memory_space<vmem_shared>>) offsets(%dma_start3A_861 : memref<40xi32, #tpu.memory_space<vmem>>) semaphore(%arg24 : memref<!tpu.dma_semaphore, #tpu.memory_space<semaphore_mem>>) {add = true}
      %add3A_865 = arith.constant 1 : i32
      %add3A_866 = arith.addi %mul3A_808, %add3A_865 : i32
      %gt3A_867 = arith.constant 0 : i32
      %gt3A_868 = arith.cmpi sgt, %add3A_866, %gt3A_867 : i32
      %convert_element_type3A_869 = arith.extui %gt3A_868 : i1 to i32
      %cond3A_870 = arith.constant 0 : i32
      %cond3A_871 = arith.cmpi ne, %convert_element_type3A_869, %cond3A_870 : i32
      scf.if %cond3A_871 {
        %dma_wait3A_1036 = arith.constant 0 : i32
        %dma_wait3A_1037 = arith.constant 0 : i32
        %dma_wait3A_1038 = tpu.memref_slice %arg15[%dma_wait3A_1036, %dma_wait3A_1037] : memref<80x128xf32, #tpu.memory_space<vmem>> -> memref<40x128xf32, #tpu.memory_space<vmem>>
        %dma_wait3A_1039 = arith.constant 0 : i32
        %dma_wait3A_1040 = tpu.memref_slice %arg12[%scan3A_324, %dma_wait3A_1039] : memref<6x40xi32, #tpu.memory_space<vmem>> -> memref<1x40xi32, #tpu.memory_space<vmem>>
        %dma_wait3A_1041 = tpu.memref_squeeze %dma_wait3A_1040 : memref<1x40xi32, #tpu.memory_space<vmem>> -> memref<40xi32, #tpu.memory_space<vmem>>
        %dma_wait3A_1042 = arith.constant 0 : i32
        %dma_wait3A_1043 = arith.constant 0 : i32
        %dma_wait3A_1044 = tpu.memref_slice %arg9[%dma_wait3A_1042, %dma_wait3A_1043] : memref<10008x128xf32, #tpu.memory_space<vmem_shared>> -> memref<10008x128xf32, #tpu.memory_space<vmem_shared>>
        tpu.wait_indirect_dma semaphore(%arg24 : memref<!tpu.dma_semaphore, #tpu.memory_space<semaphore_mem>>) src(%dma_wait3A_1038 : memref<40x128xf32, #tpu.memory_space<vmem>>) dst(%dma_wait3A_1044 : memref<10008x128xf32, #tpu.memory_space<vmem_shared>>)
      } else {
      }
      %add3A_872 = arith.constant 3 : i32
      %add3A_873 = arith.addi %add3A_866, %add3A_872 : i32
      %lt3A_874 = arith.constant 250 : i32
      %lt3A_875 = arith.cmpi slt, %add3A_873, %lt3A_874 : i32
      %convert_element_type3A_876 = arith.extui %lt3A_875 : i1 to i32
      %cond3A_877 = arith.constant 0 : i32
      %cond3A_878 = arith.cmpi ne, %convert_element_type3A_876, %cond3A_877 : i32
      scf.if %cond3A_878 {
        %add3A_1036 = arith.constant 3 : i32
        %add3A_1037 = arith.addi %add3A_866, %add3A_1036 : i32
        %jit3A = arith.constant 2 : i32
        %div3A = arith.divsi %add3A_1037, %jit3A : i32
        %sign3A = arith.constant 0 : i32
        %sign3A_1038 = arith.cmpi sgt, %add3A_1037, %sign3A : i32
        %sign3A_1039 = arith.extui %sign3A_1038 : i1 to i32
        %sign3A_1040 = arith.constant 0 : i32
        %sign3A_1041 = arith.cmpi slt, %add3A_1037, %sign3A_1040 : i32
        %sign3A_1042 = arith.extui %sign3A_1041 : i1 to i32
        %sign3A_1043 = arith.subi %sign3A_1039, %sign3A_1042 : i32
        %sign3A_1044 = arith.constant 0 : i32
        %sign3A_1045 = arith.cmpi sgt, %jit3A, %sign3A_1044 : i32
        %sign3A_1046 = arith.extui %sign3A_1045 : i1 to i32
        %sign3A_1047 = arith.constant 0 : i32
        %sign3A_1048 = arith.cmpi slt, %jit3A, %sign3A_1047 : i32
        %sign3A_1049 = arith.extui %sign3A_1048 : i1 to i32
        %sign3A_1050 = arith.subi %sign3A_1046, %sign3A_1049 : i32
        %ne3A = arith.cmpi ne, %sign3A_1043, %sign3A_1050 : i32
        %rem3A = arith.remsi %add3A_1037, %jit3A : i32
        %ne3A_1051 = arith.constant 0 : i32
        %ne3A_1052 = arith.cmpi ne, %rem3A, %ne3A_1051 : i32
        %and3A_1053 = arith.andi %ne3A, %ne3A_1052 : i1
        %sub3A = arith.constant 1 : i32
        %sub3A_1054 = arith.subi %div3A, %sub3A : i32
        %select_n3A = arith.select %and3A_1053, %sub3A_1054, %div3A : i32
        %get3A_1055 = arith.index_cast %select_n3A : i32 to index
        %get3A_1056 = arith.constant 0 : index
        %get3A_1057 = tpu.vector_load %arg10[%get3A_1055, %get3A_1056] {strides = array<i32>} : memref<125x80xi32, #tpu.memory_space<vmem>>, vector<1x16xi32>,
        %get3A_1058 = vector.shape_cast %get3A_1057 : vector<1x16xi32> to vector<16xi32>
        %and3A_1059 = arith.constant 65535 : i32
        %and3A_1060 = vector.broadcast %and3A_1059 : i32 to vector<16xi32>
        %and3A_1061 = arith.andi %get3A_1058, %and3A_1060 : vector<16xi32>
        %swap3A_1062 = arith.constant 0 : i32
        %swap3A_1063 = tpu.memref_slice %arg11[%scan3A_323, %swap3A_1062] : memref<6x40xi32, #tpu.memory_space<vmem>> -> memref<1x40xi32, #tpu.memory_space<vmem>>
        %swap3A_1064 = tpu.memref_squeeze %swap3A_1063 : memref<1x40xi32, #tpu.memory_space<vmem>> -> memref<40xi32, #tpu.memory_space<vmem>>
        %swap3A_1065 = arith.constant 0 : index
        %swap3A_1066 = tpu.vector_load %swap3A_1064[%swap3A_1065] {strides = array<i32>} : memref<40xi32, #tpu.memory_space<vmem>>, vector<16xi32>,
        %swap3A_1067 = vector.shape_cast %swap3A_1066 : vector<16xi32> to vector<16xi32>
        %swap3A_1068 = vector.shape_cast %and3A_1061 : vector<16xi32> to vector<16xi32>
        tpu.vector_store %swap3A_1064[%swap3A_1065], %swap3A_1068 {strides = array<i32>} : memref<40xi32, #tpu.memory_space<vmem>>, vector<16xi32>,
        %shift_right_arithmetic3A_1069 = arith.constant 16 : i32
        %shift_right_arithmetic3A_1070 = vector.broadcast %shift_right_arithmetic3A_1069 : i32 to vector<16xi32>
        %shift_right_arithmetic3A_1071 = arith.shrsi %get3A_1058, %shift_right_arithmetic3A_1070 : vector<16xi32>
        %swap3A_1072 = arith.constant 0 : i32
        %swap3A_1073 = tpu.memref_slice %arg12[%scan3A_324, %swap3A_1072] : memref<6x40xi32, #tpu.memory_space<vmem>> -> memref<1x40xi32, #tpu.memory_space<vmem>>
        %swap3A_1074 = tpu.memref_squeeze %swap3A_1073 : memref<1x40xi32, #tpu.memory_space<vmem>> -> memref<40xi32, #tpu.memory_space<vmem>>
        %swap3A_1075 = arith.constant 0 : index
        %swap3A_1076 = tpu.vector_load %swap3A_1074[%swap3A_1075] {strides = array<i32>} : memref<40xi32, #tpu.memory_space<vmem>>, vector<16xi32>,
        %swap3A_1077 = vector.shape_cast %swap3A_1076 : vector<16xi32> to vector<16xi32>
        %swap3A_1078 = vector.shape_cast %shift_right_arithmetic3A_1071 : vector<16xi32> to vector<16xi32>
        tpu.vector_store %swap3A_1074[%swap3A_1075], %swap3A_1078 {strides = array<i32>} : memref<40xi32, #tpu.memory_space<vmem>>, vector<16xi32>,
        %get3A_1079 = arith.index_cast %select_n3A : i32 to index
        %get3A_1080 = arith.constant 16 : index
        %get3A_1081 = tpu.vector_load %arg10[%get3A_1079, %get3A_1080] {strides = array<i32>} : memref<125x80xi32, #tpu.memory_space<vmem>>, vector<1x16xi32>,
        %get3A_1082 = vector.shape_cast %get3A_1081 : vector<1x16xi32> to vector<16xi32>
        %and3A_1083 = arith.constant 65535 : i32
        %and3A_1084 = vector.broadcast %and3A_1083 : i32 to vector<16xi32>
        %and3A_1085 = arith.andi %get3A_1082, %and3A_1084 : vector<16xi32>
        %swap3A_1086 = arith.constant 0 : i32
        %swap3A_1087 = tpu.memref_slice %arg11[%scan3A_323, %swap3A_1086] : memref<6x40xi32, #tpu.memory_space<vmem>> -> memref<1x40xi32, #tpu.memory_space<vmem>>
        %swap3A_1088 = tpu.memref_squeeze %swap3A_1087 : memref<1x40xi32, #tpu.memory_space<vmem>> -> memref<40xi32, #tpu.memory_space<vmem>>
        %swap3A_1089 = arith.constant 16 : index
        %swap3A_1090 = tpu.vector_load %swap3A_1088[%swap3A_1089] {strides = array<i32>} : memref<40xi32, #tpu.memory_space<vmem>>, vector<16xi32>,
        %swap3A_1091 = vector.shape_cast %swap3A_1090 : vector<16xi32> to vector<16xi32>
        %swap3A_1092 = vector.shape_cast %and3A_1085 : vector<16xi32> to vector<16xi32>
        tpu.vector_store %swap3A_1088[%swap3A_1089], %swap3A_1092 {strides = array<i32>} : memref<40xi32, #tpu.memory_space<vmem>>, vector<16xi32>,
        %shift_right_arithmetic3A_1093 = arith.constant 16 : i32
        %shift_right_arithmetic3A_1094 = vector.broadcast %shift_right_arithmetic3A_1093 : i32 to vector<16xi32>
        %shift_right_arithmetic3A_1095 = arith.shrsi %get3A_1082, %shift_right_arithmetic3A_1094 : vector<16xi32>
        %swap3A_1096 = arith.constant 0 : i32
        %swap3A_1097 = tpu.memref_slice %arg12[%scan3A_324, %swap3A_1096] : memref<6x40xi32, #tpu.memory_space<vmem>> -> memref<1x40xi32, #tpu.memory_space<vmem>>
        %swap3A_1098 = tpu.memref_squeeze %swap3A_1097 : memref<1x40xi32, #tpu.memory_space<vmem>> -> memref<40xi32, #tpu.memory_space<vmem>>
        %swap3A_1099 = arith.constant 16 : index
        %swap3A_1100 = tpu.vector_load %swap3A_1098[%swap3A_1099] {strides = array<i32>} : memref<40xi32, #tpu.memory_space<vmem>>, vector<16xi32>,
        %swap3A_1101 = vector.shape_cast %swap3A_1100 : vector<16xi32> to vector<16xi32>
        %swap3A_1102 = vector.shape_cast %shift_right_arithmetic3A_1095 : vector<16xi32> to vector<16xi32>
        tpu.vector_store %swap3A_1098[%swap3A_1099], %swap3A_1102 {strides = array<i32>} : memref<40xi32, #tpu.memory_space<vmem>>, vector<16xi32>,
        %get3A_1103 = arith.index_cast %select_n3A : i32 to index
        %get3A_1104 = arith.constant 24 : index
        %get3A_1105 = tpu.vector_load %arg10[%get3A_1103, %get3A_1104] {strides = array<i32>} : memref<125x80xi32, #tpu.memory_space<vmem>>, vector<1x16xi32>,
        %get3A_1106 = vector.shape_cast %get3A_1105 : vector<1x16xi32> to vector<16xi32>
        %and3A_1107 = arith.constant 65535 : i32
        %and3A_1108 = vector.broadcast %and3A_1107 : i32 to vector<16xi32>
        %and3A_1109 = arith.andi %get3A_1106, %and3A_1108 : vector<16xi32>
        %swap3A_1110 = arith.constant 0 : i32
        %swap3A_1111 = tpu.memref_slice %arg11[%scan3A_323, %swap3A_1110] : memref<6x40xi32, #tpu.memory_space<vmem>> -> memref<1x40xi32, #tpu.memory_space<vmem>>
        %swap3A_1112 = tpu.memref_squeeze %swap3A_1111 : memref<1x40xi32, #tpu.memory_space<vmem>> -> memref<40xi32, #tpu.memory_space<vmem>>
        %swap3A_1113 = arith.constant 24 : index
        %swap3A_1114 = tpu.vector_load %swap3A_1112[%swap3A_1113] {strides = array<i32>} : memref<40xi32, #tpu.memory_space<vmem>>, vector<16xi32>,
        %swap3A_1115 = vector.shape_cast %swap3A_1114 : vector<16xi32> to vector<16xi32>
        %swap3A_1116 = vector.shape_cast %and3A_1109 : vector<16xi32> to vector<16xi32>
        tpu.vector_store %swap3A_1112[%swap3A_1113], %swap3A_1116 {strides = array<i32>} : memref<40xi32, #tpu.memory_space<vmem>>, vector<16xi32>,
        %shift_right_arithmetic3A_1117 = arith.constant 16 : i32
        %shift_right_arithmetic3A_1118 = vector.broadcast %shift_right_arithmetic3A_1117 : i32 to vector<16xi32>
        %shift_right_arithmetic3A_1119 = arith.shrsi %get3A_1106, %shift_right_arithmetic3A_1118 : vector<16xi32>
        %swap3A_1120 = arith.constant 0 : i32
        %swap3A_1121 = tpu.memref_slice %arg12[%scan3A_324, %swap3A_1120] : memref<6x40xi32, #tpu.memory_space<vmem>> -> memref<1x40xi32, #tpu.memory_space<vmem>>
        %swap3A_1122 = tpu.memref_squeeze %swap3A_1121 : memref<1x40xi32, #tpu.memory_space<vmem>> -> memref<40xi32, #tpu.memory_space<vmem>>
        %swap3A_1123 = arith.constant 24 : index
        %swap3A_1124 = tpu.vector_load %swap3A_1122[%swap3A_1123] {strides = array<i32>} : memref<40xi32, #tpu.memory_space<vmem>>, vector<16xi32>,
        %swap3A_1125 = vector.shape_cast %swap3A_1124 : vector<16xi32> to vector<16xi32>
        %swap3A_1126 = vector.shape_cast %shift_right_arithmetic3A_1119 : vector<16xi32> to vector<16xi32>
        tpu.vector_store %swap3A_1122[%swap3A_1123], %swap3A_1126 {strides = array<i32>} : memref<40xi32, #tpu.memory_space<vmem>>, vector<16xi32>,
        %dma_start3A_1127 = arith.constant 0 : i32
        %dma_start3A_1128 = arith.constant 0 : i32
        %dma_start3A_1129 = tpu.memref_slice %arg15[%dma_start3A_1127, %dma_start3A_1128] : memref<80x128xf32, #tpu.memory_space<vmem>> -> memref<40x128xf32, #tpu.memory_space<vmem>>
        %dma_start3A_1130 = arith.constant 0 : i32
        %dma_start3A_1131 = tpu.memref_slice %arg11[%scan3A_323, %dma_start3A_1130] : memref<6x40xi32, #tpu.memory_space<vmem>> -> memref<1x40xi32, #tpu.memory_space<vmem>>
        %dma_start3A_1132 = tpu.memref_squeeze %dma_start3A_1131 : memref<1x40xi32, #tpu.memory_space<vmem>> -> memref<40xi32, #tpu.memory_space<vmem>>
        %dma_start3A_1133 = arith.constant 0 : i32
        %dma_start3A_1134 = arith.constant 0 : i32
        %dma_start3A_1135 = tpu.memref_slice %arg2[%dma_start3A_1133, %dma_start3A_1134] : memref<10000x128xf32, #tpu.memory_space<hbm>> -> memref<10000x128xf32, #tpu.memory_space<hbm>>
        tpu.enqueue_indirect_dma source(%dma_start3A_1135 : memref<10000x128xf32, #tpu.memory_space<hbm>>) target(%dma_start3A_1129 : memref<40x128xf32, #tpu.memory_space<vmem>>) offsets(%dma_start3A_1132 : memref<40xi32, #tpu.memory_space<vmem>>) semaphore(%arg18 : memref<!tpu.dma_semaphore, #tpu.memory_space<semaphore_mem>>)
      } else {
      }
      %dma_wait3A_879 = arith.constant 40 : i32
      %dma_wait3A_880 = arith.constant 0 : i32
      %dma_wait3A_881 = tpu.memref_slice %arg15[%dma_wait3A_879, %dma_wait3A_880] : memref<80x128xf32, #tpu.memory_space<vmem>> -> memref<40x128xf32, #tpu.memory_space<vmem>>
      %dma_wait3A_882 = arith.constant 0 : i32
      %dma_wait3A_883 = tpu.memref_slice %arg11[%scan3A_325, %dma_wait3A_882] : memref<6x40xi32, #tpu.memory_space<vmem>> -> memref<1x40xi32, #tpu.memory_space<vmem>>
      %dma_wait3A_884 = tpu.memref_squeeze %dma_wait3A_883 : memref<1x40xi32, #tpu.memory_space<vmem>> -> memref<40xi32, #tpu.memory_space<vmem>>
      %dma_wait3A_885 = arith.constant 0 : i32
      %dma_wait3A_886 = arith.constant 0 : i32
      %dma_wait3A_887 = tpu.memref_slice %arg2[%dma_wait3A_885, %dma_wait3A_886] : memref<10000x128xf32, #tpu.memory_space<hbm>> -> memref<10000x128xf32, #tpu.memory_space<hbm>>
      tpu.wait_indirect_dma semaphore(%arg19 : memref<!tpu.dma_semaphore, #tpu.memory_space<semaphore_mem>>) src(%dma_wait3A_887 : memref<10000x128xf32, #tpu.memory_space<hbm>>) dst(%dma_wait3A_881 : memref<40x128xf32, #tpu.memory_space<vmem>>)
      %dma_wait3A_888 = arith.constant 0 : i32
      %dma_wait3A_889 = arith.constant 40 : i32
      %dma_wait3A_890 = arith.constant 0 : i32
      %dma_wait3A_891 = tpu.memref_slice %arg17[%dma_wait3A_889, %dma_wait3A_890] : memref<80x128xf32, #tpu.memory_space<vmem>> -> memref<40x128xf32, #tpu.memory_space<vmem>>
      %dma_wait3A_892 = arith.constant 0 : i32
      %dma_wait3A_893 = arith.constant 0 : i32
      %dma_wait3A_894 = tpu.memref_slice %arg4[%add3A, %dma_wait3A_888, %dma_wait3A_892, %dma_wait3A_893] : memref<32x125x80x128xf32, #tpu.memory_space<hbm>> -> memref<1x1x40x128xf32, #tpu.memory_space<hbm>>
      %dma_wait3A_895 = tpu.memref_squeeze %dma_wait3A_894 : memref<1x1x40x128xf32, #tpu.memory_space<hbm>> -> memref<40x128xf32, #tpu.memory_space<hbm>>
      %dma_wait3A_896 = arith.constant 40 : i32
      %dma_wait3A_897 = arith.constant 0 : i32
      %dma_wait3A_898 = tpu.memref_slice %arg17[%dma_wait3A_896, %dma_wait3A_897] : memref<80x128xf32, #tpu.memory_space<vmem>> -> memref<40x128xf32, #tpu.memory_space<vmem>>
      %dma_wait3A_899 = arith.constant 0 : i32
      %dma_wait3A_900 = arith.constant 0 : i32
      %dma_wait3A_901 = tpu.memref_slice %arg4[%add3A, %dma_wait3A_888, %dma_wait3A_899, %dma_wait3A_900] : memref<32x125x80x128xf32, #tpu.memory_space<hbm>> -> memref<1x1x40x128xf32, #tpu.memory_space<hbm>>
      %dma_wait3A_902 = tpu.memref_squeeze %dma_wait3A_901 : memref<1x1x40x128xf32, #tpu.memory_space<hbm>> -> memref<40x128xf32, #tpu.memory_space<hbm>>
      tpu.wait_dma2 semaphore(%arg31 : memref<!tpu.dma_semaphore, #tpu.memory_space<semaphore_mem>>) src(%dma_wait3A_902 : memref<40x128xf32, #tpu.memory_space<hbm>>) dst(%dma_wait3A_898 : memref<40x128xf32, #tpu.memory_space<vmem>>)
      %parallel_loop3A_903 = arith.constant 0 : i32
      %parallel_loop3A_904 = arith.constant 40 : i32
      %parallel_loop3A_905 = arith.constant 1 : i32
      scf.for %parallel_loop3A_1036 = %parallel_loop3A_903 to %parallel_loop3A_904 step %parallel_loop3A_905  : i32 {
        %parallel_loop3A_1037 = arith.constant 40 : i32
        %parallel_loop3A_1038 = arith.constant 0 : i32
        %parallel_loop3A_1039 = tpu.memref_slice %arg15[%parallel_loop3A_1037, %parallel_loop3A_1038] : memref<80x128xf32, #tpu.memory_space<vmem>> -> memref<40x128xf32, #tpu.memory_space<vmem>>
        %parallel_loop3A_1040 = arith.index_cast %parallel_loop3A_1036 : i32 to index
        %parallel_loop3A_1041 = arith.constant 0 : index
        %parallel_loop3A_1042 = tpu.vector_load %parallel_loop3A_1039[%parallel_loop3A_1040, %parallel_loop3A_1041] {strides = array<i32>} : memref<40x128xf32, #tpu.memory_space<vmem>>, vector<1x16xf32>,
        %parallel_loop3A_1043 = vector.shape_cast %parallel_loop3A_1042 : vector<1x16xf32> to vector<16xf32>
        %parallel_loop3A_1044 = arith.constant 40 : i32
        %parallel_loop3A_1045 = arith.constant 0 : i32
        %parallel_loop3A_1046 = tpu.memref_slice %arg17[%parallel_loop3A_1044, %parallel_loop3A_1045] : memref<80x128xf32, #tpu.memory_space<vmem>> -> memref<40x128xf32, #tpu.memory_space<vmem>>
        %parallel_loop3A_1047 = arith.index_cast %parallel_loop3A_1036 : i32 to index
        %parallel_loop3A_1048 = arith.constant 0 : index
        %parallel_loop3A_1049 = tpu.vector_load %parallel_loop3A_1046[%parallel_loop3A_1047, %parallel_loop3A_1048] {strides = array<i32>} : memref<40x128xf32, #tpu.memory_space<vmem>>, vector<1x16xf32>,
        %parallel_loop3A_1050 = vector.shape_cast %parallel_loop3A_1049 : vector<1x16xf32> to vector<16xf32>
        %parallel_loop3A_1051 = arith.addf %parallel_loop3A_1043, %parallel_loop3A_1050 : vector<16xf32>
        %parallel_loop3A_1052 = arith.constant 0.000000e+00 : f32
        %parallel_loop3A_1053 = vector.broadcast %parallel_loop3A_1052 : f32 to vector<16xf32>
        %parallel_loop3A_1054 = arith.maximumf %parallel_loop3A_1051, %parallel_loop3A_1053 : vector<16xf32>
        %parallel_loop3A_1055 = arith.constant 40 : i32
        %parallel_loop3A_1056 = arith.constant 0 : i32
        %parallel_loop3A_1057 = tpu.memref_slice %arg15[%parallel_loop3A_1055, %parallel_loop3A_1056] : memref<80x128xf32, #tpu.memory_space<vmem>> -> memref<40x128xf32, #tpu.memory_space<vmem>>
        %parallel_loop3A_1058 = arith.index_cast %parallel_loop3A_1036 : i32 to index
        %parallel_loop3A_1059 = arith.constant 0 : index
        %parallel_loop3A_1060 = tpu.vector_load %parallel_loop3A_1057[%parallel_loop3A_1058, %parallel_loop3A_1059] {strides = array<i32>} : memref<40x128xf32, #tpu.memory_space<vmem>>, vector<1x16xf32>,
        %parallel_loop3A_1061 = vector.shape_cast %parallel_loop3A_1060 : vector<1x16xf32> to vector<16xf32>
        %parallel_loop3A_1062 = vector.shape_cast %parallel_loop3A_1054 : vector<16xf32> to vector<1x16xf32>
        tpu.vector_store %parallel_loop3A_1057[%parallel_loop3A_1058, %parallel_loop3A_1059], %parallel_loop3A_1062 {strides = array<i32>} : memref<40x128xf32, #tpu.memory_space<vmem>>, vector<1x16xf32>,
        %parallel_loop3A_1063 = arith.constant 40 : i32
        %parallel_loop3A_1064 = arith.constant 0 : i32
        %parallel_loop3A_1065 = tpu.memref_slice %arg15[%parallel_loop3A_1063, %parallel_loop3A_1064] : memref<80x128xf32, #tpu.memory_space<vmem>> -> memref<40x128xf32, #tpu.memory_space<vmem>>
        %parallel_loop3A_1066 = arith.index_cast %parallel_loop3A_1036 : i32 to index
        %parallel_loop3A_1067 = arith.constant 16 : index
        %parallel_loop3A_1068 = tpu.vector_load %parallel_loop3A_1065[%parallel_loop3A_1066, %parallel_loop3A_1067] {strides = array<i32>} : memref<40x128xf32, #tpu.memory_space<vmem>>, vector<1x16xf32>,
        %parallel_loop3A_1069 = vector.shape_cast %parallel_loop3A_1068 : vector<1x16xf32> to vector<16xf32>
        %parallel_loop3A_1070 = arith.constant 40 : i32
        %parallel_loop3A_1071 = arith.constant 0 : i32
        %parallel_loop3A_1072 = tpu.memref_slice %arg17[%parallel_loop3A_1070, %parallel_loop3A_1071] : memref<80x128xf32, #tpu.memory_space<vmem>> -> memref<40x128xf32, #tpu.memory_space<vmem>>
        %parallel_loop3A_1073 = arith.index_cast %parallel_loop3A_1036 : i32 to index
        %parallel_loop3A_1074 = arith.constant 16 : index
        %parallel_loop3A_1075 = tpu.vector_load %parallel_loop3A_1072[%parallel_loop3A_1073, %parallel_loop3A_1074] {strides = array<i32>} : memref<40x128xf32, #tpu.memory_space<vmem>>, vector<1x16xf32>,
        %parallel_loop3A_1076 = vector.shape_cast %parallel_loop3A_1075 : vector<1x16xf32> to vector<16xf32>
        %parallel_loop3A_1077 = arith.addf %parallel_loop3A_1069, %parallel_loop3A_1076 : vector<16xf32>
        %parallel_loop3A_1078 = arith.constant 0.000000e+00 : f32
        %parallel_loop3A_1079 = vector.broadcast %parallel_loop3A_1078 : f32 to vector<16xf32>
        %parallel_loop3A_1080 = arith.maximumf %parallel_loop3A_1077, %parallel_loop3A_1079 : vector<16xf32>
        %parallel_loop3A_1081 = arith.constant 40 : i32
        %parallel_loop3A_1082 = arith.constant 0 : i32
        %parallel_loop3A_1083 = tpu.memref_slice %arg15[%parallel_loop3A_1081, %parallel_loop3A_1082] : memref<80x128xf32, #tpu.memory_space<vmem>> -> memref<40x128xf32, #tpu.memory_space<vmem>>
        %parallel_loop3A_1084 = arith.index_cast %parallel_loop3A_1036 : i32 to index
        %parallel_loop3A_1085 = arith.constant 16 : index
        %parallel_loop3A_1086 = tpu.vector_load %parallel_loop3A_1083[%parallel_loop3A_1084, %parallel_loop3A_1085] {strides = array<i32>} : memref<40x128xf32, #tpu.memory_space<vmem>>, vector<1x16xf32>,
        %parallel_loop3A_1087 = vector.shape_cast %parallel_loop3A_1086 : vector<1x16xf32> to vector<16xf32>
        %parallel_loop3A_1088 = vector.shape_cast %parallel_loop3A_1080 : vector<16xf32> to vector<1x16xf32>
        tpu.vector_store %parallel_loop3A_1083[%parallel_loop3A_1084, %parallel_loop3A_1085], %parallel_loop3A_1088 {strides = array<i32>} : memref<40x128xf32, #tpu.memory_space<vmem>>, vector<1x16xf32>,
        %parallel_loop3A_1089 = arith.constant 40 : i32
        %parallel_loop3A_1090 = arith.constant 0 : i32
        %parallel_loop3A_1091 = tpu.memref_slice %arg15[%parallel_loop3A_1089, %parallel_loop3A_1090] : memref<80x128xf32, #tpu.memory_space<vmem>> -> memref<40x128xf32, #tpu.memory_space<vmem>>
        %parallel_loop3A_1092 = arith.index_cast %parallel_loop3A_1036 : i32 to index
        %parallel_loop3A_1093 = arith.constant 32 : index
        %parallel_loop3A_1094 = tpu.vector_load %parallel_loop3A_1091[%parallel_loop3A_1092, %parallel_loop3A_1093] {strides = array<i32>} : memref<40x128xf32, #tpu.memory_space<vmem>>, vector<1x16xf32>,
        %parallel_loop3A_1095 = vector.shape_cast %parallel_loop3A_1094 : vector<1x16xf32> to vector<16xf32>
        %parallel_loop3A_1096 = arith.constant 40 : i32
        %parallel_loop3A_1097 = arith.constant 0 : i32
        %parallel_loop3A_1098 = tpu.memref_slice %arg17[%parallel_loop3A_1096, %parallel_loop3A_1097] : memref<80x128xf32, #tpu.memory_space<vmem>> -> memref<40x128xf32, #tpu.memory_space<vmem>>
        %parallel_loop3A_1099 = arith.index_cast %parallel_loop3A_1036 : i32 to index
        %parallel_loop3A_1100 = arith.constant 32 : index
        %parallel_loop3A_1101 = tpu.vector_load %parallel_loop3A_1098[%parallel_loop3A_1099, %parallel_loop3A_1100] {strides = array<i32>} : memref<40x128xf32, #tpu.memory_space<vmem>>, vector<1x16xf32>,
        %parallel_loop3A_1102 = vector.shape_cast %parallel_loop3A_1101 : vector<1x16xf32> to vector<16xf32>
        %parallel_loop3A_1103 = arith.addf %parallel_loop3A_1095, %parallel_loop3A_1102 : vector<16xf32>
        %parallel_loop3A_1104 = arith.constant 0.000000e+00 : f32
        %parallel_loop3A_1105 = vector.broadcast %parallel_loop3A_1104 : f32 to vector<16xf32>
        %parallel_loop3A_1106 = arith.maximumf %parallel_loop3A_1103, %parallel_loop3A_1105 : vector<16xf32>
        %parallel_loop3A_1107 = arith.constant 40 : i32
        %parallel_loop3A_1108 = arith.constant 0 : i32
        %parallel_loop3A_1109 = tpu.memref_slice %arg15[%parallel_loop3A_1107, %parallel_loop3A_1108] : memref<80x128xf32, #tpu.memory_space<vmem>> -> memref<40x128xf32, #tpu.memory_space<vmem>>
        %parallel_loop3A_1110 = arith.index_cast %parallel_loop3A_1036 : i32 to index
        %parallel_loop3A_1111 = arith.constant 32 : index
        %parallel_loop3A_1112 = tpu.vector_load %parallel_loop3A_1109[%parallel_loop3A_1110, %parallel_loop3A_1111] {strides = array<i32>} : memref<40x128xf32, #tpu.memory_space<vmem>>, vector<1x16xf32>,
        %parallel_loop3A_1113 = vector.shape_cast %parallel_loop3A_1112 : vector<1x16xf32> to vector<16xf32>
        %parallel_loop3A_1114 = vector.shape_cast %parallel_loop3A_1106 : vector<16xf32> to vector<1x16xf32>
        tpu.vector_store %parallel_loop3A_1109[%parallel_loop3A_1110, %parallel_loop3A_1111], %parallel_loop3A_1114 {strides = array<i32>} : memref<40x128xf32, #tpu.memory_space<vmem>>, vector<1x16xf32>,
        %parallel_loop3A_1115 = arith.constant 40 : i32
        %parallel_loop3A_1116 = arith.constant 0 : i32
        %parallel_loop3A_1117 = tpu.memref_slice %arg15[%parallel_loop3A_1115, %parallel_loop3A_1116] : memref<80x128xf32, #tpu.memory_space<vmem>> -> memref<40x128xf32, #tpu.memory_space<vmem>>
        %parallel_loop3A_1118 = arith.index_cast %parallel_loop3A_1036 : i32 to index
        %parallel_loop3A_1119 = arith.constant 48 : index
        %parallel_loop3A_1120 = tpu.vector_load %parallel_loop3A_1117[%parallel_loop3A_1118, %parallel_loop3A_1119] {strides = array<i32>} : memref<40x128xf32, #tpu.memory_space<vmem>>, vector<1x16xf32>,
        %parallel_loop3A_1121 = vector.shape_cast %parallel_loop3A_1120 : vector<1x16xf32> to vector<16xf32>
        %parallel_loop3A_1122 = arith.constant 40 : i32
        %parallel_loop3A_1123 = arith.constant 0 : i32
        %parallel_loop3A_1124 = tpu.memref_slice %arg17[%parallel_loop3A_1122, %parallel_loop3A_1123] : memref<80x128xf32, #tpu.memory_space<vmem>> -> memref<40x128xf32, #tpu.memory_space<vmem>>
        %parallel_loop3A_1125 = arith.index_cast %parallel_loop3A_1036 : i32 to index
        %parallel_loop3A_1126 = arith.constant 48 : index
        %parallel_loop3A_1127 = tpu.vector_load %parallel_loop3A_1124[%parallel_loop3A_1125, %parallel_loop3A_1126] {strides = array<i32>} : memref<40x128xf32, #tpu.memory_space<vmem>>, vector<1x16xf32>,
        %parallel_loop3A_1128 = vector.shape_cast %parallel_loop3A_1127 : vector<1x16xf32> to vector<16xf32>
        %parallel_loop3A_1129 = arith.addf %parallel_loop3A_1121, %parallel_loop3A_1128 : vector<16xf32>
        %parallel_loop3A_1130 = arith.constant 0.000000e+00 : f32
        %parallel_loop3A_1131 = vector.broadcast %parallel_loop3A_1130 : f32 to vector<16xf32>
        %parallel_loop3A_1132 = arith.maximumf %parallel_loop3A_1129, %parallel_loop3A_1131 : vector<16xf32>
        %parallel_loop3A_1133 = arith.constant 40 : i32
        %parallel_loop3A_1134 = arith.constant 0 : i32
        %parallel_loop3A_1135 = tpu.memref_slice %arg15[%parallel_loop3A_1133, %parallel_loop3A_1134] : memref<80x128xf32, #tpu.memory_space<vmem>> -> memref<40x128xf32, #tpu.memory_space<vmem>>
        %parallel_loop3A_1136 = arith.index_cast %parallel_loop3A_1036 : i32 to index
        %parallel_loop3A_1137 = arith.constant 48 : index
        %parallel_loop3A_1138 = tpu.vector_load %parallel_loop3A_1135[%parallel_loop3A_1136, %parallel_loop3A_1137] {strides = array<i32>} : memref<40x128xf32, #tpu.memory_space<vmem>>, vector<1x16xf32>,
        %parallel_loop3A_1139 = vector.shape_cast %parallel_loop3A_1138 : vector<1x16xf32> to vector<16xf32>
        %parallel_loop3A_1140 = vector.shape_cast %parallel_loop3A_1132 : vector<16xf32> to vector<1x16xf32>
        tpu.vector_store %parallel_loop3A_1135[%parallel_loop3A_1136, %parallel_loop3A_1137], %parallel_loop3A_1140 {strides = array<i32>} : memref<40x128xf32, #tpu.memory_space<vmem>>, vector<1x16xf32>,
        %parallel_loop3A_1141 = arith.constant 40 : i32
        %parallel_loop3A_1142 = arith.constant 0 : i32
        %parallel_loop3A_1143 = tpu.memref_slice %arg15[%parallel_loop3A_1141, %parallel_loop3A_1142] : memref<80x128xf32, #tpu.memory_space<vmem>> -> memref<40x128xf32, #tpu.memory_space<vmem>>
        %parallel_loop3A_1144 = arith.index_cast %parallel_loop3A_1036 : i32 to index
        %parallel_loop3A_1145 = arith.constant 64 : index
        %parallel_loop3A_1146 = tpu.vector_load %parallel_loop3A_1143[%parallel_loop3A_1144, %parallel_loop3A_1145] {strides = array<i32>} : memref<40x128xf32, #tpu.memory_space<vmem>>, vector<1x16xf32>,
        %parallel_loop3A_1147 = vector.shape_cast %parallel_loop3A_1146 : vector<1x16xf32> to vector<16xf32>
        %parallel_loop3A_1148 = arith.constant 40 : i32
        %parallel_loop3A_1149 = arith.constant 0 : i32
        %parallel_loop3A_1150 = tpu.memref_slice %arg17[%parallel_loop3A_1148, %parallel_loop3A_1149] : memref<80x128xf32, #tpu.memory_space<vmem>> -> memref<40x128xf32, #tpu.memory_space<vmem>>
        %parallel_loop3A_1151 = arith.index_cast %parallel_loop3A_1036 : i32 to index
        %parallel_loop3A_1152 = arith.constant 64 : index
        %parallel_loop3A_1153 = tpu.vector_load %parallel_loop3A_1150[%parallel_loop3A_1151, %parallel_loop3A_1152] {strides = array<i32>} : memref<40x128xf32, #tpu.memory_space<vmem>>, vector<1x16xf32>,
        %parallel_loop3A_1154 = vector.shape_cast %parallel_loop3A_1153 : vector<1x16xf32> to vector<16xf32>
        %parallel_loop3A_1155 = arith.addf %parallel_loop3A_1147, %parallel_loop3A_1154 : vector<16xf32>
        %parallel_loop3A_1156 = arith.constant 0.000000e+00 : f32
        %parallel_loop3A_1157 = vector.broadcast %parallel_loop3A_1156 : f32 to vector<16xf32>
        %parallel_loop3A_1158 = arith.maximumf %parallel_loop3A_1155, %parallel_loop3A_1157 : vector<16xf32>
        %parallel_loop3A_1159 = arith.constant 40 : i32
        %parallel_loop3A_1160 = arith.constant 0 : i32
        %parallel_loop3A_1161 = tpu.memref_slice %arg15[%parallel_loop3A_1159, %parallel_loop3A_1160] : memref<80x128xf32, #tpu.memory_space<vmem>> -> memref<40x128xf32, #tpu.memory_space<vmem>>
        %parallel_loop3A_1162 = arith.index_cast %parallel_loop3A_1036 : i32 to index
        %parallel_loop3A_1163 = arith.constant 64 : index
        %parallel_loop3A_1164 = tpu.vector_load %parallel_loop3A_1161[%parallel_loop3A_1162, %parallel_loop3A_1163] {strides = array<i32>} : memref<40x128xf32, #tpu.memory_space<vmem>>, vector<1x16xf32>,
        %parallel_loop3A_1165 = vector.shape_cast %parallel_loop3A_1164 : vector<1x16xf32> to vector<16xf32>
        %parallel_loop3A_1166 = vector.shape_cast %parallel_loop3A_1158 : vector<16xf32> to vector<1x16xf32>
        tpu.vector_store %parallel_loop3A_1161[%parallel_loop3A_1162, %parallel_loop3A_1163], %parallel_loop3A_1166 {strides = array<i32>} : memref<40x128xf32, #tpu.memory_space<vmem>>, vector<1x16xf32>,
        %parallel_loop3A_1167 = arith.constant 40 : i32
        %parallel_loop3A_1168 = arith.constant 0 : i32
        %parallel_loop3A_1169 = tpu.memref_slice %arg15[%parallel_loop3A_1167, %parallel_loop3A_1168] : memref<80x128xf32, #tpu.memory_space<vmem>> -> memref<40x128xf32, #tpu.memory_space<vmem>>
        %parallel_loop3A_1170 = arith.index_cast %parallel_loop3A_1036 : i32 to index
        %parallel_loop3A_1171 = arith.constant 80 : index
        %parallel_loop3A_1172 = tpu.vector_load %parallel_loop3A_1169[%parallel_loop3A_1170, %parallel_loop3A_1171] {strides = array<i32>} : memref<40x128xf32, #tpu.memory_space<vmem>>, vector<1x16xf32>,
        %parallel_loop3A_1173 = vector.shape_cast %parallel_loop3A_1172 : vector<1x16xf32> to vector<16xf32>
        %parallel_loop3A_1174 = arith.constant 40 : i32
        %parallel_loop3A_1175 = arith.constant 0 : i32
        %parallel_loop3A_1176 = tpu.memref_slice %arg17[%parallel_loop3A_1174, %parallel_loop3A_1175] : memref<80x128xf32, #tpu.memory_space<vmem>> -> memref<40x128xf32, #tpu.memory_space<vmem>>
        %parallel_loop3A_1177 = arith.index_cast %parallel_loop3A_1036 : i32 to index
        %parallel_loop3A_1178 = arith.constant 80 : index
        %parallel_loop3A_1179 = tpu.vector_load %parallel_loop3A_1176[%parallel_loop3A_1177, %parallel_loop3A_1178] {strides = array<i32>} : memref<40x128xf32, #tpu.memory_space<vmem>>, vector<1x16xf32>,
        %parallel_loop3A_1180 = vector.shape_cast %parallel_loop3A_1179 : vector<1x16xf32> to vector<16xf32>
        %parallel_loop3A_1181 = arith.addf %parallel_loop3A_1173, %parallel_loop3A_1180 : vector<16xf32>
        %parallel_loop3A_1182 = arith.constant 0.000000e+00 : f32
        %parallel_loop3A_1183 = vector.broadcast %parallel_loop3A_1182 : f32 to vector<16xf32>
        %parallel_loop3A_1184 = arith.maximumf %parallel_loop3A_1181, %parallel_loop3A_1183 : vector<16xf32>
        %parallel_loop3A_1185 = arith.constant 40 : i32
        %parallel_loop3A_1186 = arith.constant 0 : i32
        %parallel_loop3A_1187 = tpu.memref_slice %arg15[%parallel_loop3A_1185, %parallel_loop3A_1186] : memref<80x128xf32, #tpu.memory_space<vmem>> -> memref<40x128xf32, #tpu.memory_space<vmem>>
        %parallel_loop3A_1188 = arith.index_cast %parallel_loop3A_1036 : i32 to index
        %parallel_loop3A_1189 = arith.constant 80 : index
        %parallel_loop3A_1190 = tpu.vector_load %parallel_loop3A_1187[%parallel_loop3A_1188, %parallel_loop3A_1189] {strides = array<i32>} : memref<40x128xf32, #tpu.memory_space<vmem>>, vector<1x16xf32>,
        %parallel_loop3A_1191 = vector.shape_cast %parallel_loop3A_1190 : vector<1x16xf32> to vector<16xf32>
        %parallel_loop3A_1192 = vector.shape_cast %parallel_loop3A_1184 : vector<16xf32> to vector<1x16xf32>
        tpu.vector_store %parallel_loop3A_1187[%parallel_loop3A_1188, %parallel_loop3A_1189], %parallel_loop3A_1192 {strides = array<i32>} : memref<40x128xf32, #tpu.memory_space<vmem>>, vector<1x16xf32>,
        %parallel_loop3A_1193 = arith.constant 40 : i32
        %parallel_loop3A_1194 = arith.constant 0 : i32
        %parallel_loop3A_1195 = tpu.memref_slice %arg15[%parallel_loop3A_1193, %parallel_loop3A_1194] : memref<80x128xf32, #tpu.memory_space<vmem>> -> memref<40x128xf32, #tpu.memory_space<vmem>>
        %parallel_loop3A_1196 = arith.index_cast %parallel_loop3A_1036 : i32 to index
        %parallel_loop3A_1197 = arith.constant 96 : index
        %parallel_loop3A_1198 = tpu.vector_load %parallel_loop3A_1195[%parallel_loop3A_1196, %parallel_loop3A_1197] {strides = array<i32>} : memref<40x128xf32, #tpu.memory_space<vmem>>, vector<1x16xf32>,
        %parallel_loop3A_1199 = vector.shape_cast %parallel_loop3A_1198 : vector<1x16xf32> to vector<16xf32>
        %parallel_loop3A_1200 = arith.constant 40 : i32
        %parallel_loop3A_1201 = arith.constant 0 : i32
        %parallel_loop3A_1202 = tpu.memref_slice %arg17[%parallel_loop3A_1200, %parallel_loop3A_1201] : memref<80x128xf32, #tpu.memory_space<vmem>> -> memref<40x128xf32, #tpu.memory_space<vmem>>
        %parallel_loop3A_1203 = arith.index_cast %parallel_loop3A_1036 : i32 to index
        %parallel_loop3A_1204 = arith.constant 96 : index
        %parallel_loop3A_1205 = tpu.vector_load %parallel_loop3A_1202[%parallel_loop3A_1203, %parallel_loop3A_1204] {strides = array<i32>} : memref<40x128xf32, #tpu.memory_space<vmem>>, vector<1x16xf32>,
        %parallel_loop3A_1206 = vector.shape_cast %parallel_loop3A_1205 : vector<1x16xf32> to vector<16xf32>
        %parallel_loop3A_1207 = arith.addf %parallel_loop3A_1199, %parallel_loop3A_1206 : vector<16xf32>
        %parallel_loop3A_1208 = arith.constant 0.000000e+00 : f32
        %parallel_loop3A_1209 = vector.broadcast %parallel_loop3A_1208 : f32 to vector<16xf32>
        %parallel_loop3A_1210 = arith.maximumf %parallel_loop3A_1207, %parallel_loop3A_1209 : vector<16xf32>
        %parallel_loop3A_1211 = arith.constant 40 : i32
        %parallel_loop3A_1212 = arith.constant 0 : i32
        %parallel_loop3A_1213 = tpu.memref_slice %arg15[%parallel_loop3A_1211, %parallel_loop3A_1212] : memref<80x128xf32, #tpu.memory_space<vmem>> -> memref<40x128xf32, #tpu.memory_space<vmem>>
        %parallel_loop3A_1214 = arith.index_cast %parallel_loop3A_1036 : i32 to index
        %parallel_loop3A_1215 = arith.constant 96 : index
        %parallel_loop3A_1216 = tpu.vector_load %parallel_loop3A_1213[%parallel_loop3A_1214, %parallel_loop3A_1215] {strides = array<i32>} : memref<40x128xf32, #tpu.memory_space<vmem>>, vector<1x16xf32>,
        %parallel_loop3A_1217 = vector.shape_cast %parallel_loop3A_1216 : vector<1x16xf32> to vector<16xf32>
        %parallel_loop3A_1218 = vector.shape_cast %parallel_loop3A_1210 : vector<16xf32> to vector<1x16xf32>
        tpu.vector_store %parallel_loop3A_1213[%parallel_loop3A_1214, %parallel_loop3A_1215], %parallel_loop3A_1218 {strides = array<i32>} : memref<40x128xf32, #tpu.memory_space<vmem>>, vector<1x16xf32>,
        %parallel_loop3A_1219 = arith.constant 40 : i32
        %parallel_loop3A_1220 = arith.constant 0 : i32
        %parallel_loop3A_1221 = tpu.memref_slice %arg15[%parallel_loop3A_1219, %parallel_loop3A_1220] : memref<80x128xf32, #tpu.memory_space<vmem>> -> memref<40x128xf32, #tpu.memory_space<vmem>>
        %parallel_loop3A_1222 = arith.index_cast %parallel_loop3A_1036 : i32 to index
        %parallel_loop3A_1223 = arith.constant 112 : index
        %parallel_loop3A_1224 = tpu.vector_load %parallel_loop3A_1221[%parallel_loop3A_1222, %parallel_loop3A_1223] {strides = array<i32>} : memref<40x128xf32, #tpu.memory_space<vmem>>, vector<1x16xf32>,
        %parallel_loop3A_1225 = vector.shape_cast %parallel_loop3A_1224 : vector<1x16xf32> to vector<16xf32>
        %parallel_loop3A_1226 = arith.constant 40 : i32
        %parallel_loop3A_1227 = arith.constant 0 : i32
        %parallel_loop3A_1228 = tpu.memref_slice %arg17[%parallel_loop3A_1226, %parallel_loop3A_1227] : memref<80x128xf32, #tpu.memory_space<vmem>> -> memref<40x128xf32, #tpu.memory_space<vmem>>
        %parallel_loop3A_1229 = arith.index_cast %parallel_loop3A_1036 : i32 to index
        %parallel_loop3A_1230 = arith.constant 112 : index
        %parallel_loop3A_1231 = tpu.vector_load %parallel_loop3A_1228[%parallel_loop3A_1229, %parallel_loop3A_1230] {strides = array<i32>} : memref<40x128xf32, #tpu.memory_space<vmem>>, vector<1x16xf32>,
        %parallel_loop3A_1232 = vector.shape_cast %parallel_loop3A_1231 : vector<1x16xf32> to vector<16xf32>
        %parallel_loop3A_1233 = arith.addf %parallel_loop3A_1225, %parallel_loop3A_1232 : vector<16xf32>
        %parallel_loop3A_1234 = arith.constant 0.000000e+00 : f32
        %parallel_loop3A_1235 = vector.broadcast %parallel_loop3A_1234 : f32 to vector<16xf32>
        %parallel_loop3A_1236 = arith.maximumf %parallel_loop3A_1233, %parallel_loop3A_1235 : vector<16xf32>
        %parallel_loop3A_1237 = arith.constant 40 : i32
        %parallel_loop3A_1238 = arith.constant 0 : i32
        %parallel_loop3A_1239 = tpu.memref_slice %arg15[%parallel_loop3A_1237, %parallel_loop3A_1238] : memref<80x128xf32, #tpu.memory_space<vmem>> -> memref<40x128xf32, #tpu.memory_space<vmem>>
        %parallel_loop3A_1240 = arith.index_cast %parallel_loop3A_1036 : i32 to index
        %parallel_loop3A_1241 = arith.constant 112 : index
        %parallel_loop3A_1242 = tpu.vector_load %parallel_loop3A_1239[%parallel_loop3A_1240, %parallel_loop3A_1241] {strides = array<i32>} : memref<40x128xf32, #tpu.memory_space<vmem>>, vector<1x16xf32>,
        %parallel_loop3A_1243 = vector.shape_cast %parallel_loop3A_1242 : vector<1x16xf32> to vector<16xf32>
        %parallel_loop3A_1244 = vector.shape_cast %parallel_loop3A_1236 : vector<16xf32> to vector<1x16xf32>
        tpu.vector_store %parallel_loop3A_1239[%parallel_loop3A_1240, %parallel_loop3A_1241], %parallel_loop3A_1244 {strides = array<i32>} : memref<40x128xf32, #tpu.memory_space<vmem>>, vector<1x16xf32>,
      } {sc.loop_unroll_factor = 2 : i64, sc.parallel_access}
      %add3A_906 = arith.constant 2 : i32
      %add3A_907 = arith.addi %add3A_866, %add3A_906 : i32
      %lt3A_908 = arith.constant 250 : i32
      %lt3A_909 = arith.cmpi slt, %add3A_907, %lt3A_908 : i32
      %convert_element_type3A_910 = arith.extui %lt3A_909 : i1 to i32
      %cond3A_911 = arith.constant 0 : i32
      %cond3A_912 = arith.cmpi ne, %convert_element_type3A_910, %cond3A_911 : i32
      scf.if %cond3A_912 {
        %add3A_1036 = arith.constant 2 : i32
        %add3A_1037 = arith.addi %add3A_866, %add3A_1036 : i32
        %jit3A = arith.constant 2 : i32
        %div3A = arith.divsi %add3A_1037, %jit3A : i32
        %sign3A = arith.constant 0 : i32
        %sign3A_1038 = arith.cmpi sgt, %add3A_1037, %sign3A : i32
        %sign3A_1039 = arith.extui %sign3A_1038 : i1 to i32
        %sign3A_1040 = arith.constant 0 : i32
        %sign3A_1041 = arith.cmpi slt, %add3A_1037, %sign3A_1040 : i32
        %sign3A_1042 = arith.extui %sign3A_1041 : i1 to i32
        %sign3A_1043 = arith.subi %sign3A_1039, %sign3A_1042 : i32
        %sign3A_1044 = arith.constant 0 : i32
        %sign3A_1045 = arith.cmpi sgt, %jit3A, %sign3A_1044 : i32
        %sign3A_1046 = arith.extui %sign3A_1045 : i1 to i32
        %sign3A_1047 = arith.constant 0 : i32
        %sign3A_1048 = arith.cmpi slt, %jit3A, %sign3A_1047 : i32
        %sign3A_1049 = arith.extui %sign3A_1048 : i1 to i32
        %sign3A_1050 = arith.subi %sign3A_1046, %sign3A_1049 : i32
        %ne3A = arith.cmpi ne, %sign3A_1043, %sign3A_1050 : i32
        %rem3A = arith.remsi %add3A_1037, %jit3A : i32
        %ne3A_1051 = arith.constant 0 : i32
        %ne3A_1052 = arith.cmpi ne, %rem3A, %ne3A_1051 : i32
        %and3A_1053 = arith.andi %ne3A, %ne3A_1052 : i1
        %sub3A = arith.constant 1 : i32
        %sub3A_1054 = arith.subi %div3A, %sub3A : i32
        %select_n3A = arith.select %and3A_1053, %sub3A_1054, %div3A : i32
        %jit3A_1055 = arith.constant 2 : i32
        %eq3A_1056 = arith.constant 0 : i32
        %eq3A_1057 = arith.cmpi eq, %jit3A_1055, %eq3A_1056 : i32
        %jit3A_1058 = arith.constant 1 : i32
        %select_n3A_1059 = arith.select %eq3A_1057, %jit3A_1058, %jit3A_1055 : i32
        %rem3A_1060 = arith.remsi %add3A_1037, %select_n3A_1059 : i32
        %ne3A_1061 = arith.constant 0 : i32
        %ne3A_1062 = arith.cmpi ne, %rem3A_1060, %ne3A_1061 : i32
        %lt3A_1063 = arith.constant 0 : i32
        %lt3A_1064 = arith.cmpi slt, %rem3A_1060, %lt3A_1063 : i32
        %lt3A_1065 = arith.constant 0 : i32
        %lt3A_1066 = arith.cmpi slt, %select_n3A_1059, %lt3A_1065 : i32
        %ne3A_1067 = arith.xori %lt3A_1064, %lt3A_1066 : i1
        %and3A_1068 = arith.andi %ne3A_1067, %ne3A_1062 : i1
        %add3A_1069 = arith.addi %rem3A_1060, %select_n3A_1059 : i32
        %select_n3A_1070 = arith.select %and3A_1068, %add3A_1069, %rem3A_1060 : i32
        %mul3A_1071 = arith.constant 40 : i32
        %mul3A_1072 = arith.muli %select_n3A_1070, %mul3A_1071 : i32
        %dma_start3A_1073 = arith.constant 40 : i32
        %dma_start3A_1074 = arith.constant 0 : i32
        %dma_start3A_1075 = tpu.memref_slice %arg17[%dma_start3A_1073, %dma_start3A_1074] : memref<80x128xf32, #tpu.memory_space<vmem>> -> memref<40x128xf32, #tpu.memory_space<vmem>>
        %dma_start3A_1076 = arith.constant 0 : i32
        %dma_start3A_1077 = tpu.memref_slice %arg4[%add3A, %select_n3A, %mul3A_1072, %dma_start3A_1076] : memref<32x125x80x128xf32, #tpu.memory_space<hbm>> -> memref<1x1x40x128xf32, #tpu.memory_space<hbm>>
        %dma_start3A_1078 = tpu.memref_squeeze %dma_start3A_1077 : memref<1x1x40x128xf32, #tpu.memory_space<hbm>> -> memref<40x128xf32, #tpu.memory_space<hbm>>
        %dma_start3A_1079 = arith.constant 40 : i32
        %dma_start3A_1080 = arith.constant 0 : i32
        %dma_start3A_1081 = tpu.memref_slice %arg17[%dma_start3A_1079, %dma_start3A_1080] : memref<80x128xf32, #tpu.memory_space<vmem>> -> memref<40x128xf32, #tpu.memory_space<vmem>>
        %dma_start3A_1082 = arith.constant 0 : i32
        %dma_start3A_1083 = tpu.memref_slice %arg4[%add3A, %select_n3A, %mul3A_1072, %dma_start3A_1082] : memref<32x125x80x128xf32, #tpu.memory_space<hbm>> -> memref<1x1x40x128xf32, #tpu.memory_space<hbm>>
        %dma_start3A_1084 = tpu.memref_squeeze %dma_start3A_1083 : memref<1x1x40x128xf32, #tpu.memory_space<hbm>> -> memref<40x128xf32, #tpu.memory_space<hbm>>
        tpu.enqueue_dma source(%dma_start3A_1084 : memref<40x128xf32, #tpu.memory_space<hbm>>) target(%dma_start3A_1081 : memref<40x128xf32, #tpu.memory_space<vmem>>) target_semaphore(%arg31 : memref<!tpu.dma_semaphore, #tpu.memory_space<semaphore_mem>>)
      } else {
      }
      %dma_start3A_913 = arith.constant 40 : i32
      %dma_start3A_914 = arith.constant 0 : i32
      %dma_start3A_915 = tpu.memref_slice %arg15[%dma_start3A_913, %dma_start3A_914] : memref<80x128xf32, #tpu.memory_space<vmem>> -> memref<40x128xf32, #tpu.memory_space<vmem>>
      %dma_start3A_916 = arith.constant 0 : i32
      %dma_start3A_917 = tpu.memref_slice %arg12[%scan3A_326, %dma_start3A_916] : memref<6x40xi32, #tpu.memory_space<vmem>> -> memref<1x40xi32, #tpu.memory_space<vmem>>
      %dma_start3A_918 = tpu.memref_squeeze %dma_start3A_917 : memref<1x40xi32, #tpu.memory_space<vmem>> -> memref<40xi32, #tpu.memory_space<vmem>>
      %dma_start3A_919 = arith.constant 0 : i32
      %dma_start3A_920 = arith.constant 0 : i32
      %dma_start3A_921 = tpu.memref_slice %arg9[%dma_start3A_919, %dma_start3A_920] : memref<10008x128xf32, #tpu.memory_space<vmem_shared>> -> memref<10008x128xf32, #tpu.memory_space<vmem_shared>>
      tpu.enqueue_indirect_dma source(%dma_start3A_915 : memref<40x128xf32, #tpu.memory_space<vmem>>) target(%dma_start3A_921 : memref<10008x128xf32, #tpu.memory_space<vmem_shared>>) offsets(%dma_start3A_918 : memref<40xi32, #tpu.memory_space<vmem>>) semaphore(%arg25 : memref<!tpu.dma_semaphore, #tpu.memory_space<semaphore_mem>>) {add = true}
      %add3A_922 = arith.constant 2 : i32
      %add3A_923 = arith.addi %mul3A_808, %add3A_922 : i32
      %gt3A_924 = arith.constant 0 : i32
      %gt3A_925 = arith.cmpi sgt, %add3A_923, %gt3A_924 : i32
      %convert_element_type3A_926 = arith.extui %gt3A_925 : i1 to i32
      %cond3A_927 = arith.constant 0 : i32
      %cond3A_928 = arith.cmpi ne, %convert_element_type3A_926, %cond3A_927 : i32
      scf.if %cond3A_928 {
        %dma_wait3A_1036 = arith.constant 40 : i32
        %dma_wait3A_1037 = arith.constant 0 : i32
        %dma_wait3A_1038 = tpu.memref_slice %arg15[%dma_wait3A_1036, %dma_wait3A_1037] : memref<80x128xf32, #tpu.memory_space<vmem>> -> memref<40x128xf32, #tpu.memory_space<vmem>>
        %dma_wait3A_1039 = arith.constant 0 : i32
        %dma_wait3A_1040 = tpu.memref_slice %arg12[%scan3A_326, %dma_wait3A_1039] : memref<6x40xi32, #tpu.memory_space<vmem>> -> memref<1x40xi32, #tpu.memory_space<vmem>>
        %dma_wait3A_1041 = tpu.memref_squeeze %dma_wait3A_1040 : memref<1x40xi32, #tpu.memory_space<vmem>> -> memref<40xi32, #tpu.memory_space<vmem>>
        %dma_wait3A_1042 = arith.constant 0 : i32
        %dma_wait3A_1043 = arith.constant 0 : i32
        %dma_wait3A_1044 = tpu.memref_slice %arg9[%dma_wait3A_1042, %dma_wait3A_1043] : memref<10008x128xf32, #tpu.memory_space<vmem_shared>> -> memref<10008x128xf32, #tpu.memory_space<vmem_shared>>
        tpu.wait_indirect_dma semaphore(%arg25 : memref<!tpu.dma_semaphore, #tpu.memory_space<semaphore_mem>>) src(%dma_wait3A_1038 : memref<40x128xf32, #tpu.memory_space<vmem>>) dst(%dma_wait3A_1044 : memref<10008x128xf32, #tpu.memory_space<vmem_shared>>)
      } else {
      }
      %add3A_929 = arith.constant 3 : i32
      %add3A_930 = arith.addi %add3A_923, %add3A_929 : i32
      %lt3A_931 = arith.constant 250 : i32
      %lt3A_932 = arith.cmpi slt, %add3A_930, %lt3A_931 : i32
      %convert_element_type3A_933 = arith.extui %lt3A_932 : i1 to i32
      %cond3A_934 = arith.constant 0 : i32
      %cond3A_935 = arith.cmpi ne, %convert_element_type3A_933, %cond3A_934 : i32
      scf.if %cond3A_935 {
        %add3A_1036 = arith.constant 3 : i32
        %add3A_1037 = arith.addi %add3A_923, %add3A_1036 : i32
        %jit3A = arith.constant 2 : i32
        %div3A = arith.divsi %add3A_1037, %jit3A : i32
        %sign3A = arith.constant 0 : i32
        %sign3A_1038 = arith.cmpi sgt, %add3A_1037, %sign3A : i32
        %sign3A_1039 = arith.extui %sign3A_1038 : i1 to i32
        %sign3A_1040 = arith.constant 0 : i32
        %sign3A_1041 = arith.cmpi slt, %add3A_1037, %sign3A_1040 : i32
        %sign3A_1042 = arith.extui %sign3A_1041 : i1 to i32
        %sign3A_1043 = arith.subi %sign3A_1039, %sign3A_1042 : i32
        %sign3A_1044 = arith.constant 0 : i32
        %sign3A_1045 = arith.cmpi sgt, %jit3A, %sign3A_1044 : i32
        %sign3A_1046 = arith.extui %sign3A_1045 : i1 to i32
        %sign3A_1047 = arith.constant 0 : i32
        %sign3A_1048 = arith.cmpi slt, %jit3A, %sign3A_1047 : i32
        %sign3A_1049 = arith.extui %sign3A_1048 : i1 to i32
        %sign3A_1050 = arith.subi %sign3A_1046, %sign3A_1049 : i32
        %ne3A = arith.cmpi ne, %sign3A_1043, %sign3A_1050 : i32
        %rem3A = arith.remsi %add3A_1037, %jit3A : i32
        %ne3A_1051 = arith.constant 0 : i32
        %ne3A_1052 = arith.cmpi ne, %rem3A, %ne3A_1051 : i32
        %and3A_1053 = arith.andi %ne3A, %ne3A_1052 : i1
        %sub3A = arith.constant 1 : i32
        %sub3A_1054 = arith.subi %div3A, %sub3A : i32
        %select_n3A = arith.select %and3A_1053, %sub3A_1054, %div3A : i32
        %get3A_1055 = arith.index_cast %select_n3A : i32 to index
        %get3A_1056 = arith.constant 40 : index
        %get3A_1057 = tpu.vector_load %arg10[%get3A_1055, %get3A_1056] {strides = array<i32>} : memref<125x80xi32, #tpu.memory_space<vmem>>, vector<1x16xi32>,
        %get3A_1058 = vector.shape_cast %get3A_1057 : vector<1x16xi32> to vector<16xi32>
        %and3A_1059 = arith.constant 65535 : i32
        %and3A_1060 = vector.broadcast %and3A_1059 : i32 to vector<16xi32>
        %and3A_1061 = arith.andi %get3A_1058, %and3A_1060 : vector<16xi32>
        %swap3A_1062 = arith.constant 0 : i32
        %swap3A_1063 = tpu.memref_slice %arg11[%scan3A_325, %swap3A_1062] : memref<6x40xi32, #tpu.memory_space<vmem>> -> memref<1x40xi32, #tpu.memory_space<vmem>>
        %swap3A_1064 = tpu.memref_squeeze %swap3A_1063 : memref<1x40xi32, #tpu.memory_space<vmem>> -> memref<40xi32, #tpu.memory_space<vmem>>
        %swap3A_1065 = arith.constant 0 : index
        %swap3A_1066 = tpu.vector_load %swap3A_1064[%swap3A_1065] {strides = array<i32>} : memref<40xi32, #tpu.memory_space<vmem>>, vector<16xi32>,
        %swap3A_1067 = vector.shape_cast %swap3A_1066 : vector<16xi32> to vector<16xi32>
        %swap3A_1068 = vector.shape_cast %and3A_1061 : vector<16xi32> to vector<16xi32>
        tpu.vector_store %swap3A_1064[%swap3A_1065], %swap3A_1068 {strides = array<i32>} : memref<40xi32, #tpu.memory_space<vmem>>, vector<16xi32>,
        %shift_right_arithmetic3A_1069 = arith.constant 16 : i32
        %shift_right_arithmetic3A_1070 = vector.broadcast %shift_right_arithmetic3A_1069 : i32 to vector<16xi32>
        %shift_right_arithmetic3A_1071 = arith.shrsi %get3A_1058, %shift_right_arithmetic3A_1070 : vector<16xi32>
        %swap3A_1072 = arith.constant 0 : i32
        %swap3A_1073 = tpu.memref_slice %arg12[%scan3A_326, %swap3A_1072] : memref<6x40xi32, #tpu.memory_space<vmem>> -> memref<1x40xi32, #tpu.memory_space<vmem>>
        %swap3A_1074 = tpu.memref_squeeze %swap3A_1073 : memref<1x40xi32, #tpu.memory_space<vmem>> -> memref<40xi32, #tpu.memory_space<vmem>>
        %swap3A_1075 = arith.constant 0 : index
        %swap3A_1076 = tpu.vector_load %swap3A_1074[%swap3A_1075] {strides = array<i32>} : memref<40xi32, #tpu.memory_space<vmem>>, vector<16xi32>,
        %swap3A_1077 = vector.shape_cast %swap3A_1076 : vector<16xi32> to vector<16xi32>
        %swap3A_1078 = vector.shape_cast %shift_right_arithmetic3A_1071 : vector<16xi32> to vector<16xi32>
        tpu.vector_store %swap3A_1074[%swap3A_1075], %swap3A_1078 {strides = array<i32>} : memref<40xi32, #tpu.memory_space<vmem>>, vector<16xi32>,
        %get3A_1079 = arith.index_cast %select_n3A : i32 to index
        %get3A_1080 = arith.constant 56 : index
        %get3A_1081 = tpu.vector_load %arg10[%get3A_1079, %get3A_1080] {strides = array<i32>} : memref<125x80xi32, #tpu.memory_space<vmem>>, vector<1x16xi32>,
        %get3A_1082 = vector.shape_cast %get3A_1081 : vector<1x16xi32> to vector<16xi32>
        %and3A_1083 = arith.constant 65535 : i32
        %and3A_1084 = vector.broadcast %and3A_1083 : i32 to vector<16xi32>
        %and3A_1085 = arith.andi %get3A_1082, %and3A_1084 : vector<16xi32>
        %swap3A_1086 = arith.constant 0 : i32
        %swap3A_1087 = tpu.memref_slice %arg11[%scan3A_325, %swap3A_1086] : memref<6x40xi32, #tpu.memory_space<vmem>> -> memref<1x40xi32, #tpu.memory_space<vmem>>
        %swap3A_1088 = tpu.memref_squeeze %swap3A_1087 : memref<1x40xi32, #tpu.memory_space<vmem>> -> memref<40xi32, #tpu.memory_space<vmem>>
        %swap3A_1089 = arith.constant 16 : index
        %swap3A_1090 = tpu.vector_load %swap3A_1088[%swap3A_1089] {strides = array<i32>} : memref<40xi32, #tpu.memory_space<vmem>>, vector<16xi32>,
        %swap3A_1091 = vector.shape_cast %swap3A_1090 : vector<16xi32> to vector<16xi32>
        %swap3A_1092 = vector.shape_cast %and3A_1085 : vector<16xi32> to vector<16xi32>
        tpu.vector_store %swap3A_1088[%swap3A_1089], %swap3A_1092 {strides = array<i32>} : memref<40xi32, #tpu.memory_space<vmem>>, vector<16xi32>,
        %shift_right_arithmetic3A_1093 = arith.constant 16 : i32
        %shift_right_arithmetic3A_1094 = vector.broadcast %shift_right_arithmetic3A_1093 : i32 to vector<16xi32>
        %shift_right_arithmetic3A_1095 = arith.shrsi %get3A_1082, %shift_right_arithmetic3A_1094 : vector<16xi32>
        %swap3A_1096 = arith.constant 0 : i32
        %swap3A_1097 = tpu.memref_slice %arg12[%scan3A_326, %swap3A_1096] : memref<6x40xi32, #tpu.memory_space<vmem>> -> memref<1x40xi32, #tpu.memory_space<vmem>>
        %swap3A_1098 = tpu.memref_squeeze %swap3A_1097 : memref<1x40xi32, #tpu.memory_space<vmem>> -> memref<40xi32, #tpu.memory_space<vmem>>
        %swap3A_1099 = arith.constant 16 : index
        %swap3A_1100 = tpu.vector_load %swap3A_1098[%swap3A_1099] {strides = array<i32>} : memref<40xi32, #tpu.memory_space<vmem>>, vector<16xi32>,
        %swap3A_1101 = vector.shape_cast %swap3A_1100 : vector<16xi32> to vector<16xi32>
        %swap3A_1102 = vector.shape_cast %shift_right_arithmetic3A_1095 : vector<16xi32> to vector<16xi32>
        tpu.vector_store %swap3A_1098[%swap3A_1099], %swap3A_1102 {strides = array<i32>} : memref<40xi32, #tpu.memory_space<vmem>>, vector<16xi32>,
        %get3A_1103 = arith.index_cast %select_n3A : i32 to index
        %get3A_1104 = arith.constant 64 : index
        %get3A_1105 = tpu.vector_load %arg10[%get3A_1103, %get3A_1104] {strides = array<i32>} : memref<125x80xi32, #tpu.memory_space<vmem>>, vector<1x16xi32>,
        %get3A_1106 = vector.shape_cast %get3A_1105 : vector<1x16xi32> to vector<16xi32>
        %and3A_1107 = arith.constant 65535 : i32
        %and3A_1108 = vector.broadcast %and3A_1107 : i32 to vector<16xi32>
        %and3A_1109 = arith.andi %get3A_1106, %and3A_1108 : vector<16xi32>
        %swap3A_1110 = arith.constant 0 : i32
        %swap3A_1111 = tpu.memref_slice %arg11[%scan3A_325, %swap3A_1110] : memref<6x40xi32, #tpu.memory_space<vmem>> -> memref<1x40xi32, #tpu.memory_space<vmem>>
        %swap3A_1112 = tpu.memref_squeeze %swap3A_1111 : memref<1x40xi32, #tpu.memory_space<vmem>> -> memref<40xi32, #tpu.memory_space<vmem>>
        %swap3A_1113 = arith.constant 24 : index
        %swap3A_1114 = tpu.vector_load %swap3A_1112[%swap3A_1113] {strides = array<i32>} : memref<40xi32, #tpu.memory_space<vmem>>, vector<16xi32>,
        %swap3A_1115 = vector.shape_cast %swap3A_1114 : vector<16xi32> to vector<16xi32>
        %swap3A_1116 = vector.shape_cast %and3A_1109 : vector<16xi32> to vector<16xi32>
        tpu.vector_store %swap3A_1112[%swap3A_1113], %swap3A_1116 {strides = array<i32>} : memref<40xi32, #tpu.memory_space<vmem>>, vector<16xi32>,
        %shift_right_arithmetic3A_1117 = arith.constant 16 : i32
        %shift_right_arithmetic3A_1118 = vector.broadcast %shift_right_arithmetic3A_1117 : i32 to vector<16xi32>
        %shift_right_arithmetic3A_1119 = arith.shrsi %get3A_1106, %shift_right_arithmetic3A_1118 : vector<16xi32>
        %swap3A_1120 = arith.constant 0 : i32
        %swap3A_1121 = tpu.memref_slice %arg12[%scan3A_326, %swap3A_1120] : memref<6x40xi32, #tpu.memory_space<vmem>> -> memref<1x40xi32, #tpu.memory_space<vmem>>
        %swap3A_1122 = tpu.memref_squeeze %swap3A_1121 : memref<1x40xi32, #tpu.memory_space<vmem>> -> memref<40xi32, #tpu.memory_space<vmem>>
        %swap3A_1123 = arith.constant 24 : index
        %swap3A_1124 = tpu.vector_load %swap3A_1122[%swap3A_1123] {strides = array<i32>} : memref<40xi32, #tpu.memory_space<vmem>>, vector<16xi32>,
        %swap3A_1125 = vector.shape_cast %swap3A_1124 : vector<16xi32> to vector<16xi32>
        %swap3A_1126 = vector.shape_cast %shift_right_arithmetic3A_1119 : vector<16xi32> to vector<16xi32>
        tpu.vector_store %swap3A_1122[%swap3A_1123], %swap3A_1126 {strides = array<i32>} : memref<40xi32, #tpu.memory_space<vmem>>, vector<16xi32>,
        %dma_start3A_1127 = arith.constant 40 : i32
        %dma_start3A_1128 = arith.constant 0 : i32
        %dma_start3A_1129 = tpu.memref_slice %arg15[%dma_start3A_1127, %dma_start3A_1128] : memref<80x128xf32, #tpu.memory_space<vmem>> -> memref<40x128xf32, #tpu.memory_space<vmem>>
        %dma_start3A_1130 = arith.constant 0 : i32
        %dma_start3A_1131 = tpu.memref_slice %arg11[%scan3A_325, %dma_start3A_1130] : memref<6x40xi32, #tpu.memory_space<vmem>> -> memref<1x40xi32, #tpu.memory_space<vmem>>
        %dma_start3A_1132 = tpu.memref_squeeze %dma_start3A_1131 : memref<1x40xi32, #tpu.memory_space<vmem>> -> memref<40xi32, #tpu.memory_space<vmem>>
        %dma_start3A_1133 = arith.constant 0 : i32
        %dma_start3A_1134 = arith.constant 0 : i32
        %dma_start3A_1135 = tpu.memref_slice %arg2[%dma_start3A_1133, %dma_start3A_1134] : memref<10000x128xf32, #tpu.memory_space<hbm>> -> memref<10000x128xf32, #tpu.memory_space<hbm>>
        tpu.enqueue_indirect_dma source(%dma_start3A_1135 : memref<10000x128xf32, #tpu.memory_space<hbm>>) target(%dma_start3A_1129 : memref<40x128xf32, #tpu.memory_space<vmem>>) offsets(%dma_start3A_1132 : memref<40xi32, #tpu.memory_space<vmem>>) semaphore(%arg19 : memref<!tpu.dma_semaphore, #tpu.memory_space<semaphore_mem>>)
      } else {
      }
      %dma_wait3A_936 = arith.constant 0 : i32
      %dma_wait3A_937 = arith.constant 0 : i32
      %dma_wait3A_938 = tpu.memref_slice %arg16[%dma_wait3A_936, %dma_wait3A_937] : memref<80x128xf32, #tpu.memory_space<vmem>> -> memref<40x128xf32, #tpu.memory_space<vmem>>
      %dma_wait3A_939 = arith.constant 0 : i32
      %dma_wait3A_940 = tpu.memref_slice %arg11[%scan3A_327, %dma_wait3A_939] : memref<6x40xi32, #tpu.memory_space<vmem>> -> memref<1x40xi32, #tpu.memory_space<vmem>>
      %dma_wait3A_941 = tpu.memref_squeeze %dma_wait3A_940 : memref<1x40xi32, #tpu.memory_space<vmem>> -> memref<40xi32, #tpu.memory_space<vmem>>
      %dma_wait3A_942 = arith.constant 0 : i32
      %dma_wait3A_943 = arith.constant 0 : i32
      %dma_wait3A_944 = tpu.memref_slice %arg2[%dma_wait3A_942, %dma_wait3A_943] : memref<10000x128xf32, #tpu.memory_space<hbm>> -> memref<10000x128xf32, #tpu.memory_space<hbm>>
      tpu.wait_indirect_dma semaphore(%arg20 : memref<!tpu.dma_semaphore, #tpu.memory_space<semaphore_mem>>) src(%dma_wait3A_944 : memref<10000x128xf32, #tpu.memory_space<hbm>>) dst(%dma_wait3A_938 : memref<40x128xf32, #tpu.memory_space<vmem>>)
      %dma_wait3A_945 = arith.constant 0 : i32
      %dma_wait3A_946 = arith.constant 0 : i32
      %dma_wait3A_947 = arith.constant 0 : i32
      %dma_wait3A_948 = tpu.memref_slice %arg17[%dma_wait3A_946, %dma_wait3A_947] : memref<80x128xf32, #tpu.memory_space<vmem>> -> memref<40x128xf32, #tpu.memory_space<vmem>>
      %dma_wait3A_949 = arith.constant 0 : i32
      %dma_wait3A_950 = arith.constant 0 : i32
      %dma_wait3A_951 = tpu.memref_slice %arg4[%add3A, %dma_wait3A_945, %dma_wait3A_949, %dma_wait3A_950] : memref<32x125x80x128xf32, #tpu.memory_space<hbm>> -> memref<1x1x40x128xf32, #tpu.memory_space<hbm>>
      %dma_wait3A_952 = tpu.memref_squeeze %dma_wait3A_951 : memref<1x1x40x128xf32, #tpu.memory_space<hbm>> -> memref<40x128xf32, #tpu.memory_space<hbm>>
      %dma_wait3A_953 = arith.constant 0 : i32
      %dma_wait3A_954 = arith.constant 0 : i32
      %dma_wait3A_955 = tpu.memref_slice %arg17[%dma_wait3A_953, %dma_wait3A_954] : memref<80x128xf32, #tpu.memory_space<vmem>> -> memref<40x128xf32, #tpu.memory_space<vmem>>
      %dma_wait3A_956 = arith.constant 0 : i32
      %dma_wait3A_957 = arith.constant 0 : i32
      %dma_wait3A_958 = tpu.memref_slice %arg4[%add3A, %dma_wait3A_945, %dma_wait3A_956, %dma_wait3A_957] : memref<32x125x80x128xf32, #tpu.memory_space<hbm>> -> memref<1x1x40x128xf32, #tpu.memory_space<hbm>>
      %dma_wait3A_959 = tpu.memref_squeeze %dma_wait3A_958 : memref<1x1x40x128xf32, #tpu.memory_space<hbm>> -> memref<40x128xf32, #tpu.memory_space<hbm>>
      tpu.wait_dma2 semaphore(%arg30 : memref<!tpu.dma_semaphore, #tpu.memory_space<semaphore_mem>>) src(%dma_wait3A_959 : memref<40x128xf32, #tpu.memory_space<hbm>>) dst(%dma_wait3A_955 : memref<40x128xf32, #tpu.memory_space<vmem>>)
      %parallel_loop3A_960 = arith.constant 0 : i32
      %parallel_loop3A_961 = arith.constant 40 : i32
      %parallel_loop3A_962 = arith.constant 1 : i32
      scf.for %parallel_loop3A_1036 = %parallel_loop3A_960 to %parallel_loop3A_961 step %parallel_loop3A_962  : i32 {
        %parallel_loop3A_1037 = arith.constant 0 : i32
        %parallel_loop3A_1038 = arith.constant 0 : i32
        %parallel_loop3A_1039 = tpu.memref_slice %arg16[%parallel_loop3A_1037, %parallel_loop3A_1038] : memref<80x128xf32, #tpu.memory_space<vmem>> -> memref<40x128xf32, #tpu.memory_space<vmem>>
        %parallel_loop3A_1040 = arith.index_cast %parallel_loop3A_1036 : i32 to index
        %parallel_loop3A_1041 = arith.constant 0 : index
        %parallel_loop3A_1042 = tpu.vector_load %parallel_loop3A_1039[%parallel_loop3A_1040, %parallel_loop3A_1041] {strides = array<i32>} : memref<40x128xf32, #tpu.memory_space<vmem>>, vector<1x16xf32>,
        %parallel_loop3A_1043 = vector.shape_cast %parallel_loop3A_1042 : vector<1x16xf32> to vector<16xf32>
        %parallel_loop3A_1044 = arith.constant 0 : i32
        %parallel_loop3A_1045 = arith.constant 0 : i32
        %parallel_loop3A_1046 = tpu.memref_slice %arg17[%parallel_loop3A_1044, %parallel_loop3A_1045] : memref<80x128xf32, #tpu.memory_space<vmem>> -> memref<40x128xf32, #tpu.memory_space<vmem>>
        %parallel_loop3A_1047 = arith.index_cast %parallel_loop3A_1036 : i32 to index
        %parallel_loop3A_1048 = arith.constant 0 : index
        %parallel_loop3A_1049 = tpu.vector_load %parallel_loop3A_1046[%parallel_loop3A_1047, %parallel_loop3A_1048] {strides = array<i32>} : memref<40x128xf32, #tpu.memory_space<vmem>>, vector<1x16xf32>,
        %parallel_loop3A_1050 = vector.shape_cast %parallel_loop3A_1049 : vector<1x16xf32> to vector<16xf32>
        %parallel_loop3A_1051 = arith.addf %parallel_loop3A_1043, %parallel_loop3A_1050 : vector<16xf32>
        %parallel_loop3A_1052 = arith.constant 0.000000e+00 : f32
        %parallel_loop3A_1053 = vector.broadcast %parallel_loop3A_1052 : f32 to vector<16xf32>
        %parallel_loop3A_1054 = arith.maximumf %parallel_loop3A_1051, %parallel_loop3A_1053 : vector<16xf32>
        %parallel_loop3A_1055 = arith.constant 0 : i32
        %parallel_loop3A_1056 = arith.constant 0 : i32
        %parallel_loop3A_1057 = tpu.memref_slice %arg16[%parallel_loop3A_1055, %parallel_loop3A_1056] : memref<80x128xf32, #tpu.memory_space<vmem>> -> memref<40x128xf32, #tpu.memory_space<vmem>>
        %parallel_loop3A_1058 = arith.index_cast %parallel_loop3A_1036 : i32 to index
        %parallel_loop3A_1059 = arith.constant 0 : index
        %parallel_loop3A_1060 = tpu.vector_load %parallel_loop3A_1057[%parallel_loop3A_1058, %parallel_loop3A_1059] {strides = array<i32>} : memref<40x128xf32, #tpu.memory_space<vmem>>, vector<1x16xf32>,
        %parallel_loop3A_1061 = vector.shape_cast %parallel_loop3A_1060 : vector<1x16xf32> to vector<16xf32>
        %parallel_loop3A_1062 = vector.shape_cast %parallel_loop3A_1054 : vector<16xf32> to vector<1x16xf32>
        tpu.vector_store %parallel_loop3A_1057[%parallel_loop3A_1058, %parallel_loop3A_1059], %parallel_loop3A_1062 {strides = array<i32>} : memref<40x128xf32, #tpu.memory_space<vmem>>, vector<1x16xf32>,
        %parallel_loop3A_1063 = arith.constant 0 : i32
        %parallel_loop3A_1064 = arith.constant 0 : i32
        %parallel_loop3A_1065 = tpu.memref_slice %arg16[%parallel_loop3A_1063, %parallel_loop3A_1064] : memref<80x128xf32, #tpu.memory_space<vmem>> -> memref<40x128xf32, #tpu.memory_space<vmem>>
        %parallel_loop3A_1066 = arith.index_cast %parallel_loop3A_1036 : i32 to index
        %parallel_loop3A_1067 = arith.constant 16 : index
        %parallel_loop3A_1068 = tpu.vector_load %parallel_loop3A_1065[%parallel_loop3A_1066, %parallel_loop3A_1067] {strides = array<i32>} : memref<40x128xf32, #tpu.memory_space<vmem>>, vector<1x16xf32>,
        %parallel_loop3A_1069 = vector.shape_cast %parallel_loop3A_1068 : vector<1x16xf32> to vector<16xf32>
        %parallel_loop3A_1070 = arith.constant 0 : i32
        %parallel_loop3A_1071 = arith.constant 0 : i32
        %parallel_loop3A_1072 = tpu.memref_slice %arg17[%parallel_loop3A_1070, %parallel_loop3A_1071] : memref<80x128xf32, #tpu.memory_space<vmem>> -> memref<40x128xf32, #tpu.memory_space<vmem>>
        %parallel_loop3A_1073 = arith.index_cast %parallel_loop3A_1036 : i32 to index
        %parallel_loop3A_1074 = arith.constant 16 : index
        %parallel_loop3A_1075 = tpu.vector_load %parallel_loop3A_1072[%parallel_loop3A_1073, %parallel_loop3A_1074] {strides = array<i32>} : memref<40x128xf32, #tpu.memory_space<vmem>>, vector<1x16xf32>,
        %parallel_loop3A_1076 = vector.shape_cast %parallel_loop3A_1075 : vector<1x16xf32> to vector<16xf32>
        %parallel_loop3A_1077 = arith.addf %parallel_loop3A_1069, %parallel_loop3A_1076 : vector<16xf32>
        %parallel_loop3A_1078 = arith.constant 0.000000e+00 : f32
        %parallel_loop3A_1079 = vector.broadcast %parallel_loop3A_1078 : f32 to vector<16xf32>
        %parallel_loop3A_1080 = arith.maximumf %parallel_loop3A_1077, %parallel_loop3A_1079 : vector<16xf32>
        %parallel_loop3A_1081 = arith.constant 0 : i32
        %parallel_loop3A_1082 = arith.constant 0 : i32
        %parallel_loop3A_1083 = tpu.memref_slice %arg16[%parallel_loop3A_1081, %parallel_loop3A_1082] : memref<80x128xf32, #tpu.memory_space<vmem>> -> memref<40x128xf32, #tpu.memory_space<vmem>>
        %parallel_loop3A_1084 = arith.index_cast %parallel_loop3A_1036 : i32 to index
        %parallel_loop3A_1085 = arith.constant 16 : index
        %parallel_loop3A_1086 = tpu.vector_load %parallel_loop3A_1083[%parallel_loop3A_1084, %parallel_loop3A_1085] {strides = array<i32>} : memref<40x128xf32, #tpu.memory_space<vmem>>, vector<1x16xf32>,
        %parallel_loop3A_1087 = vector.shape_cast %parallel_loop3A_1086 : vector<1x16xf32> to vector<16xf32>
        %parallel_loop3A_1088 = vector.shape_cast %parallel_loop3A_1080 : vector<16xf32> to vector<1x16xf32>
        tpu.vector_store %parallel_loop3A_1083[%parallel_loop3A_1084, %parallel_loop3A_1085], %parallel_loop3A_1088 {strides = array<i32>} : memref<40x128xf32, #tpu.memory_space<vmem>>, vector<1x16xf32>,
        %parallel_loop3A_1089 = arith.constant 0 : i32
        %parallel_loop3A_1090 = arith.constant 0 : i32
        %parallel_loop3A_1091 = tpu.memref_slice %arg16[%parallel_loop3A_1089, %parallel_loop3A_1090] : memref<80x128xf32, #tpu.memory_space<vmem>> -> memref<40x128xf32, #tpu.memory_space<vmem>>
        %parallel_loop3A_1092 = arith.index_cast %parallel_loop3A_1036 : i32 to index
        %parallel_loop3A_1093 = arith.constant 32 : index
        %parallel_loop3A_1094 = tpu.vector_load %parallel_loop3A_1091[%parallel_loop3A_1092, %parallel_loop3A_1093] {strides = array<i32>} : memref<40x128xf32, #tpu.memory_space<vmem>>, vector<1x16xf32>,
        %parallel_loop3A_1095 = vector.shape_cast %parallel_loop3A_1094 : vector<1x16xf32> to vector<16xf32>
        %parallel_loop3A_1096 = arith.constant 0 : i32
        %parallel_loop3A_1097 = arith.constant 0 : i32
        %parallel_loop3A_1098 = tpu.memref_slice %arg17[%parallel_loop3A_1096, %parallel_loop3A_1097] : memref<80x128xf32, #tpu.memory_space<vmem>> -> memref<40x128xf32, #tpu.memory_space<vmem>>
        %parallel_loop3A_1099 = arith.index_cast %parallel_loop3A_1036 : i32 to index
        %parallel_loop3A_1100 = arith.constant 32 : index
        %parallel_loop3A_1101 = tpu.vector_load %parallel_loop3A_1098[%parallel_loop3A_1099, %parallel_loop3A_1100] {strides = array<i32>} : memref<40x128xf32, #tpu.memory_space<vmem>>, vector<1x16xf32>,
        %parallel_loop3A_1102 = vector.shape_cast %parallel_loop3A_1101 : vector<1x16xf32> to vector<16xf32>
        %parallel_loop3A_1103 = arith.addf %parallel_loop3A_1095, %parallel_loop3A_1102 : vector<16xf32>
        %parallel_loop3A_1104 = arith.constant 0.000000e+00 : f32
        %parallel_loop3A_1105 = vector.broadcast %parallel_loop3A_1104 : f32 to vector<16xf32>
        %parallel_loop3A_1106 = arith.maximumf %parallel_loop3A_1103, %parallel_loop3A_1105 : vector<16xf32>
        %parallel_loop3A_1107 = arith.constant 0 : i32
        %parallel_loop3A_1108 = arith.constant 0 : i32
        %parallel_loop3A_1109 = tpu.memref_slice %arg16[%parallel_loop3A_1107, %parallel_loop3A_1108] : memref<80x128xf32, #tpu.memory_space<vmem>> -> memref<40x128xf32, #tpu.memory_space<vmem>>
        %parallel_loop3A_1110 = arith.index_cast %parallel_loop3A_1036 : i32 to index
        %parallel_loop3A_1111 = arith.constant 32 : index
        %parallel_loop3A_1112 = tpu.vector_load %parallel_loop3A_1109[%parallel_loop3A_1110, %parallel_loop3A_1111] {strides = array<i32>} : memref<40x128xf32, #tpu.memory_space<vmem>>, vector<1x16xf32>,
        %parallel_loop3A_1113 = vector.shape_cast %parallel_loop3A_1112 : vector<1x16xf32> to vector<16xf32>
        %parallel_loop3A_1114 = vector.shape_cast %parallel_loop3A_1106 : vector<16xf32> to vector<1x16xf32>
        tpu.vector_store %parallel_loop3A_1109[%parallel_loop3A_1110, %parallel_loop3A_1111], %parallel_loop3A_1114 {strides = array<i32>} : memref<40x128xf32, #tpu.memory_space<vmem>>, vector<1x16xf32>,
        %parallel_loop3A_1115 = arith.constant 0 : i32
        %parallel_loop3A_1116 = arith.constant 0 : i32
        %parallel_loop3A_1117 = tpu.memref_slice %arg16[%parallel_loop3A_1115, %parallel_loop3A_1116] : memref<80x128xf32, #tpu.memory_space<vmem>> -> memref<40x128xf32, #tpu.memory_space<vmem>>
        %parallel_loop3A_1118 = arith.index_cast %parallel_loop3A_1036 : i32 to index
        %parallel_loop3A_1119 = arith.constant 48 : index
        %parallel_loop3A_1120 = tpu.vector_load %parallel_loop3A_1117[%parallel_loop3A_1118, %parallel_loop3A_1119] {strides = array<i32>} : memref<40x128xf32, #tpu.memory_space<vmem>>, vector<1x16xf32>,
        %parallel_loop3A_1121 = vector.shape_cast %parallel_loop3A_1120 : vector<1x16xf32> to vector<16xf32>
        %parallel_loop3A_1122 = arith.constant 0 : i32
        %parallel_loop3A_1123 = arith.constant 0 : i32
        %parallel_loop3A_1124 = tpu.memref_slice %arg17[%parallel_loop3A_1122, %parallel_loop3A_1123] : memref<80x128xf32, #tpu.memory_space<vmem>> -> memref<40x128xf32, #tpu.memory_space<vmem>>
        %parallel_loop3A_1125 = arith.index_cast %parallel_loop3A_1036 : i32 to index
        %parallel_loop3A_1126 = arith.constant 48 : index
        %parallel_loop3A_1127 = tpu.vector_load %parallel_loop3A_1124[%parallel_loop3A_1125, %parallel_loop3A_1126] {strides = array<i32>} : memref<40x128xf32, #tpu.memory_space<vmem>>, vector<1x16xf32>,
        %parallel_loop3A_1128 = vector.shape_cast %parallel_loop3A_1127 : vector<1x16xf32> to vector<16xf32>
        %parallel_loop3A_1129 = arith.addf %parallel_loop3A_1121, %parallel_loop3A_1128 : vector<16xf32>
        %parallel_loop3A_1130 = arith.constant 0.000000e+00 : f32
        %parallel_loop3A_1131 = vector.broadcast %parallel_loop3A_1130 : f32 to vector<16xf32>
        %parallel_loop3A_1132 = arith.maximumf %parallel_loop3A_1129, %parallel_loop3A_1131 : vector<16xf32>
        %parallel_loop3A_1133 = arith.constant 0 : i32
        %parallel_loop3A_1134 = arith.constant 0 : i32
        %parallel_loop3A_1135 = tpu.memref_slice %arg16[%parallel_loop3A_1133, %parallel_loop3A_1134] : memref<80x128xf32, #tpu.memory_space<vmem>> -> memref<40x128xf32, #tpu.memory_space<vmem>>
        %parallel_loop3A_1136 = arith.index_cast %parallel_loop3A_1036 : i32 to index
        %parallel_loop3A_1137 = arith.constant 48 : index
        %parallel_loop3A_1138 = tpu.vector_load %parallel_loop3A_1135[%parallel_loop3A_1136, %parallel_loop3A_1137] {strides = array<i32>} : memref<40x128xf32, #tpu.memory_space<vmem>>, vector<1x16xf32>,
        %parallel_loop3A_1139 = vector.shape_cast %parallel_loop3A_1138 : vector<1x16xf32> to vector<16xf32>
        %parallel_loop3A_1140 = vector.shape_cast %parallel_loop3A_1132 : vector<16xf32> to vector<1x16xf32>
        tpu.vector_store %parallel_loop3A_1135[%parallel_loop3A_1136, %parallel_loop3A_1137], %parallel_loop3A_1140 {strides = array<i32>} : memref<40x128xf32, #tpu.memory_space<vmem>>, vector<1x16xf32>,
        %parallel_loop3A_1141 = arith.constant 0 : i32
        %parallel_loop3A_1142 = arith.constant 0 : i32
        %parallel_loop3A_1143 = tpu.memref_slice %arg16[%parallel_loop3A_1141, %parallel_loop3A_1142] : memref<80x128xf32, #tpu.memory_space<vmem>> -> memref<40x128xf32, #tpu.memory_space<vmem>>
        %parallel_loop3A_1144 = arith.index_cast %parallel_loop3A_1036 : i32 to index
        %parallel_loop3A_1145 = arith.constant 64 : index
        %parallel_loop3A_1146 = tpu.vector_load %parallel_loop3A_1143[%parallel_loop3A_1144, %parallel_loop3A_1145] {strides = array<i32>} : memref<40x128xf32, #tpu.memory_space<vmem>>, vector<1x16xf32>,
        %parallel_loop3A_1147 = vector.shape_cast %parallel_loop3A_1146 : vector<1x16xf32> to vector<16xf32>
        %parallel_loop3A_1148 = arith.constant 0 : i32
        %parallel_loop3A_1149 = arith.constant 0 : i32
        %parallel_loop3A_1150 = tpu.memref_slice %arg17[%parallel_loop3A_1148, %parallel_loop3A_1149] : memref<80x128xf32, #tpu.memory_space<vmem>> -> memref<40x128xf32, #tpu.memory_space<vmem>>
        %parallel_loop3A_1151 = arith.index_cast %parallel_loop3A_1036 : i32 to index
        %parallel_loop3A_1152 = arith.constant 64 : index
        %parallel_loop3A_1153 = tpu.vector_load %parallel_loop3A_1150[%parallel_loop3A_1151, %parallel_loop3A_1152] {strides = array<i32>} : memref<40x128xf32, #tpu.memory_space<vmem>>, vector<1x16xf32>,
        %parallel_loop3A_1154 = vector.shape_cast %parallel_loop3A_1153 : vector<1x16xf32> to vector<16xf32>
        %parallel_loop3A_1155 = arith.addf %parallel_loop3A_1147, %parallel_loop3A_1154 : vector<16xf32>
        %parallel_loop3A_1156 = arith.constant 0.000000e+00 : f32
        %parallel_loop3A_1157 = vector.broadcast %parallel_loop3A_1156 : f32 to vector<16xf32>
        %parallel_loop3A_1158 = arith.maximumf %parallel_loop3A_1155, %parallel_loop3A_1157 : vector<16xf32>
        %parallel_loop3A_1159 = arith.constant 0 : i32
        %parallel_loop3A_1160 = arith.constant 0 : i32
        %parallel_loop3A_1161 = tpu.memref_slice %arg16[%parallel_loop3A_1159, %parallel_loop3A_1160] : memref<80x128xf32, #tpu.memory_space<vmem>> -> memref<40x128xf32, #tpu.memory_space<vmem>>
        %parallel_loop3A_1162 = arith.index_cast %parallel_loop3A_1036 : i32 to index
        %parallel_loop3A_1163 = arith.constant 64 : index
        %parallel_loop3A_1164 = tpu.vector_load %parallel_loop3A_1161[%parallel_loop3A_1162, %parallel_loop3A_1163] {strides = array<i32>} : memref<40x128xf32, #tpu.memory_space<vmem>>, vector<1x16xf32>,
        %parallel_loop3A_1165 = vector.shape_cast %parallel_loop3A_1164 : vector<1x16xf32> to vector<16xf32>
        %parallel_loop3A_1166 = vector.shape_cast %parallel_loop3A_1158 : vector<16xf32> to vector<1x16xf32>
        tpu.vector_store %parallel_loop3A_1161[%parallel_loop3A_1162, %parallel_loop3A_1163], %parallel_loop3A_1166 {strides = array<i32>} : memref<40x128xf32, #tpu.memory_space<vmem>>, vector<1x16xf32>,
        %parallel_loop3A_1167 = arith.constant 0 : i32
        %parallel_loop3A_1168 = arith.constant 0 : i32
        %parallel_loop3A_1169 = tpu.memref_slice %arg16[%parallel_loop3A_1167, %parallel_loop3A_1168] : memref<80x128xf32, #tpu.memory_space<vmem>> -> memref<40x128xf32, #tpu.memory_space<vmem>>
        %parallel_loop3A_1170 = arith.index_cast %parallel_loop3A_1036 : i32 to index
        %parallel_loop3A_1171 = arith.constant 80 : index
        %parallel_loop3A_1172 = tpu.vector_load %parallel_loop3A_1169[%parallel_loop3A_1170, %parallel_loop3A_1171] {strides = array<i32>} : memref<40x128xf32, #tpu.memory_space<vmem>>, vector<1x16xf32>,
        %parallel_loop3A_1173 = vector.shape_cast %parallel_loop3A_1172 : vector<1x16xf32> to vector<16xf32>
        %parallel_loop3A_1174 = arith.constant 0 : i32
        %parallel_loop3A_1175 = arith.constant 0 : i32
        %parallel_loop3A_1176 = tpu.memref_slice %arg17[%parallel_loop3A_1174, %parallel_loop3A_1175] : memref<80x128xf32, #tpu.memory_space<vmem>> -> memref<40x128xf32, #tpu.memory_space<vmem>>
        %parallel_loop3A_1177 = arith.index_cast %parallel_loop3A_1036 : i32 to index
        %parallel_loop3A_1178 = arith.constant 80 : index
        %parallel_loop3A_1179 = tpu.vector_load %parallel_loop3A_1176[%parallel_loop3A_1177, %parallel_loop3A_1178] {strides = array<i32>} : memref<40x128xf32, #tpu.memory_space<vmem>>, vector<1x16xf32>,
        %parallel_loop3A_1180 = vector.shape_cast %parallel_loop3A_1179 : vector<1x16xf32> to vector<16xf32>
        %parallel_loop3A_1181 = arith.addf %parallel_loop3A_1173, %parallel_loop3A_1180 : vector<16xf32>
        %parallel_loop3A_1182 = arith.constant 0.000000e+00 : f32
        %parallel_loop3A_1183 = vector.broadcast %parallel_loop3A_1182 : f32 to vector<16xf32>
        %parallel_loop3A_1184 = arith.maximumf %parallel_loop3A_1181, %parallel_loop3A_1183 : vector<16xf32>
        %parallel_loop3A_1185 = arith.constant 0 : i32
        %parallel_loop3A_1186 = arith.constant 0 : i32
        %parallel_loop3A_1187 = tpu.memref_slice %arg16[%parallel_loop3A_1185, %parallel_loop3A_1186] : memref<80x128xf32, #tpu.memory_space<vmem>> -> memref<40x128xf32, #tpu.memory_space<vmem>>
        %parallel_loop3A_1188 = arith.index_cast %parallel_loop3A_1036 : i32 to index
        %parallel_loop3A_1189 = arith.constant 80 : index
        %parallel_loop3A_1190 = tpu.vector_load %parallel_loop3A_1187[%parallel_loop3A_1188, %parallel_loop3A_1189] {strides = array<i32>} : memref<40x128xf32, #tpu.memory_space<vmem>>, vector<1x16xf32>,
        %parallel_loop3A_1191 = vector.shape_cast %parallel_loop3A_1190 : vector<1x16xf32> to vector<16xf32>
        %parallel_loop3A_1192 = vector.shape_cast %parallel_loop3A_1184 : vector<16xf32> to vector<1x16xf32>
        tpu.vector_store %parallel_loop3A_1187[%parallel_loop3A_1188, %parallel_loop3A_1189], %parallel_loop3A_1192 {strides = array<i32>} : memref<40x128xf32, #tpu.memory_space<vmem>>, vector<1x16xf32>,
        %parallel_loop3A_1193 = arith.constant 0 : i32
        %parallel_loop3A_1194 = arith.constant 0 : i32
        %parallel_loop3A_1195 = tpu.memref_slice %arg16[%parallel_loop3A_1193, %parallel_loop3A_1194] : memref<80x128xf32, #tpu.memory_space<vmem>> -> memref<40x128xf32, #tpu.memory_space<vmem>>
        %parallel_loop3A_1196 = arith.index_cast %parallel_loop3A_1036 : i32 to index
        %parallel_loop3A_1197 = arith.constant 96 : index
        %parallel_loop3A_1198 = tpu.vector_load %parallel_loop3A_1195[%parallel_loop3A_1196, %parallel_loop3A_1197] {strides = array<i32>} : memref<40x128xf32, #tpu.memory_space<vmem>>, vector<1x16xf32>,
        %parallel_loop3A_1199 = vector.shape_cast %parallel_loop3A_1198 : vector<1x16xf32> to vector<16xf32>
        %parallel_loop3A_1200 = arith.constant 0 : i32
        %parallel_loop3A_1201 = arith.constant 0 : i32
        %parallel_loop3A_1202 = tpu.memref_slice %arg17[%parallel_loop3A_1200, %parallel_loop3A_1201] : memref<80x128xf32, #tpu.memory_space<vmem>> -> memref<40x128xf32, #tpu.memory_space<vmem>>
        %parallel_loop3A_1203 = arith.index_cast %parallel_loop3A_1036 : i32 to index
        %parallel_loop3A_1204 = arith.constant 96 : index
        %parallel_loop3A_1205 = tpu.vector_load %parallel_loop3A_1202[%parallel_loop3A_1203, %parallel_loop3A_1204] {strides = array<i32>} : memref<40x128xf32, #tpu.memory_space<vmem>>, vector<1x16xf32>,
        %parallel_loop3A_1206 = vector.shape_cast %parallel_loop3A_1205 : vector<1x16xf32> to vector<16xf32>
        %parallel_loop3A_1207 = arith.addf %parallel_loop3A_1199, %parallel_loop3A_1206 : vector<16xf32>
        %parallel_loop3A_1208 = arith.constant 0.000000e+00 : f32
        %parallel_loop3A_1209 = vector.broadcast %parallel_loop3A_1208 : f32 to vector<16xf32>
        %parallel_loop3A_1210 = arith.maximumf %parallel_loop3A_1207, %parallel_loop3A_1209 : vector<16xf32>
        %parallel_loop3A_1211 = arith.constant 0 : i32
        %parallel_loop3A_1212 = arith.constant 0 : i32
        %parallel_loop3A_1213 = tpu.memref_slice %arg16[%parallel_loop3A_1211, %parallel_loop3A_1212] : memref<80x128xf32, #tpu.memory_space<vmem>> -> memref<40x128xf32, #tpu.memory_space<vmem>>
        %parallel_loop3A_1214 = arith.index_cast %parallel_loop3A_1036 : i32 to index
        %parallel_loop3A_1215 = arith.constant 96 : index
        %parallel_loop3A_1216 = tpu.vector_load %parallel_loop3A_1213[%parallel_loop3A_1214, %parallel_loop3A_1215] {strides = array<i32>} : memref<40x128xf32, #tpu.memory_space<vmem>>, vector<1x16xf32>,
        %parallel_loop3A_1217 = vector.shape_cast %parallel_loop3A_1216 : vector<1x16xf32> to vector<16xf32>
        %parallel_loop3A_1218 = vector.shape_cast %parallel_loop3A_1210 : vector<16xf32> to vector<1x16xf32>
        tpu.vector_store %parallel_loop3A_1213[%parallel_loop3A_1214, %parallel_loop3A_1215], %parallel_loop3A_1218 {strides = array<i32>} : memref<40x128xf32, #tpu.memory_space<vmem>>, vector<1x16xf32>,
        %parallel_loop3A_1219 = arith.constant 0 : i32
        %parallel_loop3A_1220 = arith.constant 0 : i32
        %parallel_loop3A_1221 = tpu.memref_slice %arg16[%parallel_loop3A_1219, %parallel_loop3A_1220] : memref<80x128xf32, #tpu.memory_space<vmem>> -> memref<40x128xf32, #tpu.memory_space<vmem>>
        %parallel_loop3A_1222 = arith.index_cast %parallel_loop3A_1036 : i32 to index
        %parallel_loop3A_1223 = arith.constant 112 : index
        %parallel_loop3A_1224 = tpu.vector_load %parallel_loop3A_1221[%parallel_loop3A_1222, %parallel_loop3A_1223] {strides = array<i32>} : memref<40x128xf32, #tpu.memory_space<vmem>>, vector<1x16xf32>,
        %parallel_loop3A_1225 = vector.shape_cast %parallel_loop3A_1224 : vector<1x16xf32> to vector<16xf32>
        %parallel_loop3A_1226 = arith.constant 0 : i32
        %parallel_loop3A_1227 = arith.constant 0 : i32
        %parallel_loop3A_1228 = tpu.memref_slice %arg17[%parallel_loop3A_1226, %parallel_loop3A_1227] : memref<80x128xf32, #tpu.memory_space<vmem>> -> memref<40x128xf32, #tpu.memory_space<vmem>>
        %parallel_loop3A_1229 = arith.index_cast %parallel_loop3A_1036 : i32 to index
        %parallel_loop3A_1230 = arith.constant 112 : index
        %parallel_loop3A_1231 = tpu.vector_load %parallel_loop3A_1228[%parallel_loop3A_1229, %parallel_loop3A_1230] {strides = array<i32>} : memref<40x128xf32, #tpu.memory_space<vmem>>, vector<1x16xf32>,
        %parallel_loop3A_1232 = vector.shape_cast %parallel_loop3A_1231 : vector<1x16xf32> to vector<16xf32>
        %parallel_loop3A_1233 = arith.addf %parallel_loop3A_1225, %parallel_loop3A_1232 : vector<16xf32>
        %parallel_loop3A_1234 = arith.constant 0.000000e+00 : f32
        %parallel_loop3A_1235 = vector.broadcast %parallel_loop3A_1234 : f32 to vector<16xf32>
        %parallel_loop3A_1236 = arith.maximumf %parallel_loop3A_1233, %parallel_loop3A_1235 : vector<16xf32>
        %parallel_loop3A_1237 = arith.constant 0 : i32
        %parallel_loop3A_1238 = arith.constant 0 : i32
        %parallel_loop3A_1239 = tpu.memref_slice %arg16[%parallel_loop3A_1237, %parallel_loop3A_1238] : memref<80x128xf32, #tpu.memory_space<vmem>> -> memref<40x128xf32, #tpu.memory_space<vmem>>
        %parallel_loop3A_1240 = arith.index_cast %parallel_loop3A_1036 : i32 to index
        %parallel_loop3A_1241 = arith.constant 112 : index
        %parallel_loop3A_1242 = tpu.vector_load %parallel_loop3A_1239[%parallel_loop3A_1240, %parallel_loop3A_1241] {strides = array<i32>} : memref<40x128xf32, #tpu.memory_space<vmem>>, vector<1x16xf32>,
        %parallel_loop3A_1243 = vector.shape_cast %parallel_loop3A_1242 : vector<1x16xf32> to vector<16xf32>
        %parallel_loop3A_1244 = vector.shape_cast %parallel_loop3A_1236 : vector<16xf32> to vector<1x16xf32>
        tpu.vector_store %parallel_loop3A_1239[%parallel_loop3A_1240, %parallel_loop3A_1241], %parallel_loop3A_1244 {strides = array<i32>} : memref<40x128xf32, #tpu.memory_space<vmem>>, vector<1x16xf32>,
      } {sc.loop_unroll_factor = 2 : i64, sc.parallel_access}
      %add3A_963 = arith.constant 2 : i32
      %add3A_964 = arith.addi %add3A_923, %add3A_963 : i32
      %lt3A_965 = arith.constant 250 : i32
      %lt3A_966 = arith.cmpi slt, %add3A_964, %lt3A_965 : i32
      %convert_element_type3A_967 = arith.extui %lt3A_966 : i1 to i32
      %cond3A_968 = arith.constant 0 : i32
      %cond3A_969 = arith.cmpi ne, %convert_element_type3A_967, %cond3A_968 : i32
      scf.if %cond3A_969 {
        %add3A_1036 = arith.constant 2 : i32
        %add3A_1037 = arith.addi %add3A_923, %add3A_1036 : i32
        %jit3A = arith.constant 2 : i32
        %div3A = arith.divsi %add3A_1037, %jit3A : i32
        %sign3A = arith.constant 0 : i32
        %sign3A_1038 = arith.cmpi sgt, %add3A_1037, %sign3A : i32
        %sign3A_1039 = arith.extui %sign3A_1038 : i1 to i32
        %sign3A_1040 = arith.constant 0 : i32
        %sign3A_1041 = arith.cmpi slt, %add3A_1037, %sign3A_1040 : i32
        %sign3A_1042 = arith.extui %sign3A_1041 : i1 to i32
        %sign3A_1043 = arith.subi %sign3A_1039, %sign3A_1042 : i32
        %sign3A_1044 = arith.constant 0 : i32
        %sign3A_1045 = arith.cmpi sgt, %jit3A, %sign3A_1044 : i32
        %sign3A_1046 = arith.extui %sign3A_1045 : i1 to i32
        %sign3A_1047 = arith.constant 0 : i32
        %sign3A_1048 = arith.cmpi slt, %jit3A, %sign3A_1047 : i32
        %sign3A_1049 = arith.extui %sign3A_1048 : i1 to i32
        %sign3A_1050 = arith.subi %sign3A_1046, %sign3A_1049 : i32
        %ne3A = arith.cmpi ne, %sign3A_1043, %sign3A_1050 : i32
        %rem3A = arith.remsi %add3A_1037, %jit3A : i32
        %ne3A_1051 = arith.constant 0 : i32
        %ne3A_1052 = arith.cmpi ne, %rem3A, %ne3A_1051 : i32
        %and3A_1053 = arith.andi %ne3A, %ne3A_1052 : i1
        %sub3A = arith.constant 1 : i32
        %sub3A_1054 = arith.subi %div3A, %sub3A : i32
        %select_n3A = arith.select %and3A_1053, %sub3A_1054, %div3A : i32
        %jit3A_1055 = arith.constant 2 : i32
        %eq3A_1056 = arith.constant 0 : i32
        %eq3A_1057 = arith.cmpi eq, %jit3A_1055, %eq3A_1056 : i32
        %jit3A_1058 = arith.constant 1 : i32
        %select_n3A_1059 = arith.select %eq3A_1057, %jit3A_1058, %jit3A_1055 : i32
        %rem3A_1060 = arith.remsi %add3A_1037, %select_n3A_1059 : i32
        %ne3A_1061 = arith.constant 0 : i32
        %ne3A_1062 = arith.cmpi ne, %rem3A_1060, %ne3A_1061 : i32
        %lt3A_1063 = arith.constant 0 : i32
        %lt3A_1064 = arith.cmpi slt, %rem3A_1060, %lt3A_1063 : i32
        %lt3A_1065 = arith.constant 0 : i32
        %lt3A_1066 = arith.cmpi slt, %select_n3A_1059, %lt3A_1065 : i32
        %ne3A_1067 = arith.xori %lt3A_1064, %lt3A_1066 : i1
        %and3A_1068 = arith.andi %ne3A_1067, %ne3A_1062 : i1
        %add3A_1069 = arith.addi %rem3A_1060, %select_n3A_1059 : i32
        %select_n3A_1070 = arith.select %and3A_1068, %add3A_1069, %rem3A_1060 : i32
        %mul3A_1071 = arith.constant 40 : i32
        %mul3A_1072 = arith.muli %select_n3A_1070, %mul3A_1071 : i32
        %dma_start3A_1073 = arith.constant 0 : i32
        %dma_start3A_1074 = arith.constant 0 : i32
        %dma_start3A_1075 = tpu.memref_slice %arg17[%dma_start3A_1073, %dma_start3A_1074] : memref<80x128xf32, #tpu.memory_space<vmem>> -> memref<40x128xf32, #tpu.memory_space<vmem>>
        %dma_start3A_1076 = arith.constant 0 : i32
        %dma_start3A_1077 = tpu.memref_slice %arg4[%add3A, %select_n3A, %mul3A_1072, %dma_start3A_1076] : memref<32x125x80x128xf32, #tpu.memory_space<hbm>> -> memref<1x1x40x128xf32, #tpu.memory_space<hbm>>
        %dma_start3A_1078 = tpu.memref_squeeze %dma_start3A_1077 : memref<1x1x40x128xf32, #tpu.memory_space<hbm>> -> memref<40x128xf32, #tpu.memory_space<hbm>>
        %dma_start3A_1079 = arith.constant 0 : i32
        %dma_start3A_1080 = arith.constant 0 : i32
        %dma_start3A_1081 = tpu.memref_slice %arg17[%dma_start3A_1079, %dma_start3A_1080] : memref<80x128xf32, #tpu.memory_space<vmem>> -> memref<40x128xf32, #tpu.memory_space<vmem>>
        %dma_start3A_1082 = arith.constant 0 : i32
        %dma_start3A_1083 = tpu.memref_slice %arg4[%add3A, %select_n3A, %mul3A_1072, %dma_start3A_1082] : memref<32x125x80x128xf32, #tpu.memory_space<hbm>> -> memref<1x1x40x128xf32, #tpu.memory_space<hbm>>
        %dma_start3A_1084 = tpu.memref_squeeze %dma_start3A_1083 : memref<1x1x40x128xf32, #tpu.memory_space<hbm>> -> memref<40x128xf32, #tpu.memory_space<hbm>>
        tpu.enqueue_dma source(%dma_start3A_1084 : memref<40x128xf32, #tpu.memory_space<hbm>>) target(%dma_start3A_1081 : memref<40x128xf32, #tpu.memory_space<vmem>>) target_semaphore(%arg30 : memref<!tpu.dma_semaphore, #tpu.memory_space<semaphore_mem>>)
      } else {
      }
      %dma_start3A_970 = arith.constant 0 : i32
      %dma_start3A_971 = arith.constant 0 : i32
      %dma_start3A_972 = tpu.memref_slice %arg16[%dma_start3A_970, %dma_start3A_971] : memref<80x128xf32, #tpu.memory_space<vmem>> -> memref<40x128xf32, #tpu.memory_space<vmem>>
      %dma_start3A_973 = arith.constant 0 : i32
      %dma_start3A_974 = tpu.memref_slice %arg12[%scan3A_328, %dma_start3A_973] : memref<6x40xi32, #tpu.memory_space<vmem>> -> memref<1x40xi32, #tpu.memory_space<vmem>>
      %dma_start3A_975 = tpu.memref_squeeze %dma_start3A_974 : memref<1x40xi32, #tpu.memory_space<vmem>> -> memref<40xi32, #tpu.memory_space<vmem>>
      %dma_start3A_976 = arith.constant 0 : i32
      %dma_start3A_977 = arith.constant 0 : i32
      %dma_start3A_978 = tpu.memref_slice %arg9[%dma_start3A_976, %dma_start3A_977] : memref<10008x128xf32, #tpu.memory_space<vmem_shared>> -> memref<10008x128xf32, #tpu.memory_space<vmem_shared>>
      tpu.enqueue_indirect_dma source(%dma_start3A_972 : memref<40x128xf32, #tpu.memory_space<vmem>>) target(%dma_start3A_978 : memref<10008x128xf32, #tpu.memory_space<vmem_shared>>) offsets(%dma_start3A_975 : memref<40xi32, #tpu.memory_space<vmem>>) semaphore(%arg26 : memref<!tpu.dma_semaphore, #tpu.memory_space<semaphore_mem>>) {add = true}
      %add3A_979 = arith.constant 3 : i32
      %add3A_980 = arith.addi %mul3A_808, %add3A_979 : i32
      %gt3A_981 = arith.constant 0 : i32
      %gt3A_982 = arith.cmpi sgt, %add3A_980, %gt3A_981 : i32
      %convert_element_type3A_983 = arith.extui %gt3A_982 : i1 to i32
      %cond3A_984 = arith.constant 0 : i32
      %cond3A_985 = arith.cmpi ne, %convert_element_type3A_983, %cond3A_984 : i32
      scf.if %cond3A_985 {
        %dma_wait3A_1036 = arith.constant 0 : i32
        %dma_wait3A_1037 = arith.constant 0 : i32
        %dma_wait3A_1038 = tpu.memref_slice %arg16[%dma_wait3A_1036, %dma_wait3A_1037] : memref<80x128xf32, #tpu.memory_space<vmem>> -> memref<40x128xf32, #tpu.memory_space<vmem>>
        %dma_wait3A_1039 = arith.constant 0 : i32
        %dma_wait3A_1040 = tpu.memref_slice %arg12[%scan3A_328, %dma_wait3A_1039] : memref<6x40xi32, #tpu.memory_space<vmem>> -> memref<1x40xi32, #tpu.memory_space<vmem>>
        %dma_wait3A_1041 = tpu.memref_squeeze %dma_wait3A_1040 : memref<1x40xi32, #tpu.memory_space<vmem>> -> memref<40xi32, #tpu.memory_space<vmem>>
        %dma_wait3A_1042 = arith.constant 0 : i32
        %dma_wait3A_1043 = arith.constant 0 : i32
        %dma_wait3A_1044 = tpu.memref_slice %arg9[%dma_wait3A_1042, %dma_wait3A_1043] : memref<10008x128xf32, #tpu.memory_space<vmem_shared>> -> memref<10008x128xf32, #tpu.memory_space<vmem_shared>>
        tpu.wait_indirect_dma semaphore(%arg26 : memref<!tpu.dma_semaphore, #tpu.memory_space<semaphore_mem>>) src(%dma_wait3A_1038 : memref<40x128xf32, #tpu.memory_space<vmem>>) dst(%dma_wait3A_1044 : memref<10008x128xf32, #tpu.memory_space<vmem_shared>>)
      } else {
      }
      %add3A_986 = arith.constant 3 : i32
      %add3A_987 = arith.addi %add3A_980, %add3A_986 : i32
      %lt3A_988 = arith.constant 250 : i32
      %lt3A_989 = arith.cmpi slt, %add3A_987, %lt3A_988 : i32
      %convert_element_type3A_990 = arith.extui %lt3A_989 : i1 to i32
      %cond3A_991 = arith.constant 0 : i32
      %cond3A_992 = arith.cmpi ne, %convert_element_type3A_990, %cond3A_991 : i32
      scf.if %cond3A_992 {
        %add3A_1036 = arith.constant 3 : i32
        %add3A_1037 = arith.addi %add3A_980, %add3A_1036 : i32
        %jit3A = arith.constant 2 : i32
        %div3A = arith.divsi %add3A_1037, %jit3A : i32
        %sign3A = arith.constant 0 : i32
        %sign3A_1038 = arith.cmpi sgt, %add3A_1037, %sign3A : i32
        %sign3A_1039 = arith.extui %sign3A_1038 : i1 to i32
        %sign3A_1040 = arith.constant 0 : i32
        %sign3A_1041 = arith.cmpi slt, %add3A_1037, %sign3A_1040 : i32
        %sign3A_1042 = arith.extui %sign3A_1041 : i1 to i32
        %sign3A_1043 = arith.subi %sign3A_1039, %sign3A_1042 : i32
        %sign3A_1044 = arith.constant 0 : i32
        %sign3A_1045 = arith.cmpi sgt, %jit3A, %sign3A_1044 : i32
        %sign3A_1046 = arith.extui %sign3A_1045 : i1 to i32
        %sign3A_1047 = arith.constant 0 : i32
        %sign3A_1048 = arith.cmpi slt, %jit3A, %sign3A_1047 : i32
        %sign3A_1049 = arith.extui %sign3A_1048 : i1 to i32
        %sign3A_1050 = arith.subi %sign3A_1046, %sign3A_1049 : i32
        %ne3A = arith.cmpi ne, %sign3A_1043, %sign3A_1050 : i32
        %rem3A = arith.remsi %add3A_1037, %jit3A : i32
        %ne3A_1051 = arith.constant 0 : i32
        %ne3A_1052 = arith.cmpi ne, %rem3A, %ne3A_1051 : i32
        %and3A_1053 = arith.andi %ne3A, %ne3A_1052 : i1
        %sub3A = arith.constant 1 : i32
        %sub3A_1054 = arith.subi %div3A, %sub3A : i32
        %select_n3A = arith.select %and3A_1053, %sub3A_1054, %div3A : i32
        %get3A_1055 = arith.index_cast %select_n3A : i32 to index
        %get3A_1056 = arith.constant 0 : index
        %get3A_1057 = tpu.vector_load %arg10[%get3A_1055, %get3A_1056] {strides = array<i32>} : memref<125x80xi32, #tpu.memory_space<vmem>>, vector<1x16xi32>,
        %get3A_1058 = vector.shape_cast %get3A_1057 : vector<1x16xi32> to vector<16xi32>
        %and3A_1059 = arith.constant 65535 : i32
        %and3A_1060 = vector.broadcast %and3A_1059 : i32 to vector<16xi32>
        %and3A_1061 = arith.andi %get3A_1058, %and3A_1060 : vector<16xi32>
        %swap3A_1062 = arith.constant 0 : i32
        %swap3A_1063 = tpu.memref_slice %arg11[%scan3A_327, %swap3A_1062] : memref<6x40xi32, #tpu.memory_space<vmem>> -> memref<1x40xi32, #tpu.memory_space<vmem>>
        %swap3A_1064 = tpu.memref_squeeze %swap3A_1063 : memref<1x40xi32, #tpu.memory_space<vmem>> -> memref<40xi32, #tpu.memory_space<vmem>>
        %swap3A_1065 = arith.constant 0 : index
        %swap3A_1066 = tpu.vector_load %swap3A_1064[%swap3A_1065] {strides = array<i32>} : memref<40xi32, #tpu.memory_space<vmem>>, vector<16xi32>,
        %swap3A_1067 = vector.shape_cast %swap3A_1066 : vector<16xi32> to vector<16xi32>
        %swap3A_1068 = vector.shape_cast %and3A_1061 : vector<16xi32> to vector<16xi32>
        tpu.vector_store %swap3A_1064[%swap3A_1065], %swap3A_1068 {strides = array<i32>} : memref<40xi32, #tpu.memory_space<vmem>>, vector<16xi32>,
        %shift_right_arithmetic3A_1069 = arith.constant 16 : i32
        %shift_right_arithmetic3A_1070 = vector.broadcast %shift_right_arithmetic3A_1069 : i32 to vector<16xi32>
        %shift_right_arithmetic3A_1071 = arith.shrsi %get3A_1058, %shift_right_arithmetic3A_1070 : vector<16xi32>
        %swap3A_1072 = arith.constant 0 : i32
        %swap3A_1073 = tpu.memref_slice %arg12[%scan3A_328, %swap3A_1072] : memref<6x40xi32, #tpu.memory_space<vmem>> -> memref<1x40xi32, #tpu.memory_space<vmem>>
        %swap3A_1074 = tpu.memref_squeeze %swap3A_1073 : memref<1x40xi32, #tpu.memory_space<vmem>> -> memref<40xi32, #tpu.memory_space<vmem>>
        %swap3A_1075 = arith.constant 0 : index
        %swap3A_1076 = tpu.vector_load %swap3A_1074[%swap3A_1075] {strides = array<i32>} : memref<40xi32, #tpu.memory_space<vmem>>, vector<16xi32>,
        %swap3A_1077 = vector.shape_cast %swap3A_1076 : vector<16xi32> to vector<16xi32>
        %swap3A_1078 = vector.shape_cast %shift_right_arithmetic3A_1071 : vector<16xi32> to vector<16xi32>
        tpu.vector_store %swap3A_1074[%swap3A_1075], %swap3A_1078 {strides = array<i32>} : memref<40xi32, #tpu.memory_space<vmem>>, vector<16xi32>,
        %get3A_1079 = arith.index_cast %select_n3A : i32 to index
        %get3A_1080 = arith.constant 16 : index
        %get3A_1081 = tpu.vector_load %arg10[%get3A_1079, %get3A_1080] {strides = array<i32>} : memref<125x80xi32, #tpu.memory_space<vmem>>, vector<1x16xi32>,
        %get3A_1082 = vector.shape_cast %get3A_1081 : vector<1x16xi32> to vector<16xi32>
        %and3A_1083 = arith.constant 65535 : i32
        %and3A_1084 = vector.broadcast %and3A_1083 : i32 to vector<16xi32>
        %and3A_1085 = arith.andi %get3A_1082, %and3A_1084 : vector<16xi32>
        %swap3A_1086 = arith.constant 0 : i32
        %swap3A_1087 = tpu.memref_slice %arg11[%scan3A_327, %swap3A_1086] : memref<6x40xi32, #tpu.memory_space<vmem>> -> memref<1x40xi32, #tpu.memory_space<vmem>>
        %swap3A_1088 = tpu.memref_squeeze %swap3A_1087 : memref<1x40xi32, #tpu.memory_space<vmem>> -> memref<40xi32, #tpu.memory_space<vmem>>
        %swap3A_1089 = arith.constant 16 : index
        %swap3A_1090 = tpu.vector_load %swap3A_1088[%swap3A_1089] {strides = array<i32>} : memref<40xi32, #tpu.memory_space<vmem>>, vector<16xi32>,
        %swap3A_1091 = vector.shape_cast %swap3A_1090 : vector<16xi32> to vector<16xi32>
        %swap3A_1092 = vector.shape_cast %and3A_1085 : vector<16xi32> to vector<16xi32>
        tpu.vector_store %swap3A_1088[%swap3A_1089], %swap3A_1092 {strides = array<i32>} : memref<40xi32, #tpu.memory_space<vmem>>, vector<16xi32>,
        %shift_right_arithmetic3A_1093 = arith.constant 16 : i32
        %shift_right_arithmetic3A_1094 = vector.broadcast %shift_right_arithmetic3A_1093 : i32 to vector<16xi32>
        %shift_right_arithmetic3A_1095 = arith.shrsi %get3A_1082, %shift_right_arithmetic3A_1094 : vector<16xi32>
        %swap3A_1096 = arith.constant 0 : i32
        %swap3A_1097 = tpu.memref_slice %arg12[%scan3A_328, %swap3A_1096] : memref<6x40xi32, #tpu.memory_space<vmem>> -> memref<1x40xi32, #tpu.memory_space<vmem>>
        %swap3A_1098 = tpu.memref_squeeze %swap3A_1097 : memref<1x40xi32, #tpu.memory_space<vmem>> -> memref<40xi32, #tpu.memory_space<vmem>>
        %swap3A_1099 = arith.constant 16 : index
        %swap3A_1100 = tpu.vector_load %swap3A_1098[%swap3A_1099] {strides = array<i32>} : memref<40xi32, #tpu.memory_space<vmem>>, vector<16xi32>,
        %swap3A_1101 = vector.shape_cast %swap3A_1100 : vector<16xi32> to vector<16xi32>
        %swap3A_1102 = vector.shape_cast %shift_right_arithmetic3A_1095 : vector<16xi32> to vector<16xi32>
        tpu.vector_store %swap3A_1098[%swap3A_1099], %swap3A_1102 {strides = array<i32>} : memref<40xi32, #tpu.memory_space<vmem>>, vector<16xi32>,
        %get3A_1103 = arith.index_cast %select_n3A : i32 to index
        %get3A_1104 = arith.constant 24 : index
        %get3A_1105 = tpu.vector_load %arg10[%get3A_1103, %get3A_1104] {strides = array<i32>} : memref<125x80xi32, #tpu.memory_space<vmem>>, vector<1x16xi32>,
        %get3A_1106 = vector.shape_cast %get3A_1105 : vector<1x16xi32> to vector<16xi32>
        %and3A_1107 = arith.constant 65535 : i32
        %and3A_1108 = vector.broadcast %and3A_1107 : i32 to vector<16xi32>
        %and3A_1109 = arith.andi %get3A_1106, %and3A_1108 : vector<16xi32>
        %swap3A_1110 = arith.constant 0 : i32
        %swap3A_1111 = tpu.memref_slice %arg11[%scan3A_327, %swap3A_1110] : memref<6x40xi32, #tpu.memory_space<vmem>> -> memref<1x40xi32, #tpu.memory_space<vmem>>
        %swap3A_1112 = tpu.memref_squeeze %swap3A_1111 : memref<1x40xi32, #tpu.memory_space<vmem>> -> memref<40xi32, #tpu.memory_space<vmem>>
        %swap3A_1113 = arith.constant 24 : index
        %swap3A_1114 = tpu.vector_load %swap3A_1112[%swap3A_1113] {strides = array<i32>} : memref<40xi32, #tpu.memory_space<vmem>>, vector<16xi32>,
        %swap3A_1115 = vector.shape_cast %swap3A_1114 : vector<16xi32> to vector<16xi32>
        %swap3A_1116 = vector.shape_cast %and3A_1109 : vector<16xi32> to vector<16xi32>
        tpu.vector_store %swap3A_1112[%swap3A_1113], %swap3A_1116 {strides = array<i32>} : memref<40xi32, #tpu.memory_space<vmem>>, vector<16xi32>,
        %shift_right_arithmetic3A_1117 = arith.constant 16 : i32
        %shift_right_arithmetic3A_1118 = vector.broadcast %shift_right_arithmetic3A_1117 : i32 to vector<16xi32>
        %shift_right_arithmetic3A_1119 = arith.shrsi %get3A_1106, %shift_right_arithmetic3A_1118 : vector<16xi32>
        %swap3A_1120 = arith.constant 0 : i32
        %swap3A_1121 = tpu.memref_slice %arg12[%scan3A_328, %swap3A_1120] : memref<6x40xi32, #tpu.memory_space<vmem>> -> memref<1x40xi32, #tpu.memory_space<vmem>>
        %swap3A_1122 = tpu.memref_squeeze %swap3A_1121 : memref<1x40xi32, #tpu.memory_space<vmem>> -> memref<40xi32, #tpu.memory_space<vmem>>
        %swap3A_1123 = arith.constant 24 : index
        %swap3A_1124 = tpu.vector_load %swap3A_1122[%swap3A_1123] {strides = array<i32>} : memref<40xi32, #tpu.memory_space<vmem>>, vector<16xi32>,
        %swap3A_1125 = vector.shape_cast %swap3A_1124 : vector<16xi32> to vector<16xi32>
        %swap3A_1126 = vector.shape_cast %shift_right_arithmetic3A_1119 : vector<16xi32> to vector<16xi32>
        tpu.vector_store %swap3A_1122[%swap3A_1123], %swap3A_1126 {strides = array<i32>} : memref<40xi32, #tpu.memory_space<vmem>>, vector<16xi32>,
        %dma_start3A_1127 = arith.constant 0 : i32
        %dma_start3A_1128 = arith.constant 0 : i32
        %dma_start3A_1129 = tpu.memref_slice %arg16[%dma_start3A_1127, %dma_start3A_1128] : memref<80x128xf32, #tpu.memory_space<vmem>> -> memref<40x128xf32, #tpu.memory_space<vmem>>
        %dma_start3A_1130 = arith.constant 0 : i32
        %dma_start3A_1131 = tpu.memref_slice %arg11[%scan3A_327, %dma_start3A_1130] : memref<6x40xi32, #tpu.memory_space<vmem>> -> memref<1x40xi32, #tpu.memory_space<vmem>>
        %dma_start3A_1132 = tpu.memref_squeeze %dma_start3A_1131 : memref<1x40xi32, #tpu.memory_space<vmem>> -> memref<40xi32, #tpu.memory_space<vmem>>
        %dma_start3A_1133 = arith.constant 0 : i32
        %dma_start3A_1134 = arith.constant 0 : i32
        %dma_start3A_1135 = tpu.memref_slice %arg2[%dma_start3A_1133, %dma_start3A_1134] : memref<10000x128xf32, #tpu.memory_space<hbm>> -> memref<10000x128xf32, #tpu.memory_space<hbm>>
        tpu.enqueue_indirect_dma source(%dma_start3A_1135 : memref<10000x128xf32, #tpu.memory_space<hbm>>) target(%dma_start3A_1129 : memref<40x128xf32, #tpu.memory_space<vmem>>) offsets(%dma_start3A_1132 : memref<40xi32, #tpu.memory_space<vmem>>) semaphore(%arg20 : memref<!tpu.dma_semaphore, #tpu.memory_space<semaphore_mem>>)
      } else {
      }
      %dma_wait3A_993 = arith.constant 40 : i32
      %dma_wait3A_994 = arith.constant 0 : i32
      %dma_wait3A_995 = tpu.memref_slice %arg16[%dma_wait3A_993, %dma_wait3A_994] : memref<80x128xf32, #tpu.memory_space<vmem>> -> memref<40x128xf32, #tpu.memory_space<vmem>>
      %dma_wait3A_996 = arith.constant 0 : i32
      %dma_wait3A_997 = tpu.memref_slice %arg11[%scan3A_322, %dma_wait3A_996] : memref<6x40xi32, #tpu.memory_space<vmem>> -> memref<1x40xi32, #tpu.memory_space<vmem>>
      %dma_wait3A_998 = tpu.memref_squeeze %dma_wait3A_997 : memref<1x40xi32, #tpu.memory_space<vmem>> -> memref<40xi32, #tpu.memory_space<vmem>>
      %dma_wait3A_999 = arith.constant 0 : i32
      %dma_wait3A_1000 = arith.constant 0 : i32
      %dma_wait3A_1001 = tpu.memref_slice %arg2[%dma_wait3A_999, %dma_wait3A_1000] : memref<10000x128xf32, #tpu.memory_space<hbm>> -> memref<10000x128xf32, #tpu.memory_space<hbm>>
      tpu.wait_indirect_dma semaphore(%arg21 : memref<!tpu.dma_semaphore, #tpu.memory_space<semaphore_mem>>) src(%dma_wait3A_1001 : memref<10000x128xf32, #tpu.memory_space<hbm>>) dst(%dma_wait3A_995 : memref<40x128xf32, #tpu.memory_space<vmem>>)
      %dma_wait3A_1002 = arith.constant 0 : i32
      %dma_wait3A_1003 = arith.constant 40 : i32
      %dma_wait3A_1004 = arith.constant 0 : i32
      %dma_wait3A_1005 = tpu.memref_slice %arg17[%dma_wait3A_1003, %dma_wait3A_1004] : memref<80x128xf32, #tpu.memory_space<vmem>> -> memref<40x128xf32, #tpu.memory_space<vmem>>
      %dma_wait3A_1006 = arith.constant 0 : i32
      %dma_wait3A_1007 = arith.constant 0 : i32
      %dma_wait3A_1008 = tpu.memref_slice %arg4[%add3A, %dma_wait3A_1002, %dma_wait3A_1006, %dma_wait3A_1007] : memref<32x125x80x128xf32, #tpu.memory_space<hbm>> -> memref<1x1x40x128xf32, #tpu.memory_space<hbm>>
      %dma_wait3A_1009 = tpu.memref_squeeze %dma_wait3A_1008 : memref<1x1x40x128xf32, #tpu.memory_space<hbm>> -> memref<40x128xf32, #tpu.memory_space<hbm>>
      %dma_wait3A_1010 = arith.constant 40 : i32
      %dma_wait3A_1011 = arith.constant 0 : i32
      %dma_wait3A_1012 = tpu.memref_slice %arg17[%dma_wait3A_1010, %dma_wait3A_1011] : memref<80x128xf32, #tpu.memory_space<vmem>> -> memref<40x128xf32, #tpu.memory_space<vmem>>
      %dma_wait3A_1013 = arith.constant 0 : i32
      %dma_wait3A_1014 = arith.constant 0 : i32
      %dma_wait3A_1015 = tpu.memref_slice %arg4[%add3A, %dma_wait3A_1002, %dma_wait3A_1013, %dma_wait3A_1014] : memref<32x125x80x128xf32, #tpu.memory_space<hbm>> -> memref<1x1x40x128xf32, #tpu.memory_space<hbm>>
      %dma_wait3A_1016 = tpu.memref_squeeze %dma_wait3A_1015 : memref<1x1x40x128xf32, #tpu.memory_space<hbm>> -> memref<40x128xf32, #tpu.memory_space<hbm>>
      tpu.wait_dma2 semaphore(%arg31 : memref<!tpu.dma_semaphore, #tpu.memory_space<semaphore_mem>>) src(%dma_wait3A_1016 : memref<40x128xf32, #tpu.memory_space<hbm>>) dst(%dma_wait3A_1012 : memref<40x128xf32, #tpu.memory_space<vmem>>)
      %parallel_loop3A_1017 = arith.constant 0 : i32
      %parallel_loop3A_1018 = arith.constant 40 : i32
      %parallel_loop3A_1019 = arith.constant 1 : i32
      scf.for %parallel_loop3A_1036 = %parallel_loop3A_1017 to %parallel_loop3A_1018 step %parallel_loop3A_1019  : i32 {
        %parallel_loop3A_1037 = arith.constant 40 : i32
        %parallel_loop3A_1038 = arith.constant 0 : i32
        %parallel_loop3A_1039 = tpu.memref_slice %arg16[%parallel_loop3A_1037, %parallel_loop3A_1038] : memref<80x128xf32, #tpu.memory_space<vmem>> -> memref<40x128xf32, #tpu.memory_space<vmem>>
        %parallel_loop3A_1040 = arith.index_cast %parallel_loop3A_1036 : i32 to index
        %parallel_loop3A_1041 = arith.constant 0 : index
        %parallel_loop3A_1042 = tpu.vector_load %parallel_loop3A_1039[%parallel_loop3A_1040, %parallel_loop3A_1041] {strides = array<i32>} : memref<40x128xf32, #tpu.memory_space<vmem>>, vector<1x16xf32>,
        %parallel_loop3A_1043 = vector.shape_cast %parallel_loop3A_1042 : vector<1x16xf32> to vector<16xf32>
        %parallel_loop3A_1044 = arith.constant 40 : i32
        %parallel_loop3A_1045 = arith.constant 0 : i32
        %parallel_loop3A_1046 = tpu.memref_slice %arg17[%parallel_loop3A_1044, %parallel_loop3A_1045] : memref<80x128xf32, #tpu.memory_space<vmem>> -> memref<40x128xf32, #tpu.memory_space<vmem>>
        %parallel_loop3A_1047 = arith.index_cast %parallel_loop3A_1036 : i32 to index
        %parallel_loop3A_1048 = arith.constant 0 : index
        %parallel_loop3A_1049 = tpu.vector_load %parallel_loop3A_1046[%parallel_loop3A_1047, %parallel_loop3A_1048] {strides = array<i32>} : memref<40x128xf32, #tpu.memory_space<vmem>>, vector<1x16xf32>,
        %parallel_loop3A_1050 = vector.shape_cast %parallel_loop3A_1049 : vector<1x16xf32> to vector<16xf32>
        %parallel_loop3A_1051 = arith.addf %parallel_loop3A_1043, %parallel_loop3A_1050 : vector<16xf32>
        %parallel_loop3A_1052 = arith.constant 0.000000e+00 : f32
        %parallel_loop3A_1053 = vector.broadcast %parallel_loop3A_1052 : f32 to vector<16xf32>
        %parallel_loop3A_1054 = arith.maximumf %parallel_loop3A_1051, %parallel_loop3A_1053 : vector<16xf32>
        %parallel_loop3A_1055 = arith.constant 40 : i32
        %parallel_loop3A_1056 = arith.constant 0 : i32
        %parallel_loop3A_1057 = tpu.memref_slice %arg16[%parallel_loop3A_1055, %parallel_loop3A_1056] : memref<80x128xf32, #tpu.memory_space<vmem>> -> memref<40x128xf32, #tpu.memory_space<vmem>>
        %parallel_loop3A_1058 = arith.index_cast %parallel_loop3A_1036 : i32 to index
        %parallel_loop3A_1059 = arith.constant 0 : index
        %parallel_loop3A_1060 = tpu.vector_load %parallel_loop3A_1057[%parallel_loop3A_1058, %parallel_loop3A_1059] {strides = array<i32>} : memref<40x128xf32, #tpu.memory_space<vmem>>, vector<1x16xf32>,
        %parallel_loop3A_1061 = vector.shape_cast %parallel_loop3A_1060 : vector<1x16xf32> to vector<16xf32>
        %parallel_loop3A_1062 = vector.shape_cast %parallel_loop3A_1054 : vector<16xf32> to vector<1x16xf32>
        tpu.vector_store %parallel_loop3A_1057[%parallel_loop3A_1058, %parallel_loop3A_1059], %parallel_loop3A_1062 {strides = array<i32>} : memref<40x128xf32, #tpu.memory_space<vmem>>, vector<1x16xf32>,
        %parallel_loop3A_1063 = arith.constant 40 : i32
        %parallel_loop3A_1064 = arith.constant 0 : i32
        %parallel_loop3A_1065 = tpu.memref_slice %arg16[%parallel_loop3A_1063, %parallel_loop3A_1064] : memref<80x128xf32, #tpu.memory_space<vmem>> -> memref<40x128xf32, #tpu.memory_space<vmem>>
        %parallel_loop3A_1066 = arith.index_cast %parallel_loop3A_1036 : i32 to index
        %parallel_loop3A_1067 = arith.constant 16 : index
        %parallel_loop3A_1068 = tpu.vector_load %parallel_loop3A_1065[%parallel_loop3A_1066, %parallel_loop3A_1067] {strides = array<i32>} : memref<40x128xf32, #tpu.memory_space<vmem>>, vector<1x16xf32>,
        %parallel_loop3A_1069 = vector.shape_cast %parallel_loop3A_1068 : vector<1x16xf32> to vector<16xf32>
        %parallel_loop3A_1070 = arith.constant 40 : i32
        %parallel_loop3A_1071 = arith.constant 0 : i32
        %parallel_loop3A_1072 = tpu.memref_slice %arg17[%parallel_loop3A_1070, %parallel_loop3A_1071] : memref<80x128xf32, #tpu.memory_space<vmem>> -> memref<40x128xf32, #tpu.memory_space<vmem>>
        %parallel_loop3A_1073 = arith.index_cast %parallel_loop3A_1036 : i32 to index
        %parallel_loop3A_1074 = arith.constant 16 : index
        %parallel_loop3A_1075 = tpu.vector_load %parallel_loop3A_1072[%parallel_loop3A_1073, %parallel_loop3A_1074] {strides = array<i32>} : memref<40x128xf32, #tpu.memory_space<vmem>>, vector<1x16xf32>,
        %parallel_loop3A_1076 = vector.shape_cast %parallel_loop3A_1075 : vector<1x16xf32> to vector<16xf32>
        %parallel_loop3A_1077 = arith.addf %parallel_loop3A_1069, %parallel_loop3A_1076 : vector<16xf32>
        %parallel_loop3A_1078 = arith.constant 0.000000e+00 : f32
        %parallel_loop3A_1079 = vector.broadcast %parallel_loop3A_1078 : f32 to vector<16xf32>
        %parallel_loop3A_1080 = arith.maximumf %parallel_loop3A_1077, %parallel_loop3A_1079 : vector<16xf32>
        %parallel_loop3A_1081 = arith.constant 40 : i32
        %parallel_loop3A_1082 = arith.constant 0 : i32
        %parallel_loop3A_1083 = tpu.memref_slice %arg16[%parallel_loop3A_1081, %parallel_loop3A_1082] : memref<80x128xf32, #tpu.memory_space<vmem>> -> memref<40x128xf32, #tpu.memory_space<vmem>>
        %parallel_loop3A_1084 = arith.index_cast %parallel_loop3A_1036 : i32 to index
        %parallel_loop3A_1085 = arith.constant 16 : index
        %parallel_loop3A_1086 = tpu.vector_load %parallel_loop3A_1083[%parallel_loop3A_1084, %parallel_loop3A_1085] {strides = array<i32>} : memref<40x128xf32, #tpu.memory_space<vmem>>, vector<1x16xf32>,
        %parallel_loop3A_1087 = vector.shape_cast %parallel_loop3A_1086 : vector<1x16xf32> to vector<16xf32>
        %parallel_loop3A_1088 = vector.shape_cast %parallel_loop3A_1080 : vector<16xf32> to vector<1x16xf32>
        tpu.vector_store %parallel_loop3A_1083[%parallel_loop3A_1084, %parallel_loop3A_1085], %parallel_loop3A_1088 {strides = array<i32>} : memref<40x128xf32, #tpu.memory_space<vmem>>, vector<1x16xf32>,
        %parallel_loop3A_1089 = arith.constant 40 : i32
        %parallel_loop3A_1090 = arith.constant 0 : i32
        %parallel_loop3A_1091 = tpu.memref_slice %arg16[%parallel_loop3A_1089, %parallel_loop3A_1090] : memref<80x128xf32, #tpu.memory_space<vmem>> -> memref<40x128xf32, #tpu.memory_space<vmem>>
        %parallel_loop3A_1092 = arith.index_cast %parallel_loop3A_1036 : i32 to index
        %parallel_loop3A_1093 = arith.constant 32 : index
        %parallel_loop3A_1094 = tpu.vector_load %parallel_loop3A_1091[%parallel_loop3A_1092, %parallel_loop3A_1093] {strides = array<i32>} : memref<40x128xf32, #tpu.memory_space<vmem>>, vector<1x16xf32>,
        %parallel_loop3A_1095 = vector.shape_cast %parallel_loop3A_1094 : vector<1x16xf32> to vector<16xf32>
        %parallel_loop3A_1096 = arith.constant 40 : i32
        %parallel_loop3A_1097 = arith.constant 0 : i32
        %parallel_loop3A_1098 = tpu.memref_slice %arg17[%parallel_loop3A_1096, %parallel_loop3A_1097] : memref<80x128xf32, #tpu.memory_space<vmem>> -> memref<40x128xf32, #tpu.memory_space<vmem>>
        %parallel_loop3A_1099 = arith.index_cast %parallel_loop3A_1036 : i32 to index
        %parallel_loop3A_1100 = arith.constant 32 : index
        %parallel_loop3A_1101 = tpu.vector_load %parallel_loop3A_1098[%parallel_loop3A_1099, %parallel_loop3A_1100] {strides = array<i32>} : memref<40x128xf32, #tpu.memory_space<vmem>>, vector<1x16xf32>,
        %parallel_loop3A_1102 = vector.shape_cast %parallel_loop3A_1101 : vector<1x16xf32> to vector<16xf32>
        %parallel_loop3A_1103 = arith.addf %parallel_loop3A_1095, %parallel_loop3A_1102 : vector<16xf32>
        %parallel_loop3A_1104 = arith.constant 0.000000e+00 : f32
        %parallel_loop3A_1105 = vector.broadcast %parallel_loop3A_1104 : f32 to vector<16xf32>
        %parallel_loop3A_1106 = arith.maximumf %parallel_loop3A_1103, %parallel_loop3A_1105 : vector<16xf32>
        %parallel_loop3A_1107 = arith.constant 40 : i32
        %parallel_loop3A_1108 = arith.constant 0 : i32
        %parallel_loop3A_1109 = tpu.memref_slice %arg16[%parallel_loop3A_1107, %parallel_loop3A_1108] : memref<80x128xf32, #tpu.memory_space<vmem>> -> memref<40x128xf32, #tpu.memory_space<vmem>>
        %parallel_loop3A_1110 = arith.index_cast %parallel_loop3A_1036 : i32 to index
        %parallel_loop3A_1111 = arith.constant 32 : index
        %parallel_loop3A_1112 = tpu.vector_load %parallel_loop3A_1109[%parallel_loop3A_1110, %parallel_loop3A_1111] {strides = array<i32>} : memref<40x128xf32, #tpu.memory_space<vmem>>, vector<1x16xf32>,
        %parallel_loop3A_1113 = vector.shape_cast %parallel_loop3A_1112 : vector<1x16xf32> to vector<16xf32>
        %parallel_loop3A_1114 = vector.shape_cast %parallel_loop3A_1106 : vector<16xf32> to vector<1x16xf32>
        tpu.vector_store %parallel_loop3A_1109[%parallel_loop3A_1110, %parallel_loop3A_1111], %parallel_loop3A_1114 {strides = array<i32>} : memref<40x128xf32, #tpu.memory_space<vmem>>, vector<1x16xf32>,
        %parallel_loop3A_1115 = arith.constant 40 : i32
        %parallel_loop3A_1116 = arith.constant 0 : i32
        %parallel_loop3A_1117 = tpu.memref_slice %arg16[%parallel_loop3A_1115, %parallel_loop3A_1116] : memref<80x128xf32, #tpu.memory_space<vmem>> -> memref<40x128xf32, #tpu.memory_space<vmem>>
        %parallel_loop3A_1118 = arith.index_cast %parallel_loop3A_1036 : i32 to index
        %parallel_loop3A_1119 = arith.constant 48 : index
        %parallel_loop3A_1120 = tpu.vector_load %parallel_loop3A_1117[%parallel_loop3A_1118, %parallel_loop3A_1119] {strides = array<i32>} : memref<40x128xf32, #tpu.memory_space<vmem>>, vector<1x16xf32>,
        %parallel_loop3A_1121 = vector.shape_cast %parallel_loop3A_1120 : vector<1x16xf32> to vector<16xf32>
        %parallel_loop3A_1122 = arith.constant 40 : i32
        %parallel_loop3A_1123 = arith.constant 0 : i32
        %parallel_loop3A_1124 = tpu.memref_slice %arg17[%parallel_loop3A_1122, %parallel_loop3A_1123] : memref<80x128xf32, #tpu.memory_space<vmem>> -> memref<40x128xf32, #tpu.memory_space<vmem>>
        %parallel_loop3A_1125 = arith.index_cast %parallel_loop3A_1036 : i32 to index
        %parallel_loop3A_1126 = arith.constant 48 : index
        %parallel_loop3A_1127 = tpu.vector_load %parallel_loop3A_1124[%parallel_loop3A_1125, %parallel_loop3A_1126] {strides = array<i32>} : memref<40x128xf32, #tpu.memory_space<vmem>>, vector<1x16xf32>,
        %parallel_loop3A_1128 = vector.shape_cast %parallel_loop3A_1127 : vector<1x16xf32> to vector<16xf32>
        %parallel_loop3A_1129 = arith.addf %parallel_loop3A_1121, %parallel_loop3A_1128 : vector<16xf32>
        %parallel_loop3A_1130 = arith.constant 0.000000e+00 : f32
        %parallel_loop3A_1131 = vector.broadcast %parallel_loop3A_1130 : f32 to vector<16xf32>
        %parallel_loop3A_1132 = arith.maximumf %parallel_loop3A_1129, %parallel_loop3A_1131 : vector<16xf32>
        %parallel_loop3A_1133 = arith.constant 40 : i32
        %parallel_loop3A_1134 = arith.constant 0 : i32
        %parallel_loop3A_1135 = tpu.memref_slice %arg16[%parallel_loop3A_1133, %parallel_loop3A_1134] : memref<80x128xf32, #tpu.memory_space<vmem>> -> memref<40x128xf32, #tpu.memory_space<vmem>>
        %parallel_loop3A_1136 = arith.index_cast %parallel_loop3A_1036 : i32 to index
        %parallel_loop3A_1137 = arith.constant 48 : index
        %parallel_loop3A_1138 = tpu.vector_load %parallel_loop3A_1135[%parallel_loop3A_1136, %parallel_loop3A_1137] {strides = array<i32>} : memref<40x128xf32, #tpu.memory_space<vmem>>, vector<1x16xf32>,
        %parallel_loop3A_1139 = vector.shape_cast %parallel_loop3A_1138 : vector<1x16xf32> to vector<16xf32>
        %parallel_loop3A_1140 = vector.shape_cast %parallel_loop3A_1132 : vector<16xf32> to vector<1x16xf32>
        tpu.vector_store %parallel_loop3A_1135[%parallel_loop3A_1136, %parallel_loop3A_1137], %parallel_loop3A_1140 {strides = array<i32>} : memref<40x128xf32, #tpu.memory_space<vmem>>, vector<1x16xf32>,
        %parallel_loop3A_1141 = arith.constant 40 : i32
        %parallel_loop3A_1142 = arith.constant 0 : i32
        %parallel_loop3A_1143 = tpu.memref_slice %arg16[%parallel_loop3A_1141, %parallel_loop3A_1142] : memref<80x128xf32, #tpu.memory_space<vmem>> -> memref<40x128xf32, #tpu.memory_space<vmem>>
        %parallel_loop3A_1144 = arith.index_cast %parallel_loop3A_1036 : i32 to index
        %parallel_loop3A_1145 = arith.constant 64 : index
        %parallel_loop3A_1146 = tpu.vector_load %parallel_loop3A_1143[%parallel_loop3A_1144, %parallel_loop3A_1145] {strides = array<i32>} : memref<40x128xf32, #tpu.memory_space<vmem>>, vector<1x16xf32>,
        %parallel_loop3A_1147 = vector.shape_cast %parallel_loop3A_1146 : vector<1x16xf32> to vector<16xf32>
        %parallel_loop3A_1148 = arith.constant 40 : i32
        %parallel_loop3A_1149 = arith.constant 0 : i32
        %parallel_loop3A_1150 = tpu.memref_slice %arg17[%parallel_loop3A_1148, %parallel_loop3A_1149] : memref<80x128xf32, #tpu.memory_space<vmem>> -> memref<40x128xf32, #tpu.memory_space<vmem>>
        %parallel_loop3A_1151 = arith.index_cast %parallel_loop3A_1036 : i32 to index
        %parallel_loop3A_1152 = arith.constant 64 : index
        %parallel_loop3A_1153 = tpu.vector_load %parallel_loop3A_1150[%parallel_loop3A_1151, %parallel_loop3A_1152] {strides = array<i32>} : memref<40x128xf32, #tpu.memory_space<vmem>>, vector<1x16xf32>,
        %parallel_loop3A_1154 = vector.shape_cast %parallel_loop3A_1153 : vector<1x16xf32> to vector<16xf32>
        %parallel_loop3A_1155 = arith.addf %parallel_loop3A_1147, %parallel_loop3A_1154 : vector<16xf32>
        %parallel_loop3A_1156 = arith.constant 0.000000e+00 : f32
        %parallel_loop3A_1157 = vector.broadcast %parallel_loop3A_1156 : f32 to vector<16xf32>
        %parallel_loop3A_1158 = arith.maximumf %parallel_loop3A_1155, %parallel_loop3A_1157 : vector<16xf32>
        %parallel_loop3A_1159 = arith.constant 40 : i32
        %parallel_loop3A_1160 = arith.constant 0 : i32
        %parallel_loop3A_1161 = tpu.memref_slice %arg16[%parallel_loop3A_1159, %parallel_loop3A_1160] : memref<80x128xf32, #tpu.memory_space<vmem>> -> memref<40x128xf32, #tpu.memory_space<vmem>>
        %parallel_loop3A_1162 = arith.index_cast %parallel_loop3A_1036 : i32 to index
        %parallel_loop3A_1163 = arith.constant 64 : index
        %parallel_loop3A_1164 = tpu.vector_load %parallel_loop3A_1161[%parallel_loop3A_1162, %parallel_loop3A_1163] {strides = array<i32>} : memref<40x128xf32, #tpu.memory_space<vmem>>, vector<1x16xf32>,
        %parallel_loop3A_1165 = vector.shape_cast %parallel_loop3A_1164 : vector<1x16xf32> to vector<16xf32>
        %parallel_loop3A_1166 = vector.shape_cast %parallel_loop3A_1158 : vector<16xf32> to vector<1x16xf32>
        tpu.vector_store %parallel_loop3A_1161[%parallel_loop3A_1162, %parallel_loop3A_1163], %parallel_loop3A_1166 {strides = array<i32>} : memref<40x128xf32, #tpu.memory_space<vmem>>, vector<1x16xf32>,
        %parallel_loop3A_1167 = arith.constant 40 : i32
        %parallel_loop3A_1168 = arith.constant 0 : i32
        %parallel_loop3A_1169 = tpu.memref_slice %arg16[%parallel_loop3A_1167, %parallel_loop3A_1168] : memref<80x128xf32, #tpu.memory_space<vmem>> -> memref<40x128xf32, #tpu.memory_space<vmem>>
        %parallel_loop3A_1170 = arith.index_cast %parallel_loop3A_1036 : i32 to index
        %parallel_loop3A_1171 = arith.constant 80 : index
        %parallel_loop3A_1172 = tpu.vector_load %parallel_loop3A_1169[%parallel_loop3A_1170, %parallel_loop3A_1171] {strides = array<i32>} : memref<40x128xf32, #tpu.memory_space<vmem>>, vector<1x16xf32>,
        %parallel_loop3A_1173 = vector.shape_cast %parallel_loop3A_1172 : vector<1x16xf32> to vector<16xf32>
        %parallel_loop3A_1174 = arith.constant 40 : i32
        %parallel_loop3A_1175 = arith.constant 0 : i32
        %parallel_loop3A_1176 = tpu.memref_slice %arg17[%parallel_loop3A_1174, %parallel_loop3A_1175] : memref<80x128xf32, #tpu.memory_space<vmem>> -> memref<40x128xf32, #tpu.memory_space<vmem>>
        %parallel_loop3A_1177 = arith.index_cast %parallel_loop3A_1036 : i32 to index
        %parallel_loop3A_1178 = arith.constant 80 : index
        %parallel_loop3A_1179 = tpu.vector_load %parallel_loop3A_1176[%parallel_loop3A_1177, %parallel_loop3A_1178] {strides = array<i32>} : memref<40x128xf32, #tpu.memory_space<vmem>>, vector<1x16xf32>,
        %parallel_loop3A_1180 = vector.shape_cast %parallel_loop3A_1179 : vector<1x16xf32> to vector<16xf32>
        %parallel_loop3A_1181 = arith.addf %parallel_loop3A_1173, %parallel_loop3A_1180 : vector<16xf32>
        %parallel_loop3A_1182 = arith.constant 0.000000e+00 : f32
        %parallel_loop3A_1183 = vector.broadcast %parallel_loop3A_1182 : f32 to vector<16xf32>
        %parallel_loop3A_1184 = arith.maximumf %parallel_loop3A_1181, %parallel_loop3A_1183 : vector<16xf32>
        %parallel_loop3A_1185 = arith.constant 40 : i32
        %parallel_loop3A_1186 = arith.constant 0 : i32
        %parallel_loop3A_1187 = tpu.memref_slice %arg16[%parallel_loop3A_1185, %parallel_loop3A_1186] : memref<80x128xf32, #tpu.memory_space<vmem>> -> memref<40x128xf32, #tpu.memory_space<vmem>>
        %parallel_loop3A_1188 = arith.index_cast %parallel_loop3A_1036 : i32 to index
        %parallel_loop3A_1189 = arith.constant 80 : index
        %parallel_loop3A_1190 = tpu.vector_load %parallel_loop3A_1187[%parallel_loop3A_1188, %parallel_loop3A_1189] {strides = array<i32>} : memref<40x128xf32, #tpu.memory_space<vmem>>, vector<1x16xf32>,
        %parallel_loop3A_1191 = vector.shape_cast %parallel_loop3A_1190 : vector<1x16xf32> to vector<16xf32>
        %parallel_loop3A_1192 = vector.shape_cast %parallel_loop3A_1184 : vector<16xf32> to vector<1x16xf32>
        tpu.vector_store %parallel_loop3A_1187[%parallel_loop3A_1188, %parallel_loop3A_1189], %parallel_loop3A_1192 {strides = array<i32>} : memref<40x128xf32, #tpu.memory_space<vmem>>, vector<1x16xf32>,
        %parallel_loop3A_1193 = arith.constant 40 : i32
        %parallel_loop3A_1194 = arith.constant 0 : i32
        %parallel_loop3A_1195 = tpu.memref_slice %arg16[%parallel_loop3A_1193, %parallel_loop3A_1194] : memref<80x128xf32, #tpu.memory_space<vmem>> -> memref<40x128xf32, #tpu.memory_space<vmem>>
        %parallel_loop3A_1196 = arith.index_cast %parallel_loop3A_1036 : i32 to index
        %parallel_loop3A_1197 = arith.constant 96 : index
        %parallel_loop3A_1198 = tpu.vector_load %parallel_loop3A_1195[%parallel_loop3A_1196, %parallel_loop3A_1197] {strides = array<i32>} : memref<40x128xf32, #tpu.memory_space<vmem>>, vector<1x16xf32>,
        %parallel_loop3A_1199 = vector.shape_cast %parallel_loop3A_1198 : vector<1x16xf32> to vector<16xf32>
        %parallel_loop3A_1200 = arith.constant 40 : i32
        %parallel_loop3A_1201 = arith.constant 0 : i32
        %parallel_loop3A_1202 = tpu.memref_slice %arg17[%parallel_loop3A_1200, %parallel_loop3A_1201] : memref<80x128xf32, #tpu.memory_space<vmem>> -> memref<40x128xf32, #tpu.memory_space<vmem>>
        %parallel_loop3A_1203 = arith.index_cast %parallel_loop3A_1036 : i32 to index
        %parallel_loop3A_1204 = arith.constant 96 : index
        %parallel_loop3A_1205 = tpu.vector_load %parallel_loop3A_1202[%parallel_loop3A_1203, %parallel_loop3A_1204] {strides = array<i32>} : memref<40x128xf32, #tpu.memory_space<vmem>>, vector<1x16xf32>,
        %parallel_loop3A_1206 = vector.shape_cast %parallel_loop3A_1205 : vector<1x16xf32> to vector<16xf32>
        %parallel_loop3A_1207 = arith.addf %parallel_loop3A_1199, %parallel_loop3A_1206 : vector<16xf32>
        %parallel_loop3A_1208 = arith.constant 0.000000e+00 : f32
        %parallel_loop3A_1209 = vector.broadcast %parallel_loop3A_1208 : f32 to vector<16xf32>
        %parallel_loop3A_1210 = arith.maximumf %parallel_loop3A_1207, %parallel_loop3A_1209 : vector<16xf32>
        %parallel_loop3A_1211 = arith.constant 40 : i32
        %parallel_loop3A_1212 = arith.constant 0 : i32
        %parallel_loop3A_1213 = tpu.memref_slice %arg16[%parallel_loop3A_1211, %parallel_loop3A_1212] : memref<80x128xf32, #tpu.memory_space<vmem>> -> memref<40x128xf32, #tpu.memory_space<vmem>>
        %parallel_loop3A_1214 = arith.index_cast %parallel_loop3A_1036 : i32 to index
        %parallel_loop3A_1215 = arith.constant 96 : index
        %parallel_loop3A_1216 = tpu.vector_load %parallel_loop3A_1213[%parallel_loop3A_1214, %parallel_loop3A_1215] {strides = array<i32>} : memref<40x128xf32, #tpu.memory_space<vmem>>, vector<1x16xf32>,
        %parallel_loop3A_1217 = vector.shape_cast %parallel_loop3A_1216 : vector<1x16xf32> to vector<16xf32>
        %parallel_loop3A_1218 = vector.shape_cast %parallel_loop3A_1210 : vector<16xf32> to vector<1x16xf32>
        tpu.vector_store %parallel_loop3A_1213[%parallel_loop3A_1214, %parallel_loop3A_1215], %parallel_loop3A_1218 {strides = array<i32>} : memref<40x128xf32, #tpu.memory_space<vmem>>, vector<1x16xf32>,
        %parallel_loop3A_1219 = arith.constant 40 : i32
        %parallel_loop3A_1220 = arith.constant 0 : i32
        %parallel_loop3A_1221 = tpu.memref_slice %arg16[%parallel_loop3A_1219, %parallel_loop3A_1220] : memref<80x128xf32, #tpu.memory_space<vmem>> -> memref<40x128xf32, #tpu.memory_space<vmem>>
        %parallel_loop3A_1222 = arith.index_cast %parallel_loop3A_1036 : i32 to index
        %parallel_loop3A_1223 = arith.constant 112 : index
        %parallel_loop3A_1224 = tpu.vector_load %parallel_loop3A_1221[%parallel_loop3A_1222, %parallel_loop3A_1223] {strides = array<i32>} : memref<40x128xf32, #tpu.memory_space<vmem>>, vector<1x16xf32>,
        %parallel_loop3A_1225 = vector.shape_cast %parallel_loop3A_1224 : vector<1x16xf32> to vector<16xf32>
        %parallel_loop3A_1226 = arith.constant 40 : i32
        %parallel_loop3A_1227 = arith.constant 0 : i32
        %parallel_loop3A_1228 = tpu.memref_slice %arg17[%parallel_loop3A_1226, %parallel_loop3A_1227] : memref<80x128xf32, #tpu.memory_space<vmem>> -> memref<40x128xf32, #tpu.memory_space<vmem>>
        %parallel_loop3A_1229 = arith.index_cast %parallel_loop3A_1036 : i32 to index
        %parallel_loop3A_1230 = arith.constant 112 : index
        %parallel_loop3A_1231 = tpu.vector_load %parallel_loop3A_1228[%parallel_loop3A_1229, %parallel_loop3A_1230] {strides = array<i32>} : memref<40x128xf32, #tpu.memory_space<vmem>>, vector<1x16xf32>,
        %parallel_loop3A_1232 = vector.shape_cast %parallel_loop3A_1231 : vector<1x16xf32> to vector<16xf32>
        %parallel_loop3A_1233 = arith.addf %parallel_loop3A_1225, %parallel_loop3A_1232 : vector<16xf32>
        %parallel_loop3A_1234 = arith.constant 0.000000e+00 : f32
        %parallel_loop3A_1235 = vector.broadcast %parallel_loop3A_1234 : f32 to vector<16xf32>
        %parallel_loop3A_1236 = arith.maximumf %parallel_loop3A_1233, %parallel_loop3A_1235 : vector<16xf32>
        %parallel_loop3A_1237 = arith.constant 40 : i32
        %parallel_loop3A_1238 = arith.constant 0 : i32
        %parallel_loop3A_1239 = tpu.memref_slice %arg16[%parallel_loop3A_1237, %parallel_loop3A_1238] : memref<80x128xf32, #tpu.memory_space<vmem>> -> memref<40x128xf32, #tpu.memory_space<vmem>>
        %parallel_loop3A_1240 = arith.index_cast %parallel_loop3A_1036 : i32 to index
        %parallel_loop3A_1241 = arith.constant 112 : index
        %parallel_loop3A_1242 = tpu.vector_load %parallel_loop3A_1239[%parallel_loop3A_1240, %parallel_loop3A_1241] {strides = array<i32>} : memref<40x128xf32, #tpu.memory_space<vmem>>, vector<1x16xf32>,
        %parallel_loop3A_1243 = vector.shape_cast %parallel_loop3A_1242 : vector<1x16xf32> to vector<16xf32>
        %parallel_loop3A_1244 = vector.shape_cast %parallel_loop3A_1236 : vector<16xf32> to vector<1x16xf32>
        tpu.vector_store %parallel_loop3A_1239[%parallel_loop3A_1240, %parallel_loop3A_1241], %parallel_loop3A_1244 {strides = array<i32>} : memref<40x128xf32, #tpu.memory_space<vmem>>, vector<1x16xf32>,
      } {sc.loop_unroll_factor = 2 : i64, sc.parallel_access}
      %add3A_1020 = arith.constant 2 : i32
      %add3A_1021 = arith.addi %add3A_980, %add3A_1020 : i32
      %lt3A_1022 = arith.constant 250 : i32
      %lt3A_1023 = arith.cmpi slt, %add3A_1021, %lt3A_1022 : i32
      %convert_element_type3A_1024 = arith.extui %lt3A_1023 : i1 to i32
      %cond3A_1025 = arith.constant 0 : i32
      %cond3A_1026 = arith.cmpi ne, %convert_element_type3A_1024, %cond3A_1025 : i32
      scf.if %cond3A_1026 {
        %add3A_1036 = arith.constant 2 : i32
        %add3A_1037 = arith.addi %add3A_980, %add3A_1036 : i32
        %jit3A = arith.constant 2 : i32
        %div3A = arith.divsi %add3A_1037, %jit3A : i32
        %sign3A = arith.constant 0 : i32
        %sign3A_1038 = arith.cmpi sgt, %add3A_1037, %sign3A : i32
        %sign3A_1039 = arith.extui %sign3A_1038 : i1 to i32
        %sign3A_1040 = arith.constant 0 : i32
        %sign3A_1041 = arith.cmpi slt, %add3A_1037, %sign3A_1040 : i32
        %sign3A_1042 = arith.extui %sign3A_1041 : i1 to i32
        %sign3A_1043 = arith.subi %sign3A_1039, %sign3A_1042 : i32
        %sign3A_1044 = arith.constant 0 : i32
        %sign3A_1045 = arith.cmpi sgt, %jit3A, %sign3A_1044 : i32
        %sign3A_1046 = arith.extui %sign3A_1045 : i1 to i32
        %sign3A_1047 = arith.constant 0 : i32
        %sign3A_1048 = arith.cmpi slt, %jit3A, %sign3A_1047 : i32
        %sign3A_1049 = arith.extui %sign3A_1048 : i1 to i32
        %sign3A_1050 = arith.subi %sign3A_1046, %sign3A_1049 : i32
        %ne3A = arith.cmpi ne, %sign3A_1043, %sign3A_1050 : i32
        %rem3A = arith.remsi %add3A_1037, %jit3A : i32
        %ne3A_1051 = arith.constant 0 : i32
        %ne3A_1052 = arith.cmpi ne, %rem3A, %ne3A_1051 : i32
        %and3A_1053 = arith.andi %ne3A, %ne3A_1052 : i1
        %sub3A = arith.constant 1 : i32
        %sub3A_1054 = arith.subi %div3A, %sub3A : i32
        %select_n3A = arith.select %and3A_1053, %sub3A_1054, %div3A : i32
        %jit3A_1055 = arith.constant 2 : i32
        %eq3A_1056 = arith.constant 0 : i32
        %eq3A_1057 = arith.cmpi eq, %jit3A_1055, %eq3A_1056 : i32
        %jit3A_1058 = arith.constant 1 : i32
        %select_n3A_1059 = arith.select %eq3A_1057, %jit3A_1058, %jit3A_1055 : i32
        %rem3A_1060 = arith.remsi %add3A_1037, %select_n3A_1059 : i32
        %ne3A_1061 = arith.constant 0 : i32
        %ne3A_1062 = arith.cmpi ne, %rem3A_1060, %ne3A_1061 : i32
        %lt3A_1063 = arith.constant 0 : i32
        %lt3A_1064 = arith.cmpi slt, %rem3A_1060, %lt3A_1063 : i32
        %lt3A_1065 = arith.constant 0 : i32
        %lt3A_1066 = arith.cmpi slt, %select_n3A_1059, %lt3A_1065 : i32
        %ne3A_1067 = arith.xori %lt3A_1064, %lt3A_1066 : i1
        %and3A_1068 = arith.andi %ne3A_1067, %ne3A_1062 : i1
        %add3A_1069 = arith.addi %rem3A_1060, %select_n3A_1059 : i32
        %select_n3A_1070 = arith.select %and3A_1068, %add3A_1069, %rem3A_1060 : i32
        %mul3A_1071 = arith.constant 40 : i32
        %mul3A_1072 = arith.muli %select_n3A_1070, %mul3A_1071 : i32
        %dma_start3A_1073 = arith.constant 40 : i32
        %dma_start3A_1074 = arith.constant 0 : i32
        %dma_start3A_1075 = tpu.memref_slice %arg17[%dma_start3A_1073, %dma_start3A_1074] : memref<80x128xf32, #tpu.memory_space<vmem>> -> memref<40x128xf32, #tpu.memory_space<vmem>>
        %dma_start3A_1076 = arith.constant 0 : i32
        %dma_start3A_1077 = tpu.memref_slice %arg4[%add3A, %select_n3A, %mul3A_1072, %dma_start3A_1076] : memref<32x125x80x128xf32, #tpu.memory_space<hbm>> -> memref<1x1x40x128xf32, #tpu.memory_space<hbm>>
        %dma_start3A_1078 = tpu.memref_squeeze %dma_start3A_1077 : memref<1x1x40x128xf32, #tpu.memory_space<hbm>> -> memref<40x128xf32, #tpu.memory_space<hbm>>
        %dma_start3A_1079 = arith.constant 40 : i32
        %dma_start3A_1080 = arith.constant 0 : i32
        %dma_start3A_1081 = tpu.memref_slice %arg17[%dma_start3A_1079, %dma_start3A_1080] : memref<80x128xf32, #tpu.memory_space<vmem>> -> memref<40x128xf32, #tpu.memory_space<vmem>>
        %dma_start3A_1082 = arith.constant 0 : i32
        %dma_start3A_1083 = tpu.memref_slice %arg4[%add3A, %select_n3A, %mul3A_1072, %dma_start3A_1082] : memref<32x125x80x128xf32, #tpu.memory_space<hbm>> -> memref<1x1x40x128xf32, #tpu.memory_space<hbm>>
        %dma_start3A_1084 = tpu.memref_squeeze %dma_start3A_1083 : memref<1x1x40x128xf32, #tpu.memory_space<hbm>> -> memref<40x128xf32, #tpu.memory_space<hbm>>
        tpu.enqueue_dma source(%dma_start3A_1084 : memref<40x128xf32, #tpu.memory_space<hbm>>) target(%dma_start3A_1081 : memref<40x128xf32, #tpu.memory_space<vmem>>) target_semaphore(%arg31 : memref<!tpu.dma_semaphore, #tpu.memory_space<semaphore_mem>>)
      } else {
      }
      %dma_start3A_1027 = arith.constant 40 : i32
      %dma_start3A_1028 = arith.constant 0 : i32
      %dma_start3A_1029 = tpu.memref_slice %arg16[%dma_start3A_1027, %dma_start3A_1028] : memref<80x128xf32, #tpu.memory_space<vmem>> -> memref<40x128xf32, #tpu.memory_space<vmem>>
      %dma_start3A_1030 = arith.constant 0 : i32
      %dma_start3A_1031 = tpu.memref_slice %arg12[%scan3A, %dma_start3A_1030] : memref<6x40xi32, #tpu.memory_space<vmem>> -> memref<1x40xi32, #tpu.memory_space<vmem>>
      %dma_start3A_1032 = tpu.memref_squeeze %dma_start3A_1031 : memref<1x40xi32, #tpu.memory_space<vmem>> -> memref<40xi32, #tpu.memory_space<vmem>>
      %dma_start3A_1033 = arith.constant 0 : i32
      %dma_start3A_1034 = arith.constant 0 : i32
      %dma_start3A_1035 = tpu.memref_slice %arg9[%dma_start3A_1033, %dma_start3A_1034] : memref<10008x128xf32, #tpu.memory_space<vmem_shared>> -> memref<10008x128xf32, #tpu.memory_space<vmem_shared>>
      tpu.enqueue_indirect_dma source(%dma_start3A_1029 : memref<40x128xf32, #tpu.memory_space<vmem>>) target(%dma_start3A_1035 : memref<10008x128xf32, #tpu.memory_space<vmem_shared>>) offsets(%dma_start3A_1032 : memref<40xi32, #tpu.memory_space<vmem>>) semaphore(%arg27 : memref<!tpu.dma_semaphore, #tpu.memory_space<semaphore_mem>>) {add = true}
    }
    %scan3A_333 = arith.constant 62 : i32
    %dma_wait3A_334 = arith.constant 3 : i32
    %dma_wait3A_335 = arith.constant 40 : i32
    %dma_wait3A_336 = arith.constant 0 : i32
    %dma_wait3A_337 = tpu.memref_slice %arg16[%dma_wait3A_335, %dma_wait3A_336] : memref<80x128xf32, #tpu.memory_space<vmem>> -> memref<40x128xf32, #tpu.memory_space<vmem>>
    %dma_wait3A_338 = arith.constant 0 : i32
    %dma_wait3A_339 = tpu.memref_slice %arg12[%dma_wait3A_334, %dma_wait3A_338] : memref<6x40xi32, #tpu.memory_space<vmem>> -> memref<1x40xi32, #tpu.memory_space<vmem>>
    %dma_wait3A_340 = tpu.memref_squeeze %dma_wait3A_339 : memref<1x40xi32, #tpu.memory_space<vmem>> -> memref<40xi32, #tpu.memory_space<vmem>>
    %dma_wait3A_341 = arith.constant 0 : i32
    %dma_wait3A_342 = arith.constant 0 : i32
    %dma_wait3A_343 = tpu.memref_slice %arg9[%dma_wait3A_341, %dma_wait3A_342] : memref<10008x128xf32, #tpu.memory_space<vmem_shared>> -> memref<10008x128xf32, #tpu.memory_space<vmem_shared>>
    tpu.wait_indirect_dma semaphore(%arg27 : memref<!tpu.dma_semaphore, #tpu.memory_space<semaphore_mem>>) src(%dma_wait3A_337 : memref<40x128xf32, #tpu.memory_space<vmem>>) dst(%dma_wait3A_343 : memref<10008x128xf32, #tpu.memory_space<vmem_shared>>)
    %dma_wait3A_344 = arith.constant 0 : i32
    %dma_wait3A_345 = arith.constant 0 : i32
    %dma_wait3A_346 = arith.constant 0 : i32
    %dma_wait3A_347 = tpu.memref_slice %arg15[%dma_wait3A_345, %dma_wait3A_346] : memref<80x128xf32, #tpu.memory_space<vmem>> -> memref<40x128xf32, #tpu.memory_space<vmem>>
    %dma_wait3A_348 = arith.constant 0 : i32
    %dma_wait3A_349 = tpu.memref_slice %arg11[%dma_wait3A_344, %dma_wait3A_348] : memref<6x40xi32, #tpu.memory_space<vmem>> -> memref<1x40xi32, #tpu.memory_space<vmem>>
    %dma_wait3A_350 = tpu.memref_squeeze %dma_wait3A_349 : memref<1x40xi32, #tpu.memory_space<vmem>> -> memref<40xi32, #tpu.memory_space<vmem>>
    %dma_wait3A_351 = arith.constant 0 : i32
    %dma_wait3A_352 = arith.constant 0 : i32
    %dma_wait3A_353 = tpu.memref_slice %arg2[%dma_wait3A_351, %dma_wait3A_352] : memref<10000x128xf32, #tpu.memory_space<hbm>> -> memref<10000x128xf32, #tpu.memory_space<hbm>>
    tpu.wait_indirect_dma semaphore(%arg18 : memref<!tpu.dma_semaphore, #tpu.memory_space<semaphore_mem>>) src(%dma_wait3A_353 : memref<10000x128xf32, #tpu.memory_space<hbm>>) dst(%dma_wait3A_347 : memref<40x128xf32, #tpu.memory_space<vmem>>)
    %dma_wait3A_354 = arith.constant 0 : i32
    %dma_wait3A_355 = arith.constant 0 : i32
    %dma_wait3A_356 = arith.constant 0 : i32
    %dma_wait3A_357 = tpu.memref_slice %arg17[%dma_wait3A_355, %dma_wait3A_356] : memref<80x128xf32, #tpu.memory_space<vmem>> -> memref<40x128xf32, #tpu.memory_space<vmem>>
    %dma_wait3A_358 = arith.constant 0 : i32
    %dma_wait3A_359 = arith.constant 0 : i32
    %dma_wait3A_360 = tpu.memref_slice %arg4[%add3A, %dma_wait3A_354, %dma_wait3A_358, %dma_wait3A_359] : memref<32x125x80x128xf32, #tpu.memory_space<hbm>> -> memref<1x1x40x128xf32, #tpu.memory_space<hbm>>
    %dma_wait3A_361 = tpu.memref_squeeze %dma_wait3A_360 : memref<1x1x40x128xf32, #tpu.memory_space<hbm>> -> memref<40x128xf32, #tpu.memory_space<hbm>>
    %dma_wait3A_362 = arith.constant 0 : i32
    %dma_wait3A_363 = arith.constant 0 : i32
    %dma_wait3A_364 = tpu.memref_slice %arg17[%dma_wait3A_362, %dma_wait3A_363] : memref<80x128xf32, #tpu.memory_space<vmem>> -> memref<40x128xf32, #tpu.memory_space<vmem>>
    %dma_wait3A_365 = arith.constant 0 : i32
    %dma_wait3A_366 = arith.constant 0 : i32
    %dma_wait3A_367 = tpu.memref_slice %arg4[%add3A, %dma_wait3A_354, %dma_wait3A_365, %dma_wait3A_366] : memref<32x125x80x128xf32, #tpu.memory_space<hbm>> -> memref<1x1x40x128xf32, #tpu.memory_space<hbm>>
    %dma_wait3A_368 = tpu.memref_squeeze %dma_wait3A_367 : memref<1x1x40x128xf32, #tpu.memory_space<hbm>> -> memref<40x128xf32, #tpu.memory_space<hbm>>
    tpu.wait_dma2 semaphore(%arg30 : memref<!tpu.dma_semaphore, #tpu.memory_space<semaphore_mem>>) src(%dma_wait3A_368 : memref<40x128xf32, #tpu.memory_space<hbm>>) dst(%dma_wait3A_364 : memref<40x128xf32, #tpu.memory_space<vmem>>)
    %parallel_loop3A = arith.constant 0 : i32
    %parallel_loop3A_369 = arith.constant 40 : i32
    %parallel_loop3A_370 = arith.constant 1 : i32
    scf.for %parallel_loop3A_802 = %parallel_loop3A to %parallel_loop3A_369 step %parallel_loop3A_370  : i32 {
      %parallel_loop3A_803 = arith.constant 0 : i32
      %parallel_loop3A_804 = arith.constant 0 : i32
      %parallel_loop3A_805 = tpu.memref_slice %arg15[%parallel_loop3A_803, %parallel_loop3A_804] : memref<80x128xf32, #tpu.memory_space<vmem>> -> memref<40x128xf32, #tpu.memory_space<vmem>>
      %parallel_loop3A_806 = arith.index_cast %parallel_loop3A_802 : i32 to index
      %parallel_loop3A_807 = arith.constant 0 : index
      %parallel_loop3A_808 = tpu.vector_load %parallel_loop3A_805[%parallel_loop3A_806, %parallel_loop3A_807] {strides = array<i32>} : memref<40x128xf32, #tpu.memory_space<vmem>>, vector<1x16xf32>,
      %parallel_loop3A_809 = vector.shape_cast %parallel_loop3A_808 : vector<1x16xf32> to vector<16xf32>
      %parallel_loop3A_810 = arith.constant 0 : i32
      %parallel_loop3A_811 = arith.constant 0 : i32
      %parallel_loop3A_812 = tpu.memref_slice %arg17[%parallel_loop3A_810, %parallel_loop3A_811] : memref<80x128xf32, #tpu.memory_space<vmem>> -> memref<40x128xf32, #tpu.memory_space<vmem>>
      %parallel_loop3A_813 = arith.index_cast %parallel_loop3A_802 : i32 to index
      %parallel_loop3A_814 = arith.constant 0 : index
      %parallel_loop3A_815 = tpu.vector_load %parallel_loop3A_812[%parallel_loop3A_813, %parallel_loop3A_814] {strides = array<i32>} : memref<40x128xf32, #tpu.memory_space<vmem>>, vector<1x16xf32>,
      %parallel_loop3A_816 = vector.shape_cast %parallel_loop3A_815 : vector<1x16xf32> to vector<16xf32>
      %parallel_loop3A_817 = arith.addf %parallel_loop3A_809, %parallel_loop3A_816 : vector<16xf32>
      %parallel_loop3A_818 = arith.constant 0.000000e+00 : f32
      %parallel_loop3A_819 = vector.broadcast %parallel_loop3A_818 : f32 to vector<16xf32>
      %parallel_loop3A_820 = arith.maximumf %parallel_loop3A_817, %parallel_loop3A_819 : vector<16xf32>
      %parallel_loop3A_821 = arith.constant 0 : i32
      %parallel_loop3A_822 = arith.constant 0 : i32
      %parallel_loop3A_823 = tpu.memref_slice %arg15[%parallel_loop3A_821, %parallel_loop3A_822] : memref<80x128xf32, #tpu.memory_space<vmem>> -> memref<40x128xf32, #tpu.memory_space<vmem>>
      %parallel_loop3A_824 = arith.index_cast %parallel_loop3A_802 : i32 to index
      %parallel_loop3A_825 = arith.constant 0 : index
      %parallel_loop3A_826 = tpu.vector_load %parallel_loop3A_823[%parallel_loop3A_824, %parallel_loop3A_825] {strides = array<i32>} : memref<40x128xf32, #tpu.memory_space<vmem>>, vector<1x16xf32>,
      %parallel_loop3A_827 = vector.shape_cast %parallel_loop3A_826 : vector<1x16xf32> to vector<16xf32>
      %parallel_loop3A_828 = vector.shape_cast %parallel_loop3A_820 : vector<16xf32> to vector<1x16xf32>
      tpu.vector_store %parallel_loop3A_823[%parallel_loop3A_824, %parallel_loop3A_825], %parallel_loop3A_828 {strides = array<i32>} : memref<40x128xf32, #tpu.memory_space<vmem>>, vector<1x16xf32>,
      %parallel_loop3A_829 = arith.constant 0 : i32
      %parallel_loop3A_830 = arith.constant 0 : i32
      %parallel_loop3A_831 = tpu.memref_slice %arg15[%parallel_loop3A_829, %parallel_loop3A_830] : memref<80x128xf32, #tpu.memory_space<vmem>> -> memref<40x128xf32, #tpu.memory_space<vmem>>
      %parallel_loop3A_832 = arith.index_cast %parallel_loop3A_802 : i32 to index
      %parallel_loop3A_833 = arith.constant 16 : index
      %parallel_loop3A_834 = tpu.vector_load %parallel_loop3A_831[%parallel_loop3A_832, %parallel_loop3A_833] {strides = array<i32>} : memref<40x128xf32, #tpu.memory_space<vmem>>, vector<1x16xf32>,
      %parallel_loop3A_835 = vector.shape_cast %parallel_loop3A_834 : vector<1x16xf32> to vector<16xf32>
      %parallel_loop3A_836 = arith.constant 0 : i32
      %parallel_loop3A_837 = arith.constant 0 : i32
      %parallel_loop3A_838 = tpu.memref_slice %arg17[%parallel_loop3A_836, %parallel_loop3A_837] : memref<80x128xf32, #tpu.memory_space<vmem>> -> memref<40x128xf32, #tpu.memory_space<vmem>>
      %parallel_loop3A_839 = arith.index_cast %parallel_loop3A_802 : i32 to index
      %parallel_loop3A_840 = arith.constant 16 : index
      %parallel_loop3A_841 = tpu.vector_load %parallel_loop3A_838[%parallel_loop3A_839, %parallel_loop3A_840] {strides = array<i32>} : memref<40x128xf32, #tpu.memory_space<vmem>>, vector<1x16xf32>,
      %parallel_loop3A_842 = vector.shape_cast %parallel_loop3A_841 : vector<1x16xf32> to vector<16xf32>
      %parallel_loop3A_843 = arith.addf %parallel_loop3A_835, %parallel_loop3A_842 : vector<16xf32>
      %parallel_loop3A_844 = arith.constant 0.000000e+00 : f32
      %parallel_loop3A_845 = vector.broadcast %parallel_loop3A_844 : f32 to vector<16xf32>
      %parallel_loop3A_846 = arith.maximumf %parallel_loop3A_843, %parallel_loop3A_845 : vector<16xf32>
      %parallel_loop3A_847 = arith.constant 0 : i32
      %parallel_loop3A_848 = arith.constant 0 : i32
      %parallel_loop3A_849 = tpu.memref_slice %arg15[%parallel_loop3A_847, %parallel_loop3A_848] : memref<80x128xf32, #tpu.memory_space<vmem>> -> memref<40x128xf32, #tpu.memory_space<vmem>>
      %parallel_loop3A_850 = arith.index_cast %parallel_loop3A_802 : i32 to index
      %parallel_loop3A_851 = arith.constant 16 : index
      %parallel_loop3A_852 = tpu.vector_load %parallel_loop3A_849[%parallel_loop3A_850, %parallel_loop3A_851] {strides = array<i32>} : memref<40x128xf32, #tpu.memory_space<vmem>>, vector<1x16xf32>,
      %parallel_loop3A_853 = vector.shape_cast %parallel_loop3A_852 : vector<1x16xf32> to vector<16xf32>
      %parallel_loop3A_854 = vector.shape_cast %parallel_loop3A_846 : vector<16xf32> to vector<1x16xf32>
      tpu.vector_store %parallel_loop3A_849[%parallel_loop3A_850, %parallel_loop3A_851], %parallel_loop3A_854 {strides = array<i32>} : memref<40x128xf32, #tpu.memory_space<vmem>>, vector<1x16xf32>,
      %parallel_loop3A_855 = arith.constant 0 : i32
      %parallel_loop3A_856 = arith.constant 0 : i32
      %parallel_loop3A_857 = tpu.memref_slice %arg15[%parallel_loop3A_855, %parallel_loop3A_856] : memref<80x128xf32, #tpu.memory_space<vmem>> -> memref<40x128xf32, #tpu.memory_space<vmem>>
      %parallel_loop3A_858 = arith.index_cast %parallel_loop3A_802 : i32 to index
      %parallel_loop3A_859 = arith.constant 32 : index
      %parallel_loop3A_860 = tpu.vector_load %parallel_loop3A_857[%parallel_loop3A_858, %parallel_loop3A_859] {strides = array<i32>} : memref<40x128xf32, #tpu.memory_space<vmem>>, vector<1x16xf32>,
      %parallel_loop3A_861 = vector.shape_cast %parallel_loop3A_860 : vector<1x16xf32> to vector<16xf32>
      %parallel_loop3A_862 = arith.constant 0 : i32
      %parallel_loop3A_863 = arith.constant 0 : i32
      %parallel_loop3A_864 = tpu.memref_slice %arg17[%parallel_loop3A_862, %parallel_loop3A_863] : memref<80x128xf32, #tpu.memory_space<vmem>> -> memref<40x128xf32, #tpu.memory_space<vmem>>
      %parallel_loop3A_865 = arith.index_cast %parallel_loop3A_802 : i32 to index
      %parallel_loop3A_866 = arith.constant 32 : index
      %parallel_loop3A_867 = tpu.vector_load %parallel_loop3A_864[%parallel_loop3A_865, %parallel_loop3A_866] {strides = array<i32>} : memref<40x128xf32, #tpu.memory_space<vmem>>, vector<1x16xf32>,
      %parallel_loop3A_868 = vector.shape_cast %parallel_loop3A_867 : vector<1x16xf32> to vector<16xf32>
      %parallel_loop3A_869 = arith.addf %parallel_loop3A_861, %parallel_loop3A_868 : vector<16xf32>
      %parallel_loop3A_870 = arith.constant 0.000000e+00 : f32
      %parallel_loop3A_871 = vector.broadcast %parallel_loop3A_870 : f32 to vector<16xf32>
      %parallel_loop3A_872 = arith.maximumf %parallel_loop3A_869, %parallel_loop3A_871 : vector<16xf32>
      %parallel_loop3A_873 = arith.constant 0 : i32
      %parallel_loop3A_874 = arith.constant 0 : i32
      %parallel_loop3A_875 = tpu.memref_slice %arg15[%parallel_loop3A_873, %parallel_loop3A_874] : memref<80x128xf32, #tpu.memory_space<vmem>> -> memref<40x128xf32, #tpu.memory_space<vmem>>
      %parallel_loop3A_876 = arith.index_cast %parallel_loop3A_802 : i32 to index
      %parallel_loop3A_877 = arith.constant 32 : index
      %parallel_loop3A_878 = tpu.vector_load %parallel_loop3A_875[%parallel_loop3A_876, %parallel_loop3A_877] {strides = array<i32>} : memref<40x128xf32, #tpu.memory_space<vmem>>, vector<1x16xf32>,
      %parallel_loop3A_879 = vector.shape_cast %parallel_loop3A_878 : vector<1x16xf32> to vector<16xf32>
      %parallel_loop3A_880 = vector.shape_cast %parallel_loop3A_872 : vector<16xf32> to vector<1x16xf32>
      tpu.vector_store %parallel_loop3A_875[%parallel_loop3A_876, %parallel_loop3A_877], %parallel_loop3A_880 {strides = array<i32>} : memref<40x128xf32, #tpu.memory_space<vmem>>, vector<1x16xf32>,
      %parallel_loop3A_881 = arith.constant 0 : i32
      %parallel_loop3A_882 = arith.constant 0 : i32
      %parallel_loop3A_883 = tpu.memref_slice %arg15[%parallel_loop3A_881, %parallel_loop3A_882] : memref<80x128xf32, #tpu.memory_space<vmem>> -> memref<40x128xf32, #tpu.memory_space<vmem>>
      %parallel_loop3A_884 = arith.index_cast %parallel_loop3A_802 : i32 to index
      %parallel_loop3A_885 = arith.constant 48 : index
      %parallel_loop3A_886 = tpu.vector_load %parallel_loop3A_883[%parallel_loop3A_884, %parallel_loop3A_885] {strides = array<i32>} : memref<40x128xf32, #tpu.memory_space<vmem>>, vector<1x16xf32>,
      %parallel_loop3A_887 = vector.shape_cast %parallel_loop3A_886 : vector<1x16xf32> to vector<16xf32>
      %parallel_loop3A_888 = arith.constant 0 : i32
      %parallel_loop3A_889 = arith.constant 0 : i32
      %parallel_loop3A_890 = tpu.memref_slice %arg17[%parallel_loop3A_888, %parallel_loop3A_889] : memref<80x128xf32, #tpu.memory_space<vmem>> -> memref<40x128xf32, #tpu.memory_space<vmem>>
      %parallel_loop3A_891 = arith.index_cast %parallel_loop3A_802 : i32 to index
      %parallel_loop3A_892 = arith.constant 48 : index
      %parallel_loop3A_893 = tpu.vector_load %parallel_loop3A_890[%parallel_loop3A_891, %parallel_loop3A_892] {strides = array<i32>} : memref<40x128xf32, #tpu.memory_space<vmem>>, vector<1x16xf32>,
      %parallel_loop3A_894 = vector.shape_cast %parallel_loop3A_893 : vector<1x16xf32> to vector<16xf32>
      %parallel_loop3A_895 = arith.addf %parallel_loop3A_887, %parallel_loop3A_894 : vector<16xf32>
      %parallel_loop3A_896 = arith.constant 0.000000e+00 : f32
      %parallel_loop3A_897 = vector.broadcast %parallel_loop3A_896 : f32 to vector<16xf32>
      %parallel_loop3A_898 = arith.maximumf %parallel_loop3A_895, %parallel_loop3A_897 : vector<16xf32>
      %parallel_loop3A_899 = arith.constant 0 : i32
      %parallel_loop3A_900 = arith.constant 0 : i32
      %parallel_loop3A_901 = tpu.memref_slice %arg15[%parallel_loop3A_899, %parallel_loop3A_900] : memref<80x128xf32, #tpu.memory_space<vmem>> -> memref<40x128xf32, #tpu.memory_space<vmem>>
      %parallel_loop3A_902 = arith.index_cast %parallel_loop3A_802 : i32 to index
      %parallel_loop3A_903 = arith.constant 48 : index
      %parallel_loop3A_904 = tpu.vector_load %parallel_loop3A_901[%parallel_loop3A_902, %parallel_loop3A_903] {strides = array<i32>} : memref<40x128xf32, #tpu.memory_space<vmem>>, vector<1x16xf32>,
      %parallel_loop3A_905 = vector.shape_cast %parallel_loop3A_904 : vector<1x16xf32> to vector<16xf32>
      %parallel_loop3A_906 = vector.shape_cast %parallel_loop3A_898 : vector<16xf32> to vector<1x16xf32>
      tpu.vector_store %parallel_loop3A_901[%parallel_loop3A_902, %parallel_loop3A_903], %parallel_loop3A_906 {strides = array<i32>} : memref<40x128xf32, #tpu.memory_space<vmem>>, vector<1x16xf32>,
      %parallel_loop3A_907 = arith.constant 0 : i32
      %parallel_loop3A_908 = arith.constant 0 : i32
      %parallel_loop3A_909 = tpu.memref_slice %arg15[%parallel_loop3A_907, %parallel_loop3A_908] : memref<80x128xf32, #tpu.memory_space<vmem>> -> memref<40x128xf32, #tpu.memory_space<vmem>>
      %parallel_loop3A_910 = arith.index_cast %parallel_loop3A_802 : i32 to index
      %parallel_loop3A_911 = arith.constant 64 : index
      %parallel_loop3A_912 = tpu.vector_load %parallel_loop3A_909[%parallel_loop3A_910, %parallel_loop3A_911] {strides = array<i32>} : memref<40x128xf32, #tpu.memory_space<vmem>>, vector<1x16xf32>,
      %parallel_loop3A_913 = vector.shape_cast %parallel_loop3A_912 : vector<1x16xf32> to vector<16xf32>
      %parallel_loop3A_914 = arith.constant 0 : i32
      %parallel_loop3A_915 = arith.constant 0 : i32
      %parallel_loop3A_916 = tpu.memref_slice %arg17[%parallel_loop3A_914, %parallel_loop3A_915] : memref<80x128xf32, #tpu.memory_space<vmem>> -> memref<40x128xf32, #tpu.memory_space<vmem>>
      %parallel_loop3A_917 = arith.index_cast %parallel_loop3A_802 : i32 to index
      %parallel_loop3A_918 = arith.constant 64 : index
      %parallel_loop3A_919 = tpu.vector_load %parallel_loop3A_916[%parallel_loop3A_917, %parallel_loop3A_918] {strides = array<i32>} : memref<40x128xf32, #tpu.memory_space<vmem>>, vector<1x16xf32>,
      %parallel_loop3A_920 = vector.shape_cast %parallel_loop3A_919 : vector<1x16xf32> to vector<16xf32>
      %parallel_loop3A_921 = arith.addf %parallel_loop3A_913, %parallel_loop3A_920 : vector<16xf32>
      %parallel_loop3A_922 = arith.constant 0.000000e+00 : f32
      %parallel_loop3A_923 = vector.broadcast %parallel_loop3A_922 : f32 to vector<16xf32>
      %parallel_loop3A_924 = arith.maximumf %parallel_loop3A_921, %parallel_loop3A_923 : vector<16xf32>
      %parallel_loop3A_925 = arith.constant 0 : i32
      %parallel_loop3A_926 = arith.constant 0 : i32
      %parallel_loop3A_927 = tpu.memref_slice %arg15[%parallel_loop3A_925, %parallel_loop3A_926] : memref<80x128xf32, #tpu.memory_space<vmem>> -> memref<40x128xf32, #tpu.memory_space<vmem>>
      %parallel_loop3A_928 = arith.index_cast %parallel_loop3A_802 : i32 to index
      %parallel_loop3A_929 = arith.constant 64 : index
      %parallel_loop3A_930 = tpu.vector_load %parallel_loop3A_927[%parallel_loop3A_928, %parallel_loop3A_929] {strides = array<i32>} : memref<40x128xf32, #tpu.memory_space<vmem>>, vector<1x16xf32>,
      %parallel_loop3A_931 = vector.shape_cast %parallel_loop3A_930 : vector<1x16xf32> to vector<16xf32>
      %parallel_loop3A_932 = vector.shape_cast %parallel_loop3A_924 : vector<16xf32> to vector<1x16xf32>
      tpu.vector_store %parallel_loop3A_927[%parallel_loop3A_928, %parallel_loop3A_929], %parallel_loop3A_932 {strides = array<i32>} : memref<40x128xf32, #tpu.memory_space<vmem>>, vector<1x16xf32>,
      %parallel_loop3A_933 = arith.constant 0 : i32
      %parallel_loop3A_934 = arith.constant 0 : i32
      %parallel_loop3A_935 = tpu.memref_slice %arg15[%parallel_loop3A_933, %parallel_loop3A_934] : memref<80x128xf32, #tpu.memory_space<vmem>> -> memref<40x128xf32, #tpu.memory_space<vmem>>
      %parallel_loop3A_936 = arith.index_cast %parallel_loop3A_802 : i32 to index
      %parallel_loop3A_937 = arith.constant 80 : index
      %parallel_loop3A_938 = tpu.vector_load %parallel_loop3A_935[%parallel_loop3A_936, %parallel_loop3A_937] {strides = array<i32>} : memref<40x128xf32, #tpu.memory_space<vmem>>, vector<1x16xf32>,
      %parallel_loop3A_939 = vector.shape_cast %parallel_loop3A_938 : vector<1x16xf32> to vector<16xf32>
      %parallel_loop3A_940 = arith.constant 0 : i32
      %parallel_loop3A_941 = arith.constant 0 : i32
      %parallel_loop3A_942 = tpu.memref_slice %arg17[%parallel_loop3A_940, %parallel_loop3A_941] : memref<80x128xf32, #tpu.memory_space<vmem>> -> memref<40x128xf32, #tpu.memory_space<vmem>>
      %parallel_loop3A_943 = arith.index_cast %parallel_loop3A_802 : i32 to index
      %parallel_loop3A_944 = arith.constant 80 : index
      %parallel_loop3A_945 = tpu.vector_load %parallel_loop3A_942[%parallel_loop3A_943, %parallel_loop3A_944] {strides = array<i32>} : memref<40x128xf32, #tpu.memory_space<vmem>>, vector<1x16xf32>,
      %parallel_loop3A_946 = vector.shape_cast %parallel_loop3A_945 : vector<1x16xf32> to vector<16xf32>
      %parallel_loop3A_947 = arith.addf %parallel_loop3A_939, %parallel_loop3A_946 : vector<16xf32>
      %parallel_loop3A_948 = arith.constant 0.000000e+00 : f32
      %parallel_loop3A_949 = vector.broadcast %parallel_loop3A_948 : f32 to vector<16xf32>
      %parallel_loop3A_950 = arith.maximumf %parallel_loop3A_947, %parallel_loop3A_949 : vector<16xf32>
      %parallel_loop3A_951 = arith.constant 0 : i32
      %parallel_loop3A_952 = arith.constant 0 : i32
      %parallel_loop3A_953 = tpu.memref_slice %arg15[%parallel_loop3A_951, %parallel_loop3A_952] : memref<80x128xf32, #tpu.memory_space<vmem>> -> memref<40x128xf32, #tpu.memory_space<vmem>>
      %parallel_loop3A_954 = arith.index_cast %parallel_loop3A_802 : i32 to index
      %parallel_loop3A_955 = arith.constant 80 : index
      %parallel_loop3A_956 = tpu.vector_load %parallel_loop3A_953[%parallel_loop3A_954, %parallel_loop3A_955] {strides = array<i32>} : memref<40x128xf32, #tpu.memory_space<vmem>>, vector<1x16xf32>,
      %parallel_loop3A_957 = vector.shape_cast %parallel_loop3A_956 : vector<1x16xf32> to vector<16xf32>
      %parallel_loop3A_958 = vector.shape_cast %parallel_loop3A_950 : vector<16xf32> to vector<1x16xf32>
      tpu.vector_store %parallel_loop3A_953[%parallel_loop3A_954, %parallel_loop3A_955], %parallel_loop3A_958 {strides = array<i32>} : memref<40x128xf32, #tpu.memory_space<vmem>>, vector<1x16xf32>,
      %parallel_loop3A_959 = arith.constant 0 : i32
      %parallel_loop3A_960 = arith.constant 0 : i32
      %parallel_loop3A_961 = tpu.memref_slice %arg15[%parallel_loop3A_959, %parallel_loop3A_960] : memref<80x128xf32, #tpu.memory_space<vmem>> -> memref<40x128xf32, #tpu.memory_space<vmem>>
      %parallel_loop3A_962 = arith.index_cast %parallel_loop3A_802 : i32 to index
      %parallel_loop3A_963 = arith.constant 96 : index
      %parallel_loop3A_964 = tpu.vector_load %parallel_loop3A_961[%parallel_loop3A_962, %parallel_loop3A_963] {strides = array<i32>} : memref<40x128xf32, #tpu.memory_space<vmem>>, vector<1x16xf32>,
      %parallel_loop3A_965 = vector.shape_cast %parallel_loop3A_964 : vector<1x16xf32> to vector<16xf32>
      %parallel_loop3A_966 = arith.constant 0 : i32
      %parallel_loop3A_967 = arith.constant 0 : i32
      %parallel_loop3A_968 = tpu.memref_slice %arg17[%parallel_loop3A_966, %parallel_loop3A_967] : memref<80x128xf32, #tpu.memory_space<vmem>> -> memref<40x128xf32, #tpu.memory_space<vmem>>
      %parallel_loop3A_969 = arith.index_cast %parallel_loop3A_802 : i32 to index
      %parallel_loop3A_970 = arith.constant 96 : index
      %parallel_loop3A_971 = tpu.vector_load %parallel_loop3A_968[%parallel_loop3A_969, %parallel_loop3A_970] {strides = array<i32>} : memref<40x128xf32, #tpu.memory_space<vmem>>, vector<1x16xf32>,
      %parallel_loop3A_972 = vector.shape_cast %parallel_loop3A_971 : vector<1x16xf32> to vector<16xf32>
      %parallel_loop3A_973 = arith.addf %parallel_loop3A_965, %parallel_loop3A_972 : vector<16xf32>
      %parallel_loop3A_974 = arith.constant 0.000000e+00 : f32
      %parallel_loop3A_975 = vector.broadcast %parallel_loop3A_974 : f32 to vector<16xf32>
      %parallel_loop3A_976 = arith.maximumf %parallel_loop3A_973, %parallel_loop3A_975 : vector<16xf32>
      %parallel_loop3A_977 = arith.constant 0 : i32
      %parallel_loop3A_978 = arith.constant 0 : i32
      %parallel_loop3A_979 = tpu.memref_slice %arg15[%parallel_loop3A_977, %parallel_loop3A_978] : memref<80x128xf32, #tpu.memory_space<vmem>> -> memref<40x128xf32, #tpu.memory_space<vmem>>
      %parallel_loop3A_980 = arith.index_cast %parallel_loop3A_802 : i32 to index
      %parallel_loop3A_981 = arith.constant 96 : index
      %parallel_loop3A_982 = tpu.vector_load %parallel_loop3A_979[%parallel_loop3A_980, %parallel_loop3A_981] {strides = array<i32>} : memref<40x128xf32, #tpu.memory_space<vmem>>, vector<1x16xf32>,
      %parallel_loop3A_983 = vector.shape_cast %parallel_loop3A_982 : vector<1x16xf32> to vector<16xf32>
      %parallel_loop3A_984 = vector.shape_cast %parallel_loop3A_976 : vector<16xf32> to vector<1x16xf32>
      tpu.vector_store %parallel_loop3A_979[%parallel_loop3A_980, %parallel_loop3A_981], %parallel_loop3A_984 {strides = array<i32>} : memref<40x128xf32, #tpu.memory_space<vmem>>, vector<1x16xf32>,
      %parallel_loop3A_985 = arith.constant 0 : i32
      %parallel_loop3A_986 = arith.constant 0 : i32
      %parallel_loop3A_987 = tpu.memref_slice %arg15[%parallel_loop3A_985, %parallel_loop3A_986] : memref<80x128xf32, #tpu.memory_space<vmem>> -> memref<40x128xf32, #tpu.memory_space<vmem>>
      %parallel_loop3A_988 = arith.index_cast %parallel_loop3A_802 : i32 to index
      %parallel_loop3A_989 = arith.constant 112 : index
      %parallel_loop3A_990 = tpu.vector_load %parallel_loop3A_987[%parallel_loop3A_988, %parallel_loop3A_989] {strides = array<i32>} : memref<40x128xf32, #tpu.memory_space<vmem>>, vector<1x16xf32>,
      %parallel_loop3A_991 = vector.shape_cast %parallel_loop3A_990 : vector<1x16xf32> to vector<16xf32>
      %parallel_loop3A_992 = arith.constant 0 : i32
      %parallel_loop3A_993 = arith.constant 0 : i32
      %parallel_loop3A_994 = tpu.memref_slice %arg17[%parallel_loop3A_992, %parallel_loop3A_993] : memref<80x128xf32, #tpu.memory_space<vmem>> -> memref<40x128xf32, #tpu.memory_space<vmem>>
      %parallel_loop3A_995 = arith.index_cast %parallel_loop3A_802 : i32 to index
      %parallel_loop3A_996 = arith.constant 112 : index
      %parallel_loop3A_997 = tpu.vector_load %parallel_loop3A_994[%parallel_loop3A_995, %parallel_loop3A_996] {strides = array<i32>} : memref<40x128xf32, #tpu.memory_space<vmem>>, vector<1x16xf32>,
      %parallel_loop3A_998 = vector.shape_cast %parallel_loop3A_997 : vector<1x16xf32> to vector<16xf32>
      %parallel_loop3A_999 = arith.addf %parallel_loop3A_991, %parallel_loop3A_998 : vector<16xf32>
      %parallel_loop3A_1000 = arith.constant 0.000000e+00 : f32
      %parallel_loop3A_1001 = vector.broadcast %parallel_loop3A_1000 : f32 to vector<16xf32>
      %parallel_loop3A_1002 = arith.maximumf %parallel_loop3A_999, %parallel_loop3A_1001 : vector<16xf32>
      %parallel_loop3A_1003 = arith.constant 0 : i32
      %parallel_loop3A_1004 = arith.constant 0 : i32
      %parallel_loop3A_1005 = tpu.memref_slice %arg15[%parallel_loop3A_1003, %parallel_loop3A_1004] : memref<80x128xf32, #tpu.memory_space<vmem>> -> memref<40x128xf32, #tpu.memory_space<vmem>>
      %parallel_loop3A_1006 = arith.index_cast %parallel_loop3A_802 : i32 to index
      %parallel_loop3A_1007 = arith.constant 112 : index
      %parallel_loop3A_1008 = tpu.vector_load %parallel_loop3A_1005[%parallel_loop3A_1006, %parallel_loop3A_1007] {strides = array<i32>} : memref<40x128xf32, #tpu.memory_space<vmem>>, vector<1x16xf32>,
      %parallel_loop3A_1009 = vector.shape_cast %parallel_loop3A_1008 : vector<1x16xf32> to vector<16xf32>
      %parallel_loop3A_1010 = vector.shape_cast %parallel_loop3A_1002 : vector<16xf32> to vector<1x16xf32>
      tpu.vector_store %parallel_loop3A_1005[%parallel_loop3A_1006, %parallel_loop3A_1007], %parallel_loop3A_1010 {strides = array<i32>} : memref<40x128xf32, #tpu.memory_space<vmem>>, vector<1x16xf32>,
    } {sc.loop_unroll_factor = 2 : i64, sc.parallel_access}
    %dma_start3A_371 = arith.constant 0 : i32
    %dma_start3A_372 = arith.constant 0 : i32
    %dma_start3A_373 = arith.constant 0 : i32
    %dma_start3A_374 = tpu.memref_slice %arg15[%dma_start3A_372, %dma_start3A_373] : memref<80x128xf32, #tpu.memory_space<vmem>> -> memref<40x128xf32, #tpu.memory_space<vmem>>
    %dma_start3A_375 = arith.constant 0 : i32
    %dma_start3A_376 = tpu.memref_slice %arg12[%dma_start3A_371, %dma_start3A_375] : memref<6x40xi32, #tpu.memory_space<vmem>> -> memref<1x40xi32, #tpu.memory_space<vmem>>
    %dma_start3A_377 = tpu.memref_squeeze %dma_start3A_376 : memref<1x40xi32, #tpu.memory_space<vmem>> -> memref<40xi32, #tpu.memory_space<vmem>>
    %dma_start3A_378 = arith.constant 0 : i32
    %dma_start3A_379 = arith.constant 0 : i32
    %dma_start3A_380 = tpu.memref_slice %arg9[%dma_start3A_378, %dma_start3A_379] : memref<10008x128xf32, #tpu.memory_space<vmem_shared>> -> memref<10008x128xf32, #tpu.memory_space<vmem_shared>>
    tpu.enqueue_indirect_dma source(%dma_start3A_374 : memref<40x128xf32, #tpu.memory_space<vmem>>) target(%dma_start3A_380 : memref<10008x128xf32, #tpu.memory_space<vmem_shared>>) offsets(%dma_start3A_377 : memref<40xi32, #tpu.memory_space<vmem>>) semaphore(%arg24 : memref<!tpu.dma_semaphore, #tpu.memory_space<semaphore_mem>>) {add = true}
    %dma_wait3A_381 = arith.constant 0 : i32
    %dma_wait3A_382 = arith.constant 0 : i32
    %dma_wait3A_383 = arith.constant 0 : i32
    %dma_wait3A_384 = tpu.memref_slice %arg15[%dma_wait3A_382, %dma_wait3A_383] : memref<80x128xf32, #tpu.memory_space<vmem>> -> memref<40x128xf32, #tpu.memory_space<vmem>>
    %dma_wait3A_385 = arith.constant 0 : i32
    %dma_wait3A_386 = tpu.memref_slice %arg12[%dma_wait3A_381, %dma_wait3A_385] : memref<6x40xi32, #tpu.memory_space<vmem>> -> memref<1x40xi32, #tpu.memory_space<vmem>>
    %dma_wait3A_387 = tpu.memref_squeeze %dma_wait3A_386 : memref<1x40xi32, #tpu.memory_space<vmem>> -> memref<40xi32, #tpu.memory_space<vmem>>
    %dma_wait3A_388 = arith.constant 0 : i32
    %dma_wait3A_389 = arith.constant 0 : i32
    %dma_wait3A_390 = tpu.memref_slice %arg9[%dma_wait3A_388, %dma_wait3A_389] : memref<10008x128xf32, #tpu.memory_space<vmem_shared>> -> memref<10008x128xf32, #tpu.memory_space<vmem_shared>>
    tpu.wait_indirect_dma semaphore(%arg24 : memref<!tpu.dma_semaphore, #tpu.memory_space<semaphore_mem>>) src(%dma_wait3A_384 : memref<40x128xf32, #tpu.memory_space<vmem>>) dst(%dma_wait3A_390 : memref<10008x128xf32, #tpu.memory_space<vmem_shared>>)
    %dma_wait3A_391 = arith.constant 1 : i32
    %dma_wait3A_392 = arith.constant 40 : i32
    %dma_wait3A_393 = arith.constant 0 : i32
    %dma_wait3A_394 = tpu.memref_slice %arg15[%dma_wait3A_392, %dma_wait3A_393] : memref<80x128xf32, #tpu.memory_space<vmem>> -> memref<40x128xf32, #tpu.memory_space<vmem>>
    %dma_wait3A_395 = arith.constant 0 : i32
    %dma_wait3A_396 = tpu.memref_slice %arg11[%dma_wait3A_391, %dma_wait3A_395] : memref<6x40xi32, #tpu.memory_space<vmem>> -> memref<1x40xi32, #tpu.memory_space<vmem>>
    %dma_wait3A_397 = tpu.memref_squeeze %dma_wait3A_396 : memref<1x40xi32, #tpu.memory_space<vmem>> -> memref<40xi32, #tpu.memory_space<vmem>>
    %dma_wait3A_398 = arith.constant 0 : i32
    %dma_wait3A_399 = arith.constant 0 : i32
    %dma_wait3A_400 = tpu.memref_slice %arg2[%dma_wait3A_398, %dma_wait3A_399] : memref<10000x128xf32, #tpu.memory_space<hbm>> -> memref<10000x128xf32, #tpu.memory_space<hbm>>
    tpu.wait_indirect_dma semaphore(%arg19 : memref<!tpu.dma_semaphore, #tpu.memory_space<semaphore_mem>>) src(%dma_wait3A_400 : memref<10000x128xf32, #tpu.memory_space<hbm>>) dst(%dma_wait3A_394 : memref<40x128xf32, #tpu.memory_space<vmem>>)
    %dma_wait3A_401 = arith.constant 0 : i32
    %dma_wait3A_402 = arith.constant 40 : i32
    %dma_wait3A_403 = arith.constant 0 : i32
    %dma_wait3A_404 = tpu.memref_slice %arg17[%dma_wait3A_402, %dma_wait3A_403] : memref<80x128xf32, #tpu.memory_space<vmem>> -> memref<40x128xf32, #tpu.memory_space<vmem>>
    %dma_wait3A_405 = arith.constant 0 : i32
    %dma_wait3A_406 = arith.constant 0 : i32
    %dma_wait3A_407 = tpu.memref_slice %arg4[%add3A, %dma_wait3A_401, %dma_wait3A_405, %dma_wait3A_406] : memref<32x125x80x128xf32, #tpu.memory_space<hbm>> -> memref<1x1x40x128xf32, #tpu.memory_space<hbm>>
    %dma_wait3A_408 = tpu.memref_squeeze %dma_wait3A_407 : memref<1x1x40x128xf32, #tpu.memory_space<hbm>> -> memref<40x128xf32, #tpu.memory_space<hbm>>
    %dma_wait3A_409 = arith.constant 40 : i32
    %dma_wait3A_410 = arith.constant 0 : i32
    %dma_wait3A_411 = tpu.memref_slice %arg17[%dma_wait3A_409, %dma_wait3A_410] : memref<80x128xf32, #tpu.memory_space<vmem>> -> memref<40x128xf32, #tpu.memory_space<vmem>>
    %dma_wait3A_412 = arith.constant 0 : i32
    %dma_wait3A_413 = arith.constant 0 : i32
    %dma_wait3A_414 = tpu.memref_slice %arg4[%add3A, %dma_wait3A_401, %dma_wait3A_412, %dma_wait3A_413] : memref<32x125x80x128xf32, #tpu.memory_space<hbm>> -> memref<1x1x40x128xf32, #tpu.memory_space<hbm>>
    %dma_wait3A_415 = tpu.memref_squeeze %dma_wait3A_414 : memref<1x1x40x128xf32, #tpu.memory_space<hbm>> -> memref<40x128xf32, #tpu.memory_space<hbm>>
    tpu.wait_dma2 semaphore(%arg31 : memref<!tpu.dma_semaphore, #tpu.memory_space<semaphore_mem>>) src(%dma_wait3A_415 : memref<40x128xf32, #tpu.memory_space<hbm>>) dst(%dma_wait3A_411 : memref<40x128xf32, #tpu.memory_space<vmem>>)
    %parallel_loop3A_416 = arith.constant 0 : i32
    %parallel_loop3A_417 = arith.constant 40 : i32
    %parallel_loop3A_418 = arith.constant 1 : i32
    scf.for %parallel_loop3A_802 = %parallel_loop3A_416 to %parallel_loop3A_417 step %parallel_loop3A_418  : i32 {
      %parallel_loop3A_803 = arith.constant 40 : i32
      %parallel_loop3A_804 = arith.constant 0 : i32
      %parallel_loop3A_805 = tpu.memref_slice %arg15[%parallel_loop3A_803, %parallel_loop3A_804] : memref<80x128xf32, #tpu.memory_space<vmem>> -> memref<40x128xf32, #tpu.memory_space<vmem>>
      %parallel_loop3A_806 = arith.index_cast %parallel_loop3A_802 : i32 to index
      %parallel_loop3A_807 = arith.constant 0 : index
      %parallel_loop3A_808 = tpu.vector_load %parallel_loop3A_805[%parallel_loop3A_806, %parallel_loop3A_807] {strides = array<i32>} : memref<40x128xf32, #tpu.memory_space<vmem>>, vector<1x16xf32>,
      %parallel_loop3A_809 = vector.shape_cast %parallel_loop3A_808 : vector<1x16xf32> to vector<16xf32>
      %parallel_loop3A_810 = arith.constant 40 : i32
      %parallel_loop3A_811 = arith.constant 0 : i32
      %parallel_loop3A_812 = tpu.memref_slice %arg17[%parallel_loop3A_810, %parallel_loop3A_811] : memref<80x128xf32, #tpu.memory_space<vmem>> -> memref<40x128xf32, #tpu.memory_space<vmem>>
      %parallel_loop3A_813 = arith.index_cast %parallel_loop3A_802 : i32 to index
      %parallel_loop3A_814 = arith.constant 0 : index
      %parallel_loop3A_815 = tpu.vector_load %parallel_loop3A_812[%parallel_loop3A_813, %parallel_loop3A_814] {strides = array<i32>} : memref<40x128xf32, #tpu.memory_space<vmem>>, vector<1x16xf32>,
      %parallel_loop3A_816 = vector.shape_cast %parallel_loop3A_815 : vector<1x16xf32> to vector<16xf32>
      %parallel_loop3A_817 = arith.addf %parallel_loop3A_809, %parallel_loop3A_816 : vector<16xf32>
      %parallel_loop3A_818 = arith.constant 0.000000e+00 : f32
      %parallel_loop3A_819 = vector.broadcast %parallel_loop3A_818 : f32 to vector<16xf32>
      %parallel_loop3A_820 = arith.maximumf %parallel_loop3A_817, %parallel_loop3A_819 : vector<16xf32>
      %parallel_loop3A_821 = arith.constant 40 : i32
      %parallel_loop3A_822 = arith.constant 0 : i32
      %parallel_loop3A_823 = tpu.memref_slice %arg15[%parallel_loop3A_821, %parallel_loop3A_822] : memref<80x128xf32, #tpu.memory_space<vmem>> -> memref<40x128xf32, #tpu.memory_space<vmem>>
      %parallel_loop3A_824 = arith.index_cast %parallel_loop3A_802 : i32 to index
      %parallel_loop3A_825 = arith.constant 0 : index
      %parallel_loop3A_826 = tpu.vector_load %parallel_loop3A_823[%parallel_loop3A_824, %parallel_loop3A_825] {strides = array<i32>} : memref<40x128xf32, #tpu.memory_space<vmem>>, vector<1x16xf32>,
      %parallel_loop3A_827 = vector.shape_cast %parallel_loop3A_826 : vector<1x16xf32> to vector<16xf32>
      %parallel_loop3A_828 = vector.shape_cast %parallel_loop3A_820 : vector<16xf32> to vector<1x16xf32>
      tpu.vector_store %parallel_loop3A_823[%parallel_loop3A_824, %parallel_loop3A_825], %parallel_loop3A_828 {strides = array<i32>} : memref<40x128xf32, #tpu.memory_space<vmem>>, vector<1x16xf32>,
      %parallel_loop3A_829 = arith.constant 40 : i32
      %parallel_loop3A_830 = arith.constant 0 : i32
      %parallel_loop3A_831 = tpu.memref_slice %arg15[%parallel_loop3A_829, %parallel_loop3A_830] : memref<80x128xf32, #tpu.memory_space<vmem>> -> memref<40x128xf32, #tpu.memory_space<vmem>>
      %parallel_loop3A_832 = arith.index_cast %parallel_loop3A_802 : i32 to index
      %parallel_loop3A_833 = arith.constant 16 : index
      %parallel_loop3A_834 = tpu.vector_load %parallel_loop3A_831[%parallel_loop3A_832, %parallel_loop3A_833] {strides = array<i32>} : memref<40x128xf32, #tpu.memory_space<vmem>>, vector<1x16xf32>,
      %parallel_loop3A_835 = vector.shape_cast %parallel_loop3A_834 : vector<1x16xf32> to vector<16xf32>
      %parallel_loop3A_836 = arith.constant 40 : i32
      %parallel_loop3A_837 = arith.constant 0 : i32
      %parallel_loop3A_838 = tpu.memref_slice %arg17[%parallel_loop3A_836, %parallel_loop3A_837] : memref<80x128xf32, #tpu.memory_space<vmem>> -> memref<40x128xf32, #tpu.memory_space<vmem>>
      %parallel_loop3A_839 = arith.index_cast %parallel_loop3A_802 : i32 to index
      %parallel_loop3A_840 = arith.constant 16 : index
      %parallel_loop3A_841 = tpu.vector_load %parallel_loop3A_838[%parallel_loop3A_839, %parallel_loop3A_840] {strides = array<i32>} : memref<40x128xf32, #tpu.memory_space<vmem>>, vector<1x16xf32>,
      %parallel_loop3A_842 = vector.shape_cast %parallel_loop3A_841 : vector<1x16xf32> to vector<16xf32>
      %parallel_loop3A_843 = arith.addf %parallel_loop3A_835, %parallel_loop3A_842 : vector<16xf32>
      %parallel_loop3A_844 = arith.constant 0.000000e+00 : f32
      %parallel_loop3A_845 = vector.broadcast %parallel_loop3A_844 : f32 to vector<16xf32>
      %parallel_loop3A_846 = arith.maximumf %parallel_loop3A_843, %parallel_loop3A_845 : vector<16xf32>
      %parallel_loop3A_847 = arith.constant 40 : i32
      %parallel_loop3A_848 = arith.constant 0 : i32
      %parallel_loop3A_849 = tpu.memref_slice %arg15[%parallel_loop3A_847, %parallel_loop3A_848] : memref<80x128xf32, #tpu.memory_space<vmem>> -> memref<40x128xf32, #tpu.memory_space<vmem>>
      %parallel_loop3A_850 = arith.index_cast %parallel_loop3A_802 : i32 to index
      %parallel_loop3A_851 = arith.constant 16 : index
      %parallel_loop3A_852 = tpu.vector_load %parallel_loop3A_849[%parallel_loop3A_850, %parallel_loop3A_851] {strides = array<i32>} : memref<40x128xf32, #tpu.memory_space<vmem>>, vector<1x16xf32>,
      %parallel_loop3A_853 = vector.shape_cast %parallel_loop3A_852 : vector<1x16xf32> to vector<16xf32>
      %parallel_loop3A_854 = vector.shape_cast %parallel_loop3A_846 : vector<16xf32> to vector<1x16xf32>
      tpu.vector_store %parallel_loop3A_849[%parallel_loop3A_850, %parallel_loop3A_851], %parallel_loop3A_854 {strides = array<i32>} : memref<40x128xf32, #tpu.memory_space<vmem>>, vector<1x16xf32>,
      %parallel_loop3A_855 = arith.constant 40 : i32
      %parallel_loop3A_856 = arith.constant 0 : i32
      %parallel_loop3A_857 = tpu.memref_slice %arg15[%parallel_loop3A_855, %parallel_loop3A_856] : memref<80x128xf32, #tpu.memory_space<vmem>> -> memref<40x128xf32, #tpu.memory_space<vmem>>
      %parallel_loop3A_858 = arith.index_cast %parallel_loop3A_802 : i32 to index
      %parallel_loop3A_859 = arith.constant 32 : index
      %parallel_loop3A_860 = tpu.vector_load %parallel_loop3A_857[%parallel_loop3A_858, %parallel_loop3A_859] {strides = array<i32>} : memref<40x128xf32, #tpu.memory_space<vmem>>, vector<1x16xf32>,
      %parallel_loop3A_861 = vector.shape_cast %parallel_loop3A_860 : vector<1x16xf32> to vector<16xf32>
      %parallel_loop3A_862 = arith.constant 40 : i32
      %parallel_loop3A_863 = arith.constant 0 : i32
      %parallel_loop3A_864 = tpu.memref_slice %arg17[%parallel_loop3A_862, %parallel_loop3A_863] : memref<80x128xf32, #tpu.memory_space<vmem>> -> memref<40x128xf32, #tpu.memory_space<vmem>>
      %parallel_loop3A_865 = arith.index_cast %parallel_loop3A_802 : i32 to index
      %parallel_loop3A_866 = arith.constant 32 : index
      %parallel_loop3A_867 = tpu.vector_load %parallel_loop3A_864[%parallel_loop3A_865, %parallel_loop3A_866] {strides = array<i32>} : memref<40x128xf32, #tpu.memory_space<vmem>>, vector<1x16xf32>,
      %parallel_loop3A_868 = vector.shape_cast %parallel_loop3A_867 : vector<1x16xf32> to vector<16xf32>
      %parallel_loop3A_869 = arith.addf %parallel_loop3A_861, %parallel_loop3A_868 : vector<16xf32>
      %parallel_loop3A_870 = arith.constant 0.000000e+00 : f32
      %parallel_loop3A_871 = vector.broadcast %parallel_loop3A_870 : f32 to vector<16xf32>
      %parallel_loop3A_872 = arith.maximumf %parallel_loop3A_869, %parallel_loop3A_871 : vector<16xf32>
      %parallel_loop3A_873 = arith.constant 40 : i32
      %parallel_loop3A_874 = arith.constant 0 : i32
      %parallel_loop3A_875 = tpu.memref_slice %arg15[%parallel_loop3A_873, %parallel_loop3A_874] : memref<80x128xf32, #tpu.memory_space<vmem>> -> memref<40x128xf32, #tpu.memory_space<vmem>>
      %parallel_loop3A_876 = arith.index_cast %parallel_loop3A_802 : i32 to index
      %parallel_loop3A_877 = arith.constant 32 : index
      %parallel_loop3A_878 = tpu.vector_load %parallel_loop3A_875[%parallel_loop3A_876, %parallel_loop3A_877] {strides = array<i32>} : memref<40x128xf32, #tpu.memory_space<vmem>>, vector<1x16xf32>,
      %parallel_loop3A_879 = vector.shape_cast %parallel_loop3A_878 : vector<1x16xf32> to vector<16xf32>
      %parallel_loop3A_880 = vector.shape_cast %parallel_loop3A_872 : vector<16xf32> to vector<1x16xf32>
      tpu.vector_store %parallel_loop3A_875[%parallel_loop3A_876, %parallel_loop3A_877], %parallel_loop3A_880 {strides = array<i32>} : memref<40x128xf32, #tpu.memory_space<vmem>>, vector<1x16xf32>,
      %parallel_loop3A_881 = arith.constant 40 : i32
      %parallel_loop3A_882 = arith.constant 0 : i32
      %parallel_loop3A_883 = tpu.memref_slice %arg15[%parallel_loop3A_881, %parallel_loop3A_882] : memref<80x128xf32, #tpu.memory_space<vmem>> -> memref<40x128xf32, #tpu.memory_space<vmem>>
      %parallel_loop3A_884 = arith.index_cast %parallel_loop3A_802 : i32 to index
      %parallel_loop3A_885 = arith.constant 48 : index
      %parallel_loop3A_886 = tpu.vector_load %parallel_loop3A_883[%parallel_loop3A_884, %parallel_loop3A_885] {strides = array<i32>} : memref<40x128xf32, #tpu.memory_space<vmem>>, vector<1x16xf32>,
      %parallel_loop3A_887 = vector.shape_cast %parallel_loop3A_886 : vector<1x16xf32> to vector<16xf32>
      %parallel_loop3A_888 = arith.constant 40 : i32
      %parallel_loop3A_889 = arith.constant 0 : i32
      %parallel_loop3A_890 = tpu.memref_slice %arg17[%parallel_loop3A_888, %parallel_loop3A_889] : memref<80x128xf32, #tpu.memory_space<vmem>> -> memref<40x128xf32, #tpu.memory_space<vmem>>
      %parallel_loop3A_891 = arith.index_cast %parallel_loop3A_802 : i32 to index
      %parallel_loop3A_892 = arith.constant 48 : index
      %parallel_loop3A_893 = tpu.vector_load %parallel_loop3A_890[%parallel_loop3A_891, %parallel_loop3A_892] {strides = array<i32>} : memref<40x128xf32, #tpu.memory_space<vmem>>, vector<1x16xf32>,
      %parallel_loop3A_894 = vector.shape_cast %parallel_loop3A_893 : vector<1x16xf32> to vector<16xf32>
      %parallel_loop3A_895 = arith.addf %parallel_loop3A_887, %parallel_loop3A_894 : vector<16xf32>
      %parallel_loop3A_896 = arith.constant 0.000000e+00 : f32
      %parallel_loop3A_897 = vector.broadcast %parallel_loop3A_896 : f32 to vector<16xf32>
      %parallel_loop3A_898 = arith.maximumf %parallel_loop3A_895, %parallel_loop3A_897 : vector<16xf32>
      %parallel_loop3A_899 = arith.constant 40 : i32
      %parallel_loop3A_900 = arith.constant 0 : i32
      %parallel_loop3A_901 = tpu.memref_slice %arg15[%parallel_loop3A_899, %parallel_loop3A_900] : memref<80x128xf32, #tpu.memory_space<vmem>> -> memref<40x128xf32, #tpu.memory_space<vmem>>
      %parallel_loop3A_902 = arith.index_cast %parallel_loop3A_802 : i32 to index
      %parallel_loop3A_903 = arith.constant 48 : index
      %parallel_loop3A_904 = tpu.vector_load %parallel_loop3A_901[%parallel_loop3A_902, %parallel_loop3A_903] {strides = array<i32>} : memref<40x128xf32, #tpu.memory_space<vmem>>, vector<1x16xf32>,
      %parallel_loop3A_905 = vector.shape_cast %parallel_loop3A_904 : vector<1x16xf32> to vector<16xf32>
      %parallel_loop3A_906 = vector.shape_cast %parallel_loop3A_898 : vector<16xf32> to vector<1x16xf32>
      tpu.vector_store %parallel_loop3A_901[%parallel_loop3A_902, %parallel_loop3A_903], %parallel_loop3A_906 {strides = array<i32>} : memref<40x128xf32, #tpu.memory_space<vmem>>, vector<1x16xf32>,
      %parallel_loop3A_907 = arith.constant 40 : i32
      %parallel_loop3A_908 = arith.constant 0 : i32
      %parallel_loop3A_909 = tpu.memref_slice %arg15[%parallel_loop3A_907, %parallel_loop3A_908] : memref<80x128xf32, #tpu.memory_space<vmem>> -> memref<40x128xf32, #tpu.memory_space<vmem>>
      %parallel_loop3A_910 = arith.index_cast %parallel_loop3A_802 : i32 to index
      %parallel_loop3A_911 = arith.constant 64 : index
      %parallel_loop3A_912 = tpu.vector_load %parallel_loop3A_909[%parallel_loop3A_910, %parallel_loop3A_911] {strides = array<i32>} : memref<40x128xf32, #tpu.memory_space<vmem>>, vector<1x16xf32>,
      %parallel_loop3A_913 = vector.shape_cast %parallel_loop3A_912 : vector<1x16xf32> to vector<16xf32>
      %parallel_loop3A_914 = arith.constant 40 : i32
      %parallel_loop3A_915 = arith.constant 0 : i32
      %parallel_loop3A_916 = tpu.memref_slice %arg17[%parallel_loop3A_914, %parallel_loop3A_915] : memref<80x128xf32, #tpu.memory_space<vmem>> -> memref<40x128xf32, #tpu.memory_space<vmem>>
      %parallel_loop3A_917 = arith.index_cast %parallel_loop3A_802 : i32 to index
      %parallel_loop3A_918 = arith.constant 64 : index
      %parallel_loop3A_919 = tpu.vector_load %parallel_loop3A_916[%parallel_loop3A_917, %parallel_loop3A_918] {strides = array<i32>} : memref<40x128xf32, #tpu.memory_space<vmem>>, vector<1x16xf32>,
      %parallel_loop3A_920 = vector.shape_cast %parallel_loop3A_919 : vector<1x16xf32> to vector<16xf32>
      %parallel_loop3A_921 = arith.addf %parallel_loop3A_913, %parallel_loop3A_920 : vector<16xf32>
      %parallel_loop3A_922 = arith.constant 0.000000e+00 : f32
      %parallel_loop3A_923 = vector.broadcast %parallel_loop3A_922 : f32 to vector<16xf32>
      %parallel_loop3A_924 = arith.maximumf %parallel_loop3A_921, %parallel_loop3A_923 : vector<16xf32>
      %parallel_loop3A_925 = arith.constant 40 : i32
      %parallel_loop3A_926 = arith.constant 0 : i32
      %parallel_loop3A_927 = tpu.memref_slice %arg15[%parallel_loop3A_925, %parallel_loop3A_926] : memref<80x128xf32, #tpu.memory_space<vmem>> -> memref<40x128xf32, #tpu.memory_space<vmem>>
      %parallel_loop3A_928 = arith.index_cast %parallel_loop3A_802 : i32 to index
      %parallel_loop3A_929 = arith.constant 64 : index
      %parallel_loop3A_930 = tpu.vector_load %parallel_loop3A_927[%parallel_loop3A_928, %parallel_loop3A_929] {strides = array<i32>} : memref<40x128xf32, #tpu.memory_space<vmem>>, vector<1x16xf32>,
      %parallel_loop3A_931 = vector.shape_cast %parallel_loop3A_930 : vector<1x16xf32> to vector<16xf32>
      %parallel_loop3A_932 = vector.shape_cast %parallel_loop3A_924 : vector<16xf32> to vector<1x16xf32>
      tpu.vector_store %parallel_loop3A_927[%parallel_loop3A_928, %parallel_loop3A_929], %parallel_loop3A_932 {strides = array<i32>} : memref<40x128xf32, #tpu.memory_space<vmem>>, vector<1x16xf32>,
      %parallel_loop3A_933 = arith.constant 40 : i32
      %parallel_loop3A_934 = arith.constant 0 : i32
      %parallel_loop3A_935 = tpu.memref_slice %arg15[%parallel_loop3A_933, %parallel_loop3A_934] : memref<80x128xf32, #tpu.memory_space<vmem>> -> memref<40x128xf32, #tpu.memory_space<vmem>>
      %parallel_loop3A_936 = arith.index_cast %parallel_loop3A_802 : i32 to index
      %parallel_loop3A_937 = arith.constant 80 : index
      %parallel_loop3A_938 = tpu.vector_load %parallel_loop3A_935[%parallel_loop3A_936, %parallel_loop3A_937] {strides = array<i32>} : memref<40x128xf32, #tpu.memory_space<vmem>>, vector<1x16xf32>,
      %parallel_loop3A_939 = vector.shape_cast %parallel_loop3A_938 : vector<1x16xf32> to vector<16xf32>
      %parallel_loop3A_940 = arith.constant 40 : i32
      %parallel_loop3A_941 = arith.constant 0 : i32
      %parallel_loop3A_942 = tpu.memref_slice %arg17[%parallel_loop3A_940, %parallel_loop3A_941] : memref<80x128xf32, #tpu.memory_space<vmem>> -> memref<40x128xf32, #tpu.memory_space<vmem>>
      %parallel_loop3A_943 = arith.index_cast %parallel_loop3A_802 : i32 to index
      %parallel_loop3A_944 = arith.constant 80 : index
      %parallel_loop3A_945 = tpu.vector_load %parallel_loop3A_942[%parallel_loop3A_943, %parallel_loop3A_944] {strides = array<i32>} : memref<40x128xf32, #tpu.memory_space<vmem>>, vector<1x16xf32>,
      %parallel_loop3A_946 = vector.shape_cast %parallel_loop3A_945 : vector<1x16xf32> to vector<16xf32>
      %parallel_loop3A_947 = arith.addf %parallel_loop3A_939, %parallel_loop3A_946 : vector<16xf32>
      %parallel_loop3A_948 = arith.constant 0.000000e+00 : f32
      %parallel_loop3A_949 = vector.broadcast %parallel_loop3A_948 : f32 to vector<16xf32>
      %parallel_loop3A_950 = arith.maximumf %parallel_loop3A_947, %parallel_loop3A_949 : vector<16xf32>
      %parallel_loop3A_951 = arith.constant 40 : i32
      %parallel_loop3A_952 = arith.constant 0 : i32
      %parallel_loop3A_953 = tpu.memref_slice %arg15[%parallel_loop3A_951, %parallel_loop3A_952] : memref<80x128xf32, #tpu.memory_space<vmem>> -> memref<40x128xf32, #tpu.memory_space<vmem>>
      %parallel_loop3A_954 = arith.index_cast %parallel_loop3A_802 : i32 to index
      %parallel_loop3A_955 = arith.constant 80 : index
      %parallel_loop3A_956 = tpu.vector_load %parallel_loop3A_953[%parallel_loop3A_954, %parallel_loop3A_955] {strides = array<i32>} : memref<40x128xf32, #tpu.memory_space<vmem>>, vector<1x16xf32>,
      %parallel_loop3A_957 = vector.shape_cast %parallel_loop3A_956 : vector<1x16xf32> to vector<16xf32>
      %parallel_loop3A_958 = vector.shape_cast %parallel_loop3A_950 : vector<16xf32> to vector<1x16xf32>
      tpu.vector_store %parallel_loop3A_953[%parallel_loop3A_954, %parallel_loop3A_955], %parallel_loop3A_958 {strides = array<i32>} : memref<40x128xf32, #tpu.memory_space<vmem>>, vector<1x16xf32>,
      %parallel_loop3A_959 = arith.constant 40 : i32
      %parallel_loop3A_960 = arith.constant 0 : i32
      %parallel_loop3A_961 = tpu.memref_slice %arg15[%parallel_loop3A_959, %parallel_loop3A_960] : memref<80x128xf32, #tpu.memory_space<vmem>> -> memref<40x128xf32, #tpu.memory_space<vmem>>
      %parallel_loop3A_962 = arith.index_cast %parallel_loop3A_802 : i32 to index
      %parallel_loop3A_963 = arith.constant 96 : index
      %parallel_loop3A_964 = tpu.vector_load %parallel_loop3A_961[%parallel_loop3A_962, %parallel_loop3A_963] {strides = array<i32>} : memref<40x128xf32, #tpu.memory_space<vmem>>, vector<1x16xf32>,
      %parallel_loop3A_965 = vector.shape_cast %parallel_loop3A_964 : vector<1x16xf32> to vector<16xf32>
      %parallel_loop3A_966 = arith.constant 40 : i32
      %parallel_loop3A_967 = arith.constant 0 : i32
      %parallel_loop3A_968 = tpu.memref_slice %arg17[%parallel_loop3A_966, %parallel_loop3A_967] : memref<80x128xf32, #tpu.memory_space<vmem>> -> memref<40x128xf32, #tpu.memory_space<vmem>>
      %parallel_loop3A_969 = arith.index_cast %parallel_loop3A_802 : i32 to index
      %parallel_loop3A_970 = arith.constant 96 : index
      %parallel_loop3A_971 = tpu.vector_load %parallel_loop3A_968[%parallel_loop3A_969, %parallel_loop3A_970] {strides = array<i32>} : memref<40x128xf32, #tpu.memory_space<vmem>>, vector<1x16xf32>,
      %parallel_loop3A_972 = vector.shape_cast %parallel_loop3A_971 : vector<1x16xf32> to vector<16xf32>
      %parallel_loop3A_973 = arith.addf %parallel_loop3A_965, %parallel_loop3A_972 : vector<16xf32>
      %parallel_loop3A_974 = arith.constant 0.000000e+00 : f32
      %parallel_loop3A_975 = vector.broadcast %parallel_loop3A_974 : f32 to vector<16xf32>
      %parallel_loop3A_976 = arith.maximumf %parallel_loop3A_973, %parallel_loop3A_975 : vector<16xf32>
      %parallel_loop3A_977 = arith.constant 40 : i32
      %parallel_loop3A_978 = arith.constant 0 : i32
      %parallel_loop3A_979 = tpu.memref_slice %arg15[%parallel_loop3A_977, %parallel_loop3A_978] : memref<80x128xf32, #tpu.memory_space<vmem>> -> memref<40x128xf32, #tpu.memory_space<vmem>>
      %parallel_loop3A_980 = arith.index_cast %parallel_loop3A_802 : i32 to index
      %parallel_loop3A_981 = arith.constant 96 : index
      %parallel_loop3A_982 = tpu.vector_load %parallel_loop3A_979[%parallel_loop3A_980, %parallel_loop3A_981] {strides = array<i32>} : memref<40x128xf32, #tpu.memory_space<vmem>>, vector<1x16xf32>,
      %parallel_loop3A_983 = vector.shape_cast %parallel_loop3A_982 : vector<1x16xf32> to vector<16xf32>
      %parallel_loop3A_984 = vector.shape_cast %parallel_loop3A_976 : vector<16xf32> to vector<1x16xf32>
      tpu.vector_store %parallel_loop3A_979[%parallel_loop3A_980, %parallel_loop3A_981], %parallel_loop3A_984 {strides = array<i32>} : memref<40x128xf32, #tpu.memory_space<vmem>>, vector<1x16xf32>,
      %parallel_loop3A_985 = arith.constant 40 : i32
      %parallel_loop3A_986 = arith.constant 0 : i32
      %parallel_loop3A_987 = tpu.memref_slice %arg15[%parallel_loop3A_985, %parallel_loop3A_986] : memref<80x128xf32, #tpu.memory_space<vmem>> -> memref<40x128xf32, #tpu.memory_space<vmem>>
      %parallel_loop3A_988 = arith.index_cast %parallel_loop3A_802 : i32 to index
      %parallel_loop3A_989 = arith.constant 112 : index
      %parallel_loop3A_990 = tpu.vector_load %parallel_loop3A_987[%parallel_loop3A_988, %parallel_loop3A_989] {strides = array<i32>} : memref<40x128xf32, #tpu.memory_space<vmem>>, vector<1x16xf32>,
      %parallel_loop3A_991 = vector.shape_cast %parallel_loop3A_990 : vector<1x16xf32> to vector<16xf32>
      %parallel_loop3A_992 = arith.constant 40 : i32
      %parallel_loop3A_993 = arith.constant 0 : i32
      %parallel_loop3A_994 = tpu.memref_slice %arg17[%parallel_loop3A_992, %parallel_loop3A_993] : memref<80x128xf32, #tpu.memory_space<vmem>> -> memref<40x128xf32, #tpu.memory_space<vmem>>
      %parallel_loop3A_995 = arith.index_cast %parallel_loop3A_802 : i32 to index
      %parallel_loop3A_996 = arith.constant 112 : index
      %parallel_loop3A_997 = tpu.vector_load %parallel_loop3A_994[%parallel_loop3A_995, %parallel_loop3A_996] {strides = array<i32>} : memref<40x128xf32, #tpu.memory_space<vmem>>, vector<1x16xf32>,
      %parallel_loop3A_998 = vector.shape_cast %parallel_loop3A_997 : vector<1x16xf32> to vector<16xf32>
      %parallel_loop3A_999 = arith.addf %parallel_loop3A_991, %parallel_loop3A_998 : vector<16xf32>
      %parallel_loop3A_1000 = arith.constant 0.000000e+00 : f32
      %parallel_loop3A_1001 = vector.broadcast %parallel_loop3A_1000 : f32 to vector<16xf32>
      %parallel_loop3A_1002 = arith.maximumf %parallel_loop3A_999, %parallel_loop3A_1001 : vector<16xf32>
      %parallel_loop3A_1003 = arith.constant 40 : i32
      %parallel_loop3A_1004 = arith.constant 0 : i32
      %parallel_loop3A_1005 = tpu.memref_slice %arg15[%parallel_loop3A_1003, %parallel_loop3A_1004] : memref<80x128xf32, #tpu.memory_space<vmem>> -> memref<40x128xf32, #tpu.memory_space<vmem>>
      %parallel_loop3A_1006 = arith.index_cast %parallel_loop3A_802 : i32 to index
      %parallel_loop3A_1007 = arith.constant 112 : index
      %parallel_loop3A_1008 = tpu.vector_load %parallel_loop3A_1005[%parallel_loop3A_1006, %parallel_loop3A_1007] {strides = array<i32>} : memref<40x128xf32, #tpu.memory_space<vmem>>, vector<1x16xf32>,
      %parallel_loop3A_1009 = vector.shape_cast %parallel_loop3A_1008 : vector<1x16xf32> to vector<16xf32>
      %parallel_loop3A_1010 = vector.shape_cast %parallel_loop3A_1002 : vector<16xf32> to vector<1x16xf32>
      tpu.vector_store %parallel_loop3A_1005[%parallel_loop3A_1006, %parallel_loop3A_1007], %parallel_loop3A_1010 {strides = array<i32>} : memref<40x128xf32, #tpu.memory_space<vmem>>, vector<1x16xf32>,
    } {sc.loop_unroll_factor = 2 : i64, sc.parallel_access}
    %dma_start3A_419 = arith.constant 1 : i32
    %dma_start3A_420 = arith.constant 40 : i32
    %dma_start3A_421 = arith.constant 0 : i32
    %dma_start3A_422 = tpu.memref_slice %arg15[%dma_start3A_420, %dma_start3A_421] : memref<80x128xf32, #tpu.memory_space<vmem>> -> memref<40x128xf32, #tpu.memory_space<vmem>>
    %dma_start3A_423 = arith.constant 0 : i32
    %dma_start3A_424 = tpu.memref_slice %arg12[%dma_start3A_419, %dma_start3A_423] : memref<6x40xi32, #tpu.memory_space<vmem>> -> memref<1x40xi32, #tpu.memory_space<vmem>>
    %dma_start3A_425 = tpu.memref_squeeze %dma_start3A_424 : memref<1x40xi32, #tpu.memory_space<vmem>> -> memref<40xi32, #tpu.memory_space<vmem>>
    %dma_start3A_426 = arith.constant 0 : i32
    %dma_start3A_427 = arith.constant 0 : i32
    %dma_start3A_428 = tpu.memref_slice %arg9[%dma_start3A_426, %dma_start3A_427] : memref<10008x128xf32, #tpu.memory_space<vmem_shared>> -> memref<10008x128xf32, #tpu.memory_space<vmem_shared>>
    tpu.enqueue_indirect_dma source(%dma_start3A_422 : memref<40x128xf32, #tpu.memory_space<vmem>>) target(%dma_start3A_428 : memref<10008x128xf32, #tpu.memory_space<vmem_shared>>) offsets(%dma_start3A_425 : memref<40xi32, #tpu.memory_space<vmem>>) semaphore(%arg25 : memref<!tpu.dma_semaphore, #tpu.memory_space<semaphore_mem>>) {add = true}
    %dma_wait3A_429 = arith.constant 1 : i32
    %dma_wait3A_430 = arith.constant 40 : i32
    %dma_wait3A_431 = arith.constant 0 : i32
    %dma_wait3A_432 = tpu.memref_slice %arg15[%dma_wait3A_430, %dma_wait3A_431] : memref<80x128xf32, #tpu.memory_space<vmem>> -> memref<40x128xf32, #tpu.memory_space<vmem>>
    %dma_wait3A_433 = arith.constant 0 : i32
    %dma_wait3A_434 = tpu.memref_slice %arg12[%dma_wait3A_429, %dma_wait3A_433] : memref<6x40xi32, #tpu.memory_space<vmem>> -> memref<1x40xi32, #tpu.memory_space<vmem>>
    %dma_wait3A_435 = tpu.memref_squeeze %dma_wait3A_434 : memref<1x40xi32, #tpu.memory_space<vmem>> -> memref<40xi32, #tpu.memory_space<vmem>>
    %dma_wait3A_436 = arith.constant 0 : i32
    %dma_wait3A_437 = arith.constant 0 : i32
    %dma_wait3A_438 = tpu.memref_slice %arg9[%dma_wait3A_436, %dma_wait3A_437] : memref<10008x128xf32, #tpu.memory_space<vmem_shared>> -> memref<10008x128xf32, #tpu.memory_space<vmem_shared>>
    tpu.wait_indirect_dma semaphore(%arg25 : memref<!tpu.dma_semaphore, #tpu.memory_space<semaphore_mem>>) src(%dma_wait3A_432 : memref<40x128xf32, #tpu.memory_space<vmem>>) dst(%dma_wait3A_438 : memref<10008x128xf32, #tpu.memory_space<vmem_shared>>)
    %dma_start3A_439 = arith.constant 0 : i32
    %dma_start3A_440 = arith.constant 0 : i32
    %dma_start3A_441 = tpu.memref_slice %arg10[%dma_start3A_439, %dma_start3A_440] : memref<125x80xi32, #tpu.memory_space<vmem>> -> memref<63x80xi32, #tpu.memory_space<vmem>>
    %dma_start3A_442 = arith.constant 0 : i32
    %dma_start3A_443 = arith.constant 0 : i32
    %dma_start3A_444 = tpu.memref_slice %arg5[%add3A, %dma_start3A_442, %dma_start3A_443] : memref<32x63x80xi32, #tpu.memory_space<hbm>> -> memref<1x63x80xi32, #tpu.memory_space<hbm>>
    %dma_start3A_445 = tpu.memref_squeeze %dma_start3A_444 : memref<1x63x80xi32, #tpu.memory_space<hbm>> -> memref<63x80xi32, #tpu.memory_space<hbm>>
    %dma_start3A_446 = arith.constant 0 : i32
    %dma_start3A_447 = arith.constant 0 : i32
    %dma_start3A_448 = tpu.memref_slice %arg10[%dma_start3A_446, %dma_start3A_447] : memref<125x80xi32, #tpu.memory_space<vmem>> -> memref<63x80xi32, #tpu.memory_space<vmem>>
    %dma_start3A_449 = arith.constant 0 : i32
    %dma_start3A_450 = arith.constant 0 : i32
    %dma_start3A_451 = tpu.memref_slice %arg5[%add3A, %dma_start3A_449, %dma_start3A_450] : memref<32x63x80xi32, #tpu.memory_space<hbm>> -> memref<1x63x80xi32, #tpu.memory_space<hbm>>
    %dma_start3A_452 = tpu.memref_squeeze %dma_start3A_451 : memref<1x63x80xi32, #tpu.memory_space<hbm>> -> memref<63x80xi32, #tpu.memory_space<hbm>>
    tpu.enqueue_dma source(%dma_start3A_452 : memref<63x80xi32, #tpu.memory_space<hbm>>) target(%dma_start3A_448 : memref<63x80xi32, #tpu.memory_space<vmem>>) target_semaphore(%arg32 : memref<!tpu.dma_semaphore, #tpu.memory_space<semaphore_mem>>)
    %barrier3A_453 = arith.constant 0 : index
    tpu.barrier barrier_id(%barrier3A_453)
    %lt3A_454 = arith.constant 15 : i32
    %lt3A_455 = arith.cmpi slt, %arg1, %lt3A_454 : i32
    %convert_element_type3A_456 = arith.extui %lt3A_455 : i1 to i32
    %cond3A_457 = arith.constant 0 : i32
    %cond3A_458 = arith.cmpi ne, %convert_element_type3A_456, %cond3A_457 : i32
    scf.if %cond3A_458 {
      "tpu.region"() ({
        %run_scoped3A = tpu.sem_alloc : memref<!tpu.dma_semaphore, #tpu.memory_space<semaphore_mem>>
        %dma_start3A_802 = arith.constant 0 : i32
        %dma_start3A_803 = tpu.memref_slice %arg7[%arg0, %mul3A_2, %dma_start3A_802] : memref<2x10000x128xf32, #tpu.memory_space<hbm>> -> memref<1x640x128xf32, #tpu.memory_space<hbm>>
        %dma_start3A_804 = tpu.memref_squeeze %dma_start3A_803 : memref<1x640x128xf32, #tpu.memory_space<hbm>> -> memref<640x128xf32, #tpu.memory_space<hbm>>
        %dma_start3A_805 = arith.constant 0 : i32
        %dma_start3A_806 = tpu.memref_slice %arg9[%mul3A_2, %dma_start3A_805] : memref<10008x128xf32, #tpu.memory_space<vmem_shared>> -> memref<640x128xf32, #tpu.memory_space<vmem_shared>>
        tpu.enqueue_dma source(%dma_start3A_806 : memref<640x128xf32, #tpu.memory_space<vmem_shared>>) target(%dma_start3A_804 : memref<640x128xf32, #tpu.memory_space<hbm>>) target_semaphore(%run_scoped3A : memref<!tpu.dma_semaphore, #tpu.memory_space<semaphore_mem>>)
        %dma_wait3A_807 = arith.constant 0 : i32
        %dma_wait3A_808 = tpu.memref_slice %arg7[%arg0, %mul3A_2, %dma_wait3A_807] : memref<2x10000x128xf32, #tpu.memory_space<hbm>> -> memref<1x640x128xf32, #tpu.memory_space<hbm>>
        %dma_wait3A_809 = tpu.memref_squeeze %dma_wait3A_808 : memref<1x640x128xf32, #tpu.memory_space<hbm>> -> memref<640x128xf32, #tpu.memory_space<hbm>>
        %dma_wait3A_810 = arith.constant 0 : i32
        %dma_wait3A_811 = tpu.memref_slice %arg9[%mul3A_2, %dma_wait3A_810] : memref<10008x128xf32, #tpu.memory_space<vmem_shared>> -> memref<640x128xf32, #tpu.memory_space<vmem_shared>>
        tpu.wait_dma2 semaphore(%run_scoped3A : memref<!tpu.dma_semaphore, #tpu.memory_space<semaphore_mem>>) src(%dma_wait3A_811 : memref<640x128xf32, #tpu.memory_space<vmem_shared>>) dst(%dma_wait3A_809 : memref<640x128xf32, #tpu.memory_space<hbm>>)
        tpu.yield
      }) : () -> ()
    } else {
    }
    %eq3A_459 = arith.constant 15 : i32
    %eq3A_460 = arith.cmpi eq, %arg1, %eq3A_459 : i32
    %convert_element_type3A_461 = arith.extui %eq3A_460 : i1 to i32
    %cond3A_462 = arith.constant 0 : i32
    %cond3A_463 = arith.cmpi ne, %convert_element_type3A_461, %cond3A_462 : i32
    scf.if %cond3A_463 {
      "tpu.region"() ({
        %run_scoped3A = tpu.sem_alloc : memref<!tpu.dma_semaphore, #tpu.memory_space<semaphore_mem>>
        %dma_start3A_802 = arith.constant 0 : i32
        %dma_start3A_803 = tpu.memref_slice %arg7[%arg0, %mul3A_2, %dma_start3A_802] : memref<2x10000x128xf32, #tpu.memory_space<hbm>> -> memref<1x400x128xf32, #tpu.memory_space<hbm>>
        %dma_start3A_804 = tpu.memref_squeeze %dma_start3A_803 : memref<1x400x128xf32, #tpu.memory_space<hbm>> -> memref<400x128xf32, #tpu.memory_space<hbm>>
        %dma_start3A_805 = arith.constant 0 : i32
        %dma_start3A_806 = tpu.memref_slice %arg9[%mul3A_2, %dma_start3A_805] : memref<10008x128xf32, #tpu.memory_space<vmem_shared>> -> memref<400x128xf32, #tpu.memory_space<vmem_shared>>
        tpu.enqueue_dma source(%dma_start3A_806 : memref<400x128xf32, #tpu.memory_space<vmem_shared>>) target(%dma_start3A_804 : memref<400x128xf32, #tpu.memory_space<hbm>>) target_semaphore(%run_scoped3A : memref<!tpu.dma_semaphore, #tpu.memory_space<semaphore_mem>>)
        %dma_wait3A_807 = arith.constant 0 : i32
        %dma_wait3A_808 = tpu.memref_slice %arg7[%arg0, %mul3A_2, %dma_wait3A_807] : memref<2x10000x128xf32, #tpu.memory_space<hbm>> -> memref<1x400x128xf32, #tpu.memory_space<hbm>>
        %dma_wait3A_809 = tpu.memref_squeeze %dma_wait3A_808 : memref<1x400x128xf32, #tpu.memory_space<hbm>> -> memref<400x128xf32, #tpu.memory_space<hbm>>
        %dma_wait3A_810 = arith.constant 0 : i32
        %dma_wait3A_811 = tpu.memref_slice %arg9[%mul3A_2, %dma_wait3A_810] : memref<10008x128xf32, #tpu.memory_space<vmem_shared>> -> memref<400x128xf32, #tpu.memory_space<vmem_shared>>
        tpu.wait_dma2 semaphore(%run_scoped3A : memref<!tpu.dma_semaphore, #tpu.memory_space<semaphore_mem>>) src(%dma_wait3A_811 : memref<400x128xf32, #tpu.memory_space<vmem_shared>>) dst(%dma_wait3A_809 : memref<400x128xf32, #tpu.memory_space<hbm>>)
        tpu.yield
      }) : () -> ()
    } else {
    }
    %lt3A_464 = arith.constant 15 : i32
    %lt3A_465 = arith.cmpi slt, %arg1, %lt3A_464 : i32
    %convert_element_type3A_466 = arith.extui %lt3A_465 : i1 to i32
    %cond3A_467 = arith.constant 0 : i32
    %cond3A_468 = arith.cmpi ne, %convert_element_type3A_466, %cond3A_467 : i32
    scf.if %cond3A_468 {
      "tpu.region"() ({
        %run_scoped3A = tpu.sem_alloc : memref<!tpu.dma_semaphore, #tpu.memory_space<semaphore_mem>>
        %dma_start3A_802 = arith.constant 0 : i32
        %dma_start3A_803 = tpu.memref_slice %arg9[%mul3A_2, %dma_start3A_802] : memref<10008x128xf32, #tpu.memory_space<vmem_shared>> -> memref<640x128xf32, #tpu.memory_space<vmem_shared>>
        tpu.enqueue_dma source(%arg6 : memref<640x128xf32, #tpu.memory_space<hbm>>) target(%dma_start3A_803 : memref<640x128xf32, #tpu.memory_space<vmem_shared>>) target_semaphore(%run_scoped3A : memref<!tpu.dma_semaphore, #tpu.memory_space<semaphore_mem>>)
        %dma_wait3A_804 = arith.constant 0 : i32
        %dma_wait3A_805 = tpu.memref_slice %arg9[%mul3A_2, %dma_wait3A_804] : memref<10008x128xf32, #tpu.memory_space<vmem_shared>> -> memref<640x128xf32, #tpu.memory_space<vmem_shared>>
        tpu.wait_dma2 semaphore(%run_scoped3A : memref<!tpu.dma_semaphore, #tpu.memory_space<semaphore_mem>>) src(%arg6 : memref<640x128xf32, #tpu.memory_space<hbm>>) dst(%dma_wait3A_805 : memref<640x128xf32, #tpu.memory_space<vmem_shared>>)
        tpu.yield
      }) : () -> ()
    } else {
    }
    %eq3A_469 = arith.constant 15 : i32
    %eq3A_470 = arith.cmpi eq, %arg1, %eq3A_469 : i32
    %convert_element_type3A_471 = arith.extui %eq3A_470 : i1 to i32
    %cond3A_472 = arith.constant 0 : i32
    %cond3A_473 = arith.cmpi ne, %convert_element_type3A_471, %cond3A_472 : i32
    scf.if %cond3A_473 {
      "tpu.region"() ({
        %run_scoped3A = tpu.sem_alloc : memref<!tpu.dma_semaphore, #tpu.memory_space<semaphore_mem>>
        %dma_start3A_802 = arith.constant 0 : i32
        %dma_start3A_803 = tpu.memref_slice %arg9[%mul3A_2, %dma_start3A_802] : memref<10008x128xf32, #tpu.memory_space<vmem_shared>> -> memref<400x128xf32, #tpu.memory_space<vmem_shared>>
        %dma_start3A_804 = arith.constant 0 : i32
        %dma_start3A_805 = arith.constant 0 : i32
        %dma_start3A_806 = tpu.memref_slice %arg6[%dma_start3A_804, %dma_start3A_805] : memref<640x128xf32, #tpu.memory_space<hbm>> -> memref<400x128xf32, #tpu.memory_space<hbm>>
        tpu.enqueue_dma source(%dma_start3A_806 : memref<400x128xf32, #tpu.memory_space<hbm>>) target(%dma_start3A_803 : memref<400x128xf32, #tpu.memory_space<vmem_shared>>) target_semaphore(%run_scoped3A : memref<!tpu.dma_semaphore, #tpu.memory_space<semaphore_mem>>)
        %dma_wait3A_807 = arith.constant 0 : i32
        %dma_wait3A_808 = tpu.memref_slice %arg9[%mul3A_2, %dma_wait3A_807] : memref<10008x128xf32, #tpu.memory_space<vmem_shared>> -> memref<400x128xf32, #tpu.memory_space<vmem_shared>>
        %dma_wait3A_809 = arith.constant 0 : i32
        %dma_wait3A_810 = arith.constant 0 : i32
        %dma_wait3A_811 = tpu.memref_slice %arg6[%dma_wait3A_809, %dma_wait3A_810] : memref<640x128xf32, #tpu.memory_space<hbm>> -> memref<400x128xf32, #tpu.memory_space<hbm>>
        tpu.wait_dma2 semaphore(%run_scoped3A : memref<!tpu.dma_semaphore, #tpu.memory_space<semaphore_mem>>) src(%dma_wait3A_811 : memref<400x128xf32, #tpu.memory_space<hbm>>) dst(%dma_wait3A_808 : memref<400x128xf32, #tpu.memory_space<vmem_shared>>)
        tpu.yield
      }) : () -> ()
    } else {
    }
    %dma_wait3A_474 = arith.constant 0 : i32
    %dma_wait3A_475 = arith.constant 0 : i32
    %dma_wait3A_476 = tpu.memref_slice %arg10[%dma_wait3A_474, %dma_wait3A_475] : memref<125x80xi32, #tpu.memory_space<vmem>> -> memref<63x80xi32, #tpu.memory_space<vmem>>
    %dma_wait3A_477 = arith.constant 0 : i32
    %dma_wait3A_478 = arith.constant 0 : i32
    %dma_wait3A_479 = tpu.memref_slice %arg5[%add3A, %dma_wait3A_477, %dma_wait3A_478] : memref<32x63x80xi32, #tpu.memory_space<hbm>> -> memref<1x63x80xi32, #tpu.memory_space<hbm>>
    %dma_wait3A_480 = tpu.memref_squeeze %dma_wait3A_479 : memref<1x63x80xi32, #tpu.memory_space<hbm>> -> memref<63x80xi32, #tpu.memory_space<hbm>>
    %dma_wait3A_481 = arith.constant 0 : i32
    %dma_wait3A_482 = arith.constant 0 : i32
    %dma_wait3A_483 = tpu.memref_slice %arg10[%dma_wait3A_481, %dma_wait3A_482] : memref<125x80xi32, #tpu.memory_space<vmem>> -> memref<63x80xi32, #tpu.memory_space<vmem>>
    %dma_wait3A_484 = arith.constant 0 : i32
    %dma_wait3A_485 = arith.constant 0 : i32
    %dma_wait3A_486 = tpu.memref_slice %arg5[%add3A, %dma_wait3A_484, %dma_wait3A_485] : memref<32x63x80xi32, #tpu.memory_space<hbm>> -> memref<1x63x80xi32, #tpu.memory_space<hbm>>
    %dma_wait3A_487 = tpu.memref_squeeze %dma_wait3A_486 : memref<1x63x80xi32, #tpu.memory_space<hbm>> -> memref<63x80xi32, #tpu.memory_space<hbm>>
    tpu.wait_dma2 semaphore(%arg32 : memref<!tpu.dma_semaphore, #tpu.memory_space<semaphore_mem>>) src(%dma_wait3A_487 : memref<63x80xi32, #tpu.memory_space<hbm>>) dst(%dma_wait3A_483 : memref<63x80xi32, #tpu.memory_space<vmem>>)
    %barrier3A_488 = arith.constant 0 : index
    tpu.barrier barrier_id(%barrier3A_488)
    %get3A_489 = arith.constant 0 : i32
    %get3A_490 = arith.index_cast %get3A_489 : i32 to index
    %get3A_491 = arith.constant 0 : index
    %get3A_492 = tpu.vector_load %arg10[%get3A_490, %get3A_491] {strides = array<i32>} : memref<125x80xi32, #tpu.memory_space<vmem>>, vector<1x16xi32>,
    %get3A_493 = vector.shape_cast %get3A_492 : vector<1x16xi32> to vector<16xi32>
    %and3A_494 = arith.constant 65535 : i32
    %and3A_495 = vector.broadcast %and3A_494 : i32 to vector<16xi32>
    %and3A_496 = arith.andi %get3A_493, %and3A_495 : vector<16xi32>
    %swap3A_497 = arith.constant 0 : i32
    %swap3A_498 = arith.constant 0 : i32
    %swap3A_499 = tpu.memref_slice %arg13[%swap3A_497, %swap3A_498] : memref<3x80xi32, #tpu.memory_space<vmem>> -> memref<1x80xi32, #tpu.memory_space<vmem>>
    %swap3A_500 = tpu.memref_squeeze %swap3A_499 : memref<1x80xi32, #tpu.memory_space<vmem>> -> memref<80xi32, #tpu.memory_space<vmem>>
    %swap3A_501 = arith.constant 0 : index
    %swap3A_502 = tpu.vector_load %swap3A_500[%swap3A_501] {strides = array<i32>} : memref<80xi32, #tpu.memory_space<vmem>>, vector<16xi32>,
    %swap3A_503 = vector.shape_cast %swap3A_502 : vector<16xi32> to vector<16xi32>
    %swap3A_504 = vector.shape_cast %and3A_496 : vector<16xi32> to vector<16xi32>
    tpu.vector_store %swap3A_500[%swap3A_501], %swap3A_504 {strides = array<i32>} : memref<80xi32, #tpu.memory_space<vmem>>, vector<16xi32>,
    %shift_right_arithmetic3A_505 = arith.constant 16 : i32
    %shift_right_arithmetic3A_506 = vector.broadcast %shift_right_arithmetic3A_505 : i32 to vector<16xi32>
    %shift_right_arithmetic3A_507 = arith.shrsi %get3A_493, %shift_right_arithmetic3A_506 : vector<16xi32>
    %swap3A_508 = arith.constant 0 : i32
    %swap3A_509 = arith.constant 0 : i32
    %swap3A_510 = tpu.memref_slice %arg14[%swap3A_508, %swap3A_509] : memref<3x80xi32, #tpu.memory_space<vmem>> -> memref<1x80xi32, #tpu.memory_space<vmem>>
    %swap3A_511 = tpu.memref_squeeze %swap3A_510 : memref<1x80xi32, #tpu.memory_space<vmem>> -> memref<80xi32, #tpu.memory_space<vmem>>
    %swap3A_512 = arith.constant 0 : index
    %swap3A_513 = tpu.vector_load %swap3A_511[%swap3A_512] {strides = array<i32>} : memref<80xi32, #tpu.memory_space<vmem>>, vector<16xi32>,
    %swap3A_514 = vector.shape_cast %swap3A_513 : vector<16xi32> to vector<16xi32>
    %swap3A_515 = vector.shape_cast %shift_right_arithmetic3A_507 : vector<16xi32> to vector<16xi32>
    tpu.vector_store %swap3A_511[%swap3A_512], %swap3A_515 {strides = array<i32>} : memref<80xi32, #tpu.memory_space<vmem>>, vector<16xi32>,
    %get3A_516 = arith.constant 0 : i32
    %get3A_517 = arith.index_cast %get3A_516 : i32 to index
    %get3A_518 = arith.constant 16 : index
    %get3A_519 = tpu.vector_load %arg10[%get3A_517, %get3A_518] {strides = array<i32>} : memref<125x80xi32, #tpu.memory_space<vmem>>, vector<1x16xi32>,
    %get3A_520 = vector.shape_cast %get3A_519 : vector<1x16xi32> to vector<16xi32>
    %and3A_521 = arith.constant 65535 : i32
    %and3A_522 = vector.broadcast %and3A_521 : i32 to vector<16xi32>
    %and3A_523 = arith.andi %get3A_520, %and3A_522 : vector<16xi32>
    %swap3A_524 = arith.constant 0 : i32
    %swap3A_525 = arith.constant 0 : i32
    %swap3A_526 = tpu.memref_slice %arg13[%swap3A_524, %swap3A_525] : memref<3x80xi32, #tpu.memory_space<vmem>> -> memref<1x80xi32, #tpu.memory_space<vmem>>
    %swap3A_527 = tpu.memref_squeeze %swap3A_526 : memref<1x80xi32, #tpu.memory_space<vmem>> -> memref<80xi32, #tpu.memory_space<vmem>>
    %swap3A_528 = arith.constant 16 : index
    %swap3A_529 = tpu.vector_load %swap3A_527[%swap3A_528] {strides = array<i32>} : memref<80xi32, #tpu.memory_space<vmem>>, vector<16xi32>,
    %swap3A_530 = vector.shape_cast %swap3A_529 : vector<16xi32> to vector<16xi32>
    %swap3A_531 = vector.shape_cast %and3A_523 : vector<16xi32> to vector<16xi32>
    tpu.vector_store %swap3A_527[%swap3A_528], %swap3A_531 {strides = array<i32>} : memref<80xi32, #tpu.memory_space<vmem>>, vector<16xi32>,
    %shift_right_arithmetic3A_532 = arith.constant 16 : i32
    %shift_right_arithmetic3A_533 = vector.broadcast %shift_right_arithmetic3A_532 : i32 to vector<16xi32>
    %shift_right_arithmetic3A_534 = arith.shrsi %get3A_520, %shift_right_arithmetic3A_533 : vector<16xi32>
    %swap3A_535 = arith.constant 0 : i32
    %swap3A_536 = arith.constant 0 : i32
    %swap3A_537 = tpu.memref_slice %arg14[%swap3A_535, %swap3A_536] : memref<3x80xi32, #tpu.memory_space<vmem>> -> memref<1x80xi32, #tpu.memory_space<vmem>>
    %swap3A_538 = tpu.memref_squeeze %swap3A_537 : memref<1x80xi32, #tpu.memory_space<vmem>> -> memref<80xi32, #tpu.memory_space<vmem>>
    %swap3A_539 = arith.constant 16 : index
    %swap3A_540 = tpu.vector_load %swap3A_538[%swap3A_539] {strides = array<i32>} : memref<80xi32, #tpu.memory_space<vmem>>, vector<16xi32>,
    %swap3A_541 = vector.shape_cast %swap3A_540 : vector<16xi32> to vector<16xi32>
    %swap3A_542 = vector.shape_cast %shift_right_arithmetic3A_534 : vector<16xi32> to vector<16xi32>
    tpu.vector_store %swap3A_538[%swap3A_539], %swap3A_542 {strides = array<i32>} : memref<80xi32, #tpu.memory_space<vmem>>, vector<16xi32>,
    %get3A_543 = arith.constant 0 : i32
    %get3A_544 = arith.index_cast %get3A_543 : i32 to index
    %get3A_545 = arith.constant 32 : index
    %get3A_546 = tpu.vector_load %arg10[%get3A_544, %get3A_545] {strides = array<i32>} : memref<125x80xi32, #tpu.memory_space<vmem>>, vector<1x16xi32>,
    %get3A_547 = vector.shape_cast %get3A_546 : vector<1x16xi32> to vector<16xi32>
    %and3A_548 = arith.constant 65535 : i32
    %and3A_549 = vector.broadcast %and3A_548 : i32 to vector<16xi32>
    %and3A_550 = arith.andi %get3A_547, %and3A_549 : vector<16xi32>
    %swap3A_551 = arith.constant 0 : i32
    %swap3A_552 = arith.constant 0 : i32
    %swap3A_553 = tpu.memref_slice %arg13[%swap3A_551, %swap3A_552] : memref<3x80xi32, #tpu.memory_space<vmem>> -> memref<1x80xi32, #tpu.memory_space<vmem>>
    %swap3A_554 = tpu.memref_squeeze %swap3A_553 : memref<1x80xi32, #tpu.memory_space<vmem>> -> memref<80xi32, #tpu.memory_space<vmem>>
    %swap3A_555 = arith.constant 32 : index
    %swap3A_556 = tpu.vector_load %swap3A_554[%swap3A_555] {strides = array<i32>} : memref<80xi32, #tpu.memory_space<vmem>>, vector<16xi32>,
    %swap3A_557 = vector.shape_cast %swap3A_556 : vector<16xi32> to vector<16xi32>
    %swap3A_558 = vector.shape_cast %and3A_550 : vector<16xi32> to vector<16xi32>
    tpu.vector_store %swap3A_554[%swap3A_555], %swap3A_558 {strides = array<i32>} : memref<80xi32, #tpu.memory_space<vmem>>, vector<16xi32>,
    %shift_right_arithmetic3A_559 = arith.constant 16 : i32
    %shift_right_arithmetic3A_560 = vector.broadcast %shift_right_arithmetic3A_559 : i32 to vector<16xi32>
    %shift_right_arithmetic3A_561 = arith.shrsi %get3A_547, %shift_right_arithmetic3A_560 : vector<16xi32>
    %swap3A_562 = arith.constant 0 : i32
    %swap3A_563 = arith.constant 0 : i32
    %swap3A_564 = tpu.memref_slice %arg14[%swap3A_562, %swap3A_563] : memref<3x80xi32, #tpu.memory_space<vmem>> -> memref<1x80xi32, #tpu.memory_space<vmem>>
    %swap3A_565 = tpu.memref_squeeze %swap3A_564 : memref<1x80xi32, #tpu.memory_space<vmem>> -> memref<80xi32, #tpu.memory_space<vmem>>
    %swap3A_566 = arith.constant 32 : index
    %swap3A_567 = tpu.vector_load %swap3A_565[%swap3A_566] {strides = array<i32>} : memref<80xi32, #tpu.memory_space<vmem>>, vector<16xi32>,
    %swap3A_568 = vector.shape_cast %swap3A_567 : vector<16xi32> to vector<16xi32>
    %swap3A_569 = vector.shape_cast %shift_right_arithmetic3A_561 : vector<16xi32> to vector<16xi32>
    tpu.vector_store %swap3A_565[%swap3A_566], %swap3A_569 {strides = array<i32>} : memref<80xi32, #tpu.memory_space<vmem>>, vector<16xi32>,
    %get3A_570 = arith.constant 0 : i32
    %get3A_571 = arith.index_cast %get3A_570 : i32 to index
    %get3A_572 = arith.constant 48 : index
    %get3A_573 = tpu.vector_load %arg10[%get3A_571, %get3A_572] {strides = array<i32>} : memref<125x80xi32, #tpu.memory_space<vmem>>, vector<1x16xi32>,
    %get3A_574 = vector.shape_cast %get3A_573 : vector<1x16xi32> to vector<16xi32>
    %and3A_575 = arith.constant 65535 : i32
    %and3A_576 = vector.broadcast %and3A_575 : i32 to vector<16xi32>
    %and3A_577 = arith.andi %get3A_574, %and3A_576 : vector<16xi32>
    %swap3A_578 = arith.constant 0 : i32
    %swap3A_579 = arith.constant 0 : i32
    %swap3A_580 = tpu.memref_slice %arg13[%swap3A_578, %swap3A_579] : memref<3x80xi32, #tpu.memory_space<vmem>> -> memref<1x80xi32, #tpu.memory_space<vmem>>
    %swap3A_581 = tpu.memref_squeeze %swap3A_580 : memref<1x80xi32, #tpu.memory_space<vmem>> -> memref<80xi32, #tpu.memory_space<vmem>>
    %swap3A_582 = arith.constant 48 : index
    %swap3A_583 = tpu.vector_load %swap3A_581[%swap3A_582] {strides = array<i32>} : memref<80xi32, #tpu.memory_space<vmem>>, vector<16xi32>,
    %swap3A_584 = vector.shape_cast %swap3A_583 : vector<16xi32> to vector<16xi32>
    %swap3A_585 = vector.shape_cast %and3A_577 : vector<16xi32> to vector<16xi32>
    tpu.vector_store %swap3A_581[%swap3A_582], %swap3A_585 {strides = array<i32>} : memref<80xi32, #tpu.memory_space<vmem>>, vector<16xi32>,
    %shift_right_arithmetic3A_586 = arith.constant 16 : i32
    %shift_right_arithmetic3A_587 = vector.broadcast %shift_right_arithmetic3A_586 : i32 to vector<16xi32>
    %shift_right_arithmetic3A_588 = arith.shrsi %get3A_574, %shift_right_arithmetic3A_587 : vector<16xi32>
    %swap3A_589 = arith.constant 0 : i32
    %swap3A_590 = arith.constant 0 : i32
    %swap3A_591 = tpu.memref_slice %arg14[%swap3A_589, %swap3A_590] : memref<3x80xi32, #tpu.memory_space<vmem>> -> memref<1x80xi32, #tpu.memory_space<vmem>>
    %swap3A_592 = tpu.memref_squeeze %swap3A_591 : memref<1x80xi32, #tpu.memory_space<vmem>> -> memref<80xi32, #tpu.memory_space<vmem>>
    %swap3A_593 = arith.constant 48 : index
    %swap3A_594 = tpu.vector_load %swap3A_592[%swap3A_593] {strides = array<i32>} : memref<80xi32, #tpu.memory_space<vmem>>, vector<16xi32>,
    %swap3A_595 = vector.shape_cast %swap3A_594 : vector<16xi32> to vector<16xi32>
    %swap3A_596 = vector.shape_cast %shift_right_arithmetic3A_588 : vector<16xi32> to vector<16xi32>
    tpu.vector_store %swap3A_592[%swap3A_593], %swap3A_596 {strides = array<i32>} : memref<80xi32, #tpu.memory_space<vmem>>, vector<16xi32>,
    %get3A_597 = arith.constant 0 : i32
    %get3A_598 = arith.index_cast %get3A_597 : i32 to index
    %get3A_599 = arith.constant 64 : index
    %get3A_600 = tpu.vector_load %arg10[%get3A_598, %get3A_599] {strides = array<i32>} : memref<125x80xi32, #tpu.memory_space<vmem>>, vector<1x16xi32>,
    %get3A_601 = vector.shape_cast %get3A_600 : vector<1x16xi32> to vector<16xi32>
    %and3A_602 = arith.constant 65535 : i32
    %and3A_603 = vector.broadcast %and3A_602 : i32 to vector<16xi32>
    %and3A_604 = arith.andi %get3A_601, %and3A_603 : vector<16xi32>
    %swap3A_605 = arith.constant 0 : i32
    %swap3A_606 = arith.constant 0 : i32
    %swap3A_607 = tpu.memref_slice %arg13[%swap3A_605, %swap3A_606] : memref<3x80xi32, #tpu.memory_space<vmem>> -> memref<1x80xi32, #tpu.memory_space<vmem>>
    %swap3A_608 = tpu.memref_squeeze %swap3A_607 : memref<1x80xi32, #tpu.memory_space<vmem>> -> memref<80xi32, #tpu.memory_space<vmem>>
    %swap3A_609 = arith.constant 64 : index
    %swap3A_610 = tpu.vector_load %swap3A_608[%swap3A_609] {strides = array<i32>} : memref<80xi32, #tpu.memory_space<vmem>>, vector<16xi32>,
    %swap3A_611 = vector.shape_cast %swap3A_610 : vector<16xi32> to vector<16xi32>
    %swap3A_612 = vector.shape_cast %and3A_604 : vector<16xi32> to vector<16xi32>
    tpu.vector_store %swap3A_608[%swap3A_609], %swap3A_612 {strides = array<i32>} : memref<80xi32, #tpu.memory_space<vmem>>, vector<16xi32>,
    %shift_right_arithmetic3A_613 = arith.constant 16 : i32
    %shift_right_arithmetic3A_614 = vector.broadcast %shift_right_arithmetic3A_613 : i32 to vector<16xi32>
    %shift_right_arithmetic3A_615 = arith.shrsi %get3A_601, %shift_right_arithmetic3A_614 : vector<16xi32>
    %swap3A_616 = arith.constant 0 : i32
    %swap3A_617 = arith.constant 0 : i32
    %swap3A_618 = tpu.memref_slice %arg14[%swap3A_616, %swap3A_617] : memref<3x80xi32, #tpu.memory_space<vmem>> -> memref<1x80xi32, #tpu.memory_space<vmem>>
    %swap3A_619 = tpu.memref_squeeze %swap3A_618 : memref<1x80xi32, #tpu.memory_space<vmem>> -> memref<80xi32, #tpu.memory_space<vmem>>
    %swap3A_620 = arith.constant 64 : index
    %swap3A_621 = tpu.vector_load %swap3A_619[%swap3A_620] {strides = array<i32>} : memref<80xi32, #tpu.memory_space<vmem>>, vector<16xi32>,
    %swap3A_622 = vector.shape_cast %swap3A_621 : vector<16xi32> to vector<16xi32>
    %swap3A_623 = vector.shape_cast %shift_right_arithmetic3A_615 : vector<16xi32> to vector<16xi32>
    tpu.vector_store %swap3A_619[%swap3A_620], %swap3A_623 {strides = array<i32>} : memref<80xi32, #tpu.memory_space<vmem>>, vector<16xi32>,
    %dma_start3A_624 = arith.constant 0 : i32
    %dma_start3A_625 = arith.constant 0 : i32
    %dma_start3A_626 = tpu.memref_slice %arg13[%dma_start3A_624, %dma_start3A_625] : memref<3x80xi32, #tpu.memory_space<vmem>> -> memref<1x80xi32, #tpu.memory_space<vmem>>
    %dma_start3A_627 = tpu.memref_squeeze %dma_start3A_626 : memref<1x80xi32, #tpu.memory_space<vmem>> -> memref<80xi32, #tpu.memory_space<vmem>>
    %dma_start3A_628 = arith.constant 0 : i32
    %dma_start3A_629 = arith.constant 0 : i32
    %dma_start3A_630 = tpu.memref_slice %arg2[%dma_start3A_628, %dma_start3A_629] : memref<10000x128xf32, #tpu.memory_space<hbm>> -> memref<10000x128xf32, #tpu.memory_space<hbm>>
    tpu.enqueue_indirect_dma source(%dma_start3A_630 : memref<10000x128xf32, #tpu.memory_space<hbm>>) target(%arg15 : memref<80x128xf32, #tpu.memory_space<vmem>>) offsets(%dma_start3A_627 : memref<80xi32, #tpu.memory_space<vmem>>) semaphore(%arg18 : memref<!tpu.dma_semaphore, #tpu.memory_space<semaphore_mem>>)
    %get3A_631 = arith.constant 1 : i32
    %get3A_632 = arith.index_cast %get3A_631 : i32 to index
    %get3A_633 = arith.constant 0 : index
    %get3A_634 = tpu.vector_load %arg10[%get3A_632, %get3A_633] {strides = array<i32>} : memref<125x80xi32, #tpu.memory_space<vmem>>, vector<1x16xi32>,
    %get3A_635 = vector.shape_cast %get3A_634 : vector<1x16xi32> to vector<16xi32>
    %and3A_636 = arith.constant 65535 : i32
    %and3A_637 = vector.broadcast %and3A_636 : i32 to vector<16xi32>
    %and3A_638 = arith.andi %get3A_635, %and3A_637 : vector<16xi32>
    %swap3A_639 = arith.constant 1 : i32
    %swap3A_640 = arith.constant 0 : i32
    %swap3A_641 = tpu.memref_slice %arg13[%swap3A_639, %swap3A_640] : memref<3x80xi32, #tpu.memory_space<vmem>> -> memref<1x80xi32, #tpu.memory_space<vmem>>
    %swap3A_642 = tpu.memref_squeeze %swap3A_641 : memref<1x80xi32, #tpu.memory_space<vmem>> -> memref<80xi32, #tpu.memory_space<vmem>>
    %swap3A_643 = arith.constant 0 : index
    %swap3A_644 = tpu.vector_load %swap3A_642[%swap3A_643] {strides = array<i32>} : memref<80xi32, #tpu.memory_space<vmem>>, vector<16xi32>,
    %swap3A_645 = vector.shape_cast %swap3A_644 : vector<16xi32> to vector<16xi32>
    %swap3A_646 = vector.shape_cast %and3A_638 : vector<16xi32> to vector<16xi32>
    tpu.vector_store %swap3A_642[%swap3A_643], %swap3A_646 {strides = array<i32>} : memref<80xi32, #tpu.memory_space<vmem>>, vector<16xi32>,
    %shift_right_arithmetic3A_647 = arith.constant 16 : i32
    %shift_right_arithmetic3A_648 = vector.broadcast %shift_right_arithmetic3A_647 : i32 to vector<16xi32>
    %shift_right_arithmetic3A_649 = arith.shrsi %get3A_635, %shift_right_arithmetic3A_648 : vector<16xi32>
    %swap3A_650 = arith.constant 1 : i32
    %swap3A_651 = arith.constant 0 : i32
    %swap3A_652 = tpu.memref_slice %arg14[%swap3A_650, %swap3A_651] : memref<3x80xi32, #tpu.memory_space<vmem>> -> memref<1x80xi32, #tpu.memory_space<vmem>>
    %swap3A_653 = tpu.memref_squeeze %swap3A_652 : memref<1x80xi32, #tpu.memory_space<vmem>> -> memref<80xi32, #tpu.memory_space<vmem>>
    %swap3A_654 = arith.constant 0 : index
    %swap3A_655 = tpu.vector_load %swap3A_653[%swap3A_654] {strides = array<i32>} : memref<80xi32, #tpu.memory_space<vmem>>, vector<16xi32>,
    %swap3A_656 = vector.shape_cast %swap3A_655 : vector<16xi32> to vector<16xi32>
    %swap3A_657 = vector.shape_cast %shift_right_arithmetic3A_649 : vector<16xi32> to vector<16xi32>
    tpu.vector_store %swap3A_653[%swap3A_654], %swap3A_657 {strides = array<i32>} : memref<80xi32, #tpu.memory_space<vmem>>, vector<16xi32>,
    %get3A_658 = arith.constant 1 : i32
    %get3A_659 = arith.index_cast %get3A_658 : i32 to index
    %get3A_660 = arith.constant 16 : index
    %get3A_661 = tpu.vector_load %arg10[%get3A_659, %get3A_660] {strides = array<i32>} : memref<125x80xi32, #tpu.memory_space<vmem>>, vector<1x16xi32>,
    %get3A_662 = vector.shape_cast %get3A_661 : vector<1x16xi32> to vector<16xi32>
    %and3A_663 = arith.constant 65535 : i32
    %and3A_664 = vector.broadcast %and3A_663 : i32 to vector<16xi32>
    %and3A_665 = arith.andi %get3A_662, %and3A_664 : vector<16xi32>
    %swap3A_666 = arith.constant 1 : i32
    %swap3A_667 = arith.constant 0 : i32
    %swap3A_668 = tpu.memref_slice %arg13[%swap3A_666, %swap3A_667] : memref<3x80xi32, #tpu.memory_space<vmem>> -> memref<1x80xi32, #tpu.memory_space<vmem>>
    %swap3A_669 = tpu.memref_squeeze %swap3A_668 : memref<1x80xi32, #tpu.memory_space<vmem>> -> memref<80xi32, #tpu.memory_space<vmem>>
    %swap3A_670 = arith.constant 16 : index
    %swap3A_671 = tpu.vector_load %swap3A_669[%swap3A_670] {strides = array<i32>} : memref<80xi32, #tpu.memory_space<vmem>>, vector<16xi32>,
    %swap3A_672 = vector.shape_cast %swap3A_671 : vector<16xi32> to vector<16xi32>
    %swap3A_673 = vector.shape_cast %and3A_665 : vector<16xi32> to vector<16xi32>
    tpu.vector_store %swap3A_669[%swap3A_670], %swap3A_673 {strides = array<i32>} : memref<80xi32, #tpu.memory_space<vmem>>, vector<16xi32>,
    %shift_right_arithmetic3A_674 = arith.constant 16 : i32
    %shift_right_arithmetic3A_675 = vector.broadcast %shift_right_arithmetic3A_674 : i32 to vector<16xi32>
    %shift_right_arithmetic3A_676 = arith.shrsi %get3A_662, %shift_right_arithmetic3A_675 : vector<16xi32>
    %swap3A_677 = arith.constant 1 : i32
    %swap3A_678 = arith.constant 0 : i32
    %swap3A_679 = tpu.memref_slice %arg14[%swap3A_677, %swap3A_678] : memref<3x80xi32, #tpu.memory_space<vmem>> -> memref<1x80xi32, #tpu.memory_space<vmem>>
    %swap3A_680 = tpu.memref_squeeze %swap3A_679 : memref<1x80xi32, #tpu.memory_space<vmem>> -> memref<80xi32, #tpu.memory_space<vmem>>
    %swap3A_681 = arith.constant 16 : index
    %swap3A_682 = tpu.vector_load %swap3A_680[%swap3A_681] {strides = array<i32>} : memref<80xi32, #tpu.memory_space<vmem>>, vector<16xi32>,
    %swap3A_683 = vector.shape_cast %swap3A_682 : vector<16xi32> to vector<16xi32>
    %swap3A_684 = vector.shape_cast %shift_right_arithmetic3A_676 : vector<16xi32> to vector<16xi32>
    tpu.vector_store %swap3A_680[%swap3A_681], %swap3A_684 {strides = array<i32>} : memref<80xi32, #tpu.memory_space<vmem>>, vector<16xi32>,
    %get3A_685 = arith.constant 1 : i32
    %get3A_686 = arith.index_cast %get3A_685 : i32 to index
    %get3A_687 = arith.constant 32 : index
    %get3A_688 = tpu.vector_load %arg10[%get3A_686, %get3A_687] {strides = array<i32>} : memref<125x80xi32, #tpu.memory_space<vmem>>, vector<1x16xi32>,
    %get3A_689 = vector.shape_cast %get3A_688 : vector<1x16xi32> to vector<16xi32>
    %and3A_690 = arith.constant 65535 : i32
    %and3A_691 = vector.broadcast %and3A_690 : i32 to vector<16xi32>
    %and3A_692 = arith.andi %get3A_689, %and3A_691 : vector<16xi32>
    %swap3A_693 = arith.constant 1 : i32
    %swap3A_694 = arith.constant 0 : i32
    %swap3A_695 = tpu.memref_slice %arg13[%swap3A_693, %swap3A_694] : memref<3x80xi32, #tpu.memory_space<vmem>> -> memref<1x80xi32, #tpu.memory_space<vmem>>
    %swap3A_696 = tpu.memref_squeeze %swap3A_695 : memref<1x80xi32, #tpu.memory_space<vmem>> -> memref<80xi32, #tpu.memory_space<vmem>>
    %swap3A_697 = arith.constant 32 : index
    %swap3A_698 = tpu.vector_load %swap3A_696[%swap3A_697] {strides = array<i32>} : memref<80xi32, #tpu.memory_space<vmem>>, vector<16xi32>,
    %swap3A_699 = vector.shape_cast %swap3A_698 : vector<16xi32> to vector<16xi32>
    %swap3A_700 = vector.shape_cast %and3A_692 : vector<16xi32> to vector<16xi32>
    tpu.vector_store %swap3A_696[%swap3A_697], %swap3A_700 {strides = array<i32>} : memref<80xi32, #tpu.memory_space<vmem>>, vector<16xi32>,
    %shift_right_arithmetic3A_701 = arith.constant 16 : i32
    %shift_right_arithmetic3A_702 = vector.broadcast %shift_right_arithmetic3A_701 : i32 to vector<16xi32>
    %shift_right_arithmetic3A_703 = arith.shrsi %get3A_689, %shift_right_arithmetic3A_702 : vector<16xi32>
    %swap3A_704 = arith.constant 1 : i32
    %swap3A_705 = arith.constant 0 : i32
    %swap3A_706 = tpu.memref_slice %arg14[%swap3A_704, %swap3A_705] : memref<3x80xi32, #tpu.memory_space<vmem>> -> memref<1x80xi32, #tpu.memory_space<vmem>>
    %swap3A_707 = tpu.memref_squeeze %swap3A_706 : memref<1x80xi32, #tpu.memory_space<vmem>> -> memref<80xi32, #tpu.memory_space<vmem>>
    %swap3A_708 = arith.constant 32 : index
    %swap3A_709 = tpu.vector_load %swap3A_707[%swap3A_708] {strides = array<i32>} : memref<80xi32, #tpu.memory_space<vmem>>, vector<16xi32>,
    %swap3A_710 = vector.shape_cast %swap3A_709 : vector<16xi32> to vector<16xi32>
    %swap3A_711 = vector.shape_cast %shift_right_arithmetic3A_703 : vector<16xi32> to vector<16xi32>
    tpu.vector_store %swap3A_707[%swap3A_708], %swap3A_711 {strides = array<i32>} : memref<80xi32, #tpu.memory_space<vmem>>, vector<16xi32>,
    %get3A_712 = arith.constant 1 : i32
    %get3A_713 = arith.index_cast %get3A_712 : i32 to index
    %get3A_714 = arith.constant 48 : index
    %get3A_715 = tpu.vector_load %arg10[%get3A_713, %get3A_714] {strides = array<i32>} : memref<125x80xi32, #tpu.memory_space<vmem>>, vector<1x16xi32>,
    %get3A_716 = vector.shape_cast %get3A_715 : vector<1x16xi32> to vector<16xi32>
    %and3A_717 = arith.constant 65535 : i32
    %and3A_718 = vector.broadcast %and3A_717 : i32 to vector<16xi32>
    %and3A_719 = arith.andi %get3A_716, %and3A_718 : vector<16xi32>
    %swap3A_720 = arith.constant 1 : i32
    %swap3A_721 = arith.constant 0 : i32
    %swap3A_722 = tpu.memref_slice %arg13[%swap3A_720, %swap3A_721] : memref<3x80xi32, #tpu.memory_space<vmem>> -> memref<1x80xi32, #tpu.memory_space<vmem>>
    %swap3A_723 = tpu.memref_squeeze %swap3A_722 : memref<1x80xi32, #tpu.memory_space<vmem>> -> memref<80xi32, #tpu.memory_space<vmem>>
    %swap3A_724 = arith.constant 48 : index
    %swap3A_725 = tpu.vector_load %swap3A_723[%swap3A_724] {strides = array<i32>} : memref<80xi32, #tpu.memory_space<vmem>>, vector<16xi32>,
    %swap3A_726 = vector.shape_cast %swap3A_725 : vector<16xi32> to vector<16xi32>
    %swap3A_727 = vector.shape_cast %and3A_719 : vector<16xi32> to vector<16xi32>
    tpu.vector_store %swap3A_723[%swap3A_724], %swap3A_727 {strides = array<i32>} : memref<80xi32, #tpu.memory_space<vmem>>, vector<16xi32>,
    %shift_right_arithmetic3A_728 = arith.constant 16 : i32
    %shift_right_arithmetic3A_729 = vector.broadcast %shift_right_arithmetic3A_728 : i32 to vector<16xi32>
    %shift_right_arithmetic3A_730 = arith.shrsi %get3A_716, %shift_right_arithmetic3A_729 : vector<16xi32>
    %swap3A_731 = arith.constant 1 : i32
    %swap3A_732 = arith.constant 0 : i32
    %swap3A_733 = tpu.memref_slice %arg14[%swap3A_731, %swap3A_732] : memref<3x80xi32, #tpu.memory_space<vmem>> -> memref<1x80xi32, #tpu.memory_space<vmem>>
    %swap3A_734 = tpu.memref_squeeze %swap3A_733 : memref<1x80xi32, #tpu.memory_space<vmem>> -> memref<80xi32, #tpu.memory_space<vmem>>
    %swap3A_735 = arith.constant 48 : index
    %swap3A_736 = tpu.vector_load %swap3A_734[%swap3A_735] {strides = array<i32>} : memref<80xi32, #tpu.memory_space<vmem>>, vector<16xi32>,
    %swap3A_737 = vector.shape_cast %swap3A_736 : vector<16xi32> to vector<16xi32>
    %swap3A_738 = vector.shape_cast %shift_right_arithmetic3A_730 : vector<16xi32> to vector<16xi32>
    tpu.vector_store %swap3A_734[%swap3A_735], %swap3A_738 {strides = array<i32>} : memref<80xi32, #tpu.memory_space<vmem>>, vector<16xi32>,
    %get3A_739 = arith.constant 1 : i32
    %get3A_740 = arith.index_cast %get3A_739 : i32 to index
    %get3A_741 = arith.constant 64 : index
    %get3A_742 = tpu.vector_load %arg10[%get3A_740, %get3A_741] {strides = array<i32>} : memref<125x80xi32, #tpu.memory_space<vmem>>, vector<1x16xi32>,
    %get3A_743 = vector.shape_cast %get3A_742 : vector<1x16xi32> to vector<16xi32>
    %and3A_744 = arith.constant 65535 : i32
    %and3A_745 = vector.broadcast %and3A_744 : i32 to vector<16xi32>
    %and3A_746 = arith.andi %get3A_743, %and3A_745 : vector<16xi32>
    %swap3A_747 = arith.constant 1 : i32
    %swap3A_748 = arith.constant 0 : i32
    %swap3A_749 = tpu.memref_slice %arg13[%swap3A_747, %swap3A_748] : memref<3x80xi32, #tpu.memory_space<vmem>> -> memref<1x80xi32, #tpu.memory_space<vmem>>
    %swap3A_750 = tpu.memref_squeeze %swap3A_749 : memref<1x80xi32, #tpu.memory_space<vmem>> -> memref<80xi32, #tpu.memory_space<vmem>>
    %swap3A_751 = arith.constant 64 : index
    %swap3A_752 = tpu.vector_load %swap3A_750[%swap3A_751] {strides = array<i32>} : memref<80xi32, #tpu.memory_space<vmem>>, vector<16xi32>,
    %swap3A_753 = vector.shape_cast %swap3A_752 : vector<16xi32> to vector<16xi32>
    %swap3A_754 = vector.shape_cast %and3A_746 : vector<16xi32> to vector<16xi32>
    tpu.vector_store %swap3A_750[%swap3A_751], %swap3A_754 {strides = array<i32>} : memref<80xi32, #tpu.memory_space<vmem>>, vector<16xi32>,
    %shift_right_arithmetic3A_755 = arith.constant 16 : i32
    %shift_right_arithmetic3A_756 = vector.broadcast %shift_right_arithmetic3A_755 : i32 to vector<16xi32>
    %shift_right_arithmetic3A_757 = arith.shrsi %get3A_743, %shift_right_arithmetic3A_756 : vector<16xi32>
    %swap3A_758 = arith.constant 1 : i32
    %swap3A_759 = arith.constant 0 : i32
    %swap3A_760 = tpu.memref_slice %arg14[%swap3A_758, %swap3A_759] : memref<3x80xi32, #tpu.memory_space<vmem>> -> memref<1x80xi32, #tpu.memory_space<vmem>>
    %swap3A_761 = tpu.memref_squeeze %swap3A_760 : memref<1x80xi32, #tpu.memory_space<vmem>> -> memref<80xi32, #tpu.memory_space<vmem>>
    %swap3A_762 = arith.constant 64 : index
    %swap3A_763 = tpu.vector_load %swap3A_761[%swap3A_762] {strides = array<i32>} : memref<80xi32, #tpu.memory_space<vmem>>, vector<16xi32>,
    %swap3A_764 = vector.shape_cast %swap3A_763 : vector<16xi32> to vector<16xi32>
    %swap3A_765 = vector.shape_cast %shift_right_arithmetic3A_757 : vector<16xi32> to vector<16xi32>
    tpu.vector_store %swap3A_761[%swap3A_762], %swap3A_765 {strides = array<i32>} : memref<80xi32, #tpu.memory_space<vmem>>, vector<16xi32>,
    %dma_start3A_766 = arith.constant 1 : i32
    %dma_start3A_767 = arith.constant 0 : i32
    %dma_start3A_768 = tpu.memref_slice %arg13[%dma_start3A_766, %dma_start3A_767] : memref<3x80xi32, #tpu.memory_space<vmem>> -> memref<1x80xi32, #tpu.memory_space<vmem>>
    %dma_start3A_769 = tpu.memref_squeeze %dma_start3A_768 : memref<1x80xi32, #tpu.memory_space<vmem>> -> memref<80xi32, #tpu.memory_space<vmem>>
    %dma_start3A_770 = arith.constant 0 : i32
    %dma_start3A_771 = arith.constant 0 : i32
    %dma_start3A_772 = tpu.memref_slice %arg2[%dma_start3A_770, %dma_start3A_771] : memref<10000x128xf32, #tpu.memory_space<hbm>> -> memref<10000x128xf32, #tpu.memory_space<hbm>>
    tpu.enqueue_indirect_dma source(%dma_start3A_772 : memref<10000x128xf32, #tpu.memory_space<hbm>>) target(%arg16 : memref<80x128xf32, #tpu.memory_space<vmem>>) offsets(%dma_start3A_769 : memref<80xi32, #tpu.memory_space<vmem>>) semaphore(%arg19 : memref<!tpu.dma_semaphore, #tpu.memory_space<semaphore_mem>>)
    %scan3A_773 = arith.constant 2 : i32
    %scan3A_774 = arith.constant 2 : i32
    %scan3A_775 = arith.constant 0 : i32
    %scan3A_776 = arith.constant 0 : i32
    %scan3A_777 = arith.constant 1 : i32
    %scan3A_778 = arith.constant 1 : i32
    %scan3A_779 = arith.constant 0 : i32
    %scan3A_780 = arith.constant 21 : i32
    %scan3A_781 = arith.addi %scan3A_779, %scan3A_780 : i32
    %scan3A_782 = arith.constant 1 : i32
    scf.for %scan3A_802 = %scan3A_779 to %scan3A_781 step %scan3A_782  : i32 {
      %mul3A_803 = arith.constant 1 : i32
      %mul3A_804 = arith.muli %scan3A_802, %mul3A_803 : i32
      %add3A_805 = arith.constant 0 : i32
      %add3A_806 = arith.addi %add3A_805, %mul3A_804 : i32
      %mul3A_807 = arith.constant 3 : i32
      %mul3A_808 = arith.muli %mul3A_807, %add3A_806 : i32
      %add3A_809 = arith.constant 0 : i32
      %add3A_810 = arith.addi %mul3A_808, %add3A_809 : i32
      %gt3A = arith.constant 0 : i32
      %gt3A_811 = arith.cmpi sgt, %add3A_810, %gt3A : i32
      %convert_element_type3A_812 = arith.extui %gt3A_811 : i1 to i32
      %cond3A_813 = arith.constant 0 : i32
      %cond3A_814 = arith.cmpi ne, %convert_element_type3A_812, %cond3A_813 : i32
      scf.if %cond3A_814 {
        %dma_wait3A_886 = arith.constant 0 : i32
        %dma_wait3A_887 = tpu.memref_slice %arg14[%scan3A_773, %dma_wait3A_886] : memref<3x80xi32, #tpu.memory_space<vmem>> -> memref<1x80xi32, #tpu.memory_space<vmem>>
        %dma_wait3A_888 = tpu.memref_squeeze %dma_wait3A_887 : memref<1x80xi32, #tpu.memory_space<vmem>> -> memref<80xi32, #tpu.memory_space<vmem>>
        %dma_wait3A_889 = arith.constant 0 : i32
        %dma_wait3A_890 = arith.constant 0 : i32
        %dma_wait3A_891 = tpu.memref_slice %arg9[%dma_wait3A_889, %dma_wait3A_890] : memref<10008x128xf32, #tpu.memory_space<vmem_shared>> -> memref<10008x128xf32, #tpu.memory_space<vmem_shared>>
        tpu.wait_indirect_dma semaphore(%arg26 : memref<!tpu.dma_semaphore, #tpu.memory_space<semaphore_mem>>) src(%arg17 : memref<80x128xf32, #tpu.memory_space<vmem>>) dst(%dma_wait3A_891 : memref<10008x128xf32, #tpu.memory_space<vmem_shared>>)
      } else {
      }
      %add3A_815 = arith.constant 2 : i32
      %add3A_816 = arith.addi %add3A_810, %add3A_815 : i32
      %lt3A_817 = arith.constant 63 : i32
      %lt3A_818 = arith.cmpi slt, %add3A_816, %lt3A_817 : i32
      %convert_element_type3A_819 = arith.extui %lt3A_818 : i1 to i32
      %cond3A_820 = arith.constant 0 : i32
      %cond3A_821 = arith.cmpi ne, %convert_element_type3A_819, %cond3A_820 : i32
      scf.if %cond3A_821 {
        %add3A_886 = arith.constant 2 : i32
        %add3A_887 = arith.addi %add3A_810, %add3A_886 : i32
        %get3A_888 = arith.index_cast %add3A_887 : i32 to index
        %get3A_889 = arith.constant 0 : index
        %get3A_890 = tpu.vector_load %arg10[%get3A_888, %get3A_889] {strides = array<i32>} : memref<125x80xi32, #tpu.memory_space<vmem>>, vector<1x16xi32>,
        %get3A_891 = vector.shape_cast %get3A_890 : vector<1x16xi32> to vector<16xi32>
        %and3A_892 = arith.constant 65535 : i32
        %and3A_893 = vector.broadcast %and3A_892 : i32 to vector<16xi32>
        %and3A_894 = arith.andi %get3A_891, %and3A_893 : vector<16xi32>
        %swap3A_895 = arith.constant 0 : i32
        %swap3A_896 = tpu.memref_slice %arg13[%scan3A_774, %swap3A_895] : memref<3x80xi32, #tpu.memory_space<vmem>> -> memref<1x80xi32, #tpu.memory_space<vmem>>
        %swap3A_897 = tpu.memref_squeeze %swap3A_896 : memref<1x80xi32, #tpu.memory_space<vmem>> -> memref<80xi32, #tpu.memory_space<vmem>>
        %swap3A_898 = arith.constant 0 : index
        %swap3A_899 = tpu.vector_load %swap3A_897[%swap3A_898] {strides = array<i32>} : memref<80xi32, #tpu.memory_space<vmem>>, vector<16xi32>,
        %swap3A_900 = vector.shape_cast %swap3A_899 : vector<16xi32> to vector<16xi32>
        %swap3A_901 = vector.shape_cast %and3A_894 : vector<16xi32> to vector<16xi32>
        tpu.vector_store %swap3A_897[%swap3A_898], %swap3A_901 {strides = array<i32>} : memref<80xi32, #tpu.memory_space<vmem>>, vector<16xi32>,
        %shift_right_arithmetic3A_902 = arith.constant 16 : i32
        %shift_right_arithmetic3A_903 = vector.broadcast %shift_right_arithmetic3A_902 : i32 to vector<16xi32>
        %shift_right_arithmetic3A_904 = arith.shrsi %get3A_891, %shift_right_arithmetic3A_903 : vector<16xi32>
        %swap3A_905 = arith.constant 0 : i32
        %swap3A_906 = tpu.memref_slice %arg14[%scan3A_773, %swap3A_905] : memref<3x80xi32, #tpu.memory_space<vmem>> -> memref<1x80xi32, #tpu.memory_space<vmem>>
        %swap3A_907 = tpu.memref_squeeze %swap3A_906 : memref<1x80xi32, #tpu.memory_space<vmem>> -> memref<80xi32, #tpu.memory_space<vmem>>
        %swap3A_908 = arith.constant 0 : index
        %swap3A_909 = tpu.vector_load %swap3A_907[%swap3A_908] {strides = array<i32>} : memref<80xi32, #tpu.memory_space<vmem>>, vector<16xi32>,
        %swap3A_910 = vector.shape_cast %swap3A_909 : vector<16xi32> to vector<16xi32>
        %swap3A_911 = vector.shape_cast %shift_right_arithmetic3A_904 : vector<16xi32> to vector<16xi32>
        tpu.vector_store %swap3A_907[%swap3A_908], %swap3A_911 {strides = array<i32>} : memref<80xi32, #tpu.memory_space<vmem>>, vector<16xi32>,
        %get3A_912 = arith.index_cast %add3A_887 : i32 to index
        %get3A_913 = arith.constant 16 : index
        %get3A_914 = tpu.vector_load %arg10[%get3A_912, %get3A_913] {strides = array<i32>} : memref<125x80xi32, #tpu.memory_space<vmem>>, vector<1x16xi32>,
        %get3A_915 = vector.shape_cast %get3A_914 : vector<1x16xi32> to vector<16xi32>
        %and3A_916 = arith.constant 65535 : i32
        %and3A_917 = vector.broadcast %and3A_916 : i32 to vector<16xi32>
        %and3A_918 = arith.andi %get3A_915, %and3A_917 : vector<16xi32>
        %swap3A_919 = arith.constant 0 : i32
        %swap3A_920 = tpu.memref_slice %arg13[%scan3A_774, %swap3A_919] : memref<3x80xi32, #tpu.memory_space<vmem>> -> memref<1x80xi32, #tpu.memory_space<vmem>>
        %swap3A_921 = tpu.memref_squeeze %swap3A_920 : memref<1x80xi32, #tpu.memory_space<vmem>> -> memref<80xi32, #tpu.memory_space<vmem>>
        %swap3A_922 = arith.constant 16 : index
        %swap3A_923 = tpu.vector_load %swap3A_921[%swap3A_922] {strides = array<i32>} : memref<80xi32, #tpu.memory_space<vmem>>, vector<16xi32>,
        %swap3A_924 = vector.shape_cast %swap3A_923 : vector<16xi32> to vector<16xi32>
        %swap3A_925 = vector.shape_cast %and3A_918 : vector<16xi32> to vector<16xi32>
        tpu.vector_store %swap3A_921[%swap3A_922], %swap3A_925 {strides = array<i32>} : memref<80xi32, #tpu.memory_space<vmem>>, vector<16xi32>,
        %shift_right_arithmetic3A_926 = arith.constant 16 : i32
        %shift_right_arithmetic3A_927 = vector.broadcast %shift_right_arithmetic3A_926 : i32 to vector<16xi32>
        %shift_right_arithmetic3A_928 = arith.shrsi %get3A_915, %shift_right_arithmetic3A_927 : vector<16xi32>
        %swap3A_929 = arith.constant 0 : i32
        %swap3A_930 = tpu.memref_slice %arg14[%scan3A_773, %swap3A_929] : memref<3x80xi32, #tpu.memory_space<vmem>> -> memref<1x80xi32, #tpu.memory_space<vmem>>
        %swap3A_931 = tpu.memref_squeeze %swap3A_930 : memref<1x80xi32, #tpu.memory_space<vmem>> -> memref<80xi32, #tpu.memory_space<vmem>>
        %swap3A_932 = arith.constant 16 : index
        %swap3A_933 = tpu.vector_load %swap3A_931[%swap3A_932] {strides = array<i32>} : memref<80xi32, #tpu.memory_space<vmem>>, vector<16xi32>,
        %swap3A_934 = vector.shape_cast %swap3A_933 : vector<16xi32> to vector<16xi32>
        %swap3A_935 = vector.shape_cast %shift_right_arithmetic3A_928 : vector<16xi32> to vector<16xi32>
        tpu.vector_store %swap3A_931[%swap3A_932], %swap3A_935 {strides = array<i32>} : memref<80xi32, #tpu.memory_space<vmem>>, vector<16xi32>,
        %get3A_936 = arith.index_cast %add3A_887 : i32 to index
        %get3A_937 = arith.constant 32 : index
        %get3A_938 = tpu.vector_load %arg10[%get3A_936, %get3A_937] {strides = array<i32>} : memref<125x80xi32, #tpu.memory_space<vmem>>, vector<1x16xi32>,
        %get3A_939 = vector.shape_cast %get3A_938 : vector<1x16xi32> to vector<16xi32>
        %and3A_940 = arith.constant 65535 : i32
        %and3A_941 = vector.broadcast %and3A_940 : i32 to vector<16xi32>
        %and3A_942 = arith.andi %get3A_939, %and3A_941 : vector<16xi32>
        %swap3A_943 = arith.constant 0 : i32
        %swap3A_944 = tpu.memref_slice %arg13[%scan3A_774, %swap3A_943] : memref<3x80xi32, #tpu.memory_space<vmem>> -> memref<1x80xi32, #tpu.memory_space<vmem>>
        %swap3A_945 = tpu.memref_squeeze %swap3A_944 : memref<1x80xi32, #tpu.memory_space<vmem>> -> memref<80xi32, #tpu.memory_space<vmem>>
        %swap3A_946 = arith.constant 32 : index
        %swap3A_947 = tpu.vector_load %swap3A_945[%swap3A_946] {strides = array<i32>} : memref<80xi32, #tpu.memory_space<vmem>>, vector<16xi32>,
        %swap3A_948 = vector.shape_cast %swap3A_947 : vector<16xi32> to vector<16xi32>
        %swap3A_949 = vector.shape_cast %and3A_942 : vector<16xi32> to vector<16xi32>
        tpu.vector_store %swap3A_945[%swap3A_946], %swap3A_949 {strides = array<i32>} : memref<80xi32, #tpu.memory_space<vmem>>, vector<16xi32>,
        %shift_right_arithmetic3A_950 = arith.constant 16 : i32
        %shift_right_arithmetic3A_951 = vector.broadcast %shift_right_arithmetic3A_950 : i32 to vector<16xi32>
        %shift_right_arithmetic3A_952 = arith.shrsi %get3A_939, %shift_right_arithmetic3A_951 : vector<16xi32>
        %swap3A_953 = arith.constant 0 : i32
        %swap3A_954 = tpu.memref_slice %arg14[%scan3A_773, %swap3A_953] : memref<3x80xi32, #tpu.memory_space<vmem>> -> memref<1x80xi32, #tpu.memory_space<vmem>>
        %swap3A_955 = tpu.memref_squeeze %swap3A_954 : memref<1x80xi32, #tpu.memory_space<vmem>> -> memref<80xi32, #tpu.memory_space<vmem>>
        %swap3A_956 = arith.constant 32 : index
        %swap3A_957 = tpu.vector_load %swap3A_955[%swap3A_956] {strides = array<i32>} : memref<80xi32, #tpu.memory_space<vmem>>, vector<16xi32>,
        %swap3A_958 = vector.shape_cast %swap3A_957 : vector<16xi32> to vector<16xi32>
        %swap3A_959 = vector.shape_cast %shift_right_arithmetic3A_952 : vector<16xi32> to vector<16xi32>
        tpu.vector_store %swap3A_955[%swap3A_956], %swap3A_959 {strides = array<i32>} : memref<80xi32, #tpu.memory_space<vmem>>, vector<16xi32>,
        %get3A_960 = arith.index_cast %add3A_887 : i32 to index
        %get3A_961 = arith.constant 48 : index
        %get3A_962 = tpu.vector_load %arg10[%get3A_960, %get3A_961] {strides = array<i32>} : memref<125x80xi32, #tpu.memory_space<vmem>>, vector<1x16xi32>,
        %get3A_963 = vector.shape_cast %get3A_962 : vector<1x16xi32> to vector<16xi32>
        %and3A_964 = arith.constant 65535 : i32
        %and3A_965 = vector.broadcast %and3A_964 : i32 to vector<16xi32>
        %and3A_966 = arith.andi %get3A_963, %and3A_965 : vector<16xi32>
        %swap3A_967 = arith.constant 0 : i32
        %swap3A_968 = tpu.memref_slice %arg13[%scan3A_774, %swap3A_967] : memref<3x80xi32, #tpu.memory_space<vmem>> -> memref<1x80xi32, #tpu.memory_space<vmem>>
        %swap3A_969 = tpu.memref_squeeze %swap3A_968 : memref<1x80xi32, #tpu.memory_space<vmem>> -> memref<80xi32, #tpu.memory_space<vmem>>
        %swap3A_970 = arith.constant 48 : index
        %swap3A_971 = tpu.vector_load %swap3A_969[%swap3A_970] {strides = array<i32>} : memref<80xi32, #tpu.memory_space<vmem>>, vector<16xi32>,
        %swap3A_972 = vector.shape_cast %swap3A_971 : vector<16xi32> to vector<16xi32>
        %swap3A_973 = vector.shape_cast %and3A_966 : vector<16xi32> to vector<16xi32>
        tpu.vector_store %swap3A_969[%swap3A_970], %swap3A_973 {strides = array<i32>} : memref<80xi32, #tpu.memory_space<vmem>>, vector<16xi32>,
        %shift_right_arithmetic3A_974 = arith.constant 16 : i32
        %shift_right_arithmetic3A_975 = vector.broadcast %shift_right_arithmetic3A_974 : i32 to vector<16xi32>
        %shift_right_arithmetic3A_976 = arith.shrsi %get3A_963, %shift_right_arithmetic3A_975 : vector<16xi32>
        %swap3A_977 = arith.constant 0 : i32
        %swap3A_978 = tpu.memref_slice %arg14[%scan3A_773, %swap3A_977] : memref<3x80xi32, #tpu.memory_space<vmem>> -> memref<1x80xi32, #tpu.memory_space<vmem>>
        %swap3A_979 = tpu.memref_squeeze %swap3A_978 : memref<1x80xi32, #tpu.memory_space<vmem>> -> memref<80xi32, #tpu.memory_space<vmem>>
        %swap3A_980 = arith.constant 48 : index
        %swap3A_981 = tpu.vector_load %swap3A_979[%swap3A_980] {strides = array<i32>} : memref<80xi32, #tpu.memory_space<vmem>>, vector<16xi32>,
        %swap3A_982 = vector.shape_cast %swap3A_981 : vector<16xi32> to vector<16xi32>
        %swap3A_983 = vector.shape_cast %shift_right_arithmetic3A_976 : vector<16xi32> to vector<16xi32>
        tpu.vector_store %swap3A_979[%swap3A_980], %swap3A_983 {strides = array<i32>} : memref<80xi32, #tpu.memory_space<vmem>>, vector<16xi32>,
        %get3A_984 = arith.index_cast %add3A_887 : i32 to index
        %get3A_985 = arith.constant 64 : index
        %get3A_986 = tpu.vector_load %arg10[%get3A_984, %get3A_985] {strides = array<i32>} : memref<125x80xi32, #tpu.memory_space<vmem>>, vector<1x16xi32>,
        %get3A_987 = vector.shape_cast %get3A_986 : vector<1x16xi32> to vector<16xi32>
        %and3A_988 = arith.constant 65535 : i32
        %and3A_989 = vector.broadcast %and3A_988 : i32 to vector<16xi32>
        %and3A_990 = arith.andi %get3A_987, %and3A_989 : vector<16xi32>
        %swap3A_991 = arith.constant 0 : i32
        %swap3A_992 = tpu.memref_slice %arg13[%scan3A_774, %swap3A_991] : memref<3x80xi32, #tpu.memory_space<vmem>> -> memref<1x80xi32, #tpu.memory_space<vmem>>
        %swap3A_993 = tpu.memref_squeeze %swap3A_992 : memref<1x80xi32, #tpu.memory_space<vmem>> -> memref<80xi32, #tpu.memory_space<vmem>>
        %swap3A_994 = arith.constant 64 : index
        %swap3A_995 = tpu.vector_load %swap3A_993[%swap3A_994] {strides = array<i32>} : memref<80xi32, #tpu.memory_space<vmem>>, vector<16xi32>,
        %swap3A_996 = vector.shape_cast %swap3A_995 : vector<16xi32> to vector<16xi32>
        %swap3A_997 = vector.shape_cast %and3A_990 : vector<16xi32> to vector<16xi32>
        tpu.vector_store %swap3A_993[%swap3A_994], %swap3A_997 {strides = array<i32>} : memref<80xi32, #tpu.memory_space<vmem>>, vector<16xi32>,
        %shift_right_arithmetic3A_998 = arith.constant 16 : i32
        %shift_right_arithmetic3A_999 = vector.broadcast %shift_right_arithmetic3A_998 : i32 to vector<16xi32>
        %shift_right_arithmetic3A_1000 = arith.shrsi %get3A_987, %shift_right_arithmetic3A_999 : vector<16xi32>
        %swap3A_1001 = arith.constant 0 : i32
        %swap3A_1002 = tpu.memref_slice %arg14[%scan3A_773, %swap3A_1001] : memref<3x80xi32, #tpu.memory_space<vmem>> -> memref<1x80xi32, #tpu.memory_space<vmem>>
        %swap3A_1003 = tpu.memref_squeeze %swap3A_1002 : memref<1x80xi32, #tpu.memory_space<vmem>> -> memref<80xi32, #tpu.memory_space<vmem>>
        %swap3A_1004 = arith.constant 64 : index
        %swap3A_1005 = tpu.vector_load %swap3A_1003[%swap3A_1004] {strides = array<i32>} : memref<80xi32, #tpu.memory_space<vmem>>, vector<16xi32>,
        %swap3A_1006 = vector.shape_cast %swap3A_1005 : vector<16xi32> to vector<16xi32>
        %swap3A_1007 = vector.shape_cast %shift_right_arithmetic3A_1000 : vector<16xi32> to vector<16xi32>
        tpu.vector_store %swap3A_1003[%swap3A_1004], %swap3A_1007 {strides = array<i32>} : memref<80xi32, #tpu.memory_space<vmem>>, vector<16xi32>,
        %dma_start3A_1008 = arith.constant 0 : i32
        %dma_start3A_1009 = tpu.memref_slice %arg13[%scan3A_774, %dma_start3A_1008] : memref<3x80xi32, #tpu.memory_space<vmem>> -> memref<1x80xi32, #tpu.memory_space<vmem>>
        %dma_start3A_1010 = tpu.memref_squeeze %dma_start3A_1009 : memref<1x80xi32, #tpu.memory_space<vmem>> -> memref<80xi32, #tpu.memory_space<vmem>>
        %dma_start3A_1011 = arith.constant 0 : i32
        %dma_start3A_1012 = arith.constant 0 : i32
        %dma_start3A_1013 = tpu.memref_slice %arg2[%dma_start3A_1011, %dma_start3A_1012] : memref<10000x128xf32, #tpu.memory_space<hbm>> -> memref<10000x128xf32, #tpu.memory_space<hbm>>
        tpu.enqueue_indirect_dma source(%dma_start3A_1013 : memref<10000x128xf32, #tpu.memory_space<hbm>>) target(%arg17 : memref<80x128xf32, #tpu.memory_space<vmem>>) offsets(%dma_start3A_1010 : memref<80xi32, #tpu.memory_space<vmem>>) semaphore(%arg20 : memref<!tpu.dma_semaphore, #tpu.memory_space<semaphore_mem>>)
      } else {
      }
      %dma_wait3A_822 = arith.constant 0 : i32
      %dma_wait3A_823 = tpu.memref_slice %arg13[%scan3A_775, %dma_wait3A_822] : memref<3x80xi32, #tpu.memory_space<vmem>> -> memref<1x80xi32, #tpu.memory_space<vmem>>
      %dma_wait3A_824 = tpu.memref_squeeze %dma_wait3A_823 : memref<1x80xi32, #tpu.memory_space<vmem>> -> memref<80xi32, #tpu.memory_space<vmem>>
      %dma_wait3A_825 = arith.constant 0 : i32
      %dma_wait3A_826 = arith.constant 0 : i32
      %dma_wait3A_827 = tpu.memref_slice %arg2[%dma_wait3A_825, %dma_wait3A_826] : memref<10000x128xf32, #tpu.memory_space<hbm>> -> memref<10000x128xf32, #tpu.memory_space<hbm>>
      tpu.wait_indirect_dma semaphore(%arg18 : memref<!tpu.dma_semaphore, #tpu.memory_space<semaphore_mem>>) src(%dma_wait3A_827 : memref<10000x128xf32, #tpu.memory_space<hbm>>) dst(%arg15 : memref<80x128xf32, #tpu.memory_space<vmem>>)
      %dma_start3A_828 = arith.constant 0 : i32
      %dma_start3A_829 = tpu.memref_slice %arg14[%scan3A_776, %dma_start3A_828] : memref<3x80xi32, #tpu.memory_space<vmem>> -> memref<1x80xi32, #tpu.memory_space<vmem>>
      %dma_start3A_830 = tpu.memref_squeeze %dma_start3A_829 : memref<1x80xi32, #tpu.memory_space<vmem>> -> memref<80xi32, #tpu.memory_space<vmem>>
      %dma_start3A_831 = arith.constant 0 : i32
      %dma_start3A_832 = arith.constant 0 : i32
      %dma_start3A_833 = tpu.memref_slice %arg9[%dma_start3A_831, %dma_start3A_832] : memref<10008x128xf32, #tpu.memory_space<vmem_shared>> -> memref<10008x128xf32, #tpu.memory_space<vmem_shared>>
      tpu.enqueue_indirect_dma source(%arg15 : memref<80x128xf32, #tpu.memory_space<vmem>>) target(%dma_start3A_833 : memref<10008x128xf32, #tpu.memory_space<vmem_shared>>) offsets(%dma_start3A_830 : memref<80xi32, #tpu.memory_space<vmem>>) semaphore(%arg24 : memref<!tpu.dma_semaphore, #tpu.memory_space<semaphore_mem>>) {add = true}
      %add3A_834 = arith.constant 1 : i32
      %add3A_835 = arith.addi %mul3A_808, %add3A_834 : i32
      %gt3A_836 = arith.constant 0 : i32
      %gt3A_837 = arith.cmpi sgt, %add3A_835, %gt3A_836 : i32
      %convert_element_type3A_838 = arith.extui %gt3A_837 : i1 to i32
      %cond3A_839 = arith.constant 0 : i32
      %cond3A_840 = arith.cmpi ne, %convert_element_type3A_838, %cond3A_839 : i32
      scf.if %cond3A_840 {
        %dma_wait3A_886 = arith.constant 0 : i32
        %dma_wait3A_887 = tpu.memref_slice %arg14[%scan3A_776, %dma_wait3A_886] : memref<3x80xi32, #tpu.memory_space<vmem>> -> memref<1x80xi32, #tpu.memory_space<vmem>>
        %dma_wait3A_888 = tpu.memref_squeeze %dma_wait3A_887 : memref<1x80xi32, #tpu.memory_space<vmem>> -> memref<80xi32, #tpu.memory_space<vmem>>
        %dma_wait3A_889 = arith.constant 0 : i32
        %dma_wait3A_890 = arith.constant 0 : i32
        %dma_wait3A_891 = tpu.memref_slice %arg9[%dma_wait3A_889, %dma_wait3A_890] : memref<10008x128xf32, #tpu.memory_space<vmem_shared>> -> memref<10008x128xf32, #tpu.memory_space<vmem_shared>>
        tpu.wait_indirect_dma semaphore(%arg24 : memref<!tpu.dma_semaphore, #tpu.memory_space<semaphore_mem>>) src(%arg15 : memref<80x128xf32, #tpu.memory_space<vmem>>) dst(%dma_wait3A_891 : memref<10008x128xf32, #tpu.memory_space<vmem_shared>>)
      } else {
      }
      %add3A_841 = arith.constant 2 : i32
      %add3A_842 = arith.addi %add3A_835, %add3A_841 : i32
      %lt3A_843 = arith.constant 63 : i32
      %lt3A_844 = arith.cmpi slt, %add3A_842, %lt3A_843 : i32
      %convert_element_type3A_845 = arith.extui %lt3A_844 : i1 to i32
      %cond3A_846 = arith.constant 0 : i32
      %cond3A_847 = arith.cmpi ne, %convert_element_type3A_845, %cond3A_846 : i32
      scf.if %cond3A_847 {
        %add3A_886 = arith.constant 2 : i32
        %add3A_887 = arith.addi %add3A_835, %add3A_886 : i32
        %get3A_888 = arith.index_cast %add3A_887 : i32 to index
        %get3A_889 = arith.constant 0 : index
        %get3A_890 = tpu.vector_load %arg10[%get3A_888, %get3A_889] {strides = array<i32>} : memref<125x80xi32, #tpu.memory_space<vmem>>, vector<1x16xi32>,
        %get3A_891 = vector.shape_cast %get3A_890 : vector<1x16xi32> to vector<16xi32>
        %and3A_892 = arith.constant 65535 : i32
        %and3A_893 = vector.broadcast %and3A_892 : i32 to vector<16xi32>
        %and3A_894 = arith.andi %get3A_891, %and3A_893 : vector<16xi32>
        %swap3A_895 = arith.constant 0 : i32
        %swap3A_896 = tpu.memref_slice %arg13[%scan3A_775, %swap3A_895] : memref<3x80xi32, #tpu.memory_space<vmem>> -> memref<1x80xi32, #tpu.memory_space<vmem>>
        %swap3A_897 = tpu.memref_squeeze %swap3A_896 : memref<1x80xi32, #tpu.memory_space<vmem>> -> memref<80xi32, #tpu.memory_space<vmem>>
        %swap3A_898 = arith.constant 0 : index
        %swap3A_899 = tpu.vector_load %swap3A_897[%swap3A_898] {strides = array<i32>} : memref<80xi32, #tpu.memory_space<vmem>>, vector<16xi32>,
        %swap3A_900 = vector.shape_cast %swap3A_899 : vector<16xi32> to vector<16xi32>
        %swap3A_901 = vector.shape_cast %and3A_894 : vector<16xi32> to vector<16xi32>
        tpu.vector_store %swap3A_897[%swap3A_898], %swap3A_901 {strides = array<i32>} : memref<80xi32, #tpu.memory_space<vmem>>, vector<16xi32>,
        %shift_right_arithmetic3A_902 = arith.constant 16 : i32
        %shift_right_arithmetic3A_903 = vector.broadcast %shift_right_arithmetic3A_902 : i32 to vector<16xi32>
        %shift_right_arithmetic3A_904 = arith.shrsi %get3A_891, %shift_right_arithmetic3A_903 : vector<16xi32>
        %swap3A_905 = arith.constant 0 : i32
        %swap3A_906 = tpu.memref_slice %arg14[%scan3A_776, %swap3A_905] : memref<3x80xi32, #tpu.memory_space<vmem>> -> memref<1x80xi32, #tpu.memory_space<vmem>>
        %swap3A_907 = tpu.memref_squeeze %swap3A_906 : memref<1x80xi32, #tpu.memory_space<vmem>> -> memref<80xi32, #tpu.memory_space<vmem>>
        %swap3A_908 = arith.constant 0 : index
        %swap3A_909 = tpu.vector_load %swap3A_907[%swap3A_908] {strides = array<i32>} : memref<80xi32, #tpu.memory_space<vmem>>, vector<16xi32>,
        %swap3A_910 = vector.shape_cast %swap3A_909 : vector<16xi32> to vector<16xi32>
        %swap3A_911 = vector.shape_cast %shift_right_arithmetic3A_904 : vector<16xi32> to vector<16xi32>
        tpu.vector_store %swap3A_907[%swap3A_908], %swap3A_911 {strides = array<i32>} : memref<80xi32, #tpu.memory_space<vmem>>, vector<16xi32>,
        %get3A_912 = arith.index_cast %add3A_887 : i32 to index
        %get3A_913 = arith.constant 16 : index
        %get3A_914 = tpu.vector_load %arg10[%get3A_912, %get3A_913] {strides = array<i32>} : memref<125x80xi32, #tpu.memory_space<vmem>>, vector<1x16xi32>,
        %get3A_915 = vector.shape_cast %get3A_914 : vector<1x16xi32> to vector<16xi32>
        %and3A_916 = arith.constant 65535 : i32
        %and3A_917 = vector.broadcast %and3A_916 : i32 to vector<16xi32>
        %and3A_918 = arith.andi %get3A_915, %and3A_917 : vector<16xi32>
        %swap3A_919 = arith.constant 0 : i32
        %swap3A_920 = tpu.memref_slice %arg13[%scan3A_775, %swap3A_919] : memref<3x80xi32, #tpu.memory_space<vmem>> -> memref<1x80xi32, #tpu.memory_space<vmem>>
        %swap3A_921 = tpu.memref_squeeze %swap3A_920 : memref<1x80xi32, #tpu.memory_space<vmem>> -> memref<80xi32, #tpu.memory_space<vmem>>
        %swap3A_922 = arith.constant 16 : index
        %swap3A_923 = tpu.vector_load %swap3A_921[%swap3A_922] {strides = array<i32>} : memref<80xi32, #tpu.memory_space<vmem>>, vector<16xi32>,
        %swap3A_924 = vector.shape_cast %swap3A_923 : vector<16xi32> to vector<16xi32>
        %swap3A_925 = vector.shape_cast %and3A_918 : vector<16xi32> to vector<16xi32>
        tpu.vector_store %swap3A_921[%swap3A_922], %swap3A_925 {strides = array<i32>} : memref<80xi32, #tpu.memory_space<vmem>>, vector<16xi32>,
        %shift_right_arithmetic3A_926 = arith.constant 16 : i32
        %shift_right_arithmetic3A_927 = vector.broadcast %shift_right_arithmetic3A_926 : i32 to vector<16xi32>
        %shift_right_arithmetic3A_928 = arith.shrsi %get3A_915, %shift_right_arithmetic3A_927 : vector<16xi32>
        %swap3A_929 = arith.constant 0 : i32
        %swap3A_930 = tpu.memref_slice %arg14[%scan3A_776, %swap3A_929] : memref<3x80xi32, #tpu.memory_space<vmem>> -> memref<1x80xi32, #tpu.memory_space<vmem>>
        %swap3A_931 = tpu.memref_squeeze %swap3A_930 : memref<1x80xi32, #tpu.memory_space<vmem>> -> memref<80xi32, #tpu.memory_space<vmem>>
        %swap3A_932 = arith.constant 16 : index
        %swap3A_933 = tpu.vector_load %swap3A_931[%swap3A_932] {strides = array<i32>} : memref<80xi32, #tpu.memory_space<vmem>>, vector<16xi32>,
        %swap3A_934 = vector.shape_cast %swap3A_933 : vector<16xi32> to vector<16xi32>
        %swap3A_935 = vector.shape_cast %shift_right_arithmetic3A_928 : vector<16xi32> to vector<16xi32>
        tpu.vector_store %swap3A_931[%swap3A_932], %swap3A_935 {strides = array<i32>} : memref<80xi32, #tpu.memory_space<vmem>>, vector<16xi32>,
        %get3A_936 = arith.index_cast %add3A_887 : i32 to index
        %get3A_937 = arith.constant 32 : index
        %get3A_938 = tpu.vector_load %arg10[%get3A_936, %get3A_937] {strides = array<i32>} : memref<125x80xi32, #tpu.memory_space<vmem>>, vector<1x16xi32>,
        %get3A_939 = vector.shape_cast %get3A_938 : vector<1x16xi32> to vector<16xi32>
        %and3A_940 = arith.constant 65535 : i32
        %and3A_941 = vector.broadcast %and3A_940 : i32 to vector<16xi32>
        %and3A_942 = arith.andi %get3A_939, %and3A_941 : vector<16xi32>
        %swap3A_943 = arith.constant 0 : i32
        %swap3A_944 = tpu.memref_slice %arg13[%scan3A_775, %swap3A_943] : memref<3x80xi32, #tpu.memory_space<vmem>> -> memref<1x80xi32, #tpu.memory_space<vmem>>
        %swap3A_945 = tpu.memref_squeeze %swap3A_944 : memref<1x80xi32, #tpu.memory_space<vmem>> -> memref<80xi32, #tpu.memory_space<vmem>>
        %swap3A_946 = arith.constant 32 : index
        %swap3A_947 = tpu.vector_load %swap3A_945[%swap3A_946] {strides = array<i32>} : memref<80xi32, #tpu.memory_space<vmem>>, vector<16xi32>,
        %swap3A_948 = vector.shape_cast %swap3A_947 : vector<16xi32> to vector<16xi32>
        %swap3A_949 = vector.shape_cast %and3A_942 : vector<16xi32> to vector<16xi32>
        tpu.vector_store %swap3A_945[%swap3A_946], %swap3A_949 {strides = array<i32>} : memref<80xi32, #tpu.memory_space<vmem>>, vector<16xi32>,
        %shift_right_arithmetic3A_950 = arith.constant 16 : i32
        %shift_right_arithmetic3A_951 = vector.broadcast %shift_right_arithmetic3A_950 : i32 to vector<16xi32>
        %shift_right_arithmetic3A_952 = arith.shrsi %get3A_939, %shift_right_arithmetic3A_951 : vector<16xi32>
        %swap3A_953 = arith.constant 0 : i32
        %swap3A_954 = tpu.memref_slice %arg14[%scan3A_776, %swap3A_953] : memref<3x80xi32, #tpu.memory_space<vmem>> -> memref<1x80xi32, #tpu.memory_space<vmem>>
        %swap3A_955 = tpu.memref_squeeze %swap3A_954 : memref<1x80xi32, #tpu.memory_space<vmem>> -> memref<80xi32, #tpu.memory_space<vmem>>
        %swap3A_956 = arith.constant 32 : index
        %swap3A_957 = tpu.vector_load %swap3A_955[%swap3A_956] {strides = array<i32>} : memref<80xi32, #tpu.memory_space<vmem>>, vector<16xi32>,
        %swap3A_958 = vector.shape_cast %swap3A_957 : vector<16xi32> to vector<16xi32>
        %swap3A_959 = vector.shape_cast %shift_right_arithmetic3A_952 : vector<16xi32> to vector<16xi32>
        tpu.vector_store %swap3A_955[%swap3A_956], %swap3A_959 {strides = array<i32>} : memref<80xi32, #tpu.memory_space<vmem>>, vector<16xi32>,
        %get3A_960 = arith.index_cast %add3A_887 : i32 to index
        %get3A_961 = arith.constant 48 : index
        %get3A_962 = tpu.vector_load %arg10[%get3A_960, %get3A_961] {strides = array<i32>} : memref<125x80xi32, #tpu.memory_space<vmem>>, vector<1x16xi32>,
        %get3A_963 = vector.shape_cast %get3A_962 : vector<1x16xi32> to vector<16xi32>
        %and3A_964 = arith.constant 65535 : i32
        %and3A_965 = vector.broadcast %and3A_964 : i32 to vector<16xi32>
        %and3A_966 = arith.andi %get3A_963, %and3A_965 : vector<16xi32>
        %swap3A_967 = arith.constant 0 : i32
        %swap3A_968 = tpu.memref_slice %arg13[%scan3A_775, %swap3A_967] : memref<3x80xi32, #tpu.memory_space<vmem>> -> memref<1x80xi32, #tpu.memory_space<vmem>>
        %swap3A_969 = tpu.memref_squeeze %swap3A_968 : memref<1x80xi32, #tpu.memory_space<vmem>> -> memref<80xi32, #tpu.memory_space<vmem>>
        %swap3A_970 = arith.constant 48 : index
        %swap3A_971 = tpu.vector_load %swap3A_969[%swap3A_970] {strides = array<i32>} : memref<80xi32, #tpu.memory_space<vmem>>, vector<16xi32>,
        %swap3A_972 = vector.shape_cast %swap3A_971 : vector<16xi32> to vector<16xi32>
        %swap3A_973 = vector.shape_cast %and3A_966 : vector<16xi32> to vector<16xi32>
        tpu.vector_store %swap3A_969[%swap3A_970], %swap3A_973 {strides = array<i32>} : memref<80xi32, #tpu.memory_space<vmem>>, vector<16xi32>,
        %shift_right_arithmetic3A_974 = arith.constant 16 : i32
        %shift_right_arithmetic3A_975 = vector.broadcast %shift_right_arithmetic3A_974 : i32 to vector<16xi32>
        %shift_right_arithmetic3A_976 = arith.shrsi %get3A_963, %shift_right_arithmetic3A_975 : vector<16xi32>
        %swap3A_977 = arith.constant 0 : i32
        %swap3A_978 = tpu.memref_slice %arg14[%scan3A_776, %swap3A_977] : memref<3x80xi32, #tpu.memory_space<vmem>> -> memref<1x80xi32, #tpu.memory_space<vmem>>
        %swap3A_979 = tpu.memref_squeeze %swap3A_978 : memref<1x80xi32, #tpu.memory_space<vmem>> -> memref<80xi32, #tpu.memory_space<vmem>>
        %swap3A_980 = arith.constant 48 : index
        %swap3A_981 = tpu.vector_load %swap3A_979[%swap3A_980] {strides = array<i32>} : memref<80xi32, #tpu.memory_space<vmem>>, vector<16xi32>,
        %swap3A_982 = vector.shape_cast %swap3A_981 : vector<16xi32> to vector<16xi32>
        %swap3A_983 = vector.shape_cast %shift_right_arithmetic3A_976 : vector<16xi32> to vector<16xi32>
        tpu.vector_store %swap3A_979[%swap3A_980], %swap3A_983 {strides = array<i32>} : memref<80xi32, #tpu.memory_space<vmem>>, vector<16xi32>,
        %get3A_984 = arith.index_cast %add3A_887 : i32 to index
        %get3A_985 = arith.constant 64 : index
        %get3A_986 = tpu.vector_load %arg10[%get3A_984, %get3A_985] {strides = array<i32>} : memref<125x80xi32, #tpu.memory_space<vmem>>, vector<1x16xi32>,
        %get3A_987 = vector.shape_cast %get3A_986 : vector<1x16xi32> to vector<16xi32>
        %and3A_988 = arith.constant 65535 : i32
        %and3A_989 = vector.broadcast %and3A_988 : i32 to vector<16xi32>
        %and3A_990 = arith.andi %get3A_987, %and3A_989 : vector<16xi32>
        %swap3A_991 = arith.constant 0 : i32
        %swap3A_992 = tpu.memref_slice %arg13[%scan3A_775, %swap3A_991] : memref<3x80xi32, #tpu.memory_space<vmem>> -> memref<1x80xi32, #tpu.memory_space<vmem>>
        %swap3A_993 = tpu.memref_squeeze %swap3A_992 : memref<1x80xi32, #tpu.memory_space<vmem>> -> memref<80xi32, #tpu.memory_space<vmem>>
        %swap3A_994 = arith.constant 64 : index
        %swap3A_995 = tpu.vector_load %swap3A_993[%swap3A_994] {strides = array<i32>} : memref<80xi32, #tpu.memory_space<vmem>>, vector<16xi32>,
        %swap3A_996 = vector.shape_cast %swap3A_995 : vector<16xi32> to vector<16xi32>
        %swap3A_997 = vector.shape_cast %and3A_990 : vector<16xi32> to vector<16xi32>
        tpu.vector_store %swap3A_993[%swap3A_994], %swap3A_997 {strides = array<i32>} : memref<80xi32, #tpu.memory_space<vmem>>, vector<16xi32>,
        %shift_right_arithmetic3A_998 = arith.constant 16 : i32
        %shift_right_arithmetic3A_999 = vector.broadcast %shift_right_arithmetic3A_998 : i32 to vector<16xi32>
        %shift_right_arithmetic3A_1000 = arith.shrsi %get3A_987, %shift_right_arithmetic3A_999 : vector<16xi32>
        %swap3A_1001 = arith.constant 0 : i32
        %swap3A_1002 = tpu.memref_slice %arg14[%scan3A_776, %swap3A_1001] : memref<3x80xi32, #tpu.memory_space<vmem>> -> memref<1x80xi32, #tpu.memory_space<vmem>>
        %swap3A_1003 = tpu.memref_squeeze %swap3A_1002 : memref<1x80xi32, #tpu.memory_space<vmem>> -> memref<80xi32, #tpu.memory_space<vmem>>
        %swap3A_1004 = arith.constant 64 : index
        %swap3A_1005 = tpu.vector_load %swap3A_1003[%swap3A_1004] {strides = array<i32>} : memref<80xi32, #tpu.memory_space<vmem>>, vector<16xi32>,
        %swap3A_1006 = vector.shape_cast %swap3A_1005 : vector<16xi32> to vector<16xi32>
        %swap3A_1007 = vector.shape_cast %shift_right_arithmetic3A_1000 : vector<16xi32> to vector<16xi32>
        tpu.vector_store %swap3A_1003[%swap3A_1004], %swap3A_1007 {strides = array<i32>} : memref<80xi32, #tpu.memory_space<vmem>>, vector<16xi32>,
        %dma_start3A_1008 = arith.constant 0 : i32
        %dma_start3A_1009 = tpu.memref_slice %arg13[%scan3A_775, %dma_start3A_1008] : memref<3x80xi32, #tpu.memory_space<vmem>> -> memref<1x80xi32, #tpu.memory_space<vmem>>
        %dma_start3A_1010 = tpu.memref_squeeze %dma_start3A_1009 : memref<1x80xi32, #tpu.memory_space<vmem>> -> memref<80xi32, #tpu.memory_space<vmem>>
        %dma_start3A_1011 = arith.constant 0 : i32
        %dma_start3A_1012 = arith.constant 0 : i32
        %dma_start3A_1013 = tpu.memref_slice %arg2[%dma_start3A_1011, %dma_start3A_1012] : memref<10000x128xf32, #tpu.memory_space<hbm>> -> memref<10000x128xf32, #tpu.memory_space<hbm>>
        tpu.enqueue_indirect_dma source(%dma_start3A_1013 : memref<10000x128xf32, #tpu.memory_space<hbm>>) target(%arg15 : memref<80x128xf32, #tpu.memory_space<vmem>>) offsets(%dma_start3A_1010 : memref<80xi32, #tpu.memory_space<vmem>>) semaphore(%arg18 : memref<!tpu.dma_semaphore, #tpu.memory_space<semaphore_mem>>)
      } else {
      }
      %dma_wait3A_848 = arith.constant 0 : i32
      %dma_wait3A_849 = tpu.memref_slice %arg13[%scan3A_777, %dma_wait3A_848] : memref<3x80xi32, #tpu.memory_space<vmem>> -> memref<1x80xi32, #tpu.memory_space<vmem>>
      %dma_wait3A_850 = tpu.memref_squeeze %dma_wait3A_849 : memref<1x80xi32, #tpu.memory_space<vmem>> -> memref<80xi32, #tpu.memory_space<vmem>>
      %dma_wait3A_851 = arith.constant 0 : i32
      %dma_wait3A_852 = arith.constant 0 : i32
      %dma_wait3A_853 = tpu.memref_slice %arg2[%dma_wait3A_851, %dma_wait3A_852] : memref<10000x128xf32, #tpu.memory_space<hbm>> -> memref<10000x128xf32, #tpu.memory_space<hbm>>
      tpu.wait_indirect_dma semaphore(%arg19 : memref<!tpu.dma_semaphore, #tpu.memory_space<semaphore_mem>>) src(%dma_wait3A_853 : memref<10000x128xf32, #tpu.memory_space<hbm>>) dst(%arg16 : memref<80x128xf32, #tpu.memory_space<vmem>>)
      %dma_start3A_854 = arith.constant 0 : i32
      %dma_start3A_855 = tpu.memref_slice %arg14[%scan3A_778, %dma_start3A_854] : memref<3x80xi32, #tpu.memory_space<vmem>> -> memref<1x80xi32, #tpu.memory_space<vmem>>
      %dma_start3A_856 = tpu.memref_squeeze %dma_start3A_855 : memref<1x80xi32, #tpu.memory_space<vmem>> -> memref<80xi32, #tpu.memory_space<vmem>>
      %dma_start3A_857 = arith.constant 0 : i32
      %dma_start3A_858 = arith.constant 0 : i32
      %dma_start3A_859 = tpu.memref_slice %arg9[%dma_start3A_857, %dma_start3A_858] : memref<10008x128xf32, #tpu.memory_space<vmem_shared>> -> memref<10008x128xf32, #tpu.memory_space<vmem_shared>>
      tpu.enqueue_indirect_dma source(%arg16 : memref<80x128xf32, #tpu.memory_space<vmem>>) target(%dma_start3A_859 : memref<10008x128xf32, #tpu.memory_space<vmem_shared>>) offsets(%dma_start3A_856 : memref<80xi32, #tpu.memory_space<vmem>>) semaphore(%arg25 : memref<!tpu.dma_semaphore, #tpu.memory_space<semaphore_mem>>) {add = true}
      %add3A_860 = arith.constant 2 : i32
      %add3A_861 = arith.addi %mul3A_808, %add3A_860 : i32
      %gt3A_862 = arith.constant 0 : i32
      %gt3A_863 = arith.cmpi sgt, %add3A_861, %gt3A_862 : i32
      %convert_element_type3A_864 = arith.extui %gt3A_863 : i1 to i32
      %cond3A_865 = arith.constant 0 : i32
      %cond3A_866 = arith.cmpi ne, %convert_element_type3A_864, %cond3A_865 : i32
      scf.if %cond3A_866 {
        %dma_wait3A_886 = arith.constant 0 : i32
        %dma_wait3A_887 = tpu.memref_slice %arg14[%scan3A_778, %dma_wait3A_886] : memref<3x80xi32, #tpu.memory_space<vmem>> -> memref<1x80xi32, #tpu.memory_space<vmem>>
        %dma_wait3A_888 = tpu.memref_squeeze %dma_wait3A_887 : memref<1x80xi32, #tpu.memory_space<vmem>> -> memref<80xi32, #tpu.memory_space<vmem>>
        %dma_wait3A_889 = arith.constant 0 : i32
        %dma_wait3A_890 = arith.constant 0 : i32
        %dma_wait3A_891 = tpu.memref_slice %arg9[%dma_wait3A_889, %dma_wait3A_890] : memref<10008x128xf32, #tpu.memory_space<vmem_shared>> -> memref<10008x128xf32, #tpu.memory_space<vmem_shared>>
        tpu.wait_indirect_dma semaphore(%arg25 : memref<!tpu.dma_semaphore, #tpu.memory_space<semaphore_mem>>) src(%arg16 : memref<80x128xf32, #tpu.memory_space<vmem>>) dst(%dma_wait3A_891 : memref<10008x128xf32, #tpu.memory_space<vmem_shared>>)
      } else {
      }
      %add3A_867 = arith.constant 2 : i32
      %add3A_868 = arith.addi %add3A_861, %add3A_867 : i32
      %lt3A_869 = arith.constant 63 : i32
      %lt3A_870 = arith.cmpi slt, %add3A_868, %lt3A_869 : i32
      %convert_element_type3A_871 = arith.extui %lt3A_870 : i1 to i32
      %cond3A_872 = arith.constant 0 : i32
      %cond3A_873 = arith.cmpi ne, %convert_element_type3A_871, %cond3A_872 : i32
      scf.if %cond3A_873 {
        %add3A_886 = arith.constant 2 : i32
        %add3A_887 = arith.addi %add3A_861, %add3A_886 : i32
        %get3A_888 = arith.index_cast %add3A_887 : i32 to index
        %get3A_889 = arith.constant 0 : index
        %get3A_890 = tpu.vector_load %arg10[%get3A_888, %get3A_889] {strides = array<i32>} : memref<125x80xi32, #tpu.memory_space<vmem>>, vector<1x16xi32>,
        %get3A_891 = vector.shape_cast %get3A_890 : vector<1x16xi32> to vector<16xi32>
        %and3A_892 = arith.constant 65535 : i32
        %and3A_893 = vector.broadcast %and3A_892 : i32 to vector<16xi32>
        %and3A_894 = arith.andi %get3A_891, %and3A_893 : vector<16xi32>
        %swap3A_895 = arith.constant 0 : i32
        %swap3A_896 = tpu.memref_slice %arg13[%scan3A_777, %swap3A_895] : memref<3x80xi32, #tpu.memory_space<vmem>> -> memref<1x80xi32, #tpu.memory_space<vmem>>
        %swap3A_897 = tpu.memref_squeeze %swap3A_896 : memref<1x80xi32, #tpu.memory_space<vmem>> -> memref<80xi32, #tpu.memory_space<vmem>>
        %swap3A_898 = arith.constant 0 : index
        %swap3A_899 = tpu.vector_load %swap3A_897[%swap3A_898] {strides = array<i32>} : memref<80xi32, #tpu.memory_space<vmem>>, vector<16xi32>,
        %swap3A_900 = vector.shape_cast %swap3A_899 : vector<16xi32> to vector<16xi32>
        %swap3A_901 = vector.shape_cast %and3A_894 : vector<16xi32> to vector<16xi32>
        tpu.vector_store %swap3A_897[%swap3A_898], %swap3A_901 {strides = array<i32>} : memref<80xi32, #tpu.memory_space<vmem>>, vector<16xi32>,
        %shift_right_arithmetic3A_902 = arith.constant 16 : i32
        %shift_right_arithmetic3A_903 = vector.broadcast %shift_right_arithmetic3A_902 : i32 to vector<16xi32>
        %shift_right_arithmetic3A_904 = arith.shrsi %get3A_891, %shift_right_arithmetic3A_903 : vector<16xi32>
        %swap3A_905 = arith.constant 0 : i32
        %swap3A_906 = tpu.memref_slice %arg14[%scan3A_778, %swap3A_905] : memref<3x80xi32, #tpu.memory_space<vmem>> -> memref<1x80xi32, #tpu.memory_space<vmem>>
        %swap3A_907 = tpu.memref_squeeze %swap3A_906 : memref<1x80xi32, #tpu.memory_space<vmem>> -> memref<80xi32, #tpu.memory_space<vmem>>
        %swap3A_908 = arith.constant 0 : index
        %swap3A_909 = tpu.vector_load %swap3A_907[%swap3A_908] {strides = array<i32>} : memref<80xi32, #tpu.memory_space<vmem>>, vector<16xi32>,
        %swap3A_910 = vector.shape_cast %swap3A_909 : vector<16xi32> to vector<16xi32>
        %swap3A_911 = vector.shape_cast %shift_right_arithmetic3A_904 : vector<16xi32> to vector<16xi32>
        tpu.vector_store %swap3A_907[%swap3A_908], %swap3A_911 {strides = array<i32>} : memref<80xi32, #tpu.memory_space<vmem>>, vector<16xi32>,
        %get3A_912 = arith.index_cast %add3A_887 : i32 to index
        %get3A_913 = arith.constant 16 : index
        %get3A_914 = tpu.vector_load %arg10[%get3A_912, %get3A_913] {strides = array<i32>} : memref<125x80xi32, #tpu.memory_space<vmem>>, vector<1x16xi32>,
        %get3A_915 = vector.shape_cast %get3A_914 : vector<1x16xi32> to vector<16xi32>
        %and3A_916 = arith.constant 65535 : i32
        %and3A_917 = vector.broadcast %and3A_916 : i32 to vector<16xi32>
        %and3A_918 = arith.andi %get3A_915, %and3A_917 : vector<16xi32>
        %swap3A_919 = arith.constant 0 : i32
        %swap3A_920 = tpu.memref_slice %arg13[%scan3A_777, %swap3A_919] : memref<3x80xi32, #tpu.memory_space<vmem>> -> memref<1x80xi32, #tpu.memory_space<vmem>>
        %swap3A_921 = tpu.memref_squeeze %swap3A_920 : memref<1x80xi32, #tpu.memory_space<vmem>> -> memref<80xi32, #tpu.memory_space<vmem>>
        %swap3A_922 = arith.constant 16 : index
        %swap3A_923 = tpu.vector_load %swap3A_921[%swap3A_922] {strides = array<i32>} : memref<80xi32, #tpu.memory_space<vmem>>, vector<16xi32>,
        %swap3A_924 = vector.shape_cast %swap3A_923 : vector<16xi32> to vector<16xi32>
        %swap3A_925 = vector.shape_cast %and3A_918 : vector<16xi32> to vector<16xi32>
        tpu.vector_store %swap3A_921[%swap3A_922], %swap3A_925 {strides = array<i32>} : memref<80xi32, #tpu.memory_space<vmem>>, vector<16xi32>,
        %shift_right_arithmetic3A_926 = arith.constant 16 : i32
        %shift_right_arithmetic3A_927 = vector.broadcast %shift_right_arithmetic3A_926 : i32 to vector<16xi32>
        %shift_right_arithmetic3A_928 = arith.shrsi %get3A_915, %shift_right_arithmetic3A_927 : vector<16xi32>
        %swap3A_929 = arith.constant 0 : i32
        %swap3A_930 = tpu.memref_slice %arg14[%scan3A_778, %swap3A_929] : memref<3x80xi32, #tpu.memory_space<vmem>> -> memref<1x80xi32, #tpu.memory_space<vmem>>
        %swap3A_931 = tpu.memref_squeeze %swap3A_930 : memref<1x80xi32, #tpu.memory_space<vmem>> -> memref<80xi32, #tpu.memory_space<vmem>>
        %swap3A_932 = arith.constant 16 : index
        %swap3A_933 = tpu.vector_load %swap3A_931[%swap3A_932] {strides = array<i32>} : memref<80xi32, #tpu.memory_space<vmem>>, vector<16xi32>,
        %swap3A_934 = vector.shape_cast %swap3A_933 : vector<16xi32> to vector<16xi32>
        %swap3A_935 = vector.shape_cast %shift_right_arithmetic3A_928 : vector<16xi32> to vector<16xi32>
        tpu.vector_store %swap3A_931[%swap3A_932], %swap3A_935 {strides = array<i32>} : memref<80xi32, #tpu.memory_space<vmem>>, vector<16xi32>,
        %get3A_936 = arith.index_cast %add3A_887 : i32 to index
        %get3A_937 = arith.constant 32 : index
        %get3A_938 = tpu.vector_load %arg10[%get3A_936, %get3A_937] {strides = array<i32>} : memref<125x80xi32, #tpu.memory_space<vmem>>, vector<1x16xi32>,
        %get3A_939 = vector.shape_cast %get3A_938 : vector<1x16xi32> to vector<16xi32>
        %and3A_940 = arith.constant 65535 : i32
        %and3A_941 = vector.broadcast %and3A_940 : i32 to vector<16xi32>
        %and3A_942 = arith.andi %get3A_939, %and3A_941 : vector<16xi32>
        %swap3A_943 = arith.constant 0 : i32
        %swap3A_944 = tpu.memref_slice %arg13[%scan3A_777, %swap3A_943] : memref<3x80xi32, #tpu.memory_space<vmem>> -> memref<1x80xi32, #tpu.memory_space<vmem>>
        %swap3A_945 = tpu.memref_squeeze %swap3A_944 : memref<1x80xi32, #tpu.memory_space<vmem>> -> memref<80xi32, #tpu.memory_space<vmem>>
        %swap3A_946 = arith.constant 32 : index
        %swap3A_947 = tpu.vector_load %swap3A_945[%swap3A_946] {strides = array<i32>} : memref<80xi32, #tpu.memory_space<vmem>>, vector<16xi32>,
        %swap3A_948 = vector.shape_cast %swap3A_947 : vector<16xi32> to vector<16xi32>
        %swap3A_949 = vector.shape_cast %and3A_942 : vector<16xi32> to vector<16xi32>
        tpu.vector_store %swap3A_945[%swap3A_946], %swap3A_949 {strides = array<i32>} : memref<80xi32, #tpu.memory_space<vmem>>, vector<16xi32>,
        %shift_right_arithmetic3A_950 = arith.constant 16 : i32
        %shift_right_arithmetic3A_951 = vector.broadcast %shift_right_arithmetic3A_950 : i32 to vector<16xi32>
        %shift_right_arithmetic3A_952 = arith.shrsi %get3A_939, %shift_right_arithmetic3A_951 : vector<16xi32>
        %swap3A_953 = arith.constant 0 : i32
        %swap3A_954 = tpu.memref_slice %arg14[%scan3A_778, %swap3A_953] : memref<3x80xi32, #tpu.memory_space<vmem>> -> memref<1x80xi32, #tpu.memory_space<vmem>>
        %swap3A_955 = tpu.memref_squeeze %swap3A_954 : memref<1x80xi32, #tpu.memory_space<vmem>> -> memref<80xi32, #tpu.memory_space<vmem>>
        %swap3A_956 = arith.constant 32 : index
        %swap3A_957 = tpu.vector_load %swap3A_955[%swap3A_956] {strides = array<i32>} : memref<80xi32, #tpu.memory_space<vmem>>, vector<16xi32>,
        %swap3A_958 = vector.shape_cast %swap3A_957 : vector<16xi32> to vector<16xi32>
        %swap3A_959 = vector.shape_cast %shift_right_arithmetic3A_952 : vector<16xi32> to vector<16xi32>
        tpu.vector_store %swap3A_955[%swap3A_956], %swap3A_959 {strides = array<i32>} : memref<80xi32, #tpu.memory_space<vmem>>, vector<16xi32>,
        %get3A_960 = arith.index_cast %add3A_887 : i32 to index
        %get3A_961 = arith.constant 48 : index
        %get3A_962 = tpu.vector_load %arg10[%get3A_960, %get3A_961] {strides = array<i32>} : memref<125x80xi32, #tpu.memory_space<vmem>>, vector<1x16xi32>,
        %get3A_963 = vector.shape_cast %get3A_962 : vector<1x16xi32> to vector<16xi32>
        %and3A_964 = arith.constant 65535 : i32
        %and3A_965 = vector.broadcast %and3A_964 : i32 to vector<16xi32>
        %and3A_966 = arith.andi %get3A_963, %and3A_965 : vector<16xi32>
        %swap3A_967 = arith.constant 0 : i32
        %swap3A_968 = tpu.memref_slice %arg13[%scan3A_777, %swap3A_967] : memref<3x80xi32, #tpu.memory_space<vmem>> -> memref<1x80xi32, #tpu.memory_space<vmem>>
        %swap3A_969 = tpu.memref_squeeze %swap3A_968 : memref<1x80xi32, #tpu.memory_space<vmem>> -> memref<80xi32, #tpu.memory_space<vmem>>
        %swap3A_970 = arith.constant 48 : index
        %swap3A_971 = tpu.vector_load %swap3A_969[%swap3A_970] {strides = array<i32>} : memref<80xi32, #tpu.memory_space<vmem>>, vector<16xi32>,
        %swap3A_972 = vector.shape_cast %swap3A_971 : vector<16xi32> to vector<16xi32>
        %swap3A_973 = vector.shape_cast %and3A_966 : vector<16xi32> to vector<16xi32>
        tpu.vector_store %swap3A_969[%swap3A_970], %swap3A_973 {strides = array<i32>} : memref<80xi32, #tpu.memory_space<vmem>>, vector<16xi32>,
        %shift_right_arithmetic3A_974 = arith.constant 16 : i32
        %shift_right_arithmetic3A_975 = vector.broadcast %shift_right_arithmetic3A_974 : i32 to vector<16xi32>
        %shift_right_arithmetic3A_976 = arith.shrsi %get3A_963, %shift_right_arithmetic3A_975 : vector<16xi32>
        %swap3A_977 = arith.constant 0 : i32
        %swap3A_978 = tpu.memref_slice %arg14[%scan3A_778, %swap3A_977] : memref<3x80xi32, #tpu.memory_space<vmem>> -> memref<1x80xi32, #tpu.memory_space<vmem>>
        %swap3A_979 = tpu.memref_squeeze %swap3A_978 : memref<1x80xi32, #tpu.memory_space<vmem>> -> memref<80xi32, #tpu.memory_space<vmem>>
        %swap3A_980 = arith.constant 48 : index
        %swap3A_981 = tpu.vector_load %swap3A_979[%swap3A_980] {strides = array<i32>} : memref<80xi32, #tpu.memory_space<vmem>>, vector<16xi32>,
        %swap3A_982 = vector.shape_cast %swap3A_981 : vector<16xi32> to vector<16xi32>
        %swap3A_983 = vector.shape_cast %shift_right_arithmetic3A_976 : vector<16xi32> to vector<16xi32>
        tpu.vector_store %swap3A_979[%swap3A_980], %swap3A_983 {strides = array<i32>} : memref<80xi32, #tpu.memory_space<vmem>>, vector<16xi32>,
        %get3A_984 = arith.index_cast %add3A_887 : i32 to index
        %get3A_985 = arith.constant 64 : index
        %get3A_986 = tpu.vector_load %arg10[%get3A_984, %get3A_985] {strides = array<i32>} : memref<125x80xi32, #tpu.memory_space<vmem>>, vector<1x16xi32>,
        %get3A_987 = vector.shape_cast %get3A_986 : vector<1x16xi32> to vector<16xi32>
        %and3A_988 = arith.constant 65535 : i32
        %and3A_989 = vector.broadcast %and3A_988 : i32 to vector<16xi32>
        %and3A_990 = arith.andi %get3A_987, %and3A_989 : vector<16xi32>
        %swap3A_991 = arith.constant 0 : i32
        %swap3A_992 = tpu.memref_slice %arg13[%scan3A_777, %swap3A_991] : memref<3x80xi32, #tpu.memory_space<vmem>> -> memref<1x80xi32, #tpu.memory_space<vmem>>
        %swap3A_993 = tpu.memref_squeeze %swap3A_992 : memref<1x80xi32, #tpu.memory_space<vmem>> -> memref<80xi32, #tpu.memory_space<vmem>>
        %swap3A_994 = arith.constant 64 : index
        %swap3A_995 = tpu.vector_load %swap3A_993[%swap3A_994] {strides = array<i32>} : memref<80xi32, #tpu.memory_space<vmem>>, vector<16xi32>,
        %swap3A_996 = vector.shape_cast %swap3A_995 : vector<16xi32> to vector<16xi32>
        %swap3A_997 = vector.shape_cast %and3A_990 : vector<16xi32> to vector<16xi32>
        tpu.vector_store %swap3A_993[%swap3A_994], %swap3A_997 {strides = array<i32>} : memref<80xi32, #tpu.memory_space<vmem>>, vector<16xi32>,
        %shift_right_arithmetic3A_998 = arith.constant 16 : i32
        %shift_right_arithmetic3A_999 = vector.broadcast %shift_right_arithmetic3A_998 : i32 to vector<16xi32>
        %shift_right_arithmetic3A_1000 = arith.shrsi %get3A_987, %shift_right_arithmetic3A_999 : vector<16xi32>
        %swap3A_1001 = arith.constant 0 : i32
        %swap3A_1002 = tpu.memref_slice %arg14[%scan3A_778, %swap3A_1001] : memref<3x80xi32, #tpu.memory_space<vmem>> -> memref<1x80xi32, #tpu.memory_space<vmem>>
        %swap3A_1003 = tpu.memref_squeeze %swap3A_1002 : memref<1x80xi32, #tpu.memory_space<vmem>> -> memref<80xi32, #tpu.memory_space<vmem>>
        %swap3A_1004 = arith.constant 64 : index
        %swap3A_1005 = tpu.vector_load %swap3A_1003[%swap3A_1004] {strides = array<i32>} : memref<80xi32, #tpu.memory_space<vmem>>, vector<16xi32>,
        %swap3A_1006 = vector.shape_cast %swap3A_1005 : vector<16xi32> to vector<16xi32>
        %swap3A_1007 = vector.shape_cast %shift_right_arithmetic3A_1000 : vector<16xi32> to vector<16xi32>
        tpu.vector_store %swap3A_1003[%swap3A_1004], %swap3A_1007 {strides = array<i32>} : memref<80xi32, #tpu.memory_space<vmem>>, vector<16xi32>,
        %dma_start3A_1008 = arith.constant 0 : i32
        %dma_start3A_1009 = tpu.memref_slice %arg13[%scan3A_777, %dma_start3A_1008] : memref<3x80xi32, #tpu.memory_space<vmem>> -> memref<1x80xi32, #tpu.memory_space<vmem>>
        %dma_start3A_1010 = tpu.memref_squeeze %dma_start3A_1009 : memref<1x80xi32, #tpu.memory_space<vmem>> -> memref<80xi32, #tpu.memory_space<vmem>>
        %dma_start3A_1011 = arith.constant 0 : i32
        %dma_start3A_1012 = arith.constant 0 : i32
        %dma_start3A_1013 = tpu.memref_slice %arg2[%dma_start3A_1011, %dma_start3A_1012] : memref<10000x128xf32, #tpu.memory_space<hbm>> -> memref<10000x128xf32, #tpu.memory_space<hbm>>
        tpu.enqueue_indirect_dma source(%dma_start3A_1013 : memref<10000x128xf32, #tpu.memory_space<hbm>>) target(%arg16 : memref<80x128xf32, #tpu.memory_space<vmem>>) offsets(%dma_start3A_1010 : memref<80xi32, #tpu.memory_space<vmem>>) semaphore(%arg19 : memref<!tpu.dma_semaphore, #tpu.memory_space<semaphore_mem>>)
      } else {
      }
      %dma_wait3A_874 = arith.constant 0 : i32
      %dma_wait3A_875 = tpu.memref_slice %arg13[%scan3A_774, %dma_wait3A_874] : memref<3x80xi32, #tpu.memory_space<vmem>> -> memref<1x80xi32, #tpu.memory_space<vmem>>
      %dma_wait3A_876 = tpu.memref_squeeze %dma_wait3A_875 : memref<1x80xi32, #tpu.memory_space<vmem>> -> memref<80xi32, #tpu.memory_space<vmem>>
      %dma_wait3A_877 = arith.constant 0 : i32
      %dma_wait3A_878 = arith.constant 0 : i32
      %dma_wait3A_879 = tpu.memref_slice %arg2[%dma_wait3A_877, %dma_wait3A_878] : memref<10000x128xf32, #tpu.memory_space<hbm>> -> memref<10000x128xf32, #tpu.memory_space<hbm>>
      tpu.wait_indirect_dma semaphore(%arg20 : memref<!tpu.dma_semaphore, #tpu.memory_space<semaphore_mem>>) src(%dma_wait3A_879 : memref<10000x128xf32, #tpu.memory_space<hbm>>) dst(%arg17 : memref<80x128xf32, #tpu.memory_space<vmem>>)
      %dma_start3A_880 = arith.constant 0 : i32
      %dma_start3A_881 = tpu.memref_slice %arg14[%scan3A_773, %dma_start3A_880] : memref<3x80xi32, #tpu.memory_space<vmem>> -> memref<1x80xi32, #tpu.memory_space<vmem>>
      %dma_start3A_882 = tpu.memref_squeeze %dma_start3A_881 : memref<1x80xi32, #tpu.memory_space<vmem>> -> memref<80xi32, #tpu.memory_space<vmem>>
      %dma_start3A_883 = arith.constant 0 : i32
      %dma_start3A_884 = arith.constant 0 : i32
      %dma_start3A_885 = tpu.memref_slice %arg9[%dma_start3A_883, %dma_start3A_884] : memref<10008x128xf32, #tpu.memory_space<vmem_shared>> -> memref<10008x128xf32, #tpu.memory_space<vmem_shared>>
      tpu.enqueue_indirect_dma source(%arg17 : memref<80x128xf32, #tpu.memory_space<vmem>>) target(%dma_start3A_885 : memref<10008x128xf32, #tpu.memory_space<vmem_shared>>) offsets(%dma_start3A_882 : memref<80xi32, #tpu.memory_space<vmem>>) semaphore(%arg26 : memref<!tpu.dma_semaphore, #tpu.memory_space<semaphore_mem>>) {add = true}
    }
    %scan3A_783 = arith.constant 21 : i32
    %dma_wait3A_784 = arith.constant 2 : i32
    %dma_wait3A_785 = arith.constant 0 : i32
    %dma_wait3A_786 = tpu.memref_slice %arg14[%dma_wait3A_784, %dma_wait3A_785] : memref<3x80xi32, #tpu.memory_space<vmem>> -> memref<1x80xi32, #tpu.memory_space<vmem>>
    %dma_wait3A_787 = tpu.memref_squeeze %dma_wait3A_786 : memref<1x80xi32, #tpu.memory_space<vmem>> -> memref<80xi32, #tpu.memory_space<vmem>>
    %dma_wait3A_788 = arith.constant 0 : i32
    %dma_wait3A_789 = arith.constant 0 : i32
    %dma_wait3A_790 = tpu.memref_slice %arg9[%dma_wait3A_788, %dma_wait3A_789] : memref<10008x128xf32, #tpu.memory_space<vmem_shared>> -> memref<10008x128xf32, #tpu.memory_space<vmem_shared>>
    tpu.wait_indirect_dma semaphore(%arg26 : memref<!tpu.dma_semaphore, #tpu.memory_space<semaphore_mem>>) src(%arg17 : memref<80x128xf32, #tpu.memory_space<vmem>>) dst(%dma_wait3A_790 : memref<10008x128xf32, #tpu.memory_space<vmem_shared>>)
    %barrier3A_791 = arith.constant 0 : index
    tpu.barrier barrier_id(%barrier3A_791)
    %lt3A_792 = arith.constant 15 : i32
    %lt3A_793 = arith.cmpi slt, %arg1, %lt3A_792 : i32
    %convert_element_type3A_794 = arith.extui %lt3A_793 : i1 to i32
    %cond3A_795 = arith.constant 0 : i32
    %cond3A_796 = arith.cmpi ne, %convert_element_type3A_794, %cond3A_795 : i32
    scf.if %cond3A_796 {
      "tpu.region"() ({
        %run_scoped3A = tpu.sem_alloc : memref<!tpu.dma_semaphore, #tpu.memory_space<semaphore_mem>>
        %dma_start3A_802 = arith.constant 0 : i32
        %dma_start3A_803 = tpu.memref_slice %arg8[%arg0, %mul3A_2, %dma_start3A_802] : memref<2x10000x128xf32, #tpu.memory_space<hbm>> -> memref<1x640x128xf32, #tpu.memory_space<hbm>>
        %dma_start3A_804 = tpu.memref_squeeze %dma_start3A_803 : memref<1x640x128xf32, #tpu.memory_space<hbm>> -> memref<640x128xf32, #tpu.memory_space<hbm>>
        %dma_start3A_805 = arith.constant 0 : i32
        %dma_start3A_806 = tpu.memref_slice %arg9[%mul3A_2, %dma_start3A_805] : memref<10008x128xf32, #tpu.memory_space<vmem_shared>> -> memref<640x128xf32, #tpu.memory_space<vmem_shared>>
        tpu.enqueue_dma source(%dma_start3A_806 : memref<640x128xf32, #tpu.memory_space<vmem_shared>>) target(%dma_start3A_804 : memref<640x128xf32, #tpu.memory_space<hbm>>) target_semaphore(%run_scoped3A : memref<!tpu.dma_semaphore, #tpu.memory_space<semaphore_mem>>)
        %dma_wait3A_807 = arith.constant 0 : i32
        %dma_wait3A_808 = tpu.memref_slice %arg8[%arg0, %mul3A_2, %dma_wait3A_807] : memref<2x10000x128xf32, #tpu.memory_space<hbm>> -> memref<1x640x128xf32, #tpu.memory_space<hbm>>
        %dma_wait3A_809 = tpu.memref_squeeze %dma_wait3A_808 : memref<1x640x128xf32, #tpu.memory_space<hbm>> -> memref<640x128xf32, #tpu.memory_space<hbm>>
        %dma_wait3A_810 = arith.constant 0 : i32
        %dma_wait3A_811 = tpu.memref_slice %arg9[%mul3A_2, %dma_wait3A_810] : memref<10008x128xf32, #tpu.memory_space<vmem_shared>> -> memref<640x128xf32, #tpu.memory_space<vmem_shared>>
        tpu.wait_dma2 semaphore(%run_scoped3A : memref<!tpu.dma_semaphore, #tpu.memory_space<semaphore_mem>>) src(%dma_wait3A_811 : memref<640x128xf32, #tpu.memory_space<vmem_shared>>) dst(%dma_wait3A_809 : memref<640x128xf32, #tpu.memory_space<hbm>>)
        tpu.yield
      }) : () -> ()
    } else {
    }
    %eq3A_797 = arith.constant 15 : i32
    %eq3A_798 = arith.cmpi eq, %arg1, %eq3A_797 : i32
    %convert_element_type3A_799 = arith.extui %eq3A_798 : i1 to i32
    %cond3A_800 = arith.constant 0 : i32
    %cond3A_801 = arith.cmpi ne, %convert_element_type3A_799, %cond3A_800 : i32
    scf.if %cond3A_801 {
      "tpu.region"() ({
        %run_scoped3A = tpu.sem_alloc : memref<!tpu.dma_semaphore, #tpu.memory_space<semaphore_mem>>
        %dma_start3A_802 = arith.constant 0 : i32
        %dma_start3A_803 = tpu.memref_slice %arg8[%arg0, %mul3A_2, %dma_start3A_802] : memref<2x10000x128xf32, #tpu.memory_space<hbm>> -> memref<1x400x128xf32, #tpu.memory_space<hbm>>
        %dma_start3A_804 = tpu.memref_squeeze %dma_start3A_803 : memref<1x400x128xf32, #tpu.memory_space<hbm>> -> memref<400x128xf32, #tpu.memory_space<hbm>>
        %dma_start3A_805 = arith.constant 0 : i32
        %dma_start3A_806 = tpu.memref_slice %arg9[%mul3A_2, %dma_start3A_805] : memref<10008x128xf32, #tpu.memory_space<vmem_shared>> -> memref<400x128xf32, #tpu.memory_space<vmem_shared>>
        tpu.enqueue_dma source(%dma_start3A_806 : memref<400x128xf32, #tpu.memory_space<vmem_shared>>) target(%dma_start3A_804 : memref<400x128xf32, #tpu.memory_space<hbm>>) target_semaphore(%run_scoped3A : memref<!tpu.dma_semaphore, #tpu.memory_space<semaphore_mem>>)
        %dma_wait3A_807 = arith.constant 0 : i32
        %dma_wait3A_808 = tpu.memref_slice %arg8[%arg0, %mul3A_2, %dma_wait3A_807] : memref<2x10000x128xf32, #tpu.memory_space<hbm>> -> memref<1x400x128xf32, #tpu.memory_space<hbm>>
        %dma_wait3A_809 = tpu.memref_squeeze %dma_wait3A_808 : memref<1x400x128xf32, #tpu.memory_space<hbm>> -> memref<400x128xf32, #tpu.memory_space<hbm>>
        %dma_wait3A_810 = arith.constant 0 : i32
        %dma_wait3A_811 = tpu.memref_slice %arg9[%mul3A_2, %dma_wait3A_810] : memref<10008x128xf32, #tpu.memory_space<vmem_shared>> -> memref<400x128xf32, #tpu.memory_space<vmem_shared>>
        tpu.wait_dma2 semaphore(%run_scoped3A : memref<!tpu.dma_semaphore, #tpu.memory_space<semaphore_mem>>) src(%dma_wait3A_811 : memref<400x128xf32, #tpu.memory_space<vmem_shared>>) dst(%dma_wait3A_809 : memref<400x128xf32, #tpu.memory_space<hbm>>)
        tpu.yield
      }) : () -> ()
    } else {
    }
    return
  }
}

module attributes {stable_mosaic.version = 14 : i64} {
  func.func @_dense_body(%arg0: memref<3xf32, #tpu.memory_space<smem>>, %arg1: memref<10000x128xf32, #tpu.memory_space<vmem>>, %arg2: memref<2x10000x128xf32, #tpu.memory_space<vmem>>, %arg3: memref<2x10000x128xf32, #tpu.memory_space<vmem>>, %arg4: memref<128x128xf32, #tpu.memory_space<vmem>>, %arg5: memref<1x128xf32, #tpu.memory_space<vmem>>, %arg6: memref<1x128xf32, #tpu.memory_space<vmem>>, %arg7: memref<1x128xf32, #tpu.memory_space<vmem>>, %arg8: memref<128x128xf32, #tpu.memory_space<vmem>>, %arg9: memref<1x128xf32, #tpu.memory_space<vmem>>, %arg10: memref<128x128xf32, #tpu.memory_space<vmem>>, %arg11: memref<1x128xf32, #tpu.memory_space<vmem>>, %arg12: memref<128x128xf32, #tpu.memory_space<vmem>>, %arg13: memref<1x128xf32, #tpu.memory_space<vmem>>, %arg14: memref<1x128xf32, #tpu.memory_space<vmem>>, %arg15: memref<10000x128xf32, #tpu.memory_space<vmem>>) attributes {dimension_semantics = [], scalar_prefetch = 0 : i64, scratch_operands = 0 : i64, tpu.core_type = #tpu.core_type<tc>} {
    %get3A = arith.constant 0 : index
    %get3A_0 = memref.load %arg0[%get3A] : memref<3xf32, #tpu.memory_space<smem>>
    %get3A_1 = arith.constant 1 : index
    %get3A_2 = memref.load %arg0[%get3A_1] : memref<3xf32, #tpu.memory_space<smem>>
    %get3A_3 = arith.constant 2 : index
    %get3A_4 = memref.load %arg0[%get3A_3] : memref<3xf32, #tpu.memory_space<smem>>
    %get3A_5 = arith.constant 0 : index
    %get3A_6 = arith.constant 0 : index
    %get3A_7 = vector.load %arg1[%get3A_5, %get3A_6] : memref<10000x128xf32, #tpu.memory_space<vmem>>, vector<10000x128xf32>
    %get3A_8 = arith.constant 0 : index
    %get3A_9 = arith.constant 0 : index
    %get3A_10 = arith.constant 0 : index
    %get3A_11 = vector.load %arg2[%get3A_8, %get3A_9, %get3A_10] : memref<2x10000x128xf32, #tpu.memory_space<vmem>>, vector<1x10000x128xf32>
    %get3A_12 = vector.shape_cast %get3A_11 : vector<1x10000x128xf32> to vector<10000x128xf32>
    %get3A_13 = arith.constant 1 : index
    %get3A_14 = arith.constant 0 : index
    %get3A_15 = arith.constant 0 : index
    %get3A_16 = vector.load %arg2[%get3A_13, %get3A_14, %get3A_15] : memref<2x10000x128xf32, #tpu.memory_space<vmem>>, vector<1x10000x128xf32>
    %get3A_17 = vector.shape_cast %get3A_16 : vector<1x10000x128xf32> to vector<10000x128xf32>
    %add3A = arith.addf %get3A_12, %get3A_17 : vector<10000x128xf32>
    %mul3A = vector.broadcast %get3A_0 : f32 to vector<10000x128xf32>
    %mul3A_18 = arith.mulf %mul3A, %get3A_7 : vector<10000x128xf32>
    %add3A_19 = arith.addf %mul3A_18, %add3A : vector<10000x128xf32>
    %get3A_20 = arith.constant 0 : index
    %get3A_21 = arith.constant 0 : index
    %get3A_22 = vector.load %arg4[%get3A_20, %get3A_21] : memref<128x128xf32, #tpu.memory_space<vmem>>, vector<128x128xf32>
    %dot_general3A = arith.constant dense<0.000000e+00> : vector<10000x128xf32>
    %dot_general3A_23 = tpu.matmul %add3A_19, %get3A_22, %dot_general3A {dimension_numbers = #tpu.dot_dimension_numbers<[1], [0], [0], [1], [0, 0, 1, 1], [], []>, transpose_lhs_hint = false} : vector<10000x128xf32>, vector<128x128xf32>, vector<10000x128xf32> -> vector<10000x128xf32>
    %get3A_24 = arith.constant 0 : index
    %get3A_25 = arith.constant 0 : index
    %get3A_26 = vector.load %arg5[%get3A_24, %get3A_25] : memref<1x128xf32, #tpu.memory_space<vmem>>, vector<1x128xf32>
    %add3A_27 = vector.broadcast %get3A_26 : vector<1x128xf32> to vector<10000x128xf32>
    %add3A_28 = arith.addf %dot_general3A_23, %add3A_27 : vector<10000x128xf32>
    %reduce_sum3A = arith.constant dense<0.000000e+00> : vector<128xf32>
    %reduce_sum3A_29 = vector.multi_reduction <add>, %add3A_28, %reduce_sum3A [0] : vector<10000x128xf32> to vector<128xf32>
    %broadcast_in_dim3A = vector.shape_cast %reduce_sum3A_29 : vector<128xf32> to vector<1x128xf32>
    %div3A = arith.constant 1.000000e+04 : f32
    %div3A_30 = vector.broadcast %div3A : f32 to vector<1x128xf32>
    %div3A_31 = arith.divf %broadcast_in_dim3A, %div3A_30 : vector<1x128xf32>
    %sub3A = vector.broadcast %div3A_31 : vector<1x128xf32> to vector<10000x128xf32>
    %sub3A_32 = arith.subf %add3A_28, %sub3A : vector<10000x128xf32>
    %integer_pow3A = arith.mulf %sub3A_32, %sub3A_32 : vector<10000x128xf32>
    %reduce_sum3A_33 = arith.constant dense<0.000000e+00> : vector<128xf32>
    %reduce_sum3A_34 = vector.multi_reduction <add>, %integer_pow3A, %reduce_sum3A_33 [0] : vector<10000x128xf32> to vector<128xf32>
    %broadcast_in_dim3A_35 = vector.shape_cast %reduce_sum3A_34 : vector<128xf32> to vector<1x128xf32>
    %div3A_36 = arith.constant 1.000000e+04 : f32
    %div3A_37 = vector.broadcast %div3A_36 : f32 to vector<1x128xf32>
    %div3A_38 = arith.divf %broadcast_in_dim3A_35, %div3A_37 : vector<1x128xf32>
    %sub3A_39 = vector.broadcast %div3A_31 : vector<1x128xf32> to vector<10000x128xf32>
    %sub3A_40 = arith.subf %add3A_28, %sub3A_39 : vector<10000x128xf32>
    %add3A_41 = arith.constant 9.99999974E-6 : f32
    %add3A_42 = vector.broadcast %add3A_41 : f32 to vector<1x128xf32>
    %add3A_43 = arith.addf %div3A_38, %add3A_42 : vector<1x128xf32>
    %rsqrt3A = math.rsqrt %add3A_43 : vector<1x128xf32>
    %mul3A_44 = vector.broadcast %rsqrt3A : vector<1x128xf32> to vector<10000x128xf32>
    %mul3A_45 = arith.mulf %sub3A_40, %mul3A_44 : vector<10000x128xf32>
    %get3A_46 = arith.constant 0 : index
    %get3A_47 = arith.constant 0 : index
    %get3A_48 = vector.load %arg6[%get3A_46, %get3A_47] : memref<1x128xf32, #tpu.memory_space<vmem>>, vector<1x128xf32>
    %mul3A_49 = vector.broadcast %get3A_48 : vector<1x128xf32> to vector<10000x128xf32>
    %mul3A_50 = arith.mulf %mul3A_45, %mul3A_49 : vector<10000x128xf32>
    %get3A_51 = arith.constant 0 : index
    %get3A_52 = arith.constant 0 : index
    %get3A_53 = vector.load %arg7[%get3A_51, %get3A_52] : memref<1x128xf32, #tpu.memory_space<vmem>>, vector<1x128xf32>
    %add3A_54 = vector.broadcast %get3A_53 : vector<1x128xf32> to vector<10000x128xf32>
    %add3A_55 = arith.addf %mul3A_50, %add3A_54 : vector<10000x128xf32>
    %max3A = arith.constant 0.000000e+00 : f32
    %max3A_56 = vector.broadcast %max3A : f32 to vector<10000x128xf32>
    %max3A_57 = arith.maximumf %add3A_55, %max3A_56 : vector<10000x128xf32>
    %get3A_58 = arith.constant 0 : index
    %get3A_59 = arith.constant 0 : index
    %get3A_60 = vector.load %arg8[%get3A_58, %get3A_59] : memref<128x128xf32, #tpu.memory_space<vmem>>, vector<128x128xf32>
    %dot_general3A_61 = arith.constant dense<0.000000e+00> : vector<10000x128xf32>
    %dot_general3A_62 = tpu.matmul %max3A_57, %get3A_60, %dot_general3A_61 {dimension_numbers = #tpu.dot_dimension_numbers<[1], [0], [0], [1], [0, 0, 1, 1], [], []>, transpose_lhs_hint = false} : vector<10000x128xf32>, vector<128x128xf32>, vector<10000x128xf32> -> vector<10000x128xf32>
    %get3A_63 = arith.constant 0 : index
    %get3A_64 = arith.constant 0 : index
    %get3A_65 = vector.load %arg9[%get3A_63, %get3A_64] : memref<1x128xf32, #tpu.memory_space<vmem>>, vector<1x128xf32>
    %add3A_66 = vector.broadcast %get3A_65 : vector<1x128xf32> to vector<10000x128xf32>
    %add3A_67 = arith.addf %dot_general3A_62, %add3A_66 : vector<10000x128xf32>
    %get3A_68 = arith.constant 0 : index
    %get3A_69 = arith.constant 0 : index
    %get3A_70 = arith.constant 0 : index
    %get3A_71 = vector.load %arg3[%get3A_68, %get3A_69, %get3A_70] : memref<2x10000x128xf32, #tpu.memory_space<vmem>>, vector<1x10000x128xf32>
    %get3A_72 = vector.shape_cast %get3A_71 : vector<1x10000x128xf32> to vector<10000x128xf32>
    %get3A_73 = arith.constant 1 : index
    %get3A_74 = arith.constant 0 : index
    %get3A_75 = arith.constant 0 : index
    %get3A_76 = vector.load %arg3[%get3A_73, %get3A_74, %get3A_75] : memref<2x10000x128xf32, #tpu.memory_space<vmem>>, vector<1x10000x128xf32>
    %get3A_77 = vector.shape_cast %get3A_76 : vector<1x10000x128xf32> to vector<10000x128xf32>
    %add3A_78 = arith.addf %get3A_72, %get3A_77 : vector<10000x128xf32>
    %get3A_79 = arith.constant 0 : index
    %get3A_80 = arith.constant 0 : index
    %get3A_81 = vector.load %arg10[%get3A_79, %get3A_80] : memref<128x128xf32, #tpu.memory_space<vmem>>, vector<128x128xf32>
    %dot_general3A_82 = arith.constant dense<0.000000e+00> : vector<10000x128xf32>
    %dot_general3A_83 = tpu.matmul %add3A_78, %get3A_81, %dot_general3A_82 {dimension_numbers = #tpu.dot_dimension_numbers<[1], [0], [0], [1], [0, 0, 1, 1], [], []>, transpose_lhs_hint = false} : vector<10000x128xf32>, vector<128x128xf32>, vector<10000x128xf32> -> vector<10000x128xf32>
    %get3A_84 = arith.constant 0 : index
    %get3A_85 = arith.constant 0 : index
    %get3A_86 = vector.load %arg11[%get3A_84, %get3A_85] : memref<1x128xf32, #tpu.memory_space<vmem>>, vector<1x128xf32>
    %add3A_87 = vector.broadcast %get3A_86 : vector<1x128xf32> to vector<10000x128xf32>
    %add3A_88 = arith.addf %dot_general3A_83, %add3A_87 : vector<10000x128xf32>
    %get3A_89 = arith.constant 0 : index
    %get3A_90 = arith.constant 0 : index
    %get3A_91 = vector.load %arg12[%get3A_89, %get3A_90] : memref<128x128xf32, #tpu.memory_space<vmem>>, vector<128x128xf32>
    %dot_general3A_92 = arith.constant dense<0.000000e+00> : vector<10000x128xf32>
    %dot_general3A_93 = tpu.matmul %get3A_7, %get3A_91, %dot_general3A_92 {dimension_numbers = #tpu.dot_dimension_numbers<[1], [0], [0], [1], [0, 0, 1, 1], [], []>, transpose_lhs_hint = false} : vector<10000x128xf32>, vector<128x128xf32>, vector<10000x128xf32> -> vector<10000x128xf32>
    %add3A_94 = arith.addf %add3A_88, %dot_general3A_93 : vector<10000x128xf32>
    %mul3A_95 = vector.broadcast %get3A_2 : f32 to vector<10000x128xf32>
    %mul3A_96 = arith.mulf %mul3A_95, %add3A_67 : vector<10000x128xf32>
    %add3A_97 = arith.addf %get3A_7, %mul3A_96 : vector<10000x128xf32>
    %mul3A_98 = vector.broadcast %get3A_4 : f32 to vector<10000x128xf32>
    %mul3A_99 = arith.mulf %mul3A_98, %add3A_94 : vector<10000x128xf32>
    %add3A_100 = arith.addf %add3A_97, %mul3A_99 : vector<10000x128xf32>
    %reduce_sum3A_101 = arith.constant dense<0.000000e+00> : vector<128xf32>
    %reduce_sum3A_102 = vector.multi_reduction <add>, %add3A_100, %reduce_sum3A_101 [0] : vector<10000x128xf32> to vector<128xf32>
    %broadcast_in_dim3A_103 = vector.shape_cast %reduce_sum3A_102 : vector<128xf32> to vector<1x128xf32>
    %div3A_104 = arith.constant 1.000000e+04 : f32
    %div3A_105 = vector.broadcast %div3A_104 : f32 to vector<1x128xf32>
    %div3A_106 = arith.divf %broadcast_in_dim3A_103, %div3A_105 : vector<1x128xf32>
    %sub3A_107 = vector.broadcast %div3A_106 : vector<1x128xf32> to vector<10000x128xf32>
    %sub3A_108 = arith.subf %add3A_100, %sub3A_107 : vector<10000x128xf32>
    %integer_pow3A_109 = arith.mulf %sub3A_108, %sub3A_108 : vector<10000x128xf32>
    %reduce_sum3A_110 = arith.constant dense<0.000000e+00> : vector<128xf32>
    %reduce_sum3A_111 = vector.multi_reduction <add>, %integer_pow3A_109, %reduce_sum3A_110 [0] : vector<10000x128xf32> to vector<128xf32>
    %broadcast_in_dim3A_112 = vector.shape_cast %reduce_sum3A_111 : vector<128xf32> to vector<1x128xf32>
    %div3A_113 = arith.constant 1.000000e+04 : f32
    %div3A_114 = vector.broadcast %div3A_113 : f32 to vector<1x128xf32>
    %div3A_115 = arith.divf %broadcast_in_dim3A_112, %div3A_114 : vector<1x128xf32>
    %sub3A_116 = vector.broadcast %div3A_106 : vector<1x128xf32> to vector<10000x128xf32>
    %sub3A_117 = arith.subf %add3A_100, %sub3A_116 : vector<10000x128xf32>
    %add3A_118 = arith.constant 9.99999974E-6 : f32
    %add3A_119 = vector.broadcast %add3A_118 : f32 to vector<1x128xf32>
    %add3A_120 = arith.addf %div3A_115, %add3A_119 : vector<1x128xf32>
    %rsqrt3A_121 = math.rsqrt %add3A_120 : vector<1x128xf32>
    %mul3A_122 = vector.broadcast %rsqrt3A_121 : vector<1x128xf32> to vector<10000x128xf32>
    %mul3A_123 = arith.mulf %sub3A_117, %mul3A_122 : vector<10000x128xf32>
    %get3A_124 = arith.constant 0 : index
    %get3A_125 = arith.constant 0 : index
    %get3A_126 = vector.load %arg13[%get3A_124, %get3A_125] : memref<1x128xf32, #tpu.memory_space<vmem>>, vector<1x128xf32>
    %mul3A_127 = vector.broadcast %get3A_126 : vector<1x128xf32> to vector<10000x128xf32>
    %mul3A_128 = arith.mulf %mul3A_123, %mul3A_127 : vector<10000x128xf32>
    %get3A_129 = arith.constant 0 : index
    %get3A_130 = arith.constant 0 : index
    %get3A_131 = vector.load %arg14[%get3A_129, %get3A_130] : memref<1x128xf32, #tpu.memory_space<vmem>>, vector<1x128xf32>
    %add3A_132 = vector.broadcast %get3A_131 : vector<1x128xf32> to vector<10000x128xf32>
    %add3A_133 = arith.addf %mul3A_128, %add3A_132 : vector<10000x128xf32>
    %max3A_134 = arith.constant 0.000000e+00 : f32
    %max3A_135 = vector.broadcast %max3A_134 : f32 to vector<10000x128xf32>
    %max3A_136 = arith.maximumf %add3A_133, %max3A_135 : vector<10000x128xf32>
    %swap3A = arith.constant 0 : index
    %swap3A_137 = arith.constant 0 : index
    %swap3A_138 = vector.load %arg15[%swap3A, %swap3A_137] : memref<10000x128xf32, #tpu.memory_space<vmem>>, vector<10000x128xf32>
    tpu.vector_store %arg15[%swap3A, %swap3A_137], %max3A_136 {strides = array<i32>} : memref<10000x128xf32, #tpu.memory_space<vmem>>, vector<10000x128xf32>,
    return
  }
}

</mosaic_0001>

<sc_bundles>
// kernel: kernel.4.cloned.1.call-start
scs
__scs_entry_jumppad:
0x0: {  	(pc) =	sbr.rel $0x88, $3  }
0x1: {  	(tag) =	ssettag $0x0;
	lr =	simm.s32 $0x1  }
0x2: {  	[smem:$0x3F8F] =	sst lr;
	_ =	strace $0xD0000000  }
0x3: {  	_ = 	snop  }
0x4: {  	_ = 	snop  }
0x5: {  	_ = 	snop  }
0x6: {  	_ = 	snop  }
0x7: {  	_ = 	snop  }
__scs_overlays_trampoline_lowered:
0x8: {  	[smem:$0x3F9E] =	sst s0  }
0x9: {  	[smem:$0x3F9F] =	sst s1  }
0xa: {  	[smem:$0x3FA0] =	sst s2  }
0xb: {  	[smem:$0x3FA1] =	sst s3  }
0xc: {  	[smem:$0x3FA2] =	sst s4  }
0xd: {  	[smem:$0x3FA3] =	sst s5  }
0xe: {  	[smem:$0x3FA4] =	sst s6  }
0xf: {  	[smem:$0x3FA5] =	sst s7  }
0x10: {  	[smem:$0x3FA6] =	sst s8  }
0x11: {  	[smem:$0x3FA7] =	sst s9;
	s0 =	simm.s32 @!p0 $0x0  }
0x12: {  	s1 =	sld [smem:$0x3F8D];
	s0 =	simm.s32 @p0 $0x1  }
0x13: {  	[smem:$0x3FA8] =	sst s0;
	s0 =	simm.s32 @!p1 $0x0  }
0x14: {  	s2 =	sld [smem:$0x3F8C];
	s0 =	simm.s32 @p1 $0x1  }
0x15: {  	[smem:$0x3FA9] =	sst s0;
	s0 =	simm.s32 @!p2 $0x0  }
0x16: {  	s3 =	sld [smem:$0x3FDB];
	s0 =	simm.s32 @p2 $0x1  }
0x17: {  	s4 =	simm.s32 $0x1BF5;
	[smem:$0x3FAB] =	sst s0  }
0x18: {  	s0 =	sld [smem:$0x3F8E];
	_ =	swait.ge [sflag:s4], $0x0  }
0x19: {  	s7 =	sld [smem:$0x3F8F]  }
0x1a: {  	s8 =	sadd.s32 $0xFFFFE003, lr  }
0x1b: {  	s9 =	sadd.s32 $0xFFFFFEF7, lr;
	s5 =	simm.s32 $0xFFFFFFFF;
	p2 =	slt.u32 s8, $0xFFFFF086  }
0x1c: {  	p1 =	slt.u32 s9, $0xF7A;
	s5 =	simm.s32 @!p2 $0x0  }
0x1d: {  	s5 =	simm.s32 @p1 $0x1;
	p0 =	seq.s32 s7, s2  }
0x1e: {  	s7 =	smul.u32 @!p0 $0xF7A, s2;
	p2 =	seq.s32 @!p0 s5, $0x0  }
0x1f: {  	s9 =	smul.u32 $0xF7A, s1;
	s8 =	simm.s32 @!p0 $0x1BF5;
	p2 =	por !p2, p0  }
0x20: {  	[sflag:s8] =	ssyncset.s32 @!p0 $0xFFFFF086;
	s6 =	sadd.s32 @!p0 s3, s7;
	s7 =	simm.s32 @!p0 $0x108  }
0x21: {  	s3 =	sadd.s32 s3, s9;
	s6 =	sadd.s32 @!p0 $0x88, s6;
	s7 =	simm.s32 @p2 $0x1082  }
0x22: {  	[simem:s7], [sflag:s8] =	dma.local @!p0 [hbm:s6], $0xF7A  }
0x23: {  	s9 =	sor.u32 $0xD0000000, s2;
	s6 =	simm.s32 $0x108;
	_ =	swait.ge @!p0 [sflag:s8], $0x0  }
0x24: {  	s3 =	sadd.s32 $0x88, s3;
	s6 =	simm.s32 @!p1 $0x1082;
	[sflag:s4] =	ssyncset.s32 $0xFFFFF086  }
0x25: {  	[simem:s6], [sflag:s4] =	dma.local [hbm:s3], $0xF7A  }
0x26: {  	[smem:$0x3F8F] =	sst s1;
	(tag) =	ssettag s2;
	_ =	strace s9  }
0x27: {  	s1 =	sld [smem:$0x3F9F]  }
0x28: {  	s2 =	sld [smem:$0x3FA0]  }
0x29: {  	s4 =	sld [smem:$0x3FA2]  }
0x2a: {  	p0 =	seq.s32 s5, $0x0;
	s5 =	sld [smem:$0x3FA3]  }
0x2b: {  	s6 =	sld [smem:$0x3FA4]  }
0x2c: {  	s7 =	sld [smem:$0x3FA5]  }
0x2d: {  	s3 =	simm.s32 $0x108;
	s8 =	sld [smem:$0x3FA6]  }
0x2e: {  	s3 =	simm.s32 @!p0 $0x1082;
	s9 =	sld [smem:$0x3FA7]  }
0x2f: {  	lr =	sadd.s32 s0, s3;
	s0 =	sld [smem:$0x3F9E]  }
0x30: {  	s3 =	sld [smem:$0x3FA1]  }
0x31: {  	[smem:$0x3FAA] =	sst s10  }
0x32: {  	s10 =	sld [smem:$0x3FA8];
	_ =	sdelay $0x3  }
0x33: {  	p0 =	seq.s32 s10, $0x1;
	s10 =	sld [smem:$0x3FAA];
	_ =	sdelay $0x3  }
0x34: {  	[smem:$0x3FAA] =	sst s10  }
0x35: {  	s10 =	sld [smem:$0x3FA9];
	_ =	sdelay $0x3  }
0x36: {  	p1 =	seq.s32 s10, $0x1;
	s10 =	sld [smem:$0x3FAA];
	_ =	sdelay $0x3  }
0x37: {  	[smem:$0x3FAA] =	sst s10  }
0x38: {  	s10 =	sld [smem:$0x3FAB]  }
0x39: {  	_ = 	snop;
	(pc) =	sbr.ind lr, $3  }
0x3a: {  	_ = 	snop  }
0x3b: {  	_ = 	snop  }
0x3c: {  	p2 =	seq.s32 s10, $0x1;
	s10 =	sld [smem:$0x3FAA]  }
0x3d: {  	_ =	shalt  }
0x3e: {  	_ =	shalt  }
0x3f: {  	_ =	shalt  }
0x40: {  	_ =	shalt  }
0x41: {  	_ =	shalt  }
0x42: {  	_ =	shalt  }
0x43: {  	_ =	shalt  }
0x44: {  	_ =	shalt  }
0x45: {  	_ =	shalt  }
0x46: {  	_ =	shalt  }
0x47: {  	_ =	shalt  }
0x48: {  	_ =	shalt  }
0x49: {  	_ =	shalt  }
0x4a: {  	_ =	shalt  }
0x4b: {  	_ =	shalt  }
0x4c: {  	_ =	shalt  }
0x4d: {  	_ =	shalt  }
0x4e: {  	_ =	shalt  }
0x4f: {  	_ =	shalt  }
0x50: {  	_ =	shalt  }
0x51: {  	_ =	shalt  }
0x52: {  	_ =	shalt  }
0x53: {  	_ =	shalt  }
0x54: {  	_ =	shalt  }
0x55: {  	_ =	shalt  }
0x56: {  	_ =	shalt  }
0x57: {  	_ =	shalt  }
0x58: {  	_ =	shalt  }
0x59: {  	_ =	shalt  }
0x5a: {  	_ =	shalt  }
0x5b: {  	_ =	shalt  }
0x5c: {  	_ =	shalt  }
0x5d: {  	_ =	shalt  }
0x5e: {  	_ =	shalt  }
0x5f: {  	_ =	shalt  }
0x60: {  	_ =	shalt  }
0x61: {  	_ =	shalt  }
0x62: {  	_ =	shalt  }
0x63: {  	_ =	shalt  }
0x64: {  	_ =	shalt  }
0x65: {  	_ =	shalt  }
0x66: {  	_ =	shalt  }
0x67: {  	_ =	shalt  }
0x68: {  	_ =	shalt  }
0x69: {  	_ =	shalt  }
0x6a: {  	_ =	shalt  }
0x6b: {  	_ =	shalt  }
0x6c: {  	_ =	shalt  }
0x6d: {  	_ =	shalt  }
0x6e: {  	_ =	shalt  }
0x6f: {  	_ =	shalt  }
0x70: {  	_ =	shalt  }
0x71: {  	_ =	shalt  }
0x72: {  	_ =	shalt  }
0x73: {  	_ =	shalt  }
0x74: {  	_ =	shalt  }
0x75: {  	_ =	shalt  }
0x76: {  	_ =	shalt  }
0x77: {  	_ =	shalt  }
0x78: {  	_ =	shalt  }
0x79: {  	_ =	shalt  }
0x7a: {  	_ =	shalt  }
0x7b: {  	_ =	shalt  }
0x7c: {  	_ =	shalt  }
0x7d: {  	_ =	shalt  }
0x7e: {  	_ =	shalt  }
0x7f: {  	_ =	shalt  }
0x80: {  	_ =	shalt  }
0x81: {  	_ =	shalt  }
0x82: {  	_ =	shalt  }
0x83: {  	_ =	shalt  }
0x84: {  	_ =	shalt  }
0x85: {  	_ =	shalt  }
0x86: {  	_ =	shalt  }
0x87: {  	_ =	shalt  }
.Lfunc_end0:
.L_simem_size_0:
called_computation_lowered:
.L_overlay_start_0:
0x88: {  	s2 =	sld [smem:$0x3FD9]  }
0x89: {  	s3 =	sld [smem:$0x3FFE];
	_ =	sdelay $0x1  }
0x8a: {  	s1 =	srdreg.scid  }
0x8b: {  	s0 =	sand.u32 $0x1, s1  }
0x8c: {  	s17 =	sshll.u32 s0, $0xA;
	s2 =	sadd.s32 s3, s2  }
0x8d: {  	s2 =	sadd.s32 s2, s17  }
0x8e: {  	[smem:$0x3FB6] =	sst s2  }
0x8f: {  	_ = 	snop  }
0x90: {  	s2 =	sld [smem:$0x3FC9]  }
0x91: {  	s18 =	sld [smem:$0x3FC7]  }
0x92: {  	s4 =	sld [smem:$0x3FD0];
	(tm) =	ssettm $0x1  }
0x93: {  	s5 =	sld [smem:$0x3FFB];
	_ =	sdelay $0x3  }
0x94: {  	_ =	strace s5  }
0x95: {  	s5 =	sld [smem:$0x3FFC];
	_ =	sdelay $0x3  }
0x96: {  	_ =	strace s5  }
0x97: {  	s5 =	sld [smem:$0x3FFD];
	_ =	sdelay $0x3  }
0x98: {  	_ =	strace s5  }
0x99: {  	_ =	strace $0x8FFFFFFF  }
0x9a: {  	s19 =	sld [smem:$0x3FDB];
	_ =	sdelay $0x1  }
0x9b: {  	s6 =	simm.s32 $_scs_section_size  }
0x9c: {  	s7 =	simm.s32 $_size__tile_overlayer_lowered;
	s8 =	simm.s32 $_tile_overlayer_lowered  }
0x9d: {  	s22 =	simm.s32 $0x1BFF;
	s21 =	sshll.u32 s8, $0x1;
	s5 =	sadd.s32 s6, s19  }
0x9e: {  	s9 =	simm.s32 $0x0;
	s20 =	sshll.u32 s7, $0x1;
	s7 =	sadd.s32 s21, s5  }
0x9f: {  	[timem:s9], [sflag:s22] =	dma.local [hbm:s7], s20  }
0xa0: {  	_ =	swait.ge [sflag:s22], s20  }
0xa1: {  	s6 =	ssub.s32 $0x0, s20;
	[sflag:s22] =	ssyncset.done $0x0  }
0xa2: {  	[sflag:s22] =	ssyncadd.s32 s6;
	_ =	sdelay $0x1  }
0xa3: {  	s23 =	simm.s32 $0x1B8B  }
0xa4: {  	_ =	swait.ge [sflag:s23], $0x1  }
0xa5: {  	[sflag:s23] =	ssyncset.done $0x0  }
0xa6: {  	s25 =	simm.s32 $0x1B8E;
	s24 =	sld [smem:$0x3FFE];
	[sflag:s23] =	ssyncadd.s32 $0xFFFFFFFF  }
0xa7: {  	s26 =	simm.s32 $execute0_lowered;
	[smem:$0x3FD2] =	sst s25  }
0xa8: {  	s7 =	sshll.u32 s26, $0x1;
	_ =	strace $0x80000046;
	[dreg:$0x1] =	wrdreg $0xFFFFFFFF  }
0xa9: {  	s28 =	simm.s32 $_size_execute0_lowered;
	s5 =	sadd.s32 s5, s7;
	[dreg:$0x0] =	wrdreg $0x0  }
0xaa: {  	s7 =	sshll.u32 s28, $0x1;
	[dreg:$0x2] =	wrdreg s5  }
0xab: {  	[dreg:$0x3] =	wrdreg s7  }
0xac: {  	[dreg:$0x4] =	wrdreg $0xC0  }
0xad: {  	_ =	task [dreg:s9], $0x5FFFF  }
0xae: {  	[dreg:$0x1] =	wrdreg $0xFFFFFFFF  }
0xaf: {  	[dreg:$0x0] =	wrdreg $0x60  }
0xb0: {  	[dreg:$0x2] =	wrdreg s2  }
0xb1: {  	[dreg:$0x3] =	wrdreg s4  }
0xb2: {  	[dreg:$0x4] =	wrdreg s18  }
0xb3: {  	[dreg:$0x5] =	wrdreg s24  }
0xb4: {  	[dreg:$0x6] =	wrdreg $0x0  }
0xb5: {  	[dreg:$0x7] =	wrdreg $0x9  }
0xb6: {  	_ =	task.clear_ibuf [dreg:s9], $0x8FFFF;
	_ =	strace $0x90000046  }
0xb7: {  	s29 =	simm.s32 $0x9;
	_ =	strace $0x80000048  }
0xb8: {  	_ =	swait.ge [sflag:s29], $0x1  }
0xb9: {  	[sflag:s29] =	ssyncadd.s32 $0xFFFFFFFF  }
0xba: {  	_ =	strace $0x90000048  }
0xbb: {  	_ =	sfence  }
0xbc: {  	s30 =	sld [smem:$0x0];
	_ =	sdelay $0x2  }
0xbd: {  	s31 =	sshll.u32 s1, $0xD;
	s1 =	sshrl.u32 s1, $0x2  }
0xbe: {  	s3 =	sand.u32 $0x4000, s31;
	s1 =	sadd.s32 s1, s30  }
0xbf: {  	s0 =	sor.u32 s3, s0;
	s1 =	sshll.u32 s1, $0x11  }
0xc0: {  	s0 =	sor.u32 s1, s0  }
0xc1: {  	s0 =	sadd.s32 $0x8F2B, s0  }
0xc2: {  	[sflag:s0] =	ssyncadd.remote.s32 $0x1  }
0xc3: {  	_ =	sfence.sel $0xFFFF  }
0xc4: {  	[dreg:$0x0] =	wrdreg $0xFFFFFFFF;
	(pc) =	sbr.abs _section_cstart, $3  }
0xc5: {  	[dreg:$0x1] =	wrdreg $0xFFFFFFFF  }
0xc6: {  	_ =	task.clear_ibuf [dreg:s9], $0x2FFFF;
	_ =	strace $0x9FFFFFFF  }
0xc7: {  	(tm) =	ssettm $0x7FFFFFFF  }
tec
execute0_lowered:
.L_overlay_start_1:
0x0: {  	(tag) =	ssettag $0x1  }
0x1: {  	s0 =	rddreg [dreg:$0x0]  }
0x2: {  	s2 =	rddreg [dreg:$0x1]  }
0x3: {  	s1 =	rddreg [dreg:$0x2]  }
0x4: {  	s6 =	rddreg [dreg:$0x3]  }
0x5: {  	s3 =	srdreg.scid;
	s4 =	rddreg [dreg:$0x4]  }
0x6: {  	s13 =	stileid.u32;
	s5 =	simm.s32 $0x0;
	s28 =	simm.s32 $0x198C0  }
0x7: {  	s30 =	simm.s32 $0x1ACC0;
	s31 =	simm.s32 $0x1D4C0;
	s29 =	simm.s32 $0x3  }
0x8: {  	s3 =	sand.u32 $0x1, s3;
	[smem:$0x7FF] =	sst s5;
	s11 =	smul.u32 $0x50000, s13  }
0x9: {  	s15 =	sadd.s32 $0xA000, s6;
	s12 =	sadd.s32 $0xC800, s6;
	s18 =	smul.u32 $0x14000, s13  }
0xa: {  	s19 =	sadd.s32 $0x12C000, s4;
	p0 =	seq.s32 s13, $0xF;
	s7 =	sshll.u32 s3, $0x4  }
0xb: {  	_ =	strace $0x80000047;
	s9 =	ssub.s32 $0x2, s3;
	[dreg:$0xa] =	wrdreg s19  }
0xc: {  	s16 =	smul.u32 $0x138800, s3;
	s19 =	simm.s32 $0x4;
	[dreg:$0x6] =	wrdreg s15  }
0xd: {  	s7 =	sor.u32 s13, s7;
	s10 =	sshrl.u32 s9, $0x1;
	s11 =	sshrl.u32 s11, $0x2  }
0xe: {  	s13 =	simm.s32 $0x2;
	s8 =	sshll.u32 s7, $0xA;
	s9 =	ssub.s32 s9, s10  }
0xf: {  	s26 =	sshll.u32 s7, $0xB;
	s14 =	smul.u32 $0x138800, s7;
	s11 =	sadd.s32 s11, s4  }
0x10: {  	s21 =	sadd.s32 s18, s16;
	s7 =	simm.s32 $0x138C0;
	s18 =	simm.s32 $0x7  }
0x11: {  	s8 =	sadd.s32 s8, s6;
	s6 =	sadd.s32 $0x5AA00, s6;
	s2 =	sadd.s32 s2, s26  }
0x12: {  	[dreg:$0x9] =	wrdreg s11;
	s25 =	smax.u32 s9, $0x1;
	s11 =	simm.s32 $0xB  }
0x13: {  	s9 =	simm.s32 $0x9;
	[dreg:$0x8] =	wrdreg s2;
	s17 =	sshrl.u32 s14, $0x3  }
0x14: {  	s10 =	sadd.s32 $0x1400, s14;
	s2 =	sshrl.u32 s16, $0x3;
	[dreg:$0x12] =	wrdreg s25  }
0x15: {  	s22 =	sadd.s32 $0x2000, s8;
	[dreg:$0x7] =	wrdreg s14;
	s26 =	sadd.s32 $0x2800, s14  }
0x16: {  	s25 =	simm.s32 $0x184C0;
	s8 =	simm.s32 $0x1;
	s14 =	simm.s32 $0xA  }
0x17: {  	s16 =	simm.s32 $0x6;
	s3 =	sadd.s32 s1, s17;
	[dreg:$0xd] =	wrdreg s22  }
0x18: {  	s20 =	sshrl.u32 s10, $0x3;
	s2 =	sadd.s32 $0x25800, s2;
	[dreg:$0x13] =	wrdreg s26  }
0x19: {  	s17 =	simm.s32 $0x0;
	[dreg:$0xb] =	wrdreg s3;
	s3 =	sadd.s32 s1, s20  }
.Ltmp0:
0x1a: {  	s24 =	sadd.s32 s12, s2;
	[dreg:$0xc] =	wrdreg s3;
	(pc) =	sbr.rel .LBB2_1-.Ltmp0, $4  }
0x1b: {  	s2 =	sadd.s32 s6, s2;
	s3 =	sshrl.u32 s21, $0x3;
	[dreg:$0xf] =	wrdreg s24  }
0x1c: {  	[dreg:$0x11] =	wrdreg s2;
	s24 =	simm.s32 $0x1C0C0;
	s23 =	sadd.s32 s12, s3  }
0x1d: {  	s3 =	sadd.s32 s6, s3;
	s12 =	simm.s32 $0x5;
	[dreg:$0xe] =	wrdreg s23  }
0x1e: {  	s6 =	simm.s32 $0x50;
	[dreg:$0x10] =	wrdreg s3;
	s23 =	simm.s32 $0x28  }
.LBB2_20:
0x1f: {  	_ =	swait.ge [sflag:s18], $0x2800  }
0x20: {  	[sflag:s18] =	ssyncset.done $0x0  }
0x21: {  	[sflag:s18] =	ssyncadd.s32 $0xFFFFD800  }
0x22: {  	[bflag:$0x0] =	sbarrier.arrive $0xFFFF  }
0x23: {  	s3 =	rddreg [dreg:$0x11]  }
0x24: {  	s2 =	simm.s32 @p0 $0x1FCC;
	s17 =	rddreg [dreg:$0x15]  }
0x25: {  	[hbm:s3], [sflag:s2] =	dma.local @p0 [spmem:s17], $0x1900  }
0x26: {  	s2 =	simm.s32 @p0 $0xC  }
0x27: {  	_ =	swait.ge @p0 [sflag:s2], $0x1900  }
0x28: {  	s3 =	rddreg [dreg:$0x16]  }
0x29: {  	[sflag:s2] =	ssyncset.done @p0 $0x0;
	s17 =	rddreg [dreg:$0x17]  }
0x2a: {  	[sflag:s2] =	ssyncadd.s32 @p0 $0xFFFFE700;
	s2 =	rddreg [dreg:$0x10]  }
0x2b: {  	[hbm:s2], [sflag:s3] =	dma.local @!p0 [spmem:s17], $0x2800  }
0x2c: {  	s2 =	simm.s32 @!p0 $0xC  }
0x2d: {  	_ =	swait.ge @!p0 [sflag:s2], $0x2800  }
0x2e: {  	s22 =	rddreg [dreg:$0x14]  }
0x2f: {  	s26 =	rddreg [dreg:$0x12];
	s17 =	sadd.s32 $0x1, s22  }
0x30: {  	p1 =	sne.s32 s17, s26  }
.Ltmp1:
0x31: {  	_ = 	snop;
	(pc) =	sbr.rel @!p1 .LBB2_21-.Ltmp1, $3  }
0x32: {  	_ =	sdelay $0x1  }
0x33: {  	[sflag:s2] =	ssyncset.done @!p0 $0x0  }
0x34: {  	[sflag:s2] =	ssyncadd.s32 @!p0 $0xFFFFD800  }
.LBB2_1:
0x35: {  	s2 =	rddreg [dreg:$0x8]  }
0x36: {  	[tilespmem:s7], [sflag:$0xB] =	stream.linear.gather [hbm4b:s2+s5], $0x3E80, $0x38;
	[tilespmem:$0x1FCC0] =	vst v63  }
0x37: {  	s2 =	rddreg [dreg:$0xa]  }
0x38: {  	[dreg:$0x14] =	wrdreg s17;
	s3 =	sshrl.u32 @p0 s2, $0x3  }
0x39: {  	s2 =	simm.s32 @p0 $0x1FCC;
	[dreg:$0x15] =	wrdreg s3  }
0x3a: {  	[spmem:s3], [sflag:s2] =	dma.local @p0 [hbm:s15], $0x1900  }
0x3b: {  	s2 =	simm.s32 @p0 $0xC  }
0x3c: {  	s3 =	stileid.u32;
	_ =	swait.ge @p0 [sflag:s2], $0x1900  }
0x3d: {  	s3 =	sshll.u32 @!p0 s3, $0x6;
	[sflag:s2] =	ssyncset.done @p0 $0x0  }
0x3e: {  	s3 =	sor.u32 @!p0 $0x1C0C, s3;
	[sflag:s2] =	ssyncadd.s32 @p0 $0xFFFFE700;
	s2 =	rddreg [dreg:$0x9]  }
0x3f: {  	[dreg:$0x16] =	wrdreg s3;
	s2 =	sshrl.u32 @!p0 s2, $0x3  }
0x40: {  	[dreg:$0x17] =	wrdreg s2  }
0x41: {  	[spmem:s2], [sflag:s3] =	dma.local @!p0 [hbm:s15], $0x2800  }
0x42: {  	s2 =	simm.s32 @!p0 $0xC  }
0x43: {  	_ =	swait.ge @!p0 [sflag:s2], $0x2800  }
0x44: {  	[sflag:s2] =	ssyncset.done @!p0 $0x0  }
0x45: {  	[sflag:s2] =	ssyncadd.s32 @!p0 $0xFFFFD800  }
0x46: {  	_ =	swait.ge [sflag:s11], $0x3E80  }
0x47: {  	[sflag:s11] =	ssyncset.done $0x0  }
0x48: {  	[sflag:s11] =	ssyncadd.s32 $0xFFFFC180  }
0x49: {  	[bflag:$0x0] =	sbarrier.arrive $0xFFFF  }
0x4a: {  	v0 =	vld [tilespmem:$0x138C0];
	_ =	sdelay $0x1  }
0x4b: {  	v1 =	vld [tilespmem:$0x138D0];
	_ =	sdelay $0x1  }
0x4c: {  	v2 =	vld [tilespmem:$0x138D8]  }
0x4d: {  	v3 =	vand.u32 $0xFFFF, v0  }
0x4e: {  	v0 =	vshra.s32 v0, $0x10;
	[tilespmem:$0x178C0] =	vst v3  }
0x4f: {  	v44 =	vand.u32 $0xFFFF, v1;
	[tilespmem:$0x17CC0] =	vst v0  }
0x50: {  	v45 =	vshra.s32 v1, $0x10;
	[tilespmem:$0x178D0] =	vst v44  }
0x51: {  	v46 =	vand.u32 $0xFFFF, v2;
	[tilespmem:$0x17CD0] =	vst v45  }
0x52: {  	v47 =	vshra.s32 v2, $0x10;
	[tilespmem:$0x178D8] =	vst v46  }
0x53: {  	s17 =	simm.s32 $0x178C0;
	[tilespmem:$0x17CD8] =	vst v47  }
0x54: {  	[tilespmem:s25], [sflag:$0x1] =	stream.indirect.gather [hbm4b:s0+s23], $0x80, s17, s23, $0xb8;
	[tilespmem:$0x1FCC0] =	vst v63  }
0x55: {  	v48 =	vld [tilespmem:$0x138E8];
	_ =	sdelay $0x1  }
0x56: {  	v49 =	vld [tilespmem:$0x138F8];
	_ =	sdelay $0x1  }
0x57: {  	v50 =	vld [tilespmem:$0x13900]  }
0x58: {  	v51 =	vand.u32 $0xFFFF, v48  }
0x59: {  	v0 =	vshra.s32 v48, $0x10;
	[tilespmem:$0x17940] =	vst v51  }
0x5a: {  	v52 =	vand.u32 $0xFFFF, v49;
	[tilespmem:$0x17D40] =	vst v0  }
0x5b: {  	v53 =	vshra.s32 v49, $0x10;
	[tilespmem:$0x17950] =	vst v52  }
0x5c: {  	v54 =	vand.u32 $0xFFFF, v50;
	[tilespmem:$0x17D50] =	vst v53  }
0x5d: {  	v55 =	vshra.s32 v50, $0x10;
	[tilespmem:$0x17958] =	vst v54  }
0x5e: {  	s20 =	simm.s32 $0x17940;
	[tilespmem:$0x17D58] =	vst v55  }
0x5f: {  	[tilespmem:s28], [sflag:$0x2] =	stream.indirect.gather [hbm4b:s0+s23], $0x80, s20, s23, $0xb8;
	[tilespmem:$0x1FCC0] =	vst v63  }
0x60: {  	v56 =	vld [tilespmem:$0x13940];
	_ =	sdelay $0x1  }
0x61: {  	v57 =	vld [tilespmem:$0x13950];
	_ =	sdelay $0x1  }
0x62: {  	v58 =	vld [tilespmem:$0x13958]  }
0x63: {  	v59 =	vand.u32 $0xFFFF, v56  }
0x64: {  	v0 =	vshra.s32 v56, $0x10;
	[tilespmem:$0x179C0] =	vst v59  }
0x65: {  	v60 =	vand.u32 $0xFFFF, v57;
	[tilespmem:$0x17DC0] =	vst v0  }
0x66: {  	v61 =	vshra.s32 v57, $0x10;
	[tilespmem:$0x179D0] =	vst v60  }
0x67: {  	v62 =	vand.u32 $0xFFFF, v58;
	[tilespmem:$0x17DD0] =	vst v61  }
0x68: {  	v63 =	vshra.s32 v58, $0x10;
	[tilespmem:$0x179D8] =	vst v62  }
0x69: {  	s21 =	simm.s32 $0x179C0;
	[tilespmem:$0x17DD8] =	vst v63  }
0x6a: {  	[tilespmem:s30], [sflag:$0x3] =	stream.indirect.gather [hbm4b:s0+s23], $0x80, s21, s23, $0xb8;
	[tilespmem:$0x1FCC0] =	vst v63  }
0x6b: {  	s22 =	rddreg [dreg:$0xb]  }
0x6c: {  	[tilespmem:s31], [sflag:$0x9] =	stream.linear.gather [hbm4b:s22+s5], $0x1400, $0x38;
	[tilespmem:$0x1FCC0] =	vst v63  }
0x6d: {  	s26 =	rddreg [dreg:$0xc];
	s17 =	simm.s32 $0x0;
	s28 =	simm.s32 $0x1E8C0  }
0x6e: {  	[tilespmem:s28], [sflag:$0xA] =	stream.linear.gather [hbm4b:s26+s5], $0x1400, $0x38;
	[tilespmem:$0x1FCC0] =	vst v63  }
.LBB2_2:
0x6f: {  	s22 =	sshll.u32 s17, $0x2;
	p1 =	seq.s32 s17, $0x0  }
0x70: {  	s2 =	simm.s32 @!p1 $0x8;
	s3 =	sor.u32 @!p1 $0x3, s22  }
0x71: {  	_ =	swait.ge @!p1 [sflag:s2], $0x1400;
	s3 =	simm.s32 @p1 $0x3  }
0x72: {  	[sflag:s2] =	ssyncset.done @!p1 $0x0;
	s7 =	sshll.u32 s3, $0x6  }
0x73: {  	[sflag:s2] =	ssyncadd.s32 @!p1 $0xFFFFEC00;
	s26 =	sand.u32 $0x3F80, s7  }
0x74: {  	v0 =	vld [tilespmem:s26+$0x138E8];
	_ =	sdelay $0x4  }
0x75: {  	v1 =	vand.u32 $0xFFFF, v0  }
0x76: {  	v0 =	vshra.s32 v0, $0x10;
	[tilespmem:$0x17A40] =	vst v1  }
0x77: {  	[tilespmem:$0x17E40] =	vst v0  }
0x78: {  	v0 =	vld [tilespmem:s26+$0x138F8];
	_ =	sdelay $0x4  }
0x79: {  	v1 =	vand.u32 $0xFFFF, v0  }
0x7a: {  	v0 =	vshra.s32 v0, $0x10;
	[tilespmem:$0x17A50] =	vst v1  }
0x7b: {  	[tilespmem:$0x17E50] =	vst v0  }
0x7c: {  	v0 =	vld [tilespmem:s26+$0x13900];
	_ =	sdelay $0x4  }
0x7d: {  	v1 =	vand.u32 $0xFFFF, v0  }
0x7e: {  	v0 =	vshra.s32 v0, $0x10;
	[tilespmem:$0x17A58] =	vst v1  }
0x7f: {  	s28 =	simm.s32 $0x17A40;
	[tilespmem:$0x17E58] =	vst v0  }
0x80: {  	[tilespmem:s24], [sflag:$0x4] =	stream.indirect.gather [hbm4b:s0+s23], $0x80, s28, s23, $0xb8;
	[tilespmem:$0x1FCC0] =	vst v63  }
0x81: {  	_ =	swait.ge [sflag:s8], $0x1400  }
0x82: {  	[sflag:s8] =	ssyncset.done $0x0  }
0x83: {  	[sflag:s8] =	ssyncadd.s32 $0xFFFFEC00  }
0x84: {  	_ =	swait.ge [sflag:s9], $0x1400  }
0x85: {  	[sflag:s9] =	ssyncset.done $0x0  }
0x86: {  	s24 =	simm.s32 $0x18540;
	[sflag:s9] =	ssyncadd.s32 $0xFFFFEC00  }
0x87: {  	s20 =	simm.s32 $0x1D540;
	v0 =	vld [tilespmem:s24+$0x0]  }
0x88: {  	v1 =	vld [tilespmem:s20+$0x0];
	_ =	sdelay $0x4  }
0x89: {  	v0 =	vadd.f32 v1, v0;
	_ =	sdelay $0x1  }
0x8a: {  	v0 =	vmax.f32 v0, $0.0e+00  }
0x8b: {  	[tilespmem:s24+$0x0] =	vst v0;
	v0 =	vld [tilespmem:s24+$0x10]  }
0x8c: {  	v1 =	vld [tilespmem:s20+$0x10];
	_ =	sdelay $0x3  }
0x8d: {  	v2 =	vld [tilespmem:s24+$0xFFFFFF80]  }
0x8e: {  	v0 =	vadd.f32 v1, v0;
	v1 =	vld [tilespmem:s20+$0xFFFFFF80];
	_ =	sdelay $0x1  }
0x8f: {  	v0 =	vmax.f32 v0, $0.0e+00  }
0x90: {  	[tilespmem:s24+$0x10] =	vst v0;
	v0 =	vld [tilespmem:s24+$0x20]  }
0x91: {  	v3 =	vld [tilespmem:s20+$0x20]  }
0x92: {  	s11 =	simm.s32 $0x18640;
	v4 =	vld [tilespmem:s24+$0xFFFFFFA0];
	v1 =	vadd.f32 v1, v2  }
0x93: {  	v6 =	vld [tilespmem:s11+$0x0]  }
0x94: {  	v7 =	vld [tilespmem:s24+$0xFFFFFFC0];
	v1 =	vmax.f32 v1, $0.0e+00  }
0x95: {  	v2 =	vld [tilespmem:s24+$0xFFFFFF90];
	[tilespmem:s24+$0xFFFFFF80] =	vst v1  }
0x96: {  	v0 =	vadd.f32 v3, v0;
	v1 =	vld [tilespmem:s20+$0xFFFFFF90]  }
0x97: {  	v8 =	vld [tilespmem:s24+$0xFFFFFFD0]  }
0x98: {  	v9 =	vld [tilespmem:s24+$0x40];
	v0 =	vmax.f32 v0, $0.0e+00  }
0x99: {  	[tilespmem:s24+$0x20] =	vst v0;
	v0 =	vld [tilespmem:s24+$0x30]  }
0x9a: {  	v5 =	vld [tilespmem:s20+$0x30]  }
0x9b: {  	s26 =	simm.s32 $0x1D640;
	v10 =	vld [tilespmem:s11+$0x10];
	v1 =	vadd.f32 v1, v2  }
0x9c: {  	v2 =	vld [tilespmem:s26+$0x0]  }
0x9d: {  	s15 =	simm.s32 $0x1D740;
	v12 =	vld [tilespmem:s24+$0xFFFFFFE0];
	v1 =	vmax.f32 v1, $0.0e+00  }
0x9e: {  	v16 =	vld [tilespmem:s15+$0xFFFFFF80];
	[tilespmem:s24+$0xFFFFFF90] =	vst v1  }
0x9f: {  	v0 =	vadd.f32 v5, v0;
	v1 =	vld [tilespmem:s20+$0xFFFFFFA0]  }
0xa0: {  	v5 =	vld [tilespmem:s26+$0xFFFFFF80]  }
0xa1: {  	s7 =	simm.s32 $0x18740;
	v2 =	vadd.f32 v2, v6;
	v6 =	vld [tilespmem:s11+$0xFFFFFF80];
	v0 =	vmax.f32 v0, $0.0e+00  }
0xa2: {  	v17 =	vld [tilespmem:s7+$0xFFFFFF80];
	[tilespmem:s24+$0x30] =	vst v0  }
0xa3: {  	v0 =	vmax.f32 v2, $0.0e+00;
	v2 =	vld [tilespmem:s20+$0x40]  }
0xa4: {  	v18 =	vld [tilespmem:s7+$0xFFFFFF90];
	[tilespmem:s11+$0x0] =	vst v0  }
0xa5: {  	v11 =	vld [tilespmem:s26+$0x10];
	v1 =	vadd.f32 v1, v4  }
0xa6: {  	v19 =	vld [tilespmem:s11+$0x60];
	v4 =	vadd.f32 v5, v6  }
0xa7: {  	v3 =	vld [tilespmem:s24+$0xFFFFFFB0];
	v1 =	vmax.f32 v1, $0.0e+00  }
0xa8: {  	v5 =	vld [tilespmem:s11+$0xFFFFFF90];
	[tilespmem:s24+$0xFFFFFFA0] =	vst v1;
	v1 =	vmax.f32 v4, $0.0e+00;
	v2 =	vadd.f32 v2, v9  }
0xa9: {  	v4 =	vld [tilespmem:s20+$0xFFFFFFB0];
	[tilespmem:s11+$0xFFFFFF80] =	vst v1  }
0xaa: {  	v9 =	vld [tilespmem:s26+$0xFFFFFF90];
	v1 =	vmax.f32 v2, $0.0e+00;
	v2 =	vadd.f32 v11, v10  }
0xab: {  	v11 =	vld [tilespmem:s11+$0x20]  }
0xac: {  	[tilespmem:s24+$0x40] =	vst v1;
	v1 =	vld [tilespmem:s24+$0x50];
	v2 =	vmax.f32 v2, $0.0e+00  }
0xad: {  	v10 =	vld [tilespmem:s20+$0x50];
	[tilespmem:s11+$0x10] =	vst v2  }
0xae: {  	v2 =	vadd.f32 v4, v3;
	v13 =	vld [tilespmem:s26+$0x20]  }
0xaf: {  	v0 =	vld [tilespmem:s24+$0xFFFFFFF0]  }
0xb0: {  	v6 =	vld [tilespmem:s11+$0xFFFFFFA0];
	v3 =	vadd.f32 v9, v5;
	v9 =	vmax.f32 v2, $0.0e+00  }
0xb1: {  	v4 =	vld [tilespmem:s11+$0xFFFFFFB0];
	[tilespmem:s24+$0xFFFFFFB0] =	vst v9  }
0xb2: {  	v1 =	vadd.f32 v10, v1;
	v10 =	vld [tilespmem:s20+$0xFFFFFFC0]  }
0xb3: {  	v5 =	vld [tilespmem:s11+$0xFFFFFFC0];
	v3 =	vmax.f32 v3, $0.0e+00;
	v9 =	vadd.f32 v13, v11  }
0xb4: {  	v2 =	vld [tilespmem:s11+$0xFFFFFFD0];
	[tilespmem:s11+$0xFFFFFF90] =	vst v3;
	v1 =	vmax.f32 v1, $0.0e+00  }
0xb5: {  	v3 =	vld [tilespmem:s11+$0xFFFFFFE0];
	[tilespmem:s24+$0x50] =	vst v1;
	v1 =	vmax.f32 v9, $0.0e+00  }
0xb6: {  	v13 =	vld [tilespmem:s11+$0x30];
	[tilespmem:s11+$0x20] =	vst v1  }
0xb7: {  	v7 =	vadd.f32 v10, v7;
	v14 =	vld [tilespmem:s26+$0x30]  }
0xb8: {  	v11 =	vld [tilespmem:s26+$0xFFFFFFA0]  }
0xb9: {  	v10 =	vld [tilespmem:s7+$0x0];
	v7 =	vmax.f32 v7, $0.0e+00  }
0xba: {  	[tilespmem:s24+$0xFFFFFFC0] =	vst v7;
	v7 =	vld [tilespmem:s15+$0x0]  }
0xbb: {  	v9 =	vld [tilespmem:s24+$0x60]  }
0xbc: {  	v15 =	vld [tilespmem:s20+$0x60];
	v13 =	vadd.f32 v14, v13  }
0xbd: {  	v1 =	vld [tilespmem:s11+$0xFFFFFFF0]  }
0xbe: {  	v6 =	vadd.f32 v11, v6;
	v14 =	vld [tilespmem:s20+$0xFFFFFFD0];
	v13 =	vmax.f32 v13, $0.0e+00  }
0xbf: {  	v11 =	vld [tilespmem:s11+$0x40];
	v7 =	vadd.f32 v7, v10;
	[tilespmem:s11+$0x30] =	vst v13  }
0xc0: {  	v6 =	vmax.f32 v6, $0.0e+00;
	v13 =	vld [tilespmem:s26+$0x40]  }
0xc1: {  	[tilespmem:s11+$0xFFFFFFA0] =	vst v6;
	v10 =	vld [tilespmem:s24+$0x70];
	v6 =	vmax.f32 v7, $0.0e+00;
	v7 =	vadd.f32 v15, v9  }
0xc2: {  	v9 =	vld [tilespmem:s26+$0xFFFFFFB0];
	[tilespmem:s7+$0x0] =	vst v6;
	v6 =	vadd.f32 v16, v17  }
0xc3: {  	v15 =	vld [tilespmem:s7+$0x10];
	v8 =	vadd.f32 v14, v8;
	v7 =	vmax.f32 v7, $0.0e+00  }
0xc4: {  	v60 =	vld [tilespmem:s15+$0x10];
	[tilespmem:s24+$0x60] =	vst v7;
	v6 =	vmax.f32 v6, $0.0e+00  }
0xc5: {  	v8 =	vmax.f32 v8, $0.0e+00;
	v61 =	vld [tilespmem:s20+$0x70];
	[tilespmem:s7+$0xFFFFFF80] =	vst v6;
	v11 =	vadd.f32 v13, v11  }
0xc6: {  	[tilespmem:s24+$0xFFFFFFD0] =	vst v8;
	v8 =	vld [tilespmem:s7+$0xFFFFFFD0]  }
0xc7: {  	v7 =	vld [tilespmem:s15+$0xFFFFFF90];
	v6 =	vmax.f32 v11, $0.0e+00  }
0xc8: {  	v4 =	vadd.f32 v9, v4;
	v9 =	vld [tilespmem:s11+$0x50];
	[tilespmem:s11+$0x40] =	vst v6  }
0xc9: {  	v11 =	vld [tilespmem:s26+$0x50]  }
0xca: {  	v13 =	vld [tilespmem:s7+$0xFFFFFFA0];
	v15 =	vadd.f32 v60, v15;
	v4 =	vmax.f32 v4, $0.0e+00  }
0xcb: {  	v6 =	vld [tilespmem:s7+$0xFFFFFFB0];
	[tilespmem:s11+$0xFFFFFFB0] =	vst v4  }
0xcc: {  	v15 =	vmax.f32 v15, $0.0e+00;
	v14 =	vld [tilespmem:s26+$0xFFFFFFC0];
	v7 =	vadd.f32 v7, v18  }
0xcd: {  	[tilespmem:s7+$0x10] =	vst v15;
	v15 =	vld [tilespmem:s7+$0x20]  }
0xce: {  	v62 =	vld [tilespmem:s15+$0x20];
	v7 =	vmax.f32 v7, $0.0e+00;
	v9 =	vadd.f32 v11, v9  }
0xcf: {  	[tilespmem:s7+$0xFFFFFF90] =	vst v7;
	v7 =	vld [tilespmem:s20+$0xFFFFFFE0]  }
0xd0: {  	v4 =	vld [tilespmem:s7+$0xFFFFFFC0];
	v9 =	vmax.f32 v9, $0.0e+00  }
0xd1: {  	v63 =	vld [tilespmem:s15+$0xFFFFFFA0];
	[tilespmem:s11+$0x50] =	vst v9;
	v9 =	vadd.f32 v14, v5  }
0xd2: {  	v20 =	vld [tilespmem:s26+$0x60]  }
0xd3: {  	v11 =	vadd.f32 v62, v15;
	v5 =	vld [tilespmem:s7+$0xFFFFFFE0];
	v9 =	vmax.f32 v9, $0.0e+00  }
0xd4: {  	[tilespmem:s11+$0xFFFFFFC0] =	vst v9;
	v9 =	vadd.f32 v7, v12;
	v7 =	vld [tilespmem:s7+$0xFFFFFFF0]  }
0xd5: {  	v10 =	vadd.f32 v61, v10;
	v12 =	vmax.f32 v11, $0.0e+00;
	v11 =	vld [tilespmem:s26+$0xFFFFFFD0]  }
0xd6: {  	v13 =	vadd.f32 v63, v13;
	[tilespmem:s7+$0x20] =	vst v12;
	v12 =	vld [tilespmem:s7+$0x30];
	v9 =	vmax.f32 v9, $0.0e+00  }
0xd7: {  	v10 =	vmax.f32 v10, $0.0e+00;
	v14 =	vld [tilespmem:s15+$0x30];
	v15 =	vadd.f32 v20, v19;
	[tilespmem:s24+$0xFFFFFFE0] =	vst v9  }
0xd8: {  	[tilespmem:s24+$0x70] =	vst v10;
	v9 =	vmax.f32 v13, $0.0e+00;
	v10 =	vld [tilespmem:s20+$0xFFFFFFF0]  }
0xd9: {  	s21 =	simm.s32 $0x4;
	s2 =	simm.s32 $0x18840;
	[tilespmem:s7+$0xFFFFFFA0] =	vst v9;
	v9 =	vld [tilespmem:s11+$0x70];
	s20 =	simm.s32 $0x1D740;
	v13 =	vmax.f32 v15, $0.0e+00  }
.LBB2_3:
0xda: {  	v15 =	vld [tilespmem:s2+$0x0];
	v11 =	vadd.f32 v11, v2;
	[tilespmem:s11+$0x60] =	vst v13;
	v2 =	vmov v8  }
0xdb: {  	s15 =	sadd.s32 $0x100, s15;
	v8 =	vld [tilespmem:s26+$0x70]  }
0xdc: {  	s21 =	sadd.s32 $0x2, s21;
	v13 =	vld [tilespmem:s15+$0x0];
	v12 =	vadd.f32 v14, v12;
	v11 =	vmax.f32 v11, $0.0e+00  }
0xdd: {  	p1 =	slt.u32 s21, $0x26;
	v14 =	vld [tilespmem:s15+$0xFFFFFF80];
	[tilespmem:s11+$0xFFFFFFD0] =	vst v11;
	v10 =	vadd.f32 v10, v0;
	v0 =	vmov v1;
	v1 =	vmov v7  }
0xde: {  	v7 =	vld [tilespmem:s2+$0xFFFFFF80];
	v11 =	vmax.f32 v12, $0.0e+00  }
0xdf: {  	[tilespmem:s7+$0x30] =	vst v11;
	v11 =	vld [tilespmem:s7+$0x40];
	v10 =	vmax.f32 v10, $0.0e+00  }
0xe0: {  	v12 =	vld [tilespmem:s20+$0x40];
	v8 =	vadd.f32 v8, v9;
	[tilespmem:s24+$0xFFFFFFF0] =	vst v10;
	s24 =	smov.u32 s11;
	s11 =	smov.u32 s7;
	s7 =	smov.u32 s2  }
0xe1: {  	v9 =	vld [tilespmem:s2+$0xFFFFFF90];
	v10 =	vadd.f32 v13, v15  }
0xe2: {  	v13 =	vld [tilespmem:s2+$0xFFFFFFA0];
	v8 =	vmax.f32 v8, $0.0e+00  }
0xe3: {  	v7 =	vadd.f32 v14, v7;
	v10 =	vmax.f32 v10, $0.0e+00;
	v14 =	vld [tilespmem:s20+$0xFFFFFFB0];
	[tilespmem:s24+$0x70] =	vst v8  }
0xe4: {  	[tilespmem:s2+$0x0] =	vst v10;
	v8 =	vld [tilespmem:s2+$0x10]  }
0xe5: {  	v7 =	vmax.f32 v7, $0.0e+00;
	v10 =	vld [tilespmem:s15+$0x10];
	v11 =	vadd.f32 v12, v11  }
0xe6: {  	[tilespmem:s2+$0xFFFFFF80] =	vst v7;
	v7 =	vld [tilespmem:s2+$0xFFFFFFB0]  }
0xe7: {  	v12 =	vld [tilespmem:s15+$0xFFFFFF90];
	v11 =	vmax.f32 v11, $0.0e+00  }
0xe8: {  	v17 =	vadd.f32 v14, v6;
	[tilespmem:s11+$0x40] =	vst v11;
	v11 =	vld [tilespmem:s11+$0x50]  }
0xe9: {  	v14 =	vld [tilespmem:s20+$0x50]  }
0xea: {  	v15 =	vld [tilespmem:s2+$0xFFFFFFC0];
	v10 =	vadd.f32 v10, v8;
	v16 =	vmax.f32 v17, $0.0e+00  }
0xeb: {  	v8 =	vld [tilespmem:s2+$0xFFFFFFD0];
	[tilespmem:s11+$0xFFFFFFB0] =	vst v16;
	v6 =	vmov v7  }
0xec: {  	v7 =	vadd.f32 v12, v9;
	v9 =	vmax.f32 v10, $0.0e+00;
	v10 =	vld [tilespmem:s20+$0xFFFFFFC0]  }
0xed: {  	[tilespmem:s2+$0x10] =	vst v9;
	v9 =	vld [tilespmem:s2+$0x20]  }
0xee: {  	v7 =	vmax.f32 v7, $0.0e+00;
	v12 =	vld [tilespmem:s15+$0x20];
	v11 =	vadd.f32 v14, v11  }
0xef: {  	[tilespmem:s2+$0xFFFFFF90] =	vst v7;
	v14 =	vld [tilespmem:s26+$0xFFFFFFE0]  }
0xf0: {  	v16 =	vld [tilespmem:s15+$0xFFFFFFA0];
	v7 =	vmax.f32 v11, $0.0e+00  }
0xf1: {  	v10 =	vadd.f32 v10, v4;
	[tilespmem:s11+$0x50] =	vst v7;
	v17 =	vld [tilespmem:s11+$0x60];
	v4 =	vmov v15  }
0xf2: {  	v15 =	vld [tilespmem:s20+$0x60]  }
0xf3: {  	v18 =	vld [tilespmem:s2+$0xFFFFFFE0];
	v9 =	vadd.f32 v12, v9;
	v10 =	vmax.f32 v10, $0.0e+00  }
0xf4: {  	v7 =	vld [tilespmem:s2+$0xFFFFFFF0];
	[tilespmem:s11+$0xFFFFFFC0] =	vst v10;
	v10 =	vadd.f32 v14, v3;
	v3 =	vmov v5  }
.Ltmp2:
0xf5: {  	v19 =	vadd.f32 v16, v13;
	v9 =	vmax.f32 v9, $0.0e+00;
	v11 =	vld [tilespmem:s20+$0xFFFFFFD0];
	(pc) =	sbr.rel @p1 .LBB2_3-.Ltmp2, $4  }
0xf6: {  	[tilespmem:s2+$0x20] =	vst v9;
	v12 =	vld [tilespmem:s2+$0x30];
	v9 =	vmax.f32 v10, $0.0e+00  }
0xf7: {  	v16 =	vmax.f32 v19, $0.0e+00;
	v14 =	vld [tilespmem:s15+$0x30];
	v13 =	vadd.f32 v15, v17;
	[tilespmem:s24+$0xFFFFFFE0] =	vst v9  }
0xf8: {  	[tilespmem:s2+$0xFFFFFFA0] =	vst v16;
	v10 =	vld [tilespmem:s26+$0xFFFFFFF0];
	v5 =	vmov v18;
	s26 =	smov.u32 s20;
	s20 =	smov.u32 s15  }
0xf9: {  	s2 =	sadd.s32 $0x100, s2;
	v13 =	vmax.f32 v13, $0.0e+00;
	v9 =	vld [tilespmem:s11+$0x70]  }
0xfa: {  	v15 =	vld [tilespmem:s20+$0xFFFFFFB0];
	_ =	sdelay $0x2  }
0xfb: {  	v12 =	vadd.f32 v14, v12;
	_ =	sdelay $0x1  }
0xfc: {  	v12 =	vmax.f32 v12, $0.0e+00;
	v6 =	vadd.f32 v15, v6  }
0xfd: {  	[tilespmem:s7+$0x30] =	vst v12;
	v12 =	vld [tilespmem:s7+$0x40]  }
0xfe: {  	v14 =	vld [tilespmem:s20+$0x40];
	v6 =	vmax.f32 v6, $0.0e+00  }
0xff: {  	[tilespmem:s7+$0xFFFFFFB0] =	vst v6  }
0x100: {  	v6 =	vld [tilespmem:s20+$0xFFFFFFC0];
	_ =	sdelay $0x2  }
0x101: {  	v12 =	vadd.f32 v14, v12;
	_ =	sdelay $0x1  }
0x102: {  	v12 =	vmax.f32 v12, $0.0e+00;
	v4 =	vadd.f32 v6, v4  }
0x103: {  	[tilespmem:s7+$0x40] =	vst v12;
	v6 =	vld [tilespmem:s7+$0x50]  }
0x104: {  	v12 =	vld [tilespmem:s20+$0x50];
	v4 =	vmax.f32 v4, $0.0e+00  }
0x105: {  	[tilespmem:s7+$0xFFFFFFC0] =	vst v4  }
0x106: {  	v4 =	vld [tilespmem:s20+$0xFFFFFFD0]  }
0x107: {  	v2 =	vadd.f32 v11, v2;
	_ =	sdelay $0x1  }
0x108: {  	v2 =	vmax.f32 v2, $0.0e+00;
	v6 =	vadd.f32 v12, v6  }
0x109: {  	[tilespmem:s11+$0xFFFFFFD0] =	vst v2  }
0x10a: {  	v2 =	vmax.f32 v6, $0.0e+00;
	v6 =	vld [tilespmem:s26+$0xFFFFFFE0];
	v4 =	vadd.f32 v4, v8;
	_ =	sdelay $0x1  }
0x10b: {  	[tilespmem:s7+$0x50] =	vst v2;
	v2 =	vld [tilespmem:s7+$0x60];
	v4 =	vmax.f32 v4, $0.0e+00  }
0x10c: {  	v8 =	vld [tilespmem:s20+$0x60];
	[tilespmem:s7+$0xFFFFFFD0] =	vst v4  }
0x10d: {  	v4 =	vld [tilespmem:s20+$0xFFFFFFE0]  }
0x10e: {  	v3 =	vadd.f32 v6, v3;
	_ =	sdelay $0x1  }
0x10f: {  	[tilespmem:s11+$0x60] =	vst v13;
	v3 =	vmax.f32 v3, $0.0e+00  }
0x110: {  	v6 =	vld [tilespmem:s26+$0x70];
	v2 =	vadd.f32 v8, v2;
	[tilespmem:s11+$0xFFFFFFE0] =	vst v3  }
0x111: {  	v4 =	vadd.f32 v4, v5;
	v5 =	vld [tilespmem:s26+$0xFFFFFFF0]  }
0x112: {  	v2 =	vmax.f32 v2, $0.0e+00  }
0x113: {  	v3 =	vld [tilespmem:s7+$0x70];
	[tilespmem:s7+$0x60] =	vst v2;
	v2 =	vmax.f32 v4, $0.0e+00  }
0x114: {  	v0 =	vadd.f32 v10, v0;
	v4 =	vld [tilespmem:s20+$0x70];
	[tilespmem:s7+$0xFFFFFFE0] =	vst v2  }
0x115: {  	v6 =	vadd.f32 v6, v9;
	v2 =	vld [tilespmem:s20+$0xFFFFFFF0]  }
0x116: {  	v0 =	vmax.f32 v0, $0.0e+00;
	v1 =	vadd.f32 v5, v1  }
0x117: {  	[tilespmem:s24+$0xFFFFFFF0] =	vst v0;
	v0 =	vmax.f32 v6, $0.0e+00  }
0x118: {  	[tilespmem:s11+$0x70] =	vst v0;
	v0 =	vmax.f32 v1, $0.0e+00  }
0x119: {  	s2 =	smul.u32 $0x5000, s17;
	v3 =	vadd.f32 v4, v3;
	[tilespmem:s11+$0xFFFFFFF0] =	vst v0  }
0x11a: {  	v1 =	vadd.f32 v2, v7;
	s11 =	rddreg [dreg:$0x13]  }
0x11b: {  	v0 =	vmax.f32 v3, $0.0e+00;
	s2 =	sadd.s32 s11, s2  }
0x11c: {  	[tilespmem:s7+$0x70] =	vst v0;
	v0 =	vmax.f32 v1, $0.0e+00;
	s2 =	sshrl.u32 s2, $0x3  }
0x11d: {  	[tilespmem:s7+$0xFFFFFFF0] =	vst v0;
	s2 =	sadd.s32 s1, s2  }
0x11e: {  	[tilespmem:s31], [sflag:$0x9] =	stream.linear.gather [hbm4b:s2+s5], $0x1400, $0x38;
	[tilespmem:$0x1FCC0] =	vst v63  }
0x11f: {  	s20 =	simm.s32 $0x17CC0  }
0x120: {  	[spmem:s4] =	stream.indirect.scatter.add.f32 [tilespmem:s25], [sflag:$0x5], $0x80, s20, s23, $0xb8;
	[tilespmem:$0x1FCC0] =	vst v63  }
0x121: {  	s24 =	sadd.s32 $0x4, s22;
	_ =	swait.ge [sflag:s12], $0x1400  }
0x122: {  	s21 =	sshll.u32 s24, $0x6;
	[sflag:s12] =	ssyncset.done $0x0  }
0x123: {  	s2 =	sand.u32 $0x3FFFFFC0, s21;
	[sflag:s12] =	ssyncadd.s32 $0xFFFFEC00  }
0x124: {  	v0 =	vld [tilespmem:s2+$0x138C0];
	_ =	sdelay $0x4  }
0x125: {  	v1 =	vand.u32 $0xFFFF, v0  }
0x126: {  	v0 =	vshra.s32 v0, $0x10;
	[tilespmem:$0x178C0] =	vst v1  }
0x127: {  	[tilespmem:$0x17CC0] =	vst v0  }
0x128: {  	v0 =	vld [tilespmem:s2+$0x138D0];
	_ =	sdelay $0x4  }
0x129: {  	v1 =	vand.u32 $0xFFFF, v0  }
0x12a: {  	v0 =	vshra.s32 v0, $0x10;
	[tilespmem:$0x178D0] =	vst v1  }
0x12b: {  	[tilespmem:$0x17CD0] =	vst v0  }
0x12c: {  	v0 =	vld [tilespmem:s2+$0x138D8];
	_ =	sdelay $0x4  }
0x12d: {  	v1 =	vand.u32 $0xFFFF, v0  }
0x12e: {  	v0 =	vshra.s32 v0, $0x10;
	[tilespmem:$0x178D8] =	vst v1  }
0x12f: {  	s26 =	simm.s32 $0x178C0;
	[tilespmem:$0x17CD8] =	vst v0  }
0x130: {  	[tilespmem:s25], [sflag:$0x1] =	stream.indirect.gather [hbm4b:s0+s23], $0x80, s26, s23, $0xb8;
	[tilespmem:$0x1FCC0] =	vst v63  }
0x131: {  	_ =	swait.ge [sflag:s13], $0x1400  }
0x132: {  	[sflag:s13] =	ssyncset.done $0x0  }
0x133: {  	[sflag:s13] =	ssyncadd.s32 $0xFFFFEC00  }
0x134: {  	_ =	swait.ge [sflag:s14], $0x1400  }
0x135: {  	[sflag:s14] =	ssyncset.done $0x0  }
0x136: {  	s26 =	simm.s32 $0x199B0;
	[sflag:s14] =	ssyncadd.s32 $0xFFFFEC00  }
0x137: {  	s21 =	simm.s32 $0x1E9B0;
	v0 =	vld [tilespmem:s26+$0xFFFFFF90]  }
0x138: {  	v1 =	vld [tilespmem:s21+$0xFFFFFF90];
	_ =	sdelay $0x4  }
0x139: {  	v0 =	vadd.f32 v1, v0;
	_ =	sdelay $0x1  }
0x13a: {  	v0 =	vmax.f32 v0, $0.0e+00  }
0x13b: {  	[tilespmem:s26+$0xFFFFFF90] =	vst v0;
	v0 =	vld [tilespmem:s26+$0xFFFFFFA0]  }
0x13c: {  	v1 =	vld [tilespmem:s21+$0xFFFFFFA0];
	_ =	sdelay $0x3  }
0x13d: {  	v2 =	vld [tilespmem:s26+$0xFFFFFF10]  }
0x13e: {  	v0 =	vadd.f32 v1, v0;
	v1 =	vld [tilespmem:s21+$0xFFFFFF10];
	_ =	sdelay $0x1  }
0x13f: {  	v0 =	vmax.f32 v0, $0.0e+00  }
0x140: {  	[tilespmem:s26+$0xFFFFFFA0] =	vst v0;
	v0 =	vld [tilespmem:s26+$0xFFFFFFB0]  }
0x141: {  	v3 =	vld [tilespmem:s21+$0xFFFFFFB0]  }
0x142: {  	s11 =	simm.s32 $0x19AB0;
	v4 =	vld [tilespmem:s26+$0xFFFFFF30];
	v1 =	vadd.f32 v1, v2  }
0x143: {  	v6 =	vld [tilespmem:s11+$0xFFFFFF90]  }
0x144: {  	v7 =	vld [tilespmem:s26+$0xFFFFFF50];
	v1 =	vmax.f32 v1, $0.0e+00  }
0x145: {  	v2 =	vld [tilespmem:s26+$0xFFFFFF20];
	[tilespmem:s26+$0xFFFFFF10] =	vst v1  }
0x146: {  	v0 =	vadd.f32 v3, v0;
	v1 =	vld [tilespmem:s21+$0xFFFFFF20]  }
0x147: {  	v8 =	vld [tilespmem:s26+$0xFFFFFF60]  }
0x148: {  	v9 =	vld [tilespmem:s26+$0xFFFFFFD0];
	v0 =	vmax.f32 v0, $0.0e+00  }
0x149: {  	[tilespmem:s26+$0xFFFFFFB0] =	vst v0;
	v0 =	vld [tilespmem:s26+$0xFFFFFFC0]  }
0x14a: {  	v5 =	vld [tilespmem:s21+$0xFFFFFFC0]  }
0x14b: {  	s15 =	simm.s32 $0x1EAB0;
	v10 =	vld [tilespmem:s11+$0xFFFFFFA0];
	v1 =	vadd.f32 v1, v2  }
0x14c: {  	v2 =	vld [tilespmem:s15+$0xFFFFFF90]  }
0x14d: {  	s20 =	simm.s32 $0x1EBB0;
	v12 =	vld [tilespmem:s26+$0xFFFFFF70];
	v1 =	vmax.f32 v1, $0.0e+00  }
0x14e: {  	v16 =	vld [tilespmem:s20+$0xFFFFFF10];
	[tilespmem:s26+$0xFFFFFF20] =	vst v1  }
0x14f: {  	v0 =	vadd.f32 v5, v0;
	v1 =	vld [tilespmem:s21+$0xFFFFFF30]  }
0x150: {  	v5 =	vld [tilespmem:s15+$0xFFFFFF10]  }
0x151: {  	s7 =	simm.s32 $0x19BB0;
	v2 =	vadd.f32 v2, v6;
	v6 =	vld [tilespmem:s11+$0xFFFFFF10];
	v0 =	vmax.f32 v0, $0.0e+00  }
0x152: {  	v17 =	vld [tilespmem:s7+$0xFFFFFF10];
	[tilespmem:s26+$0xFFFFFFC0] =	vst v0  }
0x153: {  	v0 =	vmax.f32 v2, $0.0e+00;
	v2 =	vld [tilespmem:s21+$0xFFFFFFD0]  }
0x154: {  	v18 =	vld [tilespmem:s7+$0xFFFFFF20];
	[tilespmem:s11+$0xFFFFFF90] =	vst v0  }
0x155: {  	v11 =	vld [tilespmem:s15+$0xFFFFFFA0];
	v1 =	vadd.f32 v1, v4  }
0x156: {  	v19 =	vld [tilespmem:s11+$0xFFFFFFF0];
	v4 =	vadd.f32 v5, v6  }
0x157: {  	v3 =	vld [tilespmem:s26+$0xFFFFFF40];
	v1 =	vmax.f32 v1, $0.0e+00  }
0x158: {  	v5 =	vld [tilespmem:s11+$0xFFFFFF20];
	[tilespmem:s26+$0xFFFFFF30] =	vst v1;
	v1 =	vmax.f32 v4, $0.0e+00;
	v2 =	vadd.f32 v2, v9  }
0x159: {  	v4 =	vld [tilespmem:s21+$0xFFFFFF40];
	[tilespmem:s11+$0xFFFFFF10] =	vst v1  }
0x15a: {  	v9 =	vld [tilespmem:s15+$0xFFFFFF20];
	v1 =	vmax.f32 v2, $0.0e+00;
	v2 =	vadd.f32 v11, v10  }
0x15b: {  	v11 =	vld [tilespmem:s11+$0xFFFFFFB0]  }
0x15c: {  	[tilespmem:s26+$0xFFFFFFD0] =	vst v1;
	v1 =	vld [tilespmem:s26+$0xFFFFFFE0];
	v2 =	vmax.f32 v2, $0.0e+00  }
0x15d: {  	v10 =	vld [tilespmem:s21+$0xFFFFFFE0];
	[tilespmem:s11+$0xFFFFFFA0] =	vst v2  }
0x15e: {  	v2 =	vadd.f32 v4, v3;
	v13 =	vld [tilespmem:s15+$0xFFFFFFB0]  }
0x15f: {  	v0 =	vld [tilespmem:s26+$0xFFFFFF80]  }
0x160: {  	v6 =	vld [tilespmem:s11+$0xFFFFFF30];
	v3 =	vadd.f32 v9, v5;
	v9 =	vmax.f32 v2, $0.0e+00  }
0x161: {  	v4 =	vld [tilespmem:s11+$0xFFFFFF40];
	[tilespmem:s26+$0xFFFFFF40] =	vst v9  }
0x162: {  	v1 =	vadd.f32 v10, v1;
	v10 =	vld [tilespmem:s21+$0xFFFFFF50]  }
0x163: {  	v5 =	vld [tilespmem:s11+$0xFFFFFF50];
	v3 =	vmax.f32 v3, $0.0e+00;
	v9 =	vadd.f32 v13, v11  }
0x164: {  	v2 =	vld [tilespmem:s11+$0xFFFFFF60];
	[tilespmem:s11+$0xFFFFFF20] =	vst v3;
	v1 =	vmax.f32 v1, $0.0e+00  }
0x165: {  	v3 =	vld [tilespmem:s11+$0xFFFFFF70];
	[tilespmem:s26+$0xFFFFFFE0] =	vst v1;
	v1 =	vmax.f32 v9, $0.0e+00  }
0x166: {  	v13 =	vld [tilespmem:s11+$0xFFFFFFC0];
	[tilespmem:s11+$0xFFFFFFB0] =	vst v1  }
0x167: {  	v7 =	vadd.f32 v10, v7;
	v14 =	vld [tilespmem:s15+$0xFFFFFFC0]  }
0x168: {  	v11 =	vld [tilespmem:s15+$0xFFFFFF30]  }
0x169: {  	v10 =	vld [tilespmem:s7+$0xFFFFFF90];
	v7 =	vmax.f32 v7, $0.0e+00  }
0x16a: {  	[tilespmem:s26+$0xFFFFFF50] =	vst v7;
	v7 =	vld [tilespmem:s20+$0xFFFFFF90]  }
0x16b: {  	v9 =	vld [tilespmem:s26+$0xFFFFFFF0]  }
0x16c: {  	v15 =	vld [tilespmem:s21+$0xFFFFFFF0];
	v13 =	vadd.f32 v14, v13  }
0x16d: {  	v1 =	vld [tilespmem:s11+$0xFFFFFF80]  }
0x16e: {  	v6 =	vadd.f32 v11, v6;
	v14 =	vld [tilespmem:s21+$0xFFFFFF60];
	v13 =	vmax.f32 v13, $0.0e+00  }
0x16f: {  	v11 =	vld [tilespmem:s11+$0xFFFFFFD0];
	v7 =	vadd.f32 v7, v10;
	[tilespmem:s11+$0xFFFFFFC0] =	vst v13  }
0x170: {  	v6 =	vmax.f32 v6, $0.0e+00;
	v13 =	vld [tilespmem:s15+$0xFFFFFFD0]  }
0x171: {  	[tilespmem:s11+$0xFFFFFF30] =	vst v6;
	v10 =	vld [tilespmem:s26+$0x0];
	v6 =	vmax.f32 v7, $0.0e+00;
	v7 =	vadd.f32 v15, v9  }
0x172: {  	v9 =	vld [tilespmem:s15+$0xFFFFFF40];
	[tilespmem:s7+$0xFFFFFF90] =	vst v6;
	v6 =	vadd.f32 v16, v17  }
0x173: {  	v15 =	vld [tilespmem:s7+$0xFFFFFFA0];
	v8 =	vadd.f32 v14, v8;
	v7 =	vmax.f32 v7, $0.0e+00  }
0x174: {  	v60 =	vld [tilespmem:s20+$0xFFFFFFA0];
	[tilespmem:s26+$0xFFFFFFF0] =	vst v7;
	v6 =	vmax.f32 v6, $0.0e+00  }
0x175: {  	v8 =	vmax.f32 v8, $0.0e+00;
	v61 =	vld [tilespmem:s21+$0x0];
	[tilespmem:s7+$0xFFFFFF10] =	vst v6;
	v11 =	vadd.f32 v13, v11  }
0x176: {  	[tilespmem:s26+$0xFFFFFF60] =	vst v8;
	v8 =	vld [tilespmem:s7+$0xFFFFFF60]  }
0x177: {  	v7 =	vld [tilespmem:s20+$0xFFFFFF20];
	v6 =	vmax.f32 v11, $0.0e+00  }
0x178: {  	v4 =	vadd.f32 v9, v4;
	v9 =	vld [tilespmem:s11+$0xFFFFFFE0];
	[tilespmem:s11+$0xFFFFFFD0] =	vst v6  }
0x179: {  	v11 =	vld [tilespmem:s15+$0xFFFFFFE0]  }
0x17a: {  	v13 =	vld [tilespmem:s7+$0xFFFFFF30];
	v15 =	vadd.f32 v60, v15;
	v4 =	vmax.f32 v4, $0.0e+00  }
0x17b: {  	v6 =	vld [tilespmem:s7+$0xFFFFFF40];
	[tilespmem:s11+$0xFFFFFF40] =	vst v4  }
0x17c: {  	v15 =	vmax.f32 v15, $0.0e+00;
	v14 =	vld [tilespmem:s15+$0xFFFFFF50];
	v7 =	vadd.f32 v7, v18  }
0x17d: {  	[tilespmem:s7+$0xFFFFFFA0] =	vst v15;
	v15 =	vld [tilespmem:s7+$0xFFFFFFB0]  }
0x17e: {  	v62 =	vld [tilespmem:s20+$0xFFFFFFB0];
	v7 =	vmax.f32 v7, $0.0e+00;
	v9 =	vadd.f32 v11, v9  }
0x17f: {  	[tilespmem:s7+$0xFFFFFF20] =	vst v7;
	v7 =	vld [tilespmem:s21+$0xFFFFFF70]  }
0x180: {  	v4 =	vld [tilespmem:s7+$0xFFFFFF50];
	v9 =	vmax.f32 v9, $0.0e+00  }
0x181: {  	v63 =	vld [tilespmem:s20+$0xFFFFFF30];
	[tilespmem:s11+$0xFFFFFFE0] =	vst v9;
	v9 =	vadd.f32 v14, v5  }
0x182: {  	v20 =	vld [tilespmem:s15+$0xFFFFFFF0]  }
0x183: {  	v11 =	vadd.f32 v62, v15;
	v5 =	vld [tilespmem:s7+$0xFFFFFF70];
	v9 =	vmax.f32 v9, $0.0e+00  }
0x184: {  	[tilespmem:s11+$0xFFFFFF50] =	vst v9;
	v9 =	vadd.f32 v7, v12;
	v7 =	vld [tilespmem:s7+$0xFFFFFF80]  }
0x185: {  	v10 =	vadd.f32 v61, v10;
	v12 =	vmax.f32 v11, $0.0e+00;
	v11 =	vld [tilespmem:s15+$0xFFFFFF60]  }
0x186: {  	v13 =	vadd.f32 v63, v13;
	[tilespmem:s7+$0xFFFFFFB0] =	vst v12;
	v12 =	vld [tilespmem:s7+$0xFFFFFFC0];
	v9 =	vmax.f32 v9, $0.0e+00  }
0x187: {  	v10 =	vmax.f32 v10, $0.0e+00;
	v14 =	vld [tilespmem:s20+$0xFFFFFFC0];
	v15 =	vadd.f32 v20, v19;
	[tilespmem:s26+$0xFFFFFF70] =	vst v9  }
0x188: {  	[tilespmem:s26+$0x0] =	vst v10;
	v9 =	vmax.f32 v13, $0.0e+00;
	v10 =	vld [tilespmem:s21+$0xFFFFFF80]  }
0x189: {  	s28 =	simm.s32 $0x19CB0;
	s2 =	simm.s32 $0x4;
	[tilespmem:s7+$0xFFFFFF30] =	vst v9;
	v9 =	vld [tilespmem:s11+$0x0];
	s21 =	simm.s32 $0x1EBB0;
	v13 =	vmax.f32 v15, $0.0e+00  }
.LBB2_5:
0x18a: {  	v15 =	vld [tilespmem:s28+$0xFFFFFF90];
	v11 =	vadd.f32 v11, v2;
	[tilespmem:s11+$0xFFFFFFF0] =	vst v13;
	v2 =	vmov v8  }
0x18b: {  	s20 =	sadd.s32 $0x100, s20;
	v8 =	vld [tilespmem:s15+$0x0]  }
0x18c: {  	s2 =	sadd.s32 $0x2, s2;
	v13 =	vld [tilespmem:s20+$0xFFFFFF90];
	v12 =	vadd.f32 v14, v12;
	v11 =	vmax.f32 v11, $0.0e+00  }
0x18d: {  	p1 =	slt.u32 s2, $0x26;
	v14 =	vld [tilespmem:s20+$0xFFFFFF10];
	[tilespmem:s11+$0xFFFFFF60] =	vst v11;
	v10 =	vadd.f32 v10, v0;
	v0 =	vmov v1;
	v1 =	vmov v7  }
0x18e: {  	v7 =	vld [tilespmem:s28+$0xFFFFFF10];
	v11 =	vmax.f32 v12, $0.0e+00  }
0x18f: {  	[tilespmem:s7+$0xFFFFFFC0] =	vst v11;
	v11 =	vld [tilespmem:s7+$0xFFFFFFD0];
	v10 =	vmax.f32 v10, $0.0e+00  }
0x190: {  	v12 =	vld [tilespmem:s21+$0xFFFFFFD0];
	v8 =	vadd.f32 v8, v9;
	[tilespmem:s26+$0xFFFFFF80] =	vst v10;
	s26 =	smov.u32 s11;
	s11 =	smov.u32 s7;
	s7 =	smov.u32 s28  }
0x191: {  	v9 =	vld [tilespmem:s28+$0xFFFFFF20];
	v10 =	vadd.f32 v13, v15  }
0x192: {  	v13 =	vld [tilespmem:s28+$0xFFFFFF30];
	v8 =	vmax.f32 v8, $0.0e+00  }
0x193: {  	v7 =	vadd.f32 v14, v7;
	v10 =	vmax.f32 v10, $0.0e+00;
	v14 =	vld [tilespmem:s21+$0xFFFFFF40];
	[tilespmem:s26+$0x0] =	vst v8  }
0x194: {  	[tilespmem:s28+$0xFFFFFF90] =	vst v10;
	v8 =	vld [tilespmem:s28+$0xFFFFFFA0]  }
0x195: {  	v7 =	vmax.f32 v7, $0.0e+00;
	v10 =	vld [tilespmem:s20+$0xFFFFFFA0];
	v11 =	vadd.f32 v12, v11  }
0x196: {  	[tilespmem:s28+$0xFFFFFF10] =	vst v7;
	v7 =	vld [tilespmem:s28+$0xFFFFFF40]  }
0x197: {  	v12 =	vld [tilespmem:s20+$0xFFFFFF20];
	v11 =	vmax.f32 v11, $0.0e+00  }
0x198: {  	v17 =	vadd.f32 v14, v6;
	[tilespmem:s11+$0xFFFFFFD0] =	vst v11;
	v11 =	vld [tilespmem:s11+$0xFFFFFFE0]  }
0x199: {  	v14 =	vld [tilespmem:s21+$0xFFFFFFE0]  }
0x19a: {  	v15 =	vld [tilespmem:s28+$0xFFFFFF50];
	v10 =	vadd.f32 v10, v8;
	v16 =	vmax.f32 v17, $0.0e+00  }
0x19b: {  	v8 =	vld [tilespmem:s28+$0xFFFFFF60];
	[tilespmem:s11+$0xFFFFFF40] =	vst v16;
	v6 =	vmov v7  }
0x19c: {  	v7 =	vadd.f32 v12, v9;
	v9 =	vmax.f32 v10, $0.0e+00;
	v10 =	vld [tilespmem:s21+$0xFFFFFF50]  }
0x19d: {  	[tilespmem:s28+$0xFFFFFFA0] =	vst v9;
	v9 =	vld [tilespmem:s28+$0xFFFFFFB0]  }
0x19e: {  	v7 =	vmax.f32 v7, $0.0e+00;
	v12 =	vld [tilespmem:s20+$0xFFFFFFB0];
	v11 =	vadd.f32 v14, v11  }
0x19f: {  	[tilespmem:s28+$0xFFFFFF20] =	vst v7;
	v14 =	vld [tilespmem:s15+$0xFFFFFF70]  }
0x1a0: {  	v16 =	vld [tilespmem:s20+$0xFFFFFF30];
	v7 =	vmax.f32 v11, $0.0e+00  }
0x1a1: {  	v10 =	vadd.f32 v10, v4;
	[tilespmem:s11+$0xFFFFFFE0] =	vst v7;
	v17 =	vld [tilespmem:s11+$0xFFFFFFF0];
	v4 =	vmov v15  }
0x1a2: {  	v15 =	vld [tilespmem:s21+$0xFFFFFFF0]  }
0x1a3: {  	v18 =	vld [tilespmem:s28+$0xFFFFFF70];
	v9 =	vadd.f32 v12, v9;
	v10 =	vmax.f32 v10, $0.0e+00  }
0x1a4: {  	v7 =	vld [tilespmem:s28+$0xFFFFFF80];
	[tilespmem:s11+$0xFFFFFF50] =	vst v10;
	v10 =	vadd.f32 v14, v3;
	v3 =	vmov v5  }
.Ltmp3:
0x1a5: {  	v19 =	vadd.f32 v16, v13;
	v9 =	vmax.f32 v9, $0.0e+00;
	v11 =	vld [tilespmem:s21+$0xFFFFFF60];
	(pc) =	sbr.rel @p1 .LBB2_5-.Ltmp3, $4  }
0x1a6: {  	[tilespmem:s28+$0xFFFFFFB0] =	vst v9;
	v12 =	vld [tilespmem:s28+$0xFFFFFFC0];
	v9 =	vmax.f32 v10, $0.0e+00  }
0x1a7: {  	v16 =	vmax.f32 v19, $0.0e+00;
	v14 =	vld [tilespmem:s20+$0xFFFFFFC0];
	v13 =	vadd.f32 v15, v17;
	[tilespmem:s26+$0xFFFFFF70] =	vst v9  }
0x1a8: {  	[tilespmem:s28+$0xFFFFFF30] =	vst v16;
	v10 =	vld [tilespmem:s15+$0xFFFFFF80];
	v5 =	vmov v18;
	s15 =	smov.u32 s21;
	s21 =	smov.u32 s20  }
0x1a9: {  	s28 =	sadd.s32 $0x100, s28;
	v13 =	vmax.f32 v13, $0.0e+00;
	v9 =	vld [tilespmem:s11+$0x0]  }
0x1aa: {  	v15 =	vld [tilespmem:s21+$0xFFFFFF40];
	_ =	sdelay $0x3  }
0x1ab: {  	v12 =	vadd.f32 v14, v12  }
0x1ac: {  	v6 =	vadd.f32 v15, v6  }
0x1ad: {  	v12 =	vmax.f32 v12, $0.0e+00  }
0x1ae: {  	[tilespmem:s7+$0xFFFFFFC0] =	vst v12;
	v12 =	vld [tilespmem:s7+$0xFFFFFFD0];
	v6 =	vmax.f32 v6, $0.0e+00  }
0x1af: {  	v14 =	vld [tilespmem:s21+$0xFFFFFFD0];
	[tilespmem:s7+$0xFFFFFF40] =	vst v6  }
0x1b0: {  	v6 =	vld [tilespmem:s21+$0xFFFFFF50];
	_ =	sdelay $0x3  }
0x1b1: {  	v12 =	vadd.f32 v14, v12  }
0x1b2: {  	v4 =	vadd.f32 v6, v4  }
0x1b3: {  	v12 =	vmax.f32 v12, $0.0e+00  }
0x1b4: {  	[tilespmem:s7+$0xFFFFFFD0] =	vst v12;
	v6 =	vld [tilespmem:s7+$0xFFFFFFE0];
	v4 =	vmax.f32 v4, $0.0e+00  }
0x1b5: {  	v12 =	vld [tilespmem:s21+$0xFFFFFFE0];
	[tilespmem:s7+$0xFFFFFF50] =	vst v4  }
0x1b6: {  	v4 =	vld [tilespmem:s21+$0xFFFFFF60];
	_ =	sdelay $0x1  }
0x1b7: {  	v2 =	vadd.f32 v11, v2;
	_ =	sdelay $0x1  }
0x1b8: {  	v2 =	vmax.f32 v2, $0.0e+00;
	v6 =	vadd.f32 v12, v6  }
0x1b9: {  	[tilespmem:s11+$0xFFFFFF60] =	vst v2;
	v4 =	vadd.f32 v4, v8  }
0x1ba: {  	v2 =	vmax.f32 v6, $0.0e+00;
	v6 =	vld [tilespmem:s15+$0xFFFFFF70]  }
0x1bb: {  	[tilespmem:s7+$0xFFFFFFE0] =	vst v2;
	v2 =	vld [tilespmem:s7+$0xFFFFFFF0];
	v4 =	vmax.f32 v4, $0.0e+00  }
0x1bc: {  	v8 =	vld [tilespmem:s21+$0xFFFFFFF0];
	[tilespmem:s7+$0xFFFFFF60] =	vst v4  }
0x1bd: {  	v4 =	vld [tilespmem:s21+$0xFFFFFF70];
	_ =	sdelay $0x2  }
0x1be: {  	v3 =	vadd.f32 v6, v3  }
0x1bf: {  	[tilespmem:s11+$0xFFFFFFF0] =	vst v13;
	v2 =	vadd.f32 v8, v2  }
0x1c0: {  	v6 =	vld [tilespmem:s15+$0x0];
	v3 =	vmax.f32 v3, $0.0e+00;
	v4 =	vadd.f32 v4, v5  }
0x1c1: {  	[tilespmem:s11+$0xFFFFFF70] =	vst v3;
	v3 =	vld [tilespmem:s7+$0x0];
	v2 =	vmax.f32 v2, $0.0e+00  }
0x1c2: {  	v5 =	vld [tilespmem:s15+$0xFFFFFF80];
	[tilespmem:s7+$0xFFFFFFF0] =	vst v2;
	v2 =	vmax.f32 v4, $0.0e+00  }
0x1c3: {  	v4 =	vld [tilespmem:s21+$0x0];
	[tilespmem:s7+$0xFFFFFF70] =	vst v2  }
0x1c4: {  	v2 =	vld [tilespmem:s21+$0xFFFFFF80]  }
0x1c5: {  	v0 =	vadd.f32 v10, v0  }
0x1c6: {  	v6 =	vadd.f32 v6, v9  }
0x1c7: {  	s2 =	sshrl.u32 s3, $0x1;
	v0 =	vmax.f32 v0, $0.0e+00;
	v1 =	vadd.f32 v5, v1  }
0x1c8: {  	s2 =	smul.u32 $0x2800, s2;
	[tilespmem:s26+$0xFFFFFF80] =	vst v0;
	v0 =	vmax.f32 v6, $0.0e+00;
	v3 =	vadd.f32 v4, v3  }
0x1c9: {  	[tilespmem:s11+$0x0] =	vst v0;
	v0 =	vmax.f32 v1, $0.0e+00;
	v1 =	vadd.f32 v2, v7  }
0x1ca: {  	s2 =	sadd.s32 s2, s10;
	[tilespmem:s11+$0xFFFFFF80] =	vst v0;
	v0 =	vmax.f32 v3, $0.0e+00  }
0x1cb: {  	s2 =	sshrl.u32 s2, $0x3;
	[tilespmem:s7+$0x0] =	vst v0;
	v0 =	vmax.f32 v1, $0.0e+00  }
0x1cc: {  	s2 =	sadd.s32 s1, s2;
	[tilespmem:s7+$0xFFFFFF80] =	vst v0;
	s7 =	simm.s32 $0x1E8C0  }
0x1cd: {  	[tilespmem:s7], [sflag:$0xA] =	stream.linear.gather [hbm4b:s2+s5], $0x1400, $0x38;
	[tilespmem:$0x1FCC0] =	vst v63  }
0x1ce: {  	s15 =	simm.s32 $0x17D40;
	s11 =	simm.s32 $0x198C0  }
0x1cf: {  	[spmem:s4] =	stream.indirect.scatter.add.f32 [tilespmem:s11], [sflag:$0x6], $0x80, s15, s23, $0xb8;
	[tilespmem:$0x1FCC0] =	vst v63  }
0x1d0: {  	s22 =	sadd.s32 $0x5, s22;
	_ =	swait.ge [sflag:s16], $0x1400  }
0x1d1: {  	s20 =	sshll.u32 s22, $0x6;
	[sflag:s16] =	ssyncset.done $0x0  }
0x1d2: {  	s2 =	sand.u32 $0x7F00, s20;
	[sflag:s16] =	ssyncadd.s32 $0xFFFFEC00  }
0x1d3: {  	v0 =	vld [tilespmem:s2+$0x138E8];
	_ =	sdelay $0x4  }
0x1d4: {  	v1 =	vand.u32 $0xFFFF, v0  }
0x1d5: {  	v0 =	vshra.s32 v0, $0x10;
	[tilespmem:$0x17940] =	vst v1  }
0x1d6: {  	[tilespmem:$0x17D40] =	vst v0  }
0x1d7: {  	v0 =	vld [tilespmem:s2+$0x138F8];
	_ =	sdelay $0x4  }
0x1d8: {  	v1 =	vand.u32 $0xFFFF, v0  }
0x1d9: {  	v0 =	vshra.s32 v0, $0x10;
	[tilespmem:$0x17950] =	vst v1  }
0x1da: {  	[tilespmem:$0x17D50] =	vst v0  }
0x1db: {  	v0 =	vld [tilespmem:s2+$0x13900];
	_ =	sdelay $0x4  }
0x1dc: {  	v1 =	vand.u32 $0xFFFF, v0  }
0x1dd: {  	v0 =	vshra.s32 v0, $0x10;
	[tilespmem:$0x17958] =	vst v1  }
0x1de: {  	s21 =	simm.s32 $0x17940;
	[tilespmem:$0x17D58] =	vst v0  }
0x1df: {  	[tilespmem:s11], [sflag:$0x2] =	stream.indirect.gather [hbm4b:s0+s23], $0x80, s21, s23, $0xb8;
	[tilespmem:$0x1FCC0] =	vst v63  }
0x1e0: {  	_ =	swait.ge [sflag:s29], $0x1400  }
0x1e1: {  	[sflag:s29] =	ssyncset.done $0x0  }
0x1e2: {  	[sflag:s29] =	ssyncadd.s32 $0xFFFFEC00  }
0x1e3: {  	_ =	swait.ge [sflag:s9], $0x1400  }
0x1e4: {  	[sflag:s9] =	ssyncset.done $0x0  }
0x1e5: {  	s3 =	simm.s32 $0x1AD40;
	[sflag:s9] =	ssyncadd.s32 $0xFFFFEC00  }
0x1e6: {  	s26 =	simm.s32 $0x1D540;
	v0 =	vld [tilespmem:s3+$0x0]  }
0x1e7: {  	v1 =	vld [tilespmem:s26+$0x0];
	_ =	sdelay $0x4  }
0x1e8: {  	v0 =	vadd.f32 v1, v0;
	_ =	sdelay $0x1  }
0x1e9: {  	v0 =	vmax.f32 v0, $0.0e+00  }
0x1ea: {  	[tilespmem:s3+$0x0] =	vst v0;
	v0 =	vld [tilespmem:s3+$0x10]  }
0x1eb: {  	v1 =	vld [tilespmem:s26+$0x10];
	_ =	sdelay $0x3  }
0x1ec: {  	v2 =	vld [tilespmem:s3+$0xFFFFFF80]  }
0x1ed: {  	v0 =	vadd.f32 v1, v0;
	v1 =	vld [tilespmem:s26+$0xFFFFFF80];
	_ =	sdelay $0x1  }
0x1ee: {  	v0 =	vmax.f32 v0, $0.0e+00  }
0x1ef: {  	[tilespmem:s3+$0x10] =	vst v0;
	v0 =	vld [tilespmem:s3+$0x20]  }
0x1f0: {  	v3 =	vld [tilespmem:s26+$0x20]  }
0x1f1: {  	s11 =	simm.s32 $0x1AE40;
	v4 =	vld [tilespmem:s3+$0xFFFFFFA0];
	v1 =	vadd.f32 v1, v2  }
0x1f2: {  	v6 =	vld [tilespmem:s11+$0x0]  }
0x1f3: {  	v7 =	vld [tilespmem:s3+$0xFFFFFFC0];
	v1 =	vmax.f32 v1, $0.0e+00  }
0x1f4: {  	v2 =	vld [tilespmem:s3+$0xFFFFFF90];
	[tilespmem:s3+$0xFFFFFF80] =	vst v1  }
0x1f5: {  	v0 =	vadd.f32 v3, v0;
	v1 =	vld [tilespmem:s26+$0xFFFFFF90]  }
0x1f6: {  	v8 =	vld [tilespmem:s3+$0xFFFFFFD0]  }
0x1f7: {  	v9 =	vld [tilespmem:s3+$0x40];
	v0 =	vmax.f32 v0, $0.0e+00  }
0x1f8: {  	[tilespmem:s3+$0x20] =	vst v0;
	v0 =	vld [tilespmem:s3+$0x30]  }
0x1f9: {  	v5 =	vld [tilespmem:s26+$0x30]  }
0x1fa: {  	s15 =	simm.s32 $0x1D640;
	v10 =	vld [tilespmem:s11+$0x10];
	v1 =	vadd.f32 v1, v2  }
0x1fb: {  	v2 =	vld [tilespmem:s15+$0x0]  }
0x1fc: {  	s20 =	simm.s32 $0x1D740;
	v12 =	vld [tilespmem:s3+$0xFFFFFFE0];
	v1 =	vmax.f32 v1, $0.0e+00  }
0x1fd: {  	v16 =	vld [tilespmem:s20+$0xFFFFFF80];
	[tilespmem:s3+$0xFFFFFF90] =	vst v1  }
0x1fe: {  	v0 =	vadd.f32 v5, v0;
	v1 =	vld [tilespmem:s26+$0xFFFFFFA0]  }
0x1ff: {  	v5 =	vld [tilespmem:s15+$0xFFFFFF80]  }
0x200: {  	s7 =	simm.s32 $0x1AF40;
	v2 =	vadd.f32 v2, v6;
	v6 =	vld [tilespmem:s11+$0xFFFFFF80];
	v0 =	vmax.f32 v0, $0.0e+00  }
0x201: {  	v17 =	vld [tilespmem:s7+$0xFFFFFF80];
	[tilespmem:s3+$0x30] =	vst v0  }
0x202: {  	v0 =	vmax.f32 v2, $0.0e+00;
	v2 =	vld [tilespmem:s26+$0x40]  }
0x203: {  	v18 =	vld [tilespmem:s7+$0xFFFFFF90];
	[tilespmem:s11+$0x0] =	vst v0  }
0x204: {  	v11 =	vld [tilespmem:s15+$0x10];
	v1 =	vadd.f32 v1, v4  }
0x205: {  	v19 =	vld [tilespmem:s11+$0x60];
	v4 =	vadd.f32 v5, v6  }
0x206: {  	v3 =	vld [tilespmem:s3+$0xFFFFFFB0];
	v1 =	vmax.f32 v1, $0.0e+00  }
0x207: {  	v5 =	vld [tilespmem:s11+$0xFFFFFF90];
	[tilespmem:s3+$0xFFFFFFA0] =	vst v1;
	v1 =	vmax.f32 v4, $0.0e+00;
	v2 =	vadd.f32 v2, v9  }
0x208: {  	v4 =	vld [tilespmem:s26+$0xFFFFFFB0];
	[tilespmem:s11+$0xFFFFFF80] =	vst v1  }
0x209: {  	v9 =	vld [tilespmem:s15+$0xFFFFFF90];
	v1 =	vmax.f32 v2, $0.0e+00;
	v2 =	vadd.f32 v11, v10  }
0x20a: {  	v11 =	vld [tilespmem:s11+$0x20]  }
0x20b: {  	[tilespmem:s3+$0x40] =	vst v1;
	v1 =	vld [tilespmem:s3+$0x50];
	v2 =	vmax.f32 v2, $0.0e+00  }
0x20c: {  	v10 =	vld [tilespmem:s26+$0x50];
	[tilespmem:s11+$0x10] =	vst v2  }
0x20d: {  	v2 =	vadd.f32 v4, v3;
	v13 =	vld [tilespmem:s15+$0x20]  }
0x20e: {  	v0 =	vld [tilespmem:s3+$0xFFFFFFF0]  }
0x20f: {  	v6 =	vld [tilespmem:s11+$0xFFFFFFA0];
	v3 =	vadd.f32 v9, v5;
	v9 =	vmax.f32 v2, $0.0e+00  }
0x210: {  	v4 =	vld [tilespmem:s11+$0xFFFFFFB0];
	[tilespmem:s3+$0xFFFFFFB0] =	vst v9  }
0x211: {  	v1 =	vadd.f32 v10, v1;
	v10 =	vld [tilespmem:s26+$0xFFFFFFC0]  }
0x212: {  	v5 =	vld [tilespmem:s11+$0xFFFFFFC0];
	v3 =	vmax.f32 v3, $0.0e+00;
	v9 =	vadd.f32 v13, v11  }
0x213: {  	v2 =	vld [tilespmem:s11+$0xFFFFFFD0];
	[tilespmem:s11+$0xFFFFFF90] =	vst v3;
	v1 =	vmax.f32 v1, $0.0e+00  }
0x214: {  	v3 =	vld [tilespmem:s11+$0xFFFFFFE0];
	[tilespmem:s3+$0x50] =	vst v1;
	v1 =	vmax.f32 v9, $0.0e+00  }
0x215: {  	v13 =	vld [tilespmem:s11+$0x30];
	[tilespmem:s11+$0x20] =	vst v1  }
0x216: {  	v7 =	vadd.f32 v10, v7;
	v14 =	vld [tilespmem:s15+$0x30]  }
0x217: {  	v11 =	vld [tilespmem:s15+$0xFFFFFFA0]  }
0x218: {  	v10 =	vld [tilespmem:s7+$0x0];
	v7 =	vmax.f32 v7, $0.0e+00  }
0x219: {  	[tilespmem:s3+$0xFFFFFFC0] =	vst v7;
	v7 =	vld [tilespmem:s20+$0x0]  }
0x21a: {  	v9 =	vld [tilespmem:s3+$0x60]  }
0x21b: {  	v15 =	vld [tilespmem:s26+$0x60];
	v13 =	vadd.f32 v14, v13  }
0x21c: {  	v1 =	vld [tilespmem:s11+$0xFFFFFFF0]  }
0x21d: {  	v6 =	vadd.f32 v11, v6;
	v14 =	vld [tilespmem:s26+$0xFFFFFFD0];
	v13 =	vmax.f32 v13, $0.0e+00  }
0x21e: {  	v11 =	vld [tilespmem:s11+$0x40];
	v7 =	vadd.f32 v7, v10;
	[tilespmem:s11+$0x30] =	vst v13  }
0x21f: {  	v6 =	vmax.f32 v6, $0.0e+00;
	v13 =	vld [tilespmem:s15+$0x40]  }
0x220: {  	[tilespmem:s11+$0xFFFFFFA0] =	vst v6;
	v10 =	vld [tilespmem:s3+$0x70];
	v6 =	vmax.f32 v7, $0.0e+00;
	v7 =	vadd.f32 v15, v9  }
0x221: {  	v9 =	vld [tilespmem:s15+$0xFFFFFFB0];
	[tilespmem:s7+$0x0] =	vst v6;
	v6 =	vadd.f32 v16, v17  }
0x222: {  	v15 =	vld [tilespmem:s7+$0x10];
	v8 =	vadd.f32 v14, v8;
	v7 =	vmax.f32 v7, $0.0e+00  }
0x223: {  	v60 =	vld [tilespmem:s20+$0x10];
	[tilespmem:s3+$0x60] =	vst v7;
	v6 =	vmax.f32 v6, $0.0e+00  }
0x224: {  	v8 =	vmax.f32 v8, $0.0e+00;
	v61 =	vld [tilespmem:s26+$0x70];
	[tilespmem:s7+$0xFFFFFF80] =	vst v6;
	v11 =	vadd.f32 v13, v11  }
0x225: {  	[tilespmem:s3+$0xFFFFFFD0] =	vst v8;
	v8 =	vld [tilespmem:s7+$0xFFFFFFD0]  }
0x226: {  	v7 =	vld [tilespmem:s20+$0xFFFFFF90];
	v6 =	vmax.f32 v11, $0.0e+00  }
0x227: {  	v4 =	vadd.f32 v9, v4;
	v9 =	vld [tilespmem:s11+$0x50];
	[tilespmem:s11+$0x40] =	vst v6  }
0x228: {  	v11 =	vld [tilespmem:s15+$0x50]  }
0x229: {  	v13 =	vld [tilespmem:s7+$0xFFFFFFA0];
	v15 =	vadd.f32 v60, v15;
	v4 =	vmax.f32 v4, $0.0e+00  }
0x22a: {  	v6 =	vld [tilespmem:s7+$0xFFFFFFB0];
	[tilespmem:s11+$0xFFFFFFB0] =	vst v4  }
0x22b: {  	v15 =	vmax.f32 v15, $0.0e+00;
	v14 =	vld [tilespmem:s15+$0xFFFFFFC0];
	v7 =	vadd.f32 v7, v18  }
0x22c: {  	[tilespmem:s7+$0x10] =	vst v15;
	v15 =	vld [tilespmem:s7+$0x20]  }
0x22d: {  	v62 =	vld [tilespmem:s20+$0x20];
	v7 =	vmax.f32 v7, $0.0e+00;
	v9 =	vadd.f32 v11, v9  }
0x22e: {  	[tilespmem:s7+$0xFFFFFF90] =	vst v7;
	v7 =	vld [tilespmem:s26+$0xFFFFFFE0]  }
0x22f: {  	v4 =	vld [tilespmem:s7+$0xFFFFFFC0];
	v9 =	vmax.f32 v9, $0.0e+00  }
0x230: {  	v63 =	vld [tilespmem:s20+$0xFFFFFFA0];
	[tilespmem:s11+$0x50] =	vst v9;
	v9 =	vadd.f32 v14, v5  }
0x231: {  	v20 =	vld [tilespmem:s15+$0x60]  }
0x232: {  	v11 =	vadd.f32 v62, v15;
	v5 =	vld [tilespmem:s7+$0xFFFFFFE0];
	v9 =	vmax.f32 v9, $0.0e+00  }
0x233: {  	[tilespmem:s11+$0xFFFFFFC0] =	vst v9;
	v9 =	vadd.f32 v7, v12;
	v7 =	vld [tilespmem:s7+$0xFFFFFFF0]  }
0x234: {  	v10 =	vadd.f32 v61, v10;
	v12 =	vmax.f32 v11, $0.0e+00;
	v11 =	vld [tilespmem:s15+$0xFFFFFFD0]  }
0x235: {  	v13 =	vadd.f32 v63, v13;
	[tilespmem:s7+$0x20] =	vst v12;
	v12 =	vld [tilespmem:s7+$0x30];
	v9 =	vmax.f32 v9, $0.0e+00  }
0x236: {  	v10 =	vmax.f32 v10, $0.0e+00;
	v14 =	vld [tilespmem:s20+$0x30];
	v15 =	vadd.f32 v20, v19;
	[tilespmem:s3+$0xFFFFFFE0] =	vst v9  }
0x237: {  	s28 =	simm.s32 $0x198C0;
	[tilespmem:s3+$0x70] =	vst v10;
	v9 =	vmax.f32 v13, $0.0e+00;
	v10 =	vld [tilespmem:s26+$0xFFFFFFF0]  }
0x238: {  	s2 =	simm.s32 $0x4;
	s21 =	simm.s32 $0x1D740;
	[tilespmem:s7+$0xFFFFFFA0] =	vst v9;
	s26 =	simm.s32 $0x1B040;
	v9 =	vld [tilespmem:s11+$0x70];
	v13 =	vmax.f32 v15, $0.0e+00  }
.LBB2_7:
0x239: {  	v15 =	vld [tilespmem:s26+$0x0];
	v11 =	vadd.f32 v11, v2;
	[tilespmem:s11+$0x60] =	vst v13;
	v2 =	vmov v8  }
0x23a: {  	s20 =	sadd.s32 $0x100, s20;
	v8 =	vld [tilespmem:s15+$0x70]  }
0x23b: {  	s2 =	sadd.s32 $0x2, s2;
	v13 =	vld [tilespmem:s20+$0x0];
	v12 =	vadd.f32 v14, v12;
	v11 =	vmax.f32 v11, $0.0e+00  }
0x23c: {  	p1 =	slt.u32 s2, $0x26;
	v14 =	vld [tilespmem:s20+$0xFFFFFF80];
	[tilespmem:s11+$0xFFFFFFD0] =	vst v11;
	v10 =	vadd.f32 v10, v0;
	v0 =	vmov v1;
	v1 =	vmov v7  }
0x23d: {  	v7 =	vld [tilespmem:s26+$0xFFFFFF80];
	v11 =	vmax.f32 v12, $0.0e+00  }
0x23e: {  	[tilespmem:s7+$0x30] =	vst v11;
	v11 =	vld [tilespmem:s7+$0x40];
	v10 =	vmax.f32 v10, $0.0e+00  }
0x23f: {  	v12 =	vld [tilespmem:s21+$0x40];
	v8 =	vadd.f32 v8, v9;
	[tilespmem:s3+$0xFFFFFFF0] =	vst v10;
	s3 =	smov.u32 s11;
	s11 =	smov.u32 s7;
	s7 =	smov.u32 s26  }
0x240: {  	v9 =	vld [tilespmem:s26+$0xFFFFFF90];
	v10 =	vadd.f32 v13, v15  }
0x241: {  	v13 =	vld [tilespmem:s26+$0xFFFFFFA0];
	v8 =	vmax.f32 v8, $0.0e+00  }
0x242: {  	v7 =	vadd.f32 v14, v7;
	v10 =	vmax.f32 v10, $0.0e+00;
	v14 =	vld [tilespmem:s21+$0xFFFFFFB0];
	[tilespmem:s3+$0x70] =	vst v8  }
0x243: {  	[tilespmem:s26+$0x0] =	vst v10;
	v8 =	vld [tilespmem:s26+$0x10]  }
0x244: {  	v7 =	vmax.f32 v7, $0.0e+00;
	v10 =	vld [tilespmem:s20+$0x10];
	v11 =	vadd.f32 v12, v11  }
0x245: {  	[tilespmem:s26+$0xFFFFFF80] =	vst v7;
	v7 =	vld [tilespmem:s26+$0xFFFFFFB0]  }
0x246: {  	v12 =	vld [tilespmem:s20+$0xFFFFFF90];
	v11 =	vmax.f32 v11, $0.0e+00  }
0x247: {  	v17 =	vadd.f32 v14, v6;
	[tilespmem:s11+$0x40] =	vst v11;
	v11 =	vld [tilespmem:s11+$0x50]  }
0x248: {  	v14 =	vld [tilespmem:s21+$0x50]  }
0x249: {  	v15 =	vld [tilespmem:s26+$0xFFFFFFC0];
	v10 =	vadd.f32 v10, v8;
	v16 =	vmax.f32 v17, $0.0e+00  }
0x24a: {  	v8 =	vld [tilespmem:s26+$0xFFFFFFD0];
	[tilespmem:s11+$0xFFFFFFB0] =	vst v16;
	v6 =	vmov v7  }
0x24b: {  	v7 =	vadd.f32 v12, v9;
	v9 =	vmax.f32 v10, $0.0e+00;
	v10 =	vld [tilespmem:s21+$0xFFFFFFC0]  }
0x24c: {  	[tilespmem:s26+$0x10] =	vst v9;
	v9 =	vld [tilespmem:s26+$0x20]  }
0x24d: {  	v7 =	vmax.f32 v7, $0.0e+00;
	v12 =	vld [tilespmem:s20+$0x20];
	v11 =	vadd.f32 v14, v11  }
0x24e: {  	[tilespmem:s26+$0xFFFFFF90] =	vst v7;
	v14 =	vld [tilespmem:s15+$0xFFFFFFE0]  }
0x24f: {  	v16 =	vld [tilespmem:s20+$0xFFFFFFA0];
	v7 =	vmax.f32 v11, $0.0e+00  }
0x250: {  	v10 =	vadd.f32 v10, v4;
	[tilespmem:s11+$0x50] =	vst v7;
	v17 =	vld [tilespmem:s11+$0x60];
	v4 =	vmov v15  }
0x251: {  	v15 =	vld [tilespmem:s21+$0x60]  }
0x252: {  	v18 =	vld [tilespmem:s26+$0xFFFFFFE0];
	v9 =	vadd.f32 v12, v9;
	v10 =	vmax.f32 v10, $0.0e+00  }
0x253: {  	v7 =	vld [tilespmem:s26+$0xFFFFFFF0];
	[tilespmem:s11+$0xFFFFFFC0] =	vst v10;
	v10 =	vadd.f32 v14, v3;
	v3 =	vmov v5  }
.Ltmp4:
0x254: {  	v19 =	vadd.f32 v16, v13;
	v9 =	vmax.f32 v9, $0.0e+00;
	v11 =	vld [tilespmem:s21+$0xFFFFFFD0];
	(pc) =	sbr.rel @p1 .LBB2_7-.Ltmp4, $4  }
0x255: {  	[tilespmem:s26+$0x20] =	vst v9;
	v12 =	vld [tilespmem:s26+$0x30];
	v9 =	vmax.f32 v10, $0.0e+00  }
0x256: {  	v16 =	vmax.f32 v19, $0.0e+00;
	v14 =	vld [tilespmem:s20+$0x30];
	v13 =	vadd.f32 v15, v17;
	[tilespmem:s3+$0xFFFFFFE0] =	vst v9  }
0x257: {  	[tilespmem:s26+$0xFFFFFFA0] =	vst v16;
	v10 =	vld [tilespmem:s15+$0xFFFFFFF0];
	v5 =	vmov v18;
	s15 =	smov.u32 s21;
	s21 =	smov.u32 s20  }
0x258: {  	s26 =	sadd.s32 $0x100, s26;
	v13 =	vmax.f32 v13, $0.0e+00;
	v9 =	vld [tilespmem:s11+$0x70]  }
0x259: {  	v15 =	vld [tilespmem:s21+$0xFFFFFFB0];
	_ =	sdelay $0x2  }
0x25a: {  	v12 =	vadd.f32 v14, v12;
	_ =	sdelay $0x1  }
0x25b: {  	v12 =	vmax.f32 v12, $0.0e+00;
	v6 =	vadd.f32 v15, v6  }
0x25c: {  	[tilespmem:s7+$0x30] =	vst v12;
	v12 =	vld [tilespmem:s7+$0x40]  }
0x25d: {  	v14 =	vld [tilespmem:s21+$0x40];
	v6 =	vmax.f32 v6, $0.0e+00  }
0x25e: {  	[tilespmem:s7+$0xFFFFFFB0] =	vst v6  }
0x25f: {  	v6 =	vld [tilespmem:s21+$0xFFFFFFC0];
	_ =	sdelay $0x2  }
0x260: {  	v12 =	vadd.f32 v14, v12;
	_ =	sdelay $0x1  }
0x261: {  	v12 =	vmax.f32 v12, $0.0e+00;
	v4 =	vadd.f32 v6, v4  }
0x262: {  	[tilespmem:s7+$0x40] =	vst v12;
	v6 =	vld [tilespmem:s7+$0x50]  }
0x263: {  	v12 =	vld [tilespmem:s21+$0x50];
	v4 =	vmax.f32 v4, $0.0e+00  }
0x264: {  	[tilespmem:s7+$0xFFFFFFC0] =	vst v4  }
0x265: {  	v4 =	vld [tilespmem:s21+$0xFFFFFFD0]  }
0x266: {  	v2 =	vadd.f32 v11, v2;
	_ =	sdelay $0x1  }
0x267: {  	v2 =	vmax.f32 v2, $0.0e+00;
	v6 =	vadd.f32 v12, v6  }
0x268: {  	[tilespmem:s11+$0xFFFFFFD0] =	vst v2  }
0x269: {  	v2 =	vmax.f32 v6, $0.0e+00;
	v6 =	vld [tilespmem:s15+$0xFFFFFFE0];
	v4 =	vadd.f32 v4, v8;
	_ =	sdelay $0x1  }
0x26a: {  	[tilespmem:s7+$0x50] =	vst v2;
	v2 =	vld [tilespmem:s7+$0x60];
	v4 =	vmax.f32 v4, $0.0e+00  }
0x26b: {  	v8 =	vld [tilespmem:s21+$0x60];
	[tilespmem:s7+$0xFFFFFFD0] =	vst v4  }
0x26c: {  	v4 =	vld [tilespmem:s21+$0xFFFFFFE0]  }
0x26d: {  	v3 =	vadd.f32 v6, v3;
	_ =	sdelay $0x1  }
0x26e: {  	[tilespmem:s11+$0x60] =	vst v13;
	v3 =	vmax.f32 v3, $0.0e+00  }
0x26f: {  	v6 =	vld [tilespmem:s15+$0x70];
	v2 =	vadd.f32 v8, v2;
	[tilespmem:s11+$0xFFFFFFE0] =	vst v3  }
0x270: {  	v4 =	vadd.f32 v4, v5;
	v5 =	vld [tilespmem:s15+$0xFFFFFFF0]  }
0x271: {  	v2 =	vmax.f32 v2, $0.0e+00  }
0x272: {  	v3 =	vld [tilespmem:s7+$0x70];
	[tilespmem:s7+$0x60] =	vst v2;
	v2 =	vmax.f32 v4, $0.0e+00  }
0x273: {  	v0 =	vadd.f32 v10, v0;
	v4 =	vld [tilespmem:s21+$0x70];
	[tilespmem:s7+$0xFFFFFFE0] =	vst v2  }
0x274: {  	v6 =	vadd.f32 v6, v9;
	v2 =	vld [tilespmem:s21+$0xFFFFFFF0]  }
0x275: {  	v0 =	vmax.f32 v0, $0.0e+00;
	v1 =	vadd.f32 v5, v1  }
0x276: {  	[tilespmem:s3+$0xFFFFFFF0] =	vst v0;
	v0 =	vmax.f32 v6, $0.0e+00  }
0x277: {  	s2 =	sshrl.u32 s24, $0x1;
	[tilespmem:s11+$0x70] =	vst v0;
	v0 =	vmax.f32 v1, $0.0e+00  }
0x278: {  	s2 =	smul.u32 $0x2800, s2;
	v3 =	vadd.f32 v4, v3;
	[tilespmem:s11+$0xFFFFFFF0] =	vst v0  }
0x279: {  	v1 =	vadd.f32 v2, v7;
	s3 =	rddreg [dreg:$0x7]  }
0x27a: {  	v0 =	vmax.f32 v3, $0.0e+00;
	s2 =	sadd.s32 s3, s2  }
0x27b: {  	[tilespmem:s7+$0x70] =	vst v0;
	v0 =	vmax.f32 v1, $0.0e+00;
	s2 =	sshrl.u32 s2, $0x3  }
0x27c: {  	[tilespmem:s7+$0xFFFFFFF0] =	vst v0;
	s2 =	sadd.s32 s1, s2  }
0x27d: {  	[tilespmem:s31], [sflag:$0x9] =	stream.linear.gather [hbm4b:s2+s5], $0x1400, $0x38;
	[tilespmem:$0x1FCC0] =	vst v63  }
0x27e: {  	s24 =	simm.s32 $0x17DC0  }
0x27f: {  	[spmem:s4] =	stream.indirect.scatter.add.f32 [tilespmem:s30], [sflag:$0x7], $0x80, s24, s23, $0xb8;
	[tilespmem:$0x1FCC0] =	vst v63  }
0x280: {  	p1 =	seq.s32 s17, $0x3D;
	_ =	swait.ge [sflag:s18], $0x1400  }
0x281: {  	s2 =	sshll.u32 @!p1 s17, $0x8;
	[sflag:s18] =	ssyncset.done $0x0  }
0x282: {  	s2 =	sand.u32 @!p1 $0x3FFFFF00, s2;
	[sflag:s18] =	ssyncadd.s32 $0xFFFFEC00  }
0x283: {  	v0 =	vld @!p1 [tilespmem:s2+$0x13A40];
	_ =	sdelay $0x4  }
0x284: {  	v1 =	vand.u32 @!p1 $0xFFFF, v0  }
0x285: {  	v0 =	vshra.s32 @!p1 v0, $0x10;
	[tilespmem:$0x179C0] =	vst @!p1 v1  }
0x286: {  	[tilespmem:$0x17DC0] =	vst @!p1 v0  }
0x287: {  	v0 =	vld @!p1 [tilespmem:s2+$0x13A50];
	_ =	sdelay $0x4  }
0x288: {  	v1 =	vand.u32 @!p1 $0xFFFF, v0  }
0x289: {  	v0 =	vshra.s32 @!p1 v0, $0x10;
	[tilespmem:$0x179D0] =	vst @!p1 v1  }
0x28a: {  	[tilespmem:$0x17DD0] =	vst @!p1 v0  }
0x28b: {  	v0 =	vld @!p1 [tilespmem:s2+$0x13A58];
	_ =	sdelay $0x4  }
0x28c: {  	v1 =	vand.u32 @!p1 $0xFFFF, v0  }
0x28d: {  	v0 =	vshra.s32 @!p1 v0, $0x10;
	[tilespmem:$0x179D8] =	vst @!p1 v1  }
0x28e: {  	s3 =	simm.s32 @!p1 $0x179C0;
	s7 =	simm.s32 @!p1 $0x1ACC0;
	s2 =	simm.s32 @!p1 $0x28;
	[tilespmem:$0x17DD8] =	vst @!p1 v0  }
0x28f: {  	[tilespmem:s7], [sflag:$0x3] =	stream.indirect.gather @!p1 [hbm4b:s0+s2], $0x80, s3, s2, $0xb8;
	[tilespmem:$0x1FCC0] =	vst v63  }
0x290: {  	_ =	swait.ge [sflag:s19], $0x1400  }
0x291: {  	[sflag:s19] =	ssyncset.done $0x0  }
0x292: {  	[sflag:s19] =	ssyncadd.s32 $0xFFFFEC00  }
0x293: {  	_ =	swait.ge [sflag:s14], $0x1400  }
0x294: {  	[sflag:s14] =	ssyncset.done $0x0  }
0x295: {  	s3 =	simm.s32 $0x1C1B0;
	[sflag:s14] =	ssyncadd.s32 $0xFFFFEC00  }
0x296: {  	s26 =	simm.s32 $0x1E9B0;
	v0 =	vld [tilespmem:s3+$0xFFFFFF90]  }
0x297: {  	v1 =	vld [tilespmem:s26+$0xFFFFFF90];
	_ =	sdelay $0x4  }
0x298: {  	v0 =	vadd.f32 v1, v0;
	_ =	sdelay $0x1  }
0x299: {  	v0 =	vmax.f32 v0, $0.0e+00  }
0x29a: {  	[tilespmem:s3+$0xFFFFFF90] =	vst v0;
	v0 =	vld [tilespmem:s3+$0xFFFFFFA0]  }
0x29b: {  	v1 =	vld [tilespmem:s26+$0xFFFFFFA0];
	_ =	sdelay $0x3  }
0x29c: {  	v2 =	vld [tilespmem:s3+$0xFFFFFF10]  }
0x29d: {  	v0 =	vadd.f32 v1, v0;
	v1 =	vld [tilespmem:s26+$0xFFFFFF10];
	_ =	sdelay $0x1  }
0x29e: {  	v0 =	vmax.f32 v0, $0.0e+00  }
0x29f: {  	[tilespmem:s3+$0xFFFFFFA0] =	vst v0;
	v0 =	vld [tilespmem:s3+$0xFFFFFFB0]  }
0x2a0: {  	v3 =	vld [tilespmem:s26+$0xFFFFFFB0]  }
0x2a1: {  	s11 =	simm.s32 $0x1C2B0;
	v4 =	vld [tilespmem:s3+$0xFFFFFF30];
	v1 =	vadd.f32 v1, v2  }
0x2a2: {  	v6 =	vld [tilespmem:s11+$0xFFFFFF90]  }
0x2a3: {  	v7 =	vld [tilespmem:s3+$0xFFFFFF50];
	v1 =	vmax.f32 v1, $0.0e+00  }
0x2a4: {  	v2 =	vld [tilespmem:s3+$0xFFFFFF20];
	[tilespmem:s3+$0xFFFFFF10] =	vst v1  }
0x2a5: {  	v0 =	vadd.f32 v3, v0;
	v1 =	vld [tilespmem:s26+$0xFFFFFF20]  }
0x2a6: {  	v8 =	vld [tilespmem:s3+$0xFFFFFF60]  }
0x2a7: {  	v9 =	vld [tilespmem:s3+$0xFFFFFFD0];
	v0 =	vmax.f32 v0, $0.0e+00  }
0x2a8: {  	[tilespmem:s3+$0xFFFFFFB0] =	vst v0;
	v0 =	vld [tilespmem:s3+$0xFFFFFFC0]  }
0x2a9: {  	v5 =	vld [tilespmem:s26+$0xFFFFFFC0]  }
0x2aa: {  	s15 =	simm.s32 $0x1EAB0;
	v10 =	vld [tilespmem:s11+$0xFFFFFFA0];
	v1 =	vadd.f32 v1, v2  }
0x2ab: {  	v2 =	vld [tilespmem:s15+$0xFFFFFF90]  }
0x2ac: {  	s20 =	simm.s32 $0x1EBB0;
	v12 =	vld [tilespmem:s3+$0xFFFFFF70];
	v1 =	vmax.f32 v1, $0.0e+00  }
0x2ad: {  	v16 =	vld [tilespmem:s20+$0xFFFFFF10];
	[tilespmem:s3+$0xFFFFFF20] =	vst v1  }
0x2ae: {  	v0 =	vadd.f32 v5, v0;
	v1 =	vld [tilespmem:s26+$0xFFFFFF30]  }
0x2af: {  	v5 =	vld [tilespmem:s15+$0xFFFFFF10]  }
0x2b0: {  	s7 =	simm.s32 $0x1C3B0;
	v2 =	vadd.f32 v2, v6;
	v6 =	vld [tilespmem:s11+$0xFFFFFF10];
	v0 =	vmax.f32 v0, $0.0e+00  }
0x2b1: {  	v17 =	vld [tilespmem:s7+$0xFFFFFF10];
	[tilespmem:s3+$0xFFFFFFC0] =	vst v0  }
0x2b2: {  	v0 =	vmax.f32 v2, $0.0e+00;
	v2 =	vld [tilespmem:s26+$0xFFFFFFD0]  }
0x2b3: {  	v18 =	vld [tilespmem:s7+$0xFFFFFF20];
	[tilespmem:s11+$0xFFFFFF90] =	vst v0  }
0x2b4: {  	v11 =	vld [tilespmem:s15+$0xFFFFFFA0];
	v1 =	vadd.f32 v1, v4  }
0x2b5: {  	v19 =	vld [tilespmem:s11+$0xFFFFFFF0];
	v4 =	vadd.f32 v5, v6  }
0x2b6: {  	v3 =	vld [tilespmem:s3+$0xFFFFFF40];
	v1 =	vmax.f32 v1, $0.0e+00  }
0x2b7: {  	v5 =	vld [tilespmem:s11+$0xFFFFFF20];
	[tilespmem:s3+$0xFFFFFF30] =	vst v1;
	v1 =	vmax.f32 v4, $0.0e+00;
	v2 =	vadd.f32 v2, v9  }
0x2b8: {  	v4 =	vld [tilespmem:s26+$0xFFFFFF40];
	[tilespmem:s11+$0xFFFFFF10] =	vst v1  }
0x2b9: {  	v9 =	vld [tilespmem:s15+$0xFFFFFF20];
	v1 =	vmax.f32 v2, $0.0e+00;
	v2 =	vadd.f32 v11, v10  }
0x2ba: {  	v11 =	vld [tilespmem:s11+$0xFFFFFFB0]  }
0x2bb: {  	[tilespmem:s3+$0xFFFFFFD0] =	vst v1;
	v1 =	vld [tilespmem:s3+$0xFFFFFFE0];
	v2 =	vmax.f32 v2, $0.0e+00  }
0x2bc: {  	v10 =	vld [tilespmem:s26+$0xFFFFFFE0];
	[tilespmem:s11+$0xFFFFFFA0] =	vst v2  }
0x2bd: {  	v2 =	vadd.f32 v4, v3;
	v13 =	vld [tilespmem:s15+$0xFFFFFFB0]  }
0x2be: {  	v0 =	vld [tilespmem:s3+$0xFFFFFF80]  }
0x2bf: {  	v6 =	vld [tilespmem:s11+$0xFFFFFF30];
	v3 =	vadd.f32 v9, v5;
	v9 =	vmax.f32 v2, $0.0e+00  }
0x2c0: {  	v4 =	vld [tilespmem:s11+$0xFFFFFF40];
	[tilespmem:s3+$0xFFFFFF40] =	vst v9  }
0x2c1: {  	v1 =	vadd.f32 v10, v1;
	v10 =	vld [tilespmem:s26+$0xFFFFFF50]  }
0x2c2: {  	v5 =	vld [tilespmem:s11+$0xFFFFFF50];
	v3 =	vmax.f32 v3, $0.0e+00;
	v9 =	vadd.f32 v13, v11  }
0x2c3: {  	v2 =	vld [tilespmem:s11+$0xFFFFFF60];
	[tilespmem:s11+$0xFFFFFF20] =	vst v3;
	v1 =	vmax.f32 v1, $0.0e+00  }
0x2c4: {  	v3 =	vld [tilespmem:s11+$0xFFFFFF70];
	[tilespmem:s3+$0xFFFFFFE0] =	vst v1;
	v1 =	vmax.f32 v9, $0.0e+00  }
0x2c5: {  	v13 =	vld [tilespmem:s11+$0xFFFFFFC0];
	[tilespmem:s11+$0xFFFFFFB0] =	vst v1  }
0x2c6: {  	v7 =	vadd.f32 v10, v7;
	v14 =	vld [tilespmem:s15+$0xFFFFFFC0]  }
0x2c7: {  	v11 =	vld [tilespmem:s15+$0xFFFFFF30]  }
0x2c8: {  	v10 =	vld [tilespmem:s7+$0xFFFFFF90];
	v7 =	vmax.f32 v7, $0.0e+00  }
0x2c9: {  	[tilespmem:s3+$0xFFFFFF50] =	vst v7;
	v7 =	vld [tilespmem:s20+$0xFFFFFF90]  }
0x2ca: {  	v9 =	vld [tilespmem:s3+$0xFFFFFFF0]  }
0x2cb: {  	v15 =	vld [tilespmem:s26+$0xFFFFFFF0];
	v13 =	vadd.f32 v14, v13  }
0x2cc: {  	v1 =	vld [tilespmem:s11+$0xFFFFFF80]  }
0x2cd: {  	v6 =	vadd.f32 v11, v6;
	v14 =	vld [tilespmem:s26+$0xFFFFFF60];
	v13 =	vmax.f32 v13, $0.0e+00  }
0x2ce: {  	v11 =	vld [tilespmem:s11+$0xFFFFFFD0];
	v7 =	vadd.f32 v7, v10;
	[tilespmem:s11+$0xFFFFFFC0] =	vst v13  }
0x2cf: {  	v6 =	vmax.f32 v6, $0.0e+00;
	v13 =	vld [tilespmem:s15+$0xFFFFFFD0]  }
0x2d0: {  	[tilespmem:s11+$0xFFFFFF30] =	vst v6;
	v10 =	vld [tilespmem:s3+$0x0];
	v6 =	vmax.f32 v7, $0.0e+00;
	v7 =	vadd.f32 v15, v9  }
0x2d1: {  	v9 =	vld [tilespmem:s15+$0xFFFFFF40];
	[tilespmem:s7+$0xFFFFFF90] =	vst v6;
	v6 =	vadd.f32 v16, v17  }
0x2d2: {  	v15 =	vld [tilespmem:s7+$0xFFFFFFA0];
	v8 =	vadd.f32 v14, v8;
	v7 =	vmax.f32 v7, $0.0e+00  }
0x2d3: {  	v60 =	vld [tilespmem:s20+$0xFFFFFFA0];
	[tilespmem:s3+$0xFFFFFFF0] =	vst v7;
	v6 =	vmax.f32 v6, $0.0e+00  }
0x2d4: {  	v8 =	vmax.f32 v8, $0.0e+00;
	v61 =	vld [tilespmem:s26+$0x0];
	[tilespmem:s7+$0xFFFFFF10] =	vst v6;
	v11 =	vadd.f32 v13, v11  }
0x2d5: {  	[tilespmem:s3+$0xFFFFFF60] =	vst v8;
	v8 =	vld [tilespmem:s7+$0xFFFFFF60]  }
0x2d6: {  	v7 =	vld [tilespmem:s20+$0xFFFFFF20];
	v6 =	vmax.f32 v11, $0.0e+00  }
0x2d7: {  	v4 =	vadd.f32 v9, v4;
	v9 =	vld [tilespmem:s11+$0xFFFFFFE0];
	[tilespmem:s11+$0xFFFFFFD0] =	vst v6  }
0x2d8: {  	v11 =	vld [tilespmem:s15+$0xFFFFFFE0]  }
0x2d9: {  	v13 =	vld [tilespmem:s7+$0xFFFFFF30];
	v15 =	vadd.f32 v60, v15;
	v4 =	vmax.f32 v4, $0.0e+00  }
0x2da: {  	v6 =	vld [tilespmem:s7+$0xFFFFFF40];
	[tilespmem:s11+$0xFFFFFF40] =	vst v4  }
0x2db: {  	v15 =	vmax.f32 v15, $0.0e+00;
	v14 =	vld [tilespmem:s15+$0xFFFFFF50];
	v7 =	vadd.f32 v7, v18  }
0x2dc: {  	[tilespmem:s7+$0xFFFFFFA0] =	vst v15;
	v15 =	vld [tilespmem:s7+$0xFFFFFFB0]  }
0x2dd: {  	v62 =	vld [tilespmem:s20+$0xFFFFFFB0];
	v7 =	vmax.f32 v7, $0.0e+00;
	v9 =	vadd.f32 v11, v9  }
0x2de: {  	[tilespmem:s7+$0xFFFFFF20] =	vst v7;
	v7 =	vld [tilespmem:s26+$0xFFFFFF70]  }
0x2df: {  	v4 =	vld [tilespmem:s7+$0xFFFFFF50];
	v9 =	vmax.f32 v9, $0.0e+00  }
0x2e0: {  	v63 =	vld [tilespmem:s20+$0xFFFFFF30];
	[tilespmem:s11+$0xFFFFFFE0] =	vst v9;
	v9 =	vadd.f32 v14, v5  }
0x2e1: {  	v20 =	vld [tilespmem:s15+$0xFFFFFFF0]  }
0x2e2: {  	v11 =	vadd.f32 v62, v15;
	v5 =	vld [tilespmem:s7+$0xFFFFFF70];
	v9 =	vmax.f32 v9, $0.0e+00  }
0x2e3: {  	[tilespmem:s11+$0xFFFFFF50] =	vst v9;
	v9 =	vadd.f32 v7, v12;
	v7 =	vld [tilespmem:s7+$0xFFFFFF80]  }
0x2e4: {  	v10 =	vadd.f32 v61, v10;
	v12 =	vmax.f32 v11, $0.0e+00;
	v11 =	vld [tilespmem:s15+$0xFFFFFF60]  }
0x2e5: {  	v13 =	vadd.f32 v63, v13;
	[tilespmem:s7+$0xFFFFFFB0] =	vst v12;
	v12 =	vld [tilespmem:s7+$0xFFFFFFC0];
	v9 =	vmax.f32 v9, $0.0e+00  }
0x2e6: {  	v10 =	vmax.f32 v10, $0.0e+00;
	v14 =	vld [tilespmem:s20+$0xFFFFFFC0];
	v15 =	vadd.f32 v20, v19;
	[tilespmem:s3+$0xFFFFFF70] =	vst v9  }
0x2e7: {  	[tilespmem:s3+$0x0] =	vst v10;
	v9 =	vmax.f32 v13, $0.0e+00;
	v10 =	vld [tilespmem:s26+$0xFFFFFF80]  }
0x2e8: {  	s21 =	simm.s32 $0x1EBB0;
	s24 =	simm.s32 $0x1C4B0;
	s2 =	simm.s32 $0x4;
	[tilespmem:s7+$0xFFFFFF30] =	vst v9;
	v9 =	vld [tilespmem:s11+$0x0];
	v13 =	vmax.f32 v15, $0.0e+00  }
.LBB2_9:
0x2e9: {  	v15 =	vld [tilespmem:s24+$0xFFFFFF90];
	v11 =	vadd.f32 v11, v2;
	[tilespmem:s11+$0xFFFFFFF0] =	vst v13;
	v2 =	vmov v8  }
0x2ea: {  	s20 =	sadd.s32 $0x100, s20;
	v8 =	vld [tilespmem:s15+$0x0]  }
0x2eb: {  	s2 =	sadd.s32 $0x2, s2;
	v13 =	vld [tilespmem:s20+$0xFFFFFF90];
	v12 =	vadd.f32 v14, v12;
	v11 =	vmax.f32 v11, $0.0e+00  }
0x2ec: {  	p1 =	slt.u32 s2, $0x26;
	v14 =	vld [tilespmem:s20+$0xFFFFFF10];
	[tilespmem:s11+$0xFFFFFF60] =	vst v11;
	v10 =	vadd.f32 v10, v0;
	v0 =	vmov v1;
	v1 =	vmov v7  }
0x2ed: {  	v7 =	vld [tilespmem:s24+$0xFFFFFF10];
	v11 =	vmax.f32 v12, $0.0e+00  }
0x2ee: {  	[tilespmem:s7+$0xFFFFFFC0] =	vst v11;
	v11 =	vld [tilespmem:s7+$0xFFFFFFD0];
	v10 =	vmax.f32 v10, $0.0e+00  }
0x2ef: {  	v12 =	vld [tilespmem:s21+$0xFFFFFFD0];
	v8 =	vadd.f32 v8, v9;
	[tilespmem:s3+$0xFFFFFF80] =	vst v10;
	s3 =	smov.u32 s11;
	s11 =	smov.u32 s7;
	s7 =	smov.u32 s24  }
0x2f0: {  	v9 =	vld [tilespmem:s24+$0xFFFFFF20];
	v10 =	vadd.f32 v13, v15  }
0x2f1: {  	v13 =	vld [tilespmem:s24+$0xFFFFFF30];
	v8 =	vmax.f32 v8, $0.0e+00  }
0x2f2: {  	v7 =	vadd.f32 v14, v7;
	v10 =	vmax.f32 v10, $0.0e+00;
	v14 =	vld [tilespmem:s21+$0xFFFFFF40];
	[tilespmem:s3+$0x0] =	vst v8  }
0x2f3: {  	[tilespmem:s24+$0xFFFFFF90] =	vst v10;
	v8 =	vld [tilespmem:s24+$0xFFFFFFA0]  }
0x2f4: {  	v7 =	vmax.f32 v7, $0.0e+00;
	v10 =	vld [tilespmem:s20+$0xFFFFFFA0];
	v11 =	vadd.f32 v12, v11  }
0x2f5: {  	[tilespmem:s24+$0xFFFFFF10] =	vst v7;
	v7 =	vld [tilespmem:s24+$0xFFFFFF40]  }
0x2f6: {  	v12 =	vld [tilespmem:s20+$0xFFFFFF20];
	v11 =	vmax.f32 v11, $0.0e+00  }
0x2f7: {  	v17 =	vadd.f32 v14, v6;
	[tilespmem:s11+$0xFFFFFFD0] =	vst v11;
	v11 =	vld [tilespmem:s11+$0xFFFFFFE0]  }
0x2f8: {  	v14 =	vld [tilespmem:s21+$0xFFFFFFE0]  }
0x2f9: {  	v15 =	vld [tilespmem:s24+$0xFFFFFF50];
	v10 =	vadd.f32 v10, v8;
	v16 =	vmax.f32 v17, $0.0e+00  }
0x2fa: {  	v8 =	vld [tilespmem:s24+$0xFFFFFF60];
	[tilespmem:s11+$0xFFFFFF40] =	vst v16;
	v6 =	vmov v7  }
0x2fb: {  	v7 =	vadd.f32 v12, v9;
	v9 =	vmax.f32 v10, $0.0e+00;
	v10 =	vld [tilespmem:s21+$0xFFFFFF50]  }
0x2fc: {  	[tilespmem:s24+$0xFFFFFFA0] =	vst v9;
	v9 =	vld [tilespmem:s24+$0xFFFFFFB0]  }
0x2fd: {  	v7 =	vmax.f32 v7, $0.0e+00;
	v12 =	vld [tilespmem:s20+$0xFFFFFFB0];
	v11 =	vadd.f32 v14, v11  }
0x2fe: {  	[tilespmem:s24+$0xFFFFFF20] =	vst v7;
	v14 =	vld [tilespmem:s15+$0xFFFFFF70]  }
0x2ff: {  	v16 =	vld [tilespmem:s20+$0xFFFFFF30];
	v7 =	vmax.f32 v11, $0.0e+00  }
0x300: {  	v10 =	vadd.f32 v10, v4;
	[tilespmem:s11+$0xFFFFFFE0] =	vst v7;
	v17 =	vld [tilespmem:s11+$0xFFFFFFF0];
	v4 =	vmov v15  }
0x301: {  	v15 =	vld [tilespmem:s21+$0xFFFFFFF0]  }
0x302: {  	v18 =	vld [tilespmem:s24+$0xFFFFFF70];
	v9 =	vadd.f32 v12, v9;
	v10 =	vmax.f32 v10, $0.0e+00  }
0x303: {  	v7 =	vld [tilespmem:s24+$0xFFFFFF80];
	[tilespmem:s11+$0xFFFFFF50] =	vst v10;
	v10 =	vadd.f32 v14, v3;
	v3 =	vmov v5  }
.Ltmp5:
0x304: {  	v19 =	vadd.f32 v16, v13;
	v9 =	vmax.f32 v9, $0.0e+00;
	v11 =	vld [tilespmem:s21+$0xFFFFFF60];
	(pc) =	sbr.rel @p1 .LBB2_9-.Ltmp5, $4  }
0x305: {  	[tilespmem:s24+$0xFFFFFFB0] =	vst v9;
	v12 =	vld [tilespmem:s24+$0xFFFFFFC0];
	v9 =	vmax.f32 v10, $0.0e+00  }
0x306: {  	v16 =	vmax.f32 v19, $0.0e+00;
	v14 =	vld [tilespmem:s20+$0xFFFFFFC0];
	v13 =	vadd.f32 v15, v17;
	[tilespmem:s3+$0xFFFFFF70] =	vst v9  }
0x307: {  	[tilespmem:s24+$0xFFFFFF30] =	vst v16;
	v10 =	vld [tilespmem:s15+$0xFFFFFF80];
	v5 =	vmov v18;
	s15 =	smov.u32 s21;
	s21 =	smov.u32 s20  }
0x308: {  	s24 =	sadd.s32 $0x100, s24;
	v13 =	vmax.f32 v13, $0.0e+00;
	v9 =	vld [tilespmem:s11+$0x0]  }
0x309: {  	v15 =	vld [tilespmem:s21+$0xFFFFFF40];
	_ =	sdelay $0x3  }
0x30a: {  	v12 =	vadd.f32 v14, v12  }
0x30b: {  	v6 =	vadd.f32 v15, v6  }
0x30c: {  	v12 =	vmax.f32 v12, $0.0e+00  }
0x30d: {  	v47 =	vld [tilespmem:s7+$0xFFFFFFD0];
	[tilespmem:s7+$0xFFFFFFC0] =	vst v12;
	v6 =	vmax.f32 v6, $0.0e+00  }
0x30e: {  	v48 =	vld [tilespmem:s21+$0xFFFFFFD0];
	[tilespmem:s7+$0xFFFFFF40] =	vst v6  }
0x30f: {  	v6 =	vld [tilespmem:s21+$0xFFFFFF50];
	_ =	sdelay $0x3  }
0x310: {  	v12 =	vadd.f32 v48, v47  }
0x311: {  	v4 =	vadd.f32 v6, v4  }
0x312: {  	v12 =	vmax.f32 v12, $0.0e+00  }
0x313: {  	v49 =	vld [tilespmem:s7+$0xFFFFFFE0];
	[tilespmem:s7+$0xFFFFFFD0] =	vst v12;
	v4 =	vmax.f32 v4, $0.0e+00  }
0x314: {  	v12 =	vld [tilespmem:s21+$0xFFFFFFE0];
	[tilespmem:s7+$0xFFFFFF50] =	vst v4  }
0x315: {  	v4 =	vld [tilespmem:s21+$0xFFFFFF60];
	_ =	sdelay $0x1  }
0x316: {  	v2 =	vadd.f32 v11, v2;
	_ =	sdelay $0x1  }
0x317: {  	v2 =	vmax.f32 v2, $0.0e+00;
	v6 =	vadd.f32 v12, v49  }
0x318: {  	[tilespmem:s11+$0xFFFFFF60] =	vst v2;
	v4 =	vadd.f32 v4, v8  }
0x319: {  	v51 =	vld [tilespmem:s15+$0xFFFFFF70];
	v50 =	vmax.f32 v6, $0.0e+00  }
0x31a: {  	v52 =	vld [tilespmem:s7+$0xFFFFFFF0];
	[tilespmem:s7+$0xFFFFFFE0] =	vst v50;
	v4 =	vmax.f32 v4, $0.0e+00  }
0x31b: {  	v53 =	vld [tilespmem:s21+$0xFFFFFFF0];
	[tilespmem:s7+$0xFFFFFF60] =	vst v4  }
0x31c: {  	v4 =	vld [tilespmem:s21+$0xFFFFFF70];
	_ =	sdelay $0x1  }
0x31d: {  	v3 =	vadd.f32 v51, v3;
	_ =	sdelay $0x1  }
0x31e: {  	v3 =	vmax.f32 v3, $0.0e+00;
	v2 =	vadd.f32 v53, v52  }
0x31f: {  	v55 =	vld [tilespmem:s7+$0x0];
	[tilespmem:s11+$0xFFFFFF70] =	vst v3;
	v4 =	vadd.f32 v4, v5  }
0x320: {  	[tilespmem:s11+$0xFFFFFFF0] =	vst v13;
	v56 =	vld [tilespmem:s15+$0xFFFFFF80];
	v2 =	vmax.f32 v2, $0.0e+00  }
0x321: {  	v54 =	vld [tilespmem:s15+$0x0];
	[tilespmem:s7+$0xFFFFFFF0] =	vst v2;
	v57 =	vmax.f32 v4, $0.0e+00  }
0x322: {  	v58 =	vld [tilespmem:s21+$0x0];
	[tilespmem:s7+$0xFFFFFF70] =	vst v57  }
0x323: {  	v2 =	vld [tilespmem:s21+$0xFFFFFF80]  }
0x324: {  	v0 =	vadd.f32 v10, v0  }
0x325: {  	v1 =	vadd.f32 v56, v1  }
0x326: {  	s2 =	sshrl.u32 s22, $0x1;
	v0 =	vmax.f32 v0, $0.0e+00;
	v6 =	vadd.f32 v54, v9  }
0x327: {  	s2 =	smul.u32 $0x2800, s2;
	[tilespmem:s3+$0xFFFFFF80] =	vst v0;
	v60 =	vmax.f32 v1, $0.0e+00;
	v3 =	vadd.f32 v58, v55  }
0x328: {  	s17 =	sadd.s32 $0x1, s17;
	[tilespmem:s11+$0xFFFFFF80] =	vst v60;
	v59 =	vmax.f32 v6, $0.0e+00;
	v61 =	vadd.f32 v2, v7  }
0x329: {  	p1 =	sne.s32 s17, $0x3E;
	s2 =	sadd.s32 s2, s10;
	[tilespmem:s11+$0x0] =	vst v59;
	v62 =	vmax.f32 v3, $0.0e+00  }
.Ltmp6:
0x32a: {  	s2 =	sshrl.u32 s2, $0x3;
	[tilespmem:s7+$0x0] =	vst v62;
	v63 =	vmax.f32 v61, $0.0e+00;
	(pc) =	sbr.rel @p1 .LBB2_2-.Ltmp6, $4  }
0x32b: {  	s24 =	simm.s32 $0x1E8C0;
	s2 =	sadd.s32 s1, s2;
	[tilespmem:s7+$0xFFFFFF80] =	vst v63  }
0x32c: {  	[tilespmem:s24], [sflag:$0xA] =	stream.linear.gather [hbm4b:s2+s5], $0x1400, $0x38;
	[tilespmem:$0x1FCC0] =	vst v63  }
0x32d: {  	s26 =	simm.s32 $0x17E40;
	s24 =	simm.s32 $0x1C0C0  }
0x32e: {  	[spmem:s4] =	stream.indirect.scatter.add.f32 [tilespmem:s24], [sflag:$0x8], $0x80, s26, s23, $0xb8;
	[tilespmem:$0x1FCC0] =	vst v63  }
0x32f: {  	s2 =	simm.s32 $0x8  }
0x330: {  	_ =	swait.ge [sflag:s2], $0x1400  }
0x331: {  	[sflag:s2] =	ssyncset.done $0x0  }
0x332: {  	[sflag:s2] =	ssyncadd.s32 $0xFFFFEC00  }
0x333: {  	_ =	swait.ge [sflag:s8], $0x1400  }
0x334: {  	[sflag:s8] =	ssyncset.done $0x0  }
0x335: {  	[sflag:s8] =	ssyncadd.s32 $0xFFFFEC00  }
0x336: {  	_ =	swait.ge [sflag:s9], $0x1400  }
0x337: {  	[sflag:s9] =	ssyncset.done $0x0  }
0x338: {  	s3 =	simm.s32 $0x18540;
	[sflag:s9] =	ssyncadd.s32 $0xFFFFEC00  }
0x339: {  	s20 =	simm.s32 $0x1D540;
	v0 =	vld [tilespmem:s3+$0x0]  }
0x33a: {  	v1 =	vld [tilespmem:s20+$0x0];
	_ =	sdelay $0x4  }
0x33b: {  	v0 =	vadd.f32 v1, v0;
	_ =	sdelay $0x1  }
0x33c: {  	v0 =	vmax.f32 v0, $0.0e+00  }
0x33d: {  	[tilespmem:s3+$0x0] =	vst v0;
	v0 =	vld [tilespmem:s3+$0x10]  }
0x33e: {  	v1 =	vld [tilespmem:s20+$0x10];
	_ =	sdelay $0x3  }
0x33f: {  	v2 =	vld [tilespmem:s3+$0xFFFFFF80]  }
0x340: {  	v0 =	vadd.f32 v1, v0;
	v1 =	vld [tilespmem:s20+$0xFFFFFF80];
	_ =	sdelay $0x1  }
0x341: {  	v0 =	vmax.f32 v0, $0.0e+00  }
0x342: {  	[tilespmem:s3+$0x10] =	vst v0;
	v0 =	vld [tilespmem:s3+$0x20]  }
0x343: {  	v3 =	vld [tilespmem:s20+$0x20]  }
0x344: {  	s11 =	simm.s32 $0x18640;
	v4 =	vld [tilespmem:s3+$0xFFFFFFA0];
	v1 =	vadd.f32 v1, v2  }
0x345: {  	v6 =	vld [tilespmem:s11+$0x0]  }
0x346: {  	v7 =	vld [tilespmem:s3+$0xFFFFFFC0];
	v1 =	vmax.f32 v1, $0.0e+00  }
0x347: {  	v2 =	vld [tilespmem:s3+$0xFFFFFF90];
	[tilespmem:s3+$0xFFFFFF80] =	vst v1  }
0x348: {  	v0 =	vadd.f32 v3, v0;
	v1 =	vld [tilespmem:s20+$0xFFFFFF90]  }
0x349: {  	v8 =	vld [tilespmem:s3+$0xFFFFFFD0]  }
0x34a: {  	v9 =	vld [tilespmem:s3+$0x40];
	v0 =	vmax.f32 v0, $0.0e+00  }
0x34b: {  	[tilespmem:s3+$0x20] =	vst v0;
	v0 =	vld [tilespmem:s3+$0x30]  }
0x34c: {  	v5 =	vld [tilespmem:s20+$0x30]  }
0x34d: {  	s15 =	simm.s32 $0x1D640;
	v10 =	vld [tilespmem:s11+$0x10];
	v1 =	vadd.f32 v1, v2  }
0x34e: {  	v2 =	vld [tilespmem:s15+$0x0]  }
0x34f: {  	s17 =	simm.s32 $0x1D740;
	v12 =	vld [tilespmem:s3+$0xFFFFFFE0];
	v1 =	vmax.f32 v1, $0.0e+00  }
0x350: {  	v16 =	vld [tilespmem:s17+$0xFFFFFF80];
	[tilespmem:s3+$0xFFFFFF90] =	vst v1  }
0x351: {  	v0 =	vadd.f32 v5, v0;
	v1 =	vld [tilespmem:s20+$0xFFFFFFA0]  }
0x352: {  	v5 =	vld [tilespmem:s15+$0xFFFFFF80]  }
0x353: {  	s7 =	simm.s32 $0x18740;
	v2 =	vadd.f32 v2, v6;
	v6 =	vld [tilespmem:s11+$0xFFFFFF80];
	v0 =	vmax.f32 v0, $0.0e+00  }
0x354: {  	v17 =	vld [tilespmem:s7+$0xFFFFFF80];
	[tilespmem:s3+$0x30] =	vst v0  }
0x355: {  	v0 =	vmax.f32 v2, $0.0e+00;
	v2 =	vld [tilespmem:s20+$0x40]  }
0x356: {  	v18 =	vld [tilespmem:s7+$0xFFFFFF90];
	[tilespmem:s11+$0x0] =	vst v0  }
0x357: {  	v11 =	vld [tilespmem:s15+$0x10];
	v1 =	vadd.f32 v1, v4  }
0x358: {  	v62 =	vld [tilespmem:s7+$0x20];
	v4 =	vadd.f32 v5, v6  }
0x359: {  	v3 =	vld [tilespmem:s3+$0xFFFFFFB0];
	v1 =	vmax.f32 v1, $0.0e+00  }
0x35a: {  	v5 =	vld [tilespmem:s11+$0xFFFFFF90];
	[tilespmem:s3+$0xFFFFFFA0] =	vst v1;
	v1 =	vmax.f32 v4, $0.0e+00;
	v2 =	vadd.f32 v2, v9  }
0x35b: {  	v4 =	vld [tilespmem:s20+$0xFFFFFFB0];
	[tilespmem:s11+$0xFFFFFF80] =	vst v1  }
0x35c: {  	v9 =	vld [tilespmem:s15+$0xFFFFFF90];
	v1 =	vmax.f32 v2, $0.0e+00;
	v2 =	vadd.f32 v11, v10  }
0x35d: {  	v11 =	vld [tilespmem:s11+$0x20]  }
0x35e: {  	[tilespmem:s3+$0x40] =	vst v1;
	v1 =	vld [tilespmem:s3+$0x50];
	v2 =	vmax.f32 v2, $0.0e+00  }
0x35f: {  	v10 =	vld [tilespmem:s20+$0x50];
	[tilespmem:s11+$0x10] =	vst v2  }
0x360: {  	v13 =	vld [tilespmem:s15+$0x20]  }
0x361: {  	v63 =	vld [tilespmem:s11+$0x60];
	v2 =	vadd.f32 v4, v3  }
0x362: {  	v0 =	vld [tilespmem:s3+$0xFFFFFFF0]  }
0x363: {  	v6 =	vld [tilespmem:s11+$0xFFFFFFA0];
	v3 =	vadd.f32 v9, v5;
	v9 =	vmax.f32 v2, $0.0e+00  }
0x364: {  	v4 =	vld [tilespmem:s11+$0xFFFFFFB0];
	[tilespmem:s3+$0xFFFFFFB0] =	vst v9;
	v1 =	vadd.f32 v10, v1  }
0x365: {  	v10 =	vld [tilespmem:s20+$0xFFFFFFC0];
	v9 =	vadd.f32 v13, v11  }
0x366: {  	v5 =	vld [tilespmem:s11+$0xFFFFFFC0];
	v1 =	vmax.f32 v1, $0.0e+00  }
0x367: {  	v2 =	vld [tilespmem:s11+$0xFFFFFFD0];
	[tilespmem:s3+$0x50] =	vst v1;
	v1 =	vmax.f32 v9, $0.0e+00  }
0x368: {  	v13 =	vld [tilespmem:s11+$0x30];
	[tilespmem:s11+$0x20] =	vst v1  }
0x369: {  	v3 =	vmax.f32 v3, $0.0e+00;
	v14 =	vld [tilespmem:s15+$0x30]  }
0x36a: {  	[tilespmem:s11+$0xFFFFFF90] =	vst v3;
	v3 =	vld [tilespmem:s11+$0xFFFFFFE0];
	v7 =	vadd.f32 v10, v7  }
0x36b: {  	v11 =	vld [tilespmem:s15+$0xFFFFFFA0]  }
0x36c: {  	v10 =	vld [tilespmem:s7+$0x0];
	v7 =	vmax.f32 v7, $0.0e+00  }
0x36d: {  	[tilespmem:s3+$0xFFFFFFC0] =	vst v7;
	v7 =	vld [tilespmem:s17+$0x0]  }
0x36e: {  	v9 =	vld [tilespmem:s3+$0x60];
	v13 =	vadd.f32 v14, v13  }
0x36f: {  	v15 =	vld [tilespmem:s20+$0x60]  }
0x370: {  	v1 =	vld [tilespmem:s11+$0xFFFFFFF0];
	v6 =	vadd.f32 v11, v6;
	v13 =	vmax.f32 v13, $0.0e+00  }
0x371: {  	v11 =	vld [tilespmem:s11+$0x40];
	[tilespmem:s11+$0x30] =	vst v13  }
0x372: {  	v6 =	vmax.f32 v6, $0.0e+00;
	v7 =	vadd.f32 v7, v10;
	v13 =	vld [tilespmem:s15+$0x40]  }
0x373: {  	[tilespmem:s11+$0xFFFFFFA0] =	vst v6;
	v14 =	vld [tilespmem:s20+$0xFFFFFFD0]  }
0x374: {  	v6 =	vmax.f32 v7, $0.0e+00;
	v7 =	vadd.f32 v15, v9;
	v9 =	vld [tilespmem:s15+$0xFFFFFFB0]  }
0x375: {  	v15 =	vld [tilespmem:s7+$0x10];
	[tilespmem:s7+$0x0] =	vst v6;
	v6 =	vadd.f32 v16, v17  }
0x376: {  	v7 =	vmax.f32 v7, $0.0e+00;
	v60 =	vld [tilespmem:s17+$0x10]  }
0x377: {  	v10 =	vld [tilespmem:s3+$0x70];
	[tilespmem:s3+$0x60] =	vst v7;
	v6 =	vmax.f32 v6, $0.0e+00;
	v11 =	vadd.f32 v13, v11  }
0x378: {  	v61 =	vld [tilespmem:s20+$0x70];
	[tilespmem:s7+$0xFFFFFF80] =	vst v6  }
0x379: {  	v7 =	vld [tilespmem:s17+$0xFFFFFF90];
	v6 =	vmax.f32 v11, $0.0e+00  }
0x37a: {  	v4 =	vadd.f32 v9, v4;
	v9 =	vld [tilespmem:s11+$0x50];
	[tilespmem:s11+$0x40] =	vst v6  }
0x37b: {  	v15 =	vadd.f32 v60, v15;
	v11 =	vld [tilespmem:s15+$0x50]  }
0x37c: {  	v13 =	vld [tilespmem:s7+$0xFFFFFFA0];
	v4 =	vmax.f32 v4, $0.0e+00  }
0x37d: {  	v8 =	vadd.f32 v14, v8;
	v6 =	vld [tilespmem:s7+$0xFFFFFFB0];
	[tilespmem:s11+$0xFFFFFFB0] =	vst v4;
	v15 =	vmax.f32 v15, $0.0e+00  }
0x37e: {  	v14 =	vld [tilespmem:s15+$0xFFFFFFC0];
	[tilespmem:s7+$0x10] =	vst v15;
	v15 =	vadd.f32 v7, v18  }
0x37f: {  	v4 =	vld [tilespmem:s7+$0xFFFFFFC0];
	v7 =	vmax.f32 v8, $0.0e+00  }
0x380: {  	v8 =	vld [tilespmem:s17+$0x20];
	[tilespmem:s3+$0xFFFFFFD0] =	vst v7;
	v9 =	vadd.f32 v11, v9;
	v11 =	vmax.f32 v15, $0.0e+00  }
0x381: {  	[tilespmem:s7+$0xFFFFFF90] =	vst v11;
	v11 =	vld [tilespmem:s20+$0xFFFFFFE0]  }
0x382: {  	v7 =	vld [tilespmem:s7+$0xFFFFFFD0];
	v9 =	vmax.f32 v9, $0.0e+00  }
0x383: {  	v15 =	vld [tilespmem:s17+$0xFFFFFFA0];
	[tilespmem:s11+$0x50] =	vst v9;
	v9 =	vadd.f32 v14, v5  }
0x384: {  	v19 =	vld [tilespmem:s15+$0x60]  }
0x385: {  	v14 =	vadd.f32 v8, v62;
	v5 =	vld [tilespmem:s7+$0xFFFFFFE0];
	v8 =	vmax.f32 v9, $0.0e+00  }
0x386: {  	[tilespmem:s11+$0xFFFFFFC0] =	vst v8;
	v9 =	vadd.f32 v11, v12;
	v8 =	vld [tilespmem:s7+$0xFFFFFFF0]  }
0x387: {  	v10 =	vadd.f32 v61, v10;
	v12 =	vmax.f32 v14, $0.0e+00;
	v11 =	vld [tilespmem:s15+$0xFFFFFFD0]  }
0x388: {  	[tilespmem:s7+$0x20] =	vst v12;
	v13 =	vadd.f32 v15, v13;
	v12 =	vld [tilespmem:s7+$0x30];
	v9 =	vmax.f32 v9, $0.0e+00  }
0x389: {  	v10 =	vmax.f32 v10, $0.0e+00;
	v14 =	vld [tilespmem:s17+$0x30];
	v15 =	vadd.f32 v19, v63;
	[tilespmem:s3+$0xFFFFFFE0] =	vst v9  }
0x38a: {  	[tilespmem:s3+$0x70] =	vst v10;
	v9 =	vmax.f32 v13, $0.0e+00;
	v10 =	vld [tilespmem:s20+$0xFFFFFFF0]  }
0x38b: {  	s21 =	simm.s32 $0x18840;
	s2 =	simm.s32 $0x4;
	[tilespmem:s7+$0xFFFFFFA0] =	vst v9;
	v9 =	vld [tilespmem:s11+$0x70];
	s20 =	simm.s32 $0x1D740;
	v13 =	vmax.f32 v15, $0.0e+00  }
.LBB2_12:
0x38c: {  	v15 =	vld [tilespmem:s21+$0x0];
	v11 =	vadd.f32 v11, v2;
	[tilespmem:s11+$0x60] =	vst v13;
	v2 =	vmov v7  }
0x38d: {  	s17 =	sadd.s32 $0x100, s17;
	v7 =	vld [tilespmem:s15+$0x70]  }
0x38e: {  	s2 =	sadd.s32 $0x2, s2;
	v13 =	vld [tilespmem:s17+$0x0];
	v12 =	vadd.f32 v14, v12;
	v11 =	vmax.f32 v11, $0.0e+00  }
0x38f: {  	p1 =	slt.u32 s2, $0x26;
	v14 =	vld [tilespmem:s17+$0xFFFFFF80];
	[tilespmem:s11+$0xFFFFFFD0] =	vst v11;
	v10 =	vadd.f32 v10, v0;
	v0 =	vmov v1;
	v1 =	vmov v8  }
0x390: {  	v8 =	vld [tilespmem:s21+$0xFFFFFF80];
	v11 =	vmax.f32 v12, $0.0e+00  }
0x391: {  	[tilespmem:s7+$0x30] =	vst v11;
	v11 =	vld [tilespmem:s7+$0x40];
	v10 =	vmax.f32 v10, $0.0e+00  }
0x392: {  	v12 =	vld [tilespmem:s20+$0x40];
	v7 =	vadd.f32 v7, v9;
	[tilespmem:s3+$0xFFFFFFF0] =	vst v10;
	s3 =	smov.u32 s11;
	s11 =	smov.u32 s7;
	s7 =	smov.u32 s21  }
0x393: {  	v9 =	vld [tilespmem:s21+$0xFFFFFF90];
	v10 =	vadd.f32 v13, v15  }
0x394: {  	v13 =	vld [tilespmem:s21+$0xFFFFFFA0];
	v7 =	vmax.f32 v7, $0.0e+00  }
0x395: {  	v8 =	vadd.f32 v14, v8;
	v10 =	vmax.f32 v10, $0.0e+00;
	v14 =	vld [tilespmem:s20+$0xFFFFFFB0];
	[tilespmem:s3+$0x70] =	vst v7  }
0x396: {  	[tilespmem:s21+$0x0] =	vst v10;
	v7 =	vld [tilespmem:s21+$0x10]  }
0x397: {  	v8 =	vmax.f32 v8, $0.0e+00;
	v10 =	vld [tilespmem:s17+$0x10];
	v11 =	vadd.f32 v12, v11  }
0x398: {  	[tilespmem:s21+$0xFFFFFF80] =	vst v8;
	v8 =	vld [tilespmem:s21+$0xFFFFFFB0]  }
0x399: {  	v12 =	vld [tilespmem:s17+$0xFFFFFF90];
	v11 =	vmax.f32 v11, $0.0e+00  }
0x39a: {  	v17 =	vadd.f32 v14, v6;
	[tilespmem:s11+$0x40] =	vst v11;
	v11 =	vld [tilespmem:s11+$0x50]  }
0x39b: {  	v14 =	vld [tilespmem:s20+$0x50]  }
0x39c: {  	v15 =	vld [tilespmem:s21+$0xFFFFFFC0];
	v10 =	vadd.f32 v10, v7;
	v16 =	vmax.f32 v17, $0.0e+00  }
0x39d: {  	v7 =	vld [tilespmem:s21+$0xFFFFFFD0];
	[tilespmem:s11+$0xFFFFFFB0] =	vst v16;
	v6 =	vmov v8  }
0x39e: {  	v8 =	vadd.f32 v12, v9;
	v9 =	vmax.f32 v10, $0.0e+00;
	v10 =	vld [tilespmem:s20+$0xFFFFFFC0]  }
0x39f: {  	[tilespmem:s21+$0x10] =	vst v9;
	v9 =	vld [tilespmem:s21+$0x20]  }
0x3a0: {  	v8 =	vmax.f32 v8, $0.0e+00;
	v12 =	vld [tilespmem:s17+$0x20];
	v11 =	vadd.f32 v14, v11  }
0x3a1: {  	[tilespmem:s21+$0xFFFFFF90] =	vst v8;
	v14 =	vld [tilespmem:s15+$0xFFFFFFE0]  }
0x3a2: {  	v16 =	vld [tilespmem:s17+$0xFFFFFFA0];
	v8 =	vmax.f32 v11, $0.0e+00  }
0x3a3: {  	v10 =	vadd.f32 v10, v4;
	[tilespmem:s11+$0x50] =	vst v8;
	v17 =	vld [tilespmem:s11+$0x60];
	v4 =	vmov v15  }
0x3a4: {  	v15 =	vld [tilespmem:s20+$0x60]  }
0x3a5: {  	v18 =	vld [tilespmem:s21+$0xFFFFFFE0];
	v9 =	vadd.f32 v12, v9;
	v10 =	vmax.f32 v10, $0.0e+00  }
0x3a6: {  	v8 =	vld [tilespmem:s21+$0xFFFFFFF0];
	[tilespmem:s11+$0xFFFFFFC0] =	vst v10;
	v10 =	vadd.f32 v14, v3;
	v3 =	vmov v5  }
.Ltmp7:
0x3a7: {  	v19 =	vadd.f32 v16, v13;
	v9 =	vmax.f32 v9, $0.0e+00;
	v11 =	vld [tilespmem:s20+$0xFFFFFFD0];
	(pc) =	sbr.rel @p1 .LBB2_12-.Ltmp7, $4  }
0x3a8: {  	[tilespmem:s21+$0x20] =	vst v9;
	v12 =	vld [tilespmem:s21+$0x30];
	v9 =	vmax.f32 v10, $0.0e+00  }
0x3a9: {  	v16 =	vmax.f32 v19, $0.0e+00;
	v14 =	vld [tilespmem:s17+$0x30];
	v13 =	vadd.f32 v15, v17;
	[tilespmem:s3+$0xFFFFFFE0] =	vst v9  }
0x3aa: {  	[tilespmem:s21+$0xFFFFFFA0] =	vst v16;
	v10 =	vld [tilespmem:s15+$0xFFFFFFF0];
	v5 =	vmov v18;
	s15 =	smov.u32 s20;
	s20 =	smov.u32 s17  }
0x3ab: {  	s21 =	sadd.s32 $0x100, s21;
	v13 =	vmax.f32 v13, $0.0e+00;
	v9 =	vld [tilespmem:s11+$0x70]  }
0x3ac: {  	v15 =	vld [tilespmem:s20+$0xFFFFFFB0];
	_ =	sdelay $0x3  }
0x3ad: {  	v12 =	vadd.f32 v14, v12  }
0x3ae: {  	v6 =	vadd.f32 v15, v6  }
0x3af: {  	v12 =	vmax.f32 v12, $0.0e+00  }
0x3b0: {  	[tilespmem:s7+$0x30] =	vst v12;
	v12 =	vld [tilespmem:s7+$0x40];
	v6 =	vmax.f32 v6, $0.0e+00  }
0x3b1: {  	v14 =	vld [tilespmem:s20+$0x40];
	[tilespmem:s7+$0xFFFFFFB0] =	vst v6  }
0x3b2: {  	v6 =	vld [tilespmem:s20+$0xFFFFFFC0];
	_ =	sdelay $0x3  }
0x3b3: {  	v12 =	vadd.f32 v14, v12  }
0x3b4: {  	v4 =	vadd.f32 v6, v4  }
0x3b5: {  	v12 =	vmax.f32 v12, $0.0e+00  }
0x3b6: {  	[tilespmem:s7+$0x40] =	vst v12;
	v6 =	vld [tilespmem:s7+$0x50];
	v4 =	vmax.f32 v4, $0.0e+00  }
0x3b7: {  	v12 =	vld [tilespmem:s20+$0x50];
	[tilespmem:s7+$0xFFFFFFC0] =	vst v4  }
0x3b8: {  	v4 =	vld [tilespmem:s20+$0xFFFFFFD0];
	_ =	sdelay $0x1  }
0x3b9: {  	v2 =	vadd.f32 v11, v2;
	_ =	sdelay $0x1  }
0x3ba: {  	v2 =	vmax.f32 v2, $0.0e+00;
	v6 =	vadd.f32 v12, v6  }
0x3bb: {  	[tilespmem:s11+$0xFFFFFFD0] =	vst v2;
	v4 =	vadd.f32 v4, v7  }
0x3bc: {  	v2 =	vmax.f32 v6, $0.0e+00;
	v6 =	vld [tilespmem:s15+$0xFFFFFFE0]  }
0x3bd: {  	[tilespmem:s7+$0x50] =	vst v2;
	v2 =	vld [tilespmem:s7+$0x60];
	v4 =	vmax.f32 v4, $0.0e+00  }
0x3be: {  	v7 =	vld [tilespmem:s20+$0x60];
	[tilespmem:s7+$0xFFFFFFD0] =	vst v4  }
0x3bf: {  	v4 =	vld [tilespmem:s20+$0xFFFFFFE0];
	_ =	sdelay $0x2  }
0x3c0: {  	v3 =	vadd.f32 v6, v3  }
0x3c1: {  	[tilespmem:s11+$0x60] =	vst v13;
	v2 =	vadd.f32 v7, v2  }
0x3c2: {  	v6 =	vld [tilespmem:s15+$0x70];
	v3 =	vmax.f32 v3, $0.0e+00;
	v4 =	vadd.f32 v4, v5  }
0x3c3: {  	[tilespmem:s11+$0xFFFFFFE0] =	vst v3;
	v3 =	vld [tilespmem:s7+$0x70];
	v2 =	vmax.f32 v2, $0.0e+00  }
0x3c4: {  	v5 =	vld [tilespmem:s15+$0xFFFFFFF0];
	[tilespmem:s7+$0x60] =	vst v2;
	v2 =	vmax.f32 v4, $0.0e+00  }
0x3c5: {  	v4 =	vld [tilespmem:s20+$0x70];
	[tilespmem:s7+$0xFFFFFFE0] =	vst v2  }
0x3c6: {  	v2 =	vld [tilespmem:s20+$0xFFFFFFF0]  }
0x3c7: {  	v0 =	vadd.f32 v10, v0  }
0x3c8: {  	v6 =	vadd.f32 v6, v9  }
0x3c9: {  	v0 =	vmax.f32 v0, $0.0e+00;
	v1 =	vadd.f32 v5, v1  }
0x3ca: {  	[tilespmem:s3+$0xFFFFFFF0] =	vst v0;
	v0 =	vmax.f32 v6, $0.0e+00;
	v3 =	vadd.f32 v4, v3  }
0x3cb: {  	[tilespmem:s11+$0x70] =	vst v0;
	v0 =	vmax.f32 v1, $0.0e+00;
	v1 =	vadd.f32 v2, v8  }
0x3cc: {  	[tilespmem:s11+$0xFFFFFFF0] =	vst v0;
	v0 =	vmax.f32 v3, $0.0e+00  }
0x3cd: {  	[tilespmem:s7+$0x70] =	vst v0;
	v0 =	vmax.f32 v1, $0.0e+00  }
0x3ce: {  	s2 =	simm.s32 $0x17CC0;
	[tilespmem:s7+$0xFFFFFFF0] =	vst v0  }
0x3cf: {  	[spmem:s4] =	stream.indirect.scatter.add.f32 [tilespmem:s25], [sflag:$0x5], $0x80, s2, s23, $0xb8;
	[tilespmem:$0x1FCC0] =	vst v63  }
0x3d0: {  	_ =	swait.ge [sflag:s12], $0x1400  }
0x3d1: {  	[sflag:s12] =	ssyncset.done $0x0  }
0x3d2: {  	[sflag:s12] =	ssyncadd.s32 $0xFFFFEC00  }
0x3d3: {  	_ =	swait.ge [sflag:s13], $0x1400  }
0x3d4: {  	[sflag:s13] =	ssyncset.done $0x0  }
0x3d5: {  	[sflag:s13] =	ssyncadd.s32 $0xFFFFEC00  }
0x3d6: {  	_ =	swait.ge [sflag:s14], $0x1400  }
0x3d7: {  	[sflag:s14] =	ssyncset.done $0x0  }
0x3d8: {  	s3 =	simm.s32 $0x199B0;
	[sflag:s14] =	ssyncadd.s32 $0xFFFFEC00  }
0x3d9: {  	s26 =	simm.s32 $0x1E9B0;
	v0 =	vld [tilespmem:s3+$0xFFFFFF90]  }
0x3da: {  	v1 =	vld [tilespmem:s26+$0xFFFFFF90];
	_ =	sdelay $0x4  }
0x3db: {  	v0 =	vadd.f32 v1, v0;
	_ =	sdelay $0x1  }
0x3dc: {  	v0 =	vmax.f32 v0, $0.0e+00  }
0x3dd: {  	[tilespmem:s3+$0xFFFFFF90] =	vst v0;
	v0 =	vld [tilespmem:s3+$0xFFFFFFA0]  }
0x3de: {  	v1 =	vld [tilespmem:s26+$0xFFFFFFA0];
	_ =	sdelay $0x3  }
0x3df: {  	v2 =	vld [tilespmem:s3+$0xFFFFFF10]  }
0x3e0: {  	v0 =	vadd.f32 v1, v0;
	v1 =	vld [tilespmem:s26+$0xFFFFFF10];
	_ =	sdelay $0x1  }
0x3e1: {  	v0 =	vmax.f32 v0, $0.0e+00  }
0x3e2: {  	[tilespmem:s3+$0xFFFFFFA0] =	vst v0;
	v0 =	vld [tilespmem:s3+$0xFFFFFFB0]  }
0x3e3: {  	v3 =	vld [tilespmem:s26+$0xFFFFFFB0]  }
0x3e4: {  	s11 =	simm.s32 $0x19AB0;
	v4 =	vld [tilespmem:s3+$0xFFFFFF30];
	v1 =	vadd.f32 v1, v2  }
0x3e5: {  	v6 =	vld [tilespmem:s11+$0xFFFFFF90]  }
0x3e6: {  	v7 =	vld [tilespmem:s3+$0xFFFFFF50];
	v1 =	vmax.f32 v1, $0.0e+00  }
0x3e7: {  	v2 =	vld [tilespmem:s3+$0xFFFFFF20];
	[tilespmem:s3+$0xFFFFFF10] =	vst v1  }
0x3e8: {  	v0 =	vadd.f32 v3, v0;
	v1 =	vld [tilespmem:s26+$0xFFFFFF20]  }
0x3e9: {  	v8 =	vld [tilespmem:s3+$0xFFFFFF60]  }
0x3ea: {  	v9 =	vld [tilespmem:s3+$0xFFFFFFD0];
	v0 =	vmax.f32 v0, $0.0e+00  }
0x3eb: {  	[tilespmem:s3+$0xFFFFFFB0] =	vst v0;
	v0 =	vld [tilespmem:s3+$0xFFFFFFC0]  }
0x3ec: {  	v5 =	vld [tilespmem:s26+$0xFFFFFFC0]  }
0x3ed: {  	s15 =	simm.s32 $0x1EAB0;
	v10 =	vld [tilespmem:s11+$0xFFFFFFA0];
	v1 =	vadd.f32 v1, v2  }
0x3ee: {  	v2 =	vld [tilespmem:s15+$0xFFFFFF90]  }
0x3ef: {  	s17 =	simm.s32 $0x1EBB0;
	v12 =	vld [tilespmem:s3+$0xFFFFFF70];
	v1 =	vmax.f32 v1, $0.0e+00  }
0x3f0: {  	v16 =	vld [tilespmem:s17+$0xFFFFFF10];
	[tilespmem:s3+$0xFFFFFF20] =	vst v1  }
0x3f1: {  	v0 =	vadd.f32 v5, v0;
	v1 =	vld [tilespmem:s26+$0xFFFFFF30]  }
0x3f2: {  	v5 =	vld [tilespmem:s15+$0xFFFFFF10]  }
0x3f3: {  	s7 =	simm.s32 $0x19BB0;
	v2 =	vadd.f32 v2, v6;
	v6 =	vld [tilespmem:s11+$0xFFFFFF10];
	v0 =	vmax.f32 v0, $0.0e+00  }
0x3f4: {  	v17 =	vld [tilespmem:s7+$0xFFFFFF10];
	[tilespmem:s3+$0xFFFFFFC0] =	vst v0  }
0x3f5: {  	v0 =	vmax.f32 v2, $0.0e+00;
	v2 =	vld [tilespmem:s26+$0xFFFFFFD0]  }
0x3f6: {  	v18 =	vld [tilespmem:s7+$0xFFFFFF20];
	[tilespmem:s11+$0xFFFFFF90] =	vst v0  }
0x3f7: {  	v11 =	vld [tilespmem:s15+$0xFFFFFFA0];
	v1 =	vadd.f32 v1, v4  }
0x3f8: {  	v62 =	vld [tilespmem:s7+$0xFFFFFFB0];
	v4 =	vadd.f32 v5, v6  }
0x3f9: {  	v3 =	vld [tilespmem:s3+$0xFFFFFF40];
	v1 =	vmax.f32 v1, $0.0e+00  }
0x3fa: {  	v5 =	vld [tilespmem:s11+$0xFFFFFF20];
	[tilespmem:s3+$0xFFFFFF30] =	vst v1;
	v1 =	vmax.f32 v4, $0.0e+00;
	v2 =	vadd.f32 v2, v9  }
0x3fb: {  	v4 =	vld [tilespmem:s26+$0xFFFFFF40];
	[tilespmem:s11+$0xFFFFFF10] =	vst v1  }
0x3fc: {  	v9 =	vld [tilespmem:s15+$0xFFFFFF20];
	v1 =	vmax.f32 v2, $0.0e+00;
	v2 =	vadd.f32 v11, v10  }
0x3fd: {  	v11 =	vld [tilespmem:s11+$0xFFFFFFB0]  }
0x3fe: {  	[tilespmem:s3+$0xFFFFFFD0] =	vst v1;
	v1 =	vld [tilespmem:s3+$0xFFFFFFE0];
	v2 =	vmax.f32 v2, $0.0e+00  }
0x3ff: {  	v10 =	vld [tilespmem:s26+$0xFFFFFFE0];
	[tilespmem:s11+$0xFFFFFFA0] =	vst v2  }
0x400: {  	v13 =	vld [tilespmem:s15+$0xFFFFFFB0]  }
0x401: {  	v63 =	vld [tilespmem:s11+$0xFFFFFFF0];
	v2 =	vadd.f32 v4, v3  }
0x402: {  	v0 =	vld [tilespmem:s3+$0xFFFFFF80]  }
0x403: {  	v6 =	vld [tilespmem:s11+$0xFFFFFF30];
	v3 =	vadd.f32 v9, v5;
	v9 =	vmax.f32 v2, $0.0e+00  }
0x404: {  	v4 =	vld [tilespmem:s11+$0xFFFFFF40];
	[tilespmem:s3+$0xFFFFFF40] =	vst v9;
	v1 =	vadd.f32 v10, v1  }
0x405: {  	v10 =	vld [tilespmem:s26+$0xFFFFFF50];
	v9 =	vadd.f32 v13, v11  }
0x406: {  	v5 =	vld [tilespmem:s11+$0xFFFFFF50];
	v1 =	vmax.f32 v1, $0.0e+00  }
0x407: {  	v2 =	vld [tilespmem:s11+$0xFFFFFF60];
	[tilespmem:s3+$0xFFFFFFE0] =	vst v1;
	v1 =	vmax.f32 v9, $0.0e+00  }
0x408: {  	v13 =	vld [tilespmem:s11+$0xFFFFFFC0];
	[tilespmem:s11+$0xFFFFFFB0] =	vst v1  }
0x409: {  	v3 =	vmax.f32 v3, $0.0e+00;
	v14 =	vld [tilespmem:s15+$0xFFFFFFC0]  }
0x40a: {  	[tilespmem:s11+$0xFFFFFF20] =	vst v3;
	v3 =	vld [tilespmem:s11+$0xFFFFFF70];
	v7 =	vadd.f32 v10, v7  }
0x40b: {  	v11 =	vld [tilespmem:s15+$0xFFFFFF30]  }
0x40c: {  	v10 =	vld [tilespmem:s7+$0xFFFFFF90];
	v7 =	vmax.f32 v7, $0.0e+00  }
0x40d: {  	[tilespmem:s3+$0xFFFFFF50] =	vst v7;
	v7 =	vld [tilespmem:s17+$0xFFFFFF90]  }
0x40e: {  	v9 =	vld [tilespmem:s3+$0xFFFFFFF0];
	v13 =	vadd.f32 v14, v13  }
0x40f: {  	v15 =	vld [tilespmem:s26+$0xFFFFFFF0]  }
0x410: {  	v1 =	vld [tilespmem:s11+$0xFFFFFF80];
	v6 =	vadd.f32 v11, v6;
	v13 =	vmax.f32 v13, $0.0e+00  }
0x411: {  	v11 =	vld [tilespmem:s11+$0xFFFFFFD0];
	[tilespmem:s11+$0xFFFFFFC0] =	vst v13  }
0x412: {  	v6 =	vmax.f32 v6, $0.0e+00;
	v7 =	vadd.f32 v7, v10;
	v13 =	vld [tilespmem:s15+$0xFFFFFFD0]  }
0x413: {  	[tilespmem:s11+$0xFFFFFF30] =	vst v6;
	v14 =	vld [tilespmem:s26+$0xFFFFFF60]  }
0x414: {  	v6 =	vmax.f32 v7, $0.0e+00;
	v7 =	vadd.f32 v15, v9;
	v9 =	vld [tilespmem:s15+$0xFFFFFF40]  }
0x415: {  	v15 =	vld [tilespmem:s7+$0xFFFFFFA0];
	[tilespmem:s7+$0xFFFFFF90] =	vst v6;
	v6 =	vadd.f32 v16, v17  }
0x416: {  	v7 =	vmax.f32 v7, $0.0e+00;
	v60 =	vld [tilespmem:s17+$0xFFFFFFA0]  }
0x417: {  	v10 =	vld [tilespmem:s3+$0x0];
	[tilespmem:s3+$0xFFFFFFF0] =	vst v7;
	v6 =	vmax.f32 v6, $0.0e+00;
	v11 =	vadd.f32 v13, v11  }
0x418: {  	v61 =	vld [tilespmem:s26+$0x0];
	[tilespmem:s7+$0xFFFFFF10] =	vst v6  }
0x419: {  	v7 =	vld [tilespmem:s17+$0xFFFFFF20];
	v6 =	vmax.f32 v11, $0.0e+00  }
0x41a: {  	v4 =	vadd.f32 v9, v4;
	v9 =	vld [tilespmem:s11+$0xFFFFFFE0];
	[tilespmem:s11+$0xFFFFFFD0] =	vst v6  }
0x41b: {  	v15 =	vadd.f32 v60, v15;
	v11 =	vld [tilespmem:s15+$0xFFFFFFE0]  }
0x41c: {  	v13 =	vld [tilespmem:s7+$0xFFFFFF30];
	v4 =	vmax.f32 v4, $0.0e+00  }
0x41d: {  	v8 =	vadd.f32 v14, v8;
	v6 =	vld [tilespmem:s7+$0xFFFFFF40];
	[tilespmem:s11+$0xFFFFFF40] =	vst v4;
	v15 =	vmax.f32 v15, $0.0e+00  }
0x41e: {  	v14 =	vld [tilespmem:s15+$0xFFFFFF50];
	[tilespmem:s7+$0xFFFFFFA0] =	vst v15;
	v15 =	vadd.f32 v7, v18  }
0x41f: {  	v4 =	vld [tilespmem:s7+$0xFFFFFF50];
	v7 =	vmax.f32 v8, $0.0e+00  }
0x420: {  	v8 =	vld [tilespmem:s17+$0xFFFFFFB0];
	[tilespmem:s3+$0xFFFFFF60] =	vst v7;
	v9 =	vadd.f32 v11, v9;
	v11 =	vmax.f32 v15, $0.0e+00  }
0x421: {  	[tilespmem:s7+$0xFFFFFF20] =	vst v11;
	v11 =	vld [tilespmem:s26+$0xFFFFFF70]  }
0x422: {  	v7 =	vld [tilespmem:s7+$0xFFFFFF60];
	v9 =	vmax.f32 v9, $0.0e+00  }
0x423: {  	v15 =	vld [tilespmem:s17+$0xFFFFFF30];
	[tilespmem:s11+$0xFFFFFFE0] =	vst v9;
	v9 =	vadd.f32 v14, v5  }
0x424: {  	v19 =	vld [tilespmem:s15+$0xFFFFFFF0]  }
0x425: {  	v14 =	vadd.f32 v8, v62;
	v5 =	vld [tilespmem:s7+$0xFFFFFF70];
	v8 =	vmax.f32 v9, $0.0e+00  }
0x426: {  	[tilespmem:s11+$0xFFFFFF50] =	vst v8;
	v9 =	vadd.f32 v11, v12;
	v8 =	vld [tilespmem:s7+$0xFFFFFF80]  }
0x427: {  	v10 =	vadd.f32 v61, v10;
	v12 =	vmax.f32 v14, $0.0e+00;
	v11 =	vld [tilespmem:s15+$0xFFFFFF60]  }
0x428: {  	[tilespmem:s7+$0xFFFFFFB0] =	vst v12;
	v13 =	vadd.f32 v15, v13;
	v12 =	vld [tilespmem:s7+$0xFFFFFFC0];
	v9 =	vmax.f32 v9, $0.0e+00  }
0x429: {  	v10 =	vmax.f32 v10, $0.0e+00;
	v14 =	vld [tilespmem:s17+$0xFFFFFFC0];
	v15 =	vadd.f32 v19, v63;
	[tilespmem:s3+$0xFFFFFF70] =	vst v9  }
0x42a: {  	s21 =	simm.s32 $0x19CB0;
	s22 =	simm.s32 $0x182C0;
	[tilespmem:s3+$0x0] =	vst v10;
	v9 =	vmax.f32 v13, $0.0e+00;
	v10 =	vld [tilespmem:s26+$0xFFFFFF80]  }
0x42b: {  	s20 =	simm.s32 $0x1EBB0;
	s2 =	simm.s32 $0x4;
	[tilespmem:s7+$0xFFFFFF30] =	vst v9;
	v9 =	vld [tilespmem:s11+$0x0];
	s26 =	simm.s32 $0x18340;
	v13 =	vmax.f32 v15, $0.0e+00  }
.LBB2_14:
0x42c: {  	v15 =	vld [tilespmem:s21+$0xFFFFFF90];
	v11 =	vadd.f32 v11, v2;
	[tilespmem:s11+$0xFFFFFFF0] =	vst v13;
	v2 =	vmov v7  }
0x42d: {  	s17 =	sadd.s32 $0x100, s17;
	v7 =	vld [tilespmem:s15+$0x0]  }
0x42e: {  	s2 =	sadd.s32 $0x2, s2;
	v13 =	vld [tilespmem:s17+$0xFFFFFF90];
	v12 =	vadd.f32 v14, v12;
	v11 =	vmax.f32 v11, $0.0e+00  }
0x42f: {  	p1 =	slt.u32 s2, $0x26;
	v14 =	vld [tilespmem:s17+$0xFFFFFF10];
	[tilespmem:s11+$0xFFFFFF60] =	vst v11;
	v10 =	vadd.f32 v10, v0;
	v0 =	vmov v1;
	v1 =	vmov v8  }
0x430: {  	v8 =	vld [tilespmem:s21+$0xFFFFFF10];
	v11 =	vmax.f32 v12, $0.0e+00  }
0x431: {  	[tilespmem:s7+$0xFFFFFFC0] =	vst v11;
	v11 =	vld [tilespmem:s7+$0xFFFFFFD0];
	v10 =	vmax.f32 v10, $0.0e+00  }
0x432: {  	v12 =	vld [tilespmem:s20+$0xFFFFFFD0];
	v7 =	vadd.f32 v7, v9;
	[tilespmem:s3+$0xFFFFFF80] =	vst v10;
	s3 =	smov.u32 s11;
	s11 =	smov.u32 s7;
	s7 =	smov.u32 s21  }
0x433: {  	v9 =	vld [tilespmem:s21+$0xFFFFFF20];
	v10 =	vadd.f32 v13, v15  }
0x434: {  	v13 =	vld [tilespmem:s21+$0xFFFFFF30];
	v7 =	vmax.f32 v7, $0.0e+00  }
0x435: {  	v8 =	vadd.f32 v14, v8;
	v10 =	vmax.f32 v10, $0.0e+00;
	v14 =	vld [tilespmem:s20+$0xFFFFFF40];
	[tilespmem:s3+$0x0] =	vst v7  }
0x436: {  	[tilespmem:s21+$0xFFFFFF90] =	vst v10;
	v7 =	vld [tilespmem:s21+$0xFFFFFFA0]  }
0x437: {  	v8 =	vmax.f32 v8, $0.0e+00;
	v10 =	vld [tilespmem:s17+$0xFFFFFFA0];
	v11 =	vadd.f32 v12, v11  }
0x438: {  	[tilespmem:s21+$0xFFFFFF10] =	vst v8;
	v8 =	vld [tilespmem:s21+$0xFFFFFF40]  }
0x439: {  	v12 =	vld [tilespmem:s17+$0xFFFFFF20];
	v11 =	vmax.f32 v11, $0.0e+00  }
0x43a: {  	v17 =	vadd.f32 v14, v6;
	[tilespmem:s11+$0xFFFFFFD0] =	vst v11;
	v11 =	vld [tilespmem:s11+$0xFFFFFFE0]  }
0x43b: {  	v14 =	vld [tilespmem:s20+$0xFFFFFFE0]  }
0x43c: {  	v15 =	vld [tilespmem:s21+$0xFFFFFF50];
	v10 =	vadd.f32 v10, v7;
	v16 =	vmax.f32 v17, $0.0e+00  }
0x43d: {  	v7 =	vld [tilespmem:s21+$0xFFFFFF60];
	[tilespmem:s11+$0xFFFFFF40] =	vst v16;
	v6 =	vmov v8  }
0x43e: {  	v8 =	vadd.f32 v12, v9;
	v9 =	vmax.f32 v10, $0.0e+00;
	v10 =	vld [tilespmem:s20+$0xFFFFFF50]  }
0x43f: {  	[tilespmem:s21+$0xFFFFFFA0] =	vst v9;
	v9 =	vld [tilespmem:s21+$0xFFFFFFB0]  }
0x440: {  	v8 =	vmax.f32 v8, $0.0e+00;
	v12 =	vld [tilespmem:s17+$0xFFFFFFB0];
	v11 =	vadd.f32 v14, v11  }
0x441: {  	[tilespmem:s21+$0xFFFFFF20] =	vst v8;
	v14 =	vld [tilespmem:s15+$0xFFFFFF70]  }
0x442: {  	v16 =	vld [tilespmem:s17+$0xFFFFFF30];
	v8 =	vmax.f32 v11, $0.0e+00  }
0x443: {  	v10 =	vadd.f32 v10, v4;
	[tilespmem:s11+$0xFFFFFFE0] =	vst v8;
	v17 =	vld [tilespmem:s11+$0xFFFFFFF0];
	v4 =	vmov v15  }
0x444: {  	v15 =	vld [tilespmem:s20+$0xFFFFFFF0]  }
0x445: {  	v18 =	vld [tilespmem:s21+$0xFFFFFF70];
	v9 =	vadd.f32 v12, v9;
	v10 =	vmax.f32 v10, $0.0e+00  }
0x446: {  	v8 =	vld [tilespmem:s21+$0xFFFFFF80];
	[tilespmem:s11+$0xFFFFFF50] =	vst v10;
	v10 =	vadd.f32 v14, v3;
	v3 =	vmov v5  }
.Ltmp8:
0x447: {  	v19 =	vadd.f32 v16, v13;
	v9 =	vmax.f32 v9, $0.0e+00;
	v11 =	vld [tilespmem:s20+$0xFFFFFF60];
	(pc) =	sbr.rel @p1 .LBB2_14-.Ltmp8, $4  }
0x448: {  	[tilespmem:s21+$0xFFFFFFB0] =	vst v9;
	v12 =	vld [tilespmem:s21+$0xFFFFFFC0];
	v9 =	vmax.f32 v10, $0.0e+00  }
0x449: {  	v16 =	vmax.f32 v19, $0.0e+00;
	v14 =	vld [tilespmem:s17+$0xFFFFFFC0];
	v13 =	vadd.f32 v15, v17;
	[tilespmem:s3+$0xFFFFFF70] =	vst v9  }
0x44a: {  	[tilespmem:s21+$0xFFFFFF30] =	vst v16;
	v10 =	vld [tilespmem:s15+$0xFFFFFF80];
	v5 =	vmov v18;
	s15 =	smov.u32 s20;
	s20 =	smov.u32 s17  }
0x44b: {  	s21 =	sadd.s32 $0x100, s21;
	v13 =	vmax.f32 v13, $0.0e+00;
	v9 =	vld [tilespmem:s11+$0x0]  }
0x44c: {  	v15 =	vld [tilespmem:s20+$0xFFFFFF40];
	_ =	sdelay $0x3  }
0x44d: {  	v12 =	vadd.f32 v14, v12  }
0x44e: {  	v6 =	vadd.f32 v15, v6  }
0x44f: {  	v12 =	vmax.f32 v12, $0.0e+00  }
0x450: {  	v19 =	vld [tilespmem:s7+$0xFFFFFFD0];
	[tilespmem:s7+$0xFFFFFFC0] =	vst v12;
	v6 =	vmax.f32 v6, $0.0e+00  }
0x451: {  	v20 =	vld [tilespmem:s20+$0xFFFFFFD0];
	[tilespmem:s7+$0xFFFFFF40] =	vst v6  }
0x452: {  	v6 =	vld [tilespmem:s20+$0xFFFFFF50];
	_ =	sdelay $0x3  }
0x453: {  	v12 =	vadd.f32 v20, v19  }
0x454: {  	v4 =	vadd.f32 v6, v4  }
0x455: {  	v12 =	vmax.f32 v12, $0.0e+00  }
0x456: {  	v21 =	vld [tilespmem:s7+$0xFFFFFFE0];
	[tilespmem:s7+$0xFFFFFFD0] =	vst v12;
	v4 =	vmax.f32 v4, $0.0e+00  }
0x457: {  	v12 =	vld [tilespmem:s20+$0xFFFFFFE0];
	[tilespmem:s7+$0xFFFFFF50] =	vst v4  }
0x458: {  	v4 =	vld [tilespmem:s20+$0xFFFFFF60];
	_ =	sdelay $0x1  }
0x459: {  	v2 =	vadd.f32 v11, v2;
	_ =	sdelay $0x1  }
0x45a: {  	v2 =	vmax.f32 v2, $0.0e+00;
	v6 =	vadd.f32 v12, v21  }
0x45b: {  	[tilespmem:s11+$0xFFFFFF60] =	vst v2;
	v4 =	vadd.f32 v4, v7  }
0x45c: {  	v23 =	vld [tilespmem:s15+$0xFFFFFF70];
	v22 =	vmax.f32 v6, $0.0e+00  }
0x45d: {  	v24 =	vld [tilespmem:s7+$0xFFFFFFF0];
	[tilespmem:s7+$0xFFFFFFE0] =	vst v22;
	v4 =	vmax.f32 v4, $0.0e+00  }
0x45e: {  	v25 =	vld [tilespmem:s20+$0xFFFFFFF0];
	[tilespmem:s7+$0xFFFFFF60] =	vst v4  }
0x45f: {  	v4 =	vld [tilespmem:s20+$0xFFFFFF70];
	_ =	sdelay $0x1  }
0x460: {  	v3 =	vadd.f32 v23, v3;
	_ =	sdelay $0x1  }
0x461: {  	v3 =	vmax.f32 v3, $0.0e+00;
	v2 =	vadd.f32 v25, v24  }
0x462: {  	v27 =	vld [tilespmem:s7+$0x0];
	[tilespmem:s11+$0xFFFFFF70] =	vst v3;
	v4 =	vadd.f32 v4, v5  }
0x463: {  	[tilespmem:s11+$0xFFFFFFF0] =	vst v13;
	v28 =	vld [tilespmem:s15+$0xFFFFFF80];
	v2 =	vmax.f32 v2, $0.0e+00  }
0x464: {  	v26 =	vld [tilespmem:s15+$0x0];
	[tilespmem:s7+$0xFFFFFFF0] =	vst v2;
	v29 =	vmax.f32 v4, $0.0e+00  }
0x465: {  	v30 =	vld [tilespmem:s20+$0x0];
	[tilespmem:s7+$0xFFFFFF70] =	vst v29  }
0x466: {  	v2 =	vld [tilespmem:s20+$0xFFFFFF80]  }
0x467: {  	v0 =	vadd.f32 v10, v0  }
0x468: {  	v1 =	vadd.f32 v28, v1  }
0x469: {  	v0 =	vmax.f32 v0, $0.0e+00;
	v6 =	vadd.f32 v26, v9  }
0x46a: {  	[tilespmem:s3+$0xFFFFFF80] =	vst v0;
	v32 =	vmax.f32 v1, $0.0e+00;
	v3 =	vadd.f32 v30, v27  }
0x46b: {  	[tilespmem:s11+$0xFFFFFF80] =	vst v32;
	v31 =	vmax.f32 v6, $0.0e+00;
	v33 =	vadd.f32 v2, v8  }
0x46c: {  	[tilespmem:s11+$0x0] =	vst v31;
	v34 =	vmax.f32 v3, $0.0e+00  }
0x46d: {  	[tilespmem:s7+$0x0] =	vst v34;
	v35 =	vmax.f32 v33, $0.0e+00  }
0x46e: {  	s2 =	simm.s32 $0x17D40;
	[tilespmem:s7+$0xFFFFFF80] =	vst v35  }
0x46f: {  	[spmem:s4] =	stream.indirect.scatter.add.f32 [tilespmem:s28], [sflag:$0x6], $0x80, s2, s23, $0xb8;
	[tilespmem:$0x1FCC0] =	vst v63  }
0x470: {  	_ =	swait.ge [sflag:s16], $0x1400  }
0x471: {  	[sflag:s16] =	ssyncset.done $0x0  }
0x472: {  	s7 =	simm.s32 $0x138C0;
	s21 =	rddreg [dreg:$0xd];
	[sflag:s16] =	ssyncadd.s32 $0xFFFFEC00  }
0x473: {  	[tilespmem:s7], [sflag:$0xB] =	stream.linear.gather [hbm4b:s21+s5], $0x1F80, $0x38;
	[tilespmem:$0x1FCC0] =	vst v63  }
0x474: {  	[bflag:$0x0] =	sbarrier.arrive $0xFFFF  }
0x475: {  	s3 =	rddreg [dreg:$0xf]  }
0x476: {  	s2 =	simm.s32 @p0 $0x1FCC;
	s11 =	rddreg [dreg:$0x15]  }
0x477: {  	[hbm:s3], [sflag:s2] =	dma.local @p0 [spmem:s11], $0x1900  }
0x478: {  	s3 =	simm.s32 @p0 $0xC  }
0x479: {  	_ =	swait.ge @p0 [sflag:s3], $0x1900  }
0x47a: {  	[sflag:s3] =	ssyncset.done @p0 $0x0  }
0x47b: {  	s15 =	rddreg [dreg:$0x6];
	[sflag:s3] =	ssyncadd.s32 @p0 $0xFFFFE700  }
0x47c: {  	[spmem:s11], [sflag:s2] =	dma.local @p0 [hbm:s15], $0x1900  }
0x47d: {  	_ =	swait.ge @p0 [sflag:s3], $0x1900  }
0x47e: {  	s2 =	rddreg [dreg:$0xe]  }
0x47f: {  	[sflag:s3] =	ssyncset.done @p0 $0x0;
	s11 =	rddreg [dreg:$0x17]  }
0x480: {  	[sflag:s3] =	ssyncadd.s32 @p0 $0xFFFFE700;
	s3 =	rddreg [dreg:$0x16]  }
0x481: {  	[hbm:s2], [sflag:s3] =	dma.local @!p0 [spmem:s11], $0x2800  }
0x482: {  	s2 =	simm.s32 @!p0 $0xC  }
0x483: {  	_ =	swait.ge @!p0 [sflag:s2], $0x2800  }
0x484: {  	[sflag:s2] =	ssyncset.done @!p0 $0x0  }
0x485: {  	[sflag:s2] =	ssyncadd.s32 @!p0 $0xFFFFD800  }
0x486: {  	[spmem:s11], [sflag:s3] =	dma.local @!p0 [hbm:s15], $0x2800  }
0x487: {  	_ =	swait.ge @!p0 [sflag:s2], $0x2800  }
0x488: {  	[sflag:s2] =	ssyncset.done @!p0 $0x0  }
0x489: {  	s11 =	simm.s32 $0xB;
	[sflag:s2] =	ssyncadd.s32 @!p0 $0xFFFFD800  }
0x48a: {  	_ =	swait.ge [sflag:s11], $0x1F80  }
0x48b: {  	[sflag:s11] =	ssyncset.done $0x0  }
0x48c: {  	[sflag:s11] =	ssyncadd.s32 $0xFFFFE080  }
0x48d: {  	[bflag:$0x0] =	sbarrier.arrive $0xFFFF  }
0x48e: {  	v36 =	vld [tilespmem:$0x138C0];
	_ =	sdelay $0x1  }
0x48f: {  	v37 =	vld [tilespmem:$0x138D0];
	_ =	sdelay $0x1  }
0x490: {  	v38 =	vld [tilespmem:$0x138E0]  }
0x491: {  	v39 =	vand.u32 $0xFFFF, v36  }
0x492: {  	v40 =	vld [tilespmem:$0x138F0];
	v0 =	vshra.s32 v36, $0x10;
	[tilespmem:$0x180C0] =	vst v39  }
0x493: {  	v41 =	vand.u32 $0xFFFF, v37;
	[tilespmem:$0x182C0] =	vst v0  }
0x494: {  	v43 =	vld [tilespmem:$0x13900];
	v42 =	vshra.s32 v37, $0x10;
	[tilespmem:$0x180D0] =	vst v41  }
0x495: {  	v44 =	vand.u32 $0xFFFF, v38;
	[tilespmem:$0x182D0] =	vst v42  }
0x496: {  	v45 =	vshra.s32 v38, $0x10;
	[tilespmem:$0x180E0] =	vst v44  }
0x497: {  	v46 =	vand.u32 $0xFFFF, v40;
	[tilespmem:$0x182E0] =	vst v45  }
0x498: {  	v47 =	vshra.s32 v40, $0x10;
	[tilespmem:$0x180F0] =	vst v46  }
0x499: {  	v48 =	vand.u32 $0xFFFF, v43;
	[tilespmem:$0x182F0] =	vst v47  }
0x49a: {  	v49 =	vshra.s32 v43, $0x10;
	[tilespmem:$0x18100] =	vst v48  }
0x49b: {  	s17 =	simm.s32 $0x180C0;
	[tilespmem:$0x18300] =	vst v49  }
0x49c: {  	[tilespmem:s25], [sflag:$0x1] =	stream.indirect.gather [hbm4b:s0+s6], $0x80, s17, s6, $0xb8;
	[tilespmem:$0x1FCC0] =	vst v63  }
0x49d: {  	v50 =	vld [tilespmem:$0x13940];
	_ =	sdelay $0x1  }
0x49e: {  	v51 =	vld [tilespmem:$0x13950];
	_ =	sdelay $0x1  }
0x49f: {  	v52 =	vld [tilespmem:$0x13960]  }
0x4a0: {  	v53 =	vand.u32 $0xFFFF, v50  }
0x4a1: {  	v54 =	vld [tilespmem:$0x13970];
	v0 =	vshra.s32 v50, $0x10;
	[tilespmem:$0x18140] =	vst v53  }
0x4a2: {  	v55 =	vand.u32 $0xFFFF, v51;
	[tilespmem:$0x18340] =	vst v0  }
0x4a3: {  	v57 =	vld [tilespmem:$0x13980];
	v56 =	vshra.s32 v51, $0x10;
	[tilespmem:$0x18150] =	vst v55  }
0x4a4: {  	v58 =	vand.u32 $0xFFFF, v52;
	[tilespmem:$0x18350] =	vst v56  }
0x4a5: {  	v59 =	vshra.s32 v52, $0x10;
	[tilespmem:$0x18160] =	vst v58  }
0x4a6: {  	v60 =	vand.u32 $0xFFFF, v54;
	[tilespmem:$0x18360] =	vst v59  }
.Ltmp9:
0x4a7: {  	v61 =	vshra.s32 v54, $0x10;
	[tilespmem:$0x18170] =	vst v60;
	(pc) =	sbr.rel .LBB2_16-.Ltmp9, $4  }
0x4a8: {  	v62 =	vand.u32 $0xFFFF, v57;
	[tilespmem:$0x18370] =	vst v61  }
0x4a9: {  	v63 =	vshra.s32 v57, $0x10;
	[tilespmem:$0x18180] =	vst v62  }
0x4aa: {  	s20 =	simm.s32 $0x18140;
	s21 =	simm.s32 $0x181C0;
	s2 =	simm.s32 $0x0;
	[tilespmem:$0x18380] =	vst v63  }
0x4ab: {  	[tilespmem:s30], [sflag:$0x2] =	stream.indirect.gather [hbm4b:s0+s6], $0x80, s20, s6, $0xb8;
	[tilespmem:$0x1FCC0] =	vst v63  }
.LBB2_18:
0x4ac: {  	_ =	swait.ge [sflag:s13], $0x2800  }
0x4ad: {  	[sflag:s13] =	ssyncset.done $0x0  }
0x4ae: {  	[sflag:s13] =	ssyncadd.s32 $0xFFFFD800  }
0x4af: {  	[spmem:s4] =	stream.indirect.scatter.add.f32 [tilespmem:s30], [sflag:$0x6], $0x80, s26, s6, $0xb8;
	[tilespmem:$0x1FCC0] =	vst v63  }
0x4b0: {  	_ =	swait.ge [sflag:s16], $0x2800  }
0x4b1: {  	[sflag:s16] =	ssyncset.done $0x0  }
0x4b2: {  	[sflag:s16] =	ssyncadd.s32 $0xFFFFD800  }
.LBB2_19:
0x4b3: {  	s2 =	sadd.s32 $0x600, s2  }
0x4b4: {  	p1 =	sne.s32 s2, $0x7E00  }
.Ltmp10:
0x4b5: {  	_ = 	snop;
	(pc) =	sbr.rel @!p1 .LBB2_20-.Ltmp10, $4  }
0x4b6: {  	_ =	swait.ge [sflag:s29], $0x2800  }
0x4b7: {  	[sflag:s29] =	ssyncset.done $0x0  }
0x4b8: {  	s3 =	simm.s32 $0x183C0;
	[sflag:s29] =	ssyncadd.s32 $0xFFFFD800  }
0x4b9: {  	[spmem:s4] =	stream.indirect.scatter.add.f32 [tilespmem:s31], [sflag:$0x7], $0x80, s3, s6, $0xb8;
	[tilespmem:$0x1FCC0] =	vst v63  }
.LBB2_16:
0x4ba: {  	p1 =	seq.s32 s2, $0x0  }
0x4bb: {  	s3 =	simm.s32 @!p1 $0x7  }
0x4bc: {  	_ =	swait.ge @!p1 [sflag:s3], $0x2800  }
0x4bd: {  	[sflag:s3] =	ssyncset.done @!p1 $0x0  }
0x4be: {  	[sflag:s3] =	ssyncadd.s32 @!p1 $0xFFFFD800;
	s3 =	sshra.s32 s2, $0x2  }
0x4bf: {  	v0 =	vld [tilespmem:s3+$0x139C0];
	_ =	sdelay $0x4  }
0x4c0: {  	v1 =	vand.u32 $0xFFFF, v0  }
0x4c1: {  	v0 =	vshra.s32 v0, $0x10;
	[tilespmem:$0x181C0] =	vst v1  }
0x4c2: {  	[tilespmem:$0x183C0] =	vst v0  }
0x4c3: {  	v0 =	vld [tilespmem:s3+$0x139D0];
	_ =	sdelay $0x4  }
0x4c4: {  	v60 =	vand.u32 $0xFFFF, v0  }
0x4c5: {  	v0 =	vshra.s32 v0, $0x10;
	[tilespmem:$0x181D0] =	vst v60  }
0x4c6: {  	[tilespmem:$0x183D0] =	vst v0  }
0x4c7: {  	v0 =	vld [tilespmem:s3+$0x139E0];
	_ =	sdelay $0x4  }
0x4c8: {  	v61 =	vand.u32 $0xFFFF, v0  }
0x4c9: {  	v0 =	vshra.s32 v0, $0x10;
	[tilespmem:$0x181E0] =	vst v61  }
0x4ca: {  	[tilespmem:$0x183E0] =	vst v0  }
0x4cb: {  	v0 =	vld [tilespmem:s3+$0x139F0];
	_ =	sdelay $0x4  }
0x4cc: {  	v62 =	vand.u32 $0xFFFF, v0  }
0x4cd: {  	v0 =	vshra.s32 v0, $0x10;
	[tilespmem:$0x181F0] =	vst v62  }
0x4ce: {  	[tilespmem:$0x183F0] =	vst v0  }
0x4cf: {  	v0 =	vld [tilespmem:s3+$0x13A00];
	_ =	sdelay $0x4  }
0x4d0: {  	v63 =	vand.u32 $0xFFFF, v0  }
0x4d1: {  	v0 =	vshra.s32 v0, $0x10;
	[tilespmem:$0x18200] =	vst v63  }
0x4d2: {  	[tilespmem:$0x18400] =	vst v0  }
0x4d3: {  	[tilespmem:s31], [sflag:$0x3] =	stream.indirect.gather [hbm4b:s0+s6], $0x80, s21, s6, $0xb8;
	[tilespmem:$0x1FCC0] =	vst v63  }
0x4d4: {  	_ =	swait.ge [sflag:s8], $0x2800  }
0x4d5: {  	p1 =	seq.s32 s2, $0x7800;
	[sflag:s8] =	ssyncset.done $0x0  }
.Ltmp11:
0x4d6: {  	[sflag:s8] =	ssyncadd.s32 $0xFFFFD800;
	(pc) =	sbr.rel @p1 .LBB2_18-.Ltmp11, $4  }
0x4d7: {  	[spmem:s4] =	stream.indirect.scatter.add.f32 [tilespmem:s25], [sflag:$0x5], $0x80, s22, s6, $0xb8;
	[tilespmem:$0x1FCC0] =	vst v63  }
0x4d8: {  	_ =	swait.ge [sflag:s12], $0x2800  }
0x4d9: {  	[sflag:s12] =	ssyncset.done $0x0  }
0x4da: {  	[sflag:s12] =	ssyncadd.s32 $0xFFFFD800  }
0x4db: {  	v0 =	vld [tilespmem:s3+$0x13A40];
	_ =	sdelay $0x4  }
0x4dc: {  	v1 =	vand.u32 $0xFFFF, v0  }
0x4dd: {  	v0 =	vshra.s32 v0, $0x10;
	[tilespmem:$0x180C0] =	vst v1  }
0x4de: {  	[tilespmem:$0x182C0] =	vst v0  }
0x4df: {  	v0 =	vld [tilespmem:s3+$0x13A50];
	_ =	sdelay $0x4  }
0x4e0: {  	v54 =	vand.u32 $0xFFFF, v0  }
0x4e1: {  	v0 =	vshra.s32 v0, $0x10;
	[tilespmem:$0x180D0] =	vst v54  }
0x4e2: {  	[tilespmem:$0x182D0] =	vst v0  }
0x4e3: {  	v0 =	vld [tilespmem:s3+$0x13A60];
	_ =	sdelay $0x4  }
0x4e4: {  	v55 =	vand.u32 $0xFFFF, v0  }
0x4e5: {  	v0 =	vshra.s32 v0, $0x10;
	[tilespmem:$0x180E0] =	vst v55  }
0x4e6: {  	[tilespmem:$0x182E0] =	vst v0  }
0x4e7: {  	v0 =	vld [tilespmem:s3+$0x13A70];
	_ =	sdelay $0x4  }
0x4e8: {  	v56 =	vand.u32 $0xFFFF, v0  }
0x4e9: {  	v0 =	vshra.s32 v0, $0x10;
	[tilespmem:$0x180F0] =	vst v56  }
0x4ea: {  	[tilespmem:$0x182F0] =	vst v0  }
0x4eb: {  	v0 =	vld [tilespmem:s3+$0x13A80];
	_ =	sdelay $0x4  }
0x4ec: {  	v57 =	vand.u32 $0xFFFF, v0  }
0x4ed: {  	v0 =	vshra.s32 v0, $0x10;
	[tilespmem:$0x18100] =	vst v57  }
0x4ee: {  	[tilespmem:$0x18300] =	vst v0  }
0x4ef: {  	[tilespmem:s25], [sflag:$0x1] =	stream.indirect.gather [hbm4b:s0+s6], $0x80, s17, s6, $0xb8;
	[tilespmem:$0x1FCC0] =	vst v63  }
0x4f0: {  	_ =	swait.ge [sflag:s13], $0x2800  }
0x4f1: {  	[sflag:s13] =	ssyncset.done $0x0  }
0x4f2: {  	[sflag:s13] =	ssyncadd.s32 $0xFFFFD800  }
0x4f3: {  	[spmem:s4] =	stream.indirect.scatter.add.f32 [tilespmem:s30], [sflag:$0x6], $0x80, s26, s6, $0xb8;
	[tilespmem:$0x1FCC0] =	vst v63  }
0x4f4: {  	_ =	swait.ge [sflag:s16], $0x2800  }
0x4f5: {  	[sflag:s16] =	ssyncset.done $0x0  }
0x4f6: {  	[sflag:s16] =	ssyncadd.s32 $0xFFFFD800  }
0x4f7: {  	v58 =	vld [tilespmem:s3+$0x13AC0];
	_ =	sdelay $0x4  }
0x4f8: {  	v59 =	vand.u32 $0xFFFF, v58  }
0x4f9: {  	v0 =	vshra.s32 v58, $0x10;
	[tilespmem:$0x18140] =	vst v59  }
0x4fa: {  	[tilespmem:$0x18340] =	vst v0  }
0x4fb: {  	v0 =	vld [tilespmem:s3+$0x13AD0];
	_ =	sdelay $0x4  }
0x4fc: {  	v60 =	vand.u32 $0xFFFF, v0  }
0x4fd: {  	v0 =	vshra.s32 v0, $0x10;
	[tilespmem:$0x18150] =	vst v60  }
0x4fe: {  	[tilespmem:$0x18350] =	vst v0  }
0x4ff: {  	v0 =	vld [tilespmem:s3+$0x13AE0];
	_ =	sdelay $0x4  }
0x500: {  	v61 =	vand.u32 $0xFFFF, v0  }
0x501: {  	v0 =	vshra.s32 v0, $0x10;
	[tilespmem:$0x18160] =	vst v61  }
0x502: {  	[tilespmem:$0x18360] =	vst v0  }
0x503: {  	v0 =	vld [tilespmem:s3+$0x13AF0];
	_ =	sdelay $0x4  }
0x504: {  	v62 =	vand.u32 $0xFFFF, v0  }
0x505: {  	v0 =	vshra.s32 v0, $0x10;
	[tilespmem:$0x18170] =	vst v62  }
0x506: {  	[tilespmem:$0x18370] =	vst v0  }
0x507: {  	v0 =	vld [tilespmem:s3+$0x13B00];
	_ =	sdelay $0x3  }
.Ltmp12:
0x508: {  	_ = 	snop;
	(pc) =	sbr.rel .LBB2_19-.Ltmp12, $4  }
0x509: {  	v63 =	vand.u32 $0xFFFF, v0  }
0x50a: {  	v0 =	vshra.s32 v0, $0x10;
	[tilespmem:$0x18180] =	vst v63  }
0x50b: {  	[tilespmem:$0x18380] =	vst v0  }
0x50c: {  	[tilespmem:s30], [sflag:$0x2] =	stream.indirect.gather [hbm4b:s0+s6], $0x80, s20, s6, $0xb8;
	[tilespmem:$0x1FCC0] =	vst v63  }
.LBB2_21:
0x50d: {  	_ =	sfence.sel $0x180000  }
0x50e: {  	[bflag:$0x0] =	sbarrier.arrive $0xFFFF  }
0x50f: {  	_ =	strace $0x90000047  }
0x510: {  	s0 =	stileid.u32;
	[bflag:$0x2] =	sbarrier.arrive $0xFFFF  }
0x511: {  	p0 =	sne.s32 s0, $0x0;
	s0 =	rddreg [dreg:$0x5]  }
0x512: {  	s0 =	sadd.s32 @!p0 $0x100000, s0  }
0x513: {  	[sflag:s0] =	ssyncadd.tile.s32 @!p0 $0x1;
	_ =	shalt  }
.Lfunc_end2:
_tile_overlayer_lowered:
.L_overlay_start_2:
0x514: {  	(tag) =	ssettag $0x2  }
0x515: {  	s0 =	rddreg [dreg:$0x0];
	s2 =	stileid.u32  }
0x516: {  	s1 =	rddreg [dreg:$0x1];
	p0 =	sne.s32 s2, $0x0  }
0x517: {  	s3 =	rddreg [dreg:$0x2];
	[bflag:$0x3] =	sbarrier.arrive $0xFFFF;
	s2 =	simm.s32 @!p0 $0x1C0C  }
0x518: {  	[timem:s3], [sflag:s2] =	dma.local @!p0 [hbm:s0], s1  }
0x519: {  	s0 =	simm.s32 @!p0 $0xC  }
0x51a: {  	_ =	swait.ge @!p0 [sflag:s0], s1  }
0x51b: {  	s1 =	ssub.s32 @!p0 $0x0, s1;
	[sflag:s0] =	ssyncset.done @!p0 $0x0  }
0x51c: {  	[sflag:s0] =	ssyncadd.s32 @!p0 s1  }
0x51d: {  	[bflag:$0x3] =	sbarrier.arrive $0xFFFF  }
0x51e: {  	_ =	shalt  }

</sc_bundles>
